<compile_context>
chip_gen: v7x
topology: tpu7x:2x2x1
jax: 0.10.2.dev20260603
libtpu: 0.0.44.dev20260713+nightly
codegen_flags: <defaults>
</compile_context>

<pallas_src>
import jax
import jax.numpy as jnp
from jax import lax
from jax.experimental import pallas as pl
from jax.experimental.pallas import tpu as pltpu
from jax.experimental.pallas import tpu_sc as plsc

N = 10000
E = 160000
H = 8
DK = 32
ROW = H * DK

NC = 2
NS = 16

HALF = N // NC
ZBASE = 10048
ACC_ROWS = 10368
ZERO_CHUNK = ACC_ROWS // NS
C = 32
NIDX = (C + 15) // 16
INV_SQRT_DK = 1.0 / float(DK) ** 0.5


def _body(qf, kf, vf, src, dst, seg, zsrc, out,
          srcb, dstb, dstb48, idxb, zidxb, zbaseb, segb,
          kb, qb, vb, vs, acc, sem):
  c = lax.axis_index("c")
  s = lax.axis_index("s")

  pltpu.sync_copy(zsrc.at[pl.ds(s * ZERO_CHUNK, ZERO_CHUNK)],
                  acc.at[pl.ds(s * ZERO_CHUNK, ZERO_CHUNK)])
  pltpu.sync_copy(seg, segb)
  plsc.subcore_barrier()

  dst_base = c * HALF
  lanes = lax.iota(jnp.int32, 16)
  zero16 = jnp.zeros((16,), jnp.float32)

  bstart = segb[pl.ds(2 * c, 16)][0]
  bend = segb[pl.ds(2 * c + 1, 16)][0]
  nblk = jnp.maximum(0, bend - bstart - s + NS - 1) // NS

  def edge_fn_p(e):
    zv_lo = zero16
    zv_hi = zero16
    for h in range(H):
      a0 = kb[e, pl.ds(32 * h, 16)] * qb[e, pl.ds(32 * h, 16)]
      a1 = kb[e, pl.ds(32 * h + 16, 16)] * qb[e, pl.ds(32 * h + 16, 16)]
      tot = jnp.sum(a0 + a1)
      sc = jnp.minimum(jnp.maximum(tot * INV_SQRT_DK, -5.0), 5.0)
      ev = jnp.exp(jnp.broadcast_to(sc, (16,)))
      zv_lo = jnp.where(lanes == h, ev, zv_lo)
      zv_hi = jnp.where(lanes == h + 8, ev, zv_hi)
      for t in range(2):
        col = 32 * h + 16 * t
        vs[col // 128, e, pl.ds(col % 128, 16)] = vb[e, pl.ds(col, 16)] * ev
    zpk = zbaseb[pl.ds(e, 16)][0]
    zb = zpk & ~15
    hi = zpk & 8
    vs[2, e, pl.ds(zb, 16)] = jnp.where(hi > 0, zv_hi, zv_lo)

  def blk_fn(b, _):
    e0 = (bstart + s + b * NS) * C
    pltpu.sync_copy(src.at[pl.ds(e0, C)], srcb)
    pltpu.sync_copy(dst.at[pl.ds(e0, C)], dstb)
    pltpu.sync_copy(dst.at[pl.ds(e0, 16 * NIDX)], dstb48)
    d1 = pltpu.async_copy(kf.at[srcb], kb, sem)
    d2 = pltpu.async_copy(qf.at[dstb], qb, sem)
    d3 = pltpu.async_copy(vf.at[srcb], vb, sem)
    d4 = pltpu.async_copy(zsrc.at[pl.ds(0, C)], vs.at[2], sem)

    for i in range(NIDX):
      lanes_g = 16 * i + lanes
      valid = lanes_g < C
      dv = dstb48[pl.ds(16 * i, 16)]
      loc = dv - dst_base
      ok = (loc >= 0) & (loc < HALF)
      locs = jnp.where(ok & valid, loc, HALF)
      for j in range(2):
        plsc.store_scatter(idxb, [jnp.full((16,), j, jnp.int32), lanes_g],
                           2 * locs + j, mask=valid)
      plsc.store_scatter(zidxb, [lanes_g], ZBASE + (locs >> 4), mask=valid)
      plsc.store_scatter(zbaseb, [lanes_g], (locs & 15) << 3, mask=valid)

    d1.wait()
    d2.wait()
    d3.wait()
    d4.wait()

    plsc.parallel_loop(0, C, unroll=2)(edge_fn_p)

    for j in range(2):
      pltpu.sync_copy(vs.at[j], acc.at[idxb.at[j]], add=True)
    pltpu.sync_copy(vs.at[2], acc.at[zidxb], add=True)
    return 0

  lax.fori_loop(0, nblk, blk_fn, 0)
  plsc.subcore_barrier()

  r0 = s * ZERO_CHUNK
  pltpu.sync_copy(acc.at[pl.ds(r0, ZERO_CHUNK)],
                  out.at[pl.ds(c * ACC_ROWS + r0, ZERO_CHUNK)])


@jax.jit
def _run(qf, kf, vf, src, dst, seg, zsrc):
  mesh = plsc.VectorSubcoreMesh(core_axis_name="c", subcore_axis_name="s",
                                num_cores=NC, num_subcores=NS)
  return pl.kernel(
      _body,
      out_type=jax.ShapeDtypeStruct((NC * ACC_ROWS, 128), jnp.float32),
      mesh=mesh,
      compiler_params=pltpu.CompilerParams(needs_layout_passes=False),
      scratch_types=[
          pltpu.VMEM((C,), jnp.int32),
          pltpu.VMEM((C,), jnp.int32),
          pltpu.VMEM((16 * NIDX,), jnp.int32),
          pltpu.VMEM((2, C), jnp.int32),
          pltpu.VMEM((C,), jnp.int32),
          pltpu.VMEM((C + 16,), jnp.int32),
          pltpu.VMEM((32,), jnp.int32),
          pltpu.VMEM((C, ROW), jnp.float32),
          pltpu.VMEM((C, ROW), jnp.float32),
          pltpu.VMEM((C, ROW), jnp.float32),
          pltpu.VMEM((3, C, 128), jnp.float32),
          pltpu.VMEM_SHARED((ACC_ROWS, 128), jnp.float32),
          pltpu.SemaphoreType.DMA,
      ],
  )(qf, kf, vf, src, dst, seg, zsrc)


def kernel(q, k, v, edge_index):
  qf = q.reshape(N, ROW)
  kf = k.reshape(N, ROW)
  vf = v.reshape(N, ROW)
  src0 = edge_index[0]
  dst0 = edge_index[1]
  key = (dst0 >= HALF).astype(jnp.int32)
  count0 = E - jnp.sum(key)
  perm = jnp.argsort(key, stable=True)
  pad = jnp.zeros((48,), jnp.int32)
  src = jnp.concatenate([src0[perm], pad])
  dst = jnp.concatenate([dst0[perm], pad])
  seg = (jnp.zeros((32,), jnp.int32)
         .at[1].set((count0 + C - 1) // C)
         .at[2].set(count0 // C)
         .at[3].set(E // C))
  zsrc = jnp.zeros((ACC_ROWS, 128), jnp.float32)
  out = _run(qf, kf, vf, src, dst, seg, zsrc)
  wv_halves = []
  z_halves = []
  for c in range(NC):
    oc = out[c * ACC_ROWS:(c + 1) * ACC_ROWS]
    wv_halves.append(oc[:2 * HALF].reshape(HALF, ROW))
    z_halves.append(oc[ZBASE:ZBASE + 313].reshape(313 * 16, 8)[:HALF])
  wv = jnp.concatenate(wv_halves, axis=0).reshape(N, H, DK)
  z = jnp.concatenate(z_halves, axis=0).reshape(N, H, 1)
  return wv, z

# --- scband reference (transcript-rebuilt; emitter-appended) ---
"""Pipeline reference for scband-transformer-7464653161080 (READ-ONLY COPY).

The authoritative reference and input builder live on the scoring server;
editing this copy changes nothing except your own understanding.
"""

import jax, jax.numpy as jnp
import numpy as np

N_NODES = 10000
N_EDGES = 160000
H = 8
D_K = 32


def setup_inputs(seed: int = 0) -> dict:
    key = jax.random.key(seed)
    k1, k2, k3, k4 = jax.random.split(key, 4)
    q = jax.random.normal(k1, (N_NODES, H, D_K), dtype=jnp.float32)
    k = jax.random.normal(k2, (N_NODES, H, D_K), dtype=jnp.float32)
    v = jax.random.normal(k3, (N_NODES, H, D_K), dtype=jnp.float32)
    edge_index = jax.random.randint(k4, (2, N_EDGES), 0, N_NODES, dtype=jnp.int32)
    return {"q": q, "k": k, "v": v, "edge_index": edge_index}


def reference(q, k, v, edge_index):
    # Faithful translation of Transformer.propagate_attention (DGL graph transformer):
    #   g.apply_edges(src_dot_dst('k','q','score'))  -> per-edge dot(k_src, q_dst) per head
    #   g.apply_edges(scaled_exp('score', sqrt(d_k))) -> exp(clamp(score/sqrt(d_k), -5, 5))
    #   send_and_recv(src_mul_edge('v','score','v'), sum -> 'wv')
    #   send_and_recv(copy_edge('score'), sum -> 'z')
    src = edge_index[0]
    dst = edge_index[1]
    k_src = jnp.take(k, src, axis=0)          # [E, H, D_K] gather
    q_dst = jnp.take(q, dst, axis=0)          # [E, H, D_K] gather
    score = jnp.sum(k_src * q_dst, axis=-1, keepdims=True)  # [E, H, 1]
    score = jnp.exp(jnp.clip(score / np.sqrt(D_K), -5.0, 5.0))
    v_src = jnp.take(v, src, axis=0)          # [E, H, D_K] gather
    wv = jax.ops.segment_sum(v_src * score, dst, num_segments=N_NODES)  # [N, H, D_K] scatter-add
    z = jax.ops.segment_sum(score, dst, num_segments=N_NODES)           # [N, H, 1] scatter-add
    return wv, z

if __name__ == "__main__":
    import jax
    _d = setup_inputs()
    print(jax.jit(kernel)(*tuple(_d.values())))

</pallas_src>

<mosaic_0001>
#map = affine_map<(d0, d1) -> (0, 0)>
#map1 = affine_map<(d0, d1) -> (0)>
module attributes {stable_mosaic.version = 14 : i64} {
  func.func @_body(%arg0: i32, %arg1: i32, %arg2: memref<10000x256xf32, #tpu.memory_space<hbm>>, %arg3: memref<10000x256xf32, #tpu.memory_space<hbm>>, %arg4: memref<10000x256xf32, #tpu.memory_space<hbm>>, %arg5: memref<160048xi32, #tpu.memory_space<hbm>>, %arg6: memref<160048xi32, #tpu.memory_space<hbm>>, %arg7: memref<32xi32, #tpu.memory_space<hbm>>, %arg8: memref<10368x128xf32, #tpu.memory_space<hbm>>, %arg9: memref<20736x128xf32, #tpu.memory_space<hbm>>, %arg10: memref<32xi32, #tpu.memory_space<vmem>>, %arg11: memref<32xi32, #tpu.memory_space<vmem>>, %arg12: memref<32xi32, #tpu.memory_space<vmem>>, %arg13: memref<2x32xi32, #tpu.memory_space<vmem>>, %arg14: memref<32xi32, #tpu.memory_space<vmem>>, %arg15: memref<48xi32, #tpu.memory_space<vmem>>, %arg16: memref<32xi32, #tpu.memory_space<vmem>>, %arg17: memref<32x256xf32, #tpu.memory_space<vmem>>, %arg18: memref<32x256xf32, #tpu.memory_space<vmem>>, %arg19: memref<32x256xf32, #tpu.memory_space<vmem>>, %arg20: memref<3x32x128xf32, #tpu.memory_space<vmem>>, %arg21: memref<10368x128xf32, #tpu.memory_space<vmem_shared>>, %arg22: memref<!tpu.dma_semaphore, #tpu.memory_space<semaphore_mem>>) attributes {dimension_semantics = [#tpu.dimension_semantics<core_parallel>, #tpu.dimension_semantics<subcore_parallel>], iteration_bounds = array<i64: 2, 16>, scalar_prefetch = 0 : i64, scratch_operands = 13 : i64, tpu.core_type = #tpu.core_type<sc_vector_subcore>, window_params = [{transform_indices = #map}, {transform_indices = #map}, {transform_indices = #map}, {transform_indices = #map1}, {transform_indices = #map1}, {transform_indices = #map1}, {transform_indices = #map}, {transform_indices = #map}]} {
    %mul3A = arith.constant 648 : i32
    %mul3A_0 = arith.muli %arg1, %mul3A : i32
    %mul3A_1 = arith.constant 648 : i32
    %mul3A_2 = arith.muli %arg1, %mul3A_1 : i32
    "tpu.region"() ({
      %run_scoped3A = tpu.sem_alloc : memref<!tpu.dma_semaphore, #tpu.memory_space<semaphore_mem>>
      %dma_start3A = arith.constant 0 : i32
      %dma_start3A_56 = tpu.memref_slice %arg21[%mul3A_2, %dma_start3A] : memref<10368x128xf32, #tpu.memory_space<vmem_shared>> -> memref<648x128xf32, #tpu.memory_space<vmem_shared>>
      %dma_start3A_57 = arith.constant 0 : i32
      %dma_start3A_58 = tpu.memref_slice %arg8[%mul3A_0, %dma_start3A_57] : memref<10368x128xf32, #tpu.memory_space<hbm>> -> memref<648x128xf32, #tpu.memory_space<hbm>>
      tpu.enqueue_dma source(%dma_start3A_58 : memref<648x128xf32, #tpu.memory_space<hbm>>) target(%dma_start3A_56 : memref<648x128xf32, #tpu.memory_space<vmem_shared>>) target_semaphore(%run_scoped3A : memref<!tpu.dma_semaphore, #tpu.memory_space<semaphore_mem>>)
      %dma_wait3A = arith.constant 0 : i32
      %dma_wait3A_59 = tpu.memref_slice %arg21[%mul3A_2, %dma_wait3A] : memref<10368x128xf32, #tpu.memory_space<vmem_shared>> -> memref<648x128xf32, #tpu.memory_space<vmem_shared>>
      %dma_wait3A_60 = arith.constant 0 : i32
      %dma_wait3A_61 = tpu.memref_slice %arg8[%mul3A_0, %dma_wait3A_60] : memref<10368x128xf32, #tpu.memory_space<hbm>> -> memref<648x128xf32, #tpu.memory_space<hbm>>
      tpu.wait_dma2 semaphore(%run_scoped3A : memref<!tpu.dma_semaphore, #tpu.memory_space<semaphore_mem>>) src(%dma_wait3A_61 : memref<648x128xf32, #tpu.memory_space<hbm>>) dst(%dma_wait3A_59 : memref<648x128xf32, #tpu.memory_space<vmem_shared>>)
      tpu.yield
    }) : () -> ()
    "tpu.region"() ({
      %run_scoped3A = tpu.sem_alloc : memref<!tpu.dma_semaphore, #tpu.memory_space<semaphore_mem>>
      tpu.enqueue_dma source(%arg7 : memref<32xi32, #tpu.memory_space<hbm>>) target(%arg16 : memref<32xi32, #tpu.memory_space<vmem>>) target_semaphore(%run_scoped3A : memref<!tpu.dma_semaphore, #tpu.memory_space<semaphore_mem>>)
      tpu.wait_dma2 semaphore(%run_scoped3A : memref<!tpu.dma_semaphore, #tpu.memory_space<semaphore_mem>>) src(%arg7 : memref<32xi32, #tpu.memory_space<hbm>>) dst(%arg16 : memref<32xi32, #tpu.memory_space<vmem>>)
      tpu.yield
    }) : () -> ()
    %barrier3A = arith.constant 0 : index
    tpu.barrier barrier_id(%barrier3A)
    %mul3A_3 = arith.constant 5000 : i32
    %mul3A_4 = arith.muli %arg0, %mul3A_3 : i32
    %iota3A = tpu.iota {dimensions = array<i32: 0>} : vector<16xi32>
    %broadcast_in_dim3A = arith.constant 0.000000e+00 : f32
    %broadcast_in_dim3A_5 = vector.broadcast %broadcast_in_dim3A : f32 to vector<16xf32>
    %mul3A_6 = arith.constant 2 : i32
    %mul3A_7 = arith.muli %mul3A_6, %arg0 : i32
    %get3A = arith.index_cast %mul3A_7 : i32 to index
    %get3A_8 = tpu.vector_load %arg16[%get3A] {strides = array<i32>} : memref<32xi32, #tpu.memory_space<vmem>>, vector<16xi32>,
    %slice3A = vector.extract_strided_slice %get3A_8 {offsets = [0], sizes = [1], strides = [1]} : vector<16xi32> to vector<1xi32>
    %squeeze3A = vector.extract %slice3A[0] : i32 from vector<1xi32>
    %mul3A_9 = arith.constant 2 : i32
    %mul3A_10 = arith.muli %mul3A_9, %arg0 : i32
    %add3A = arith.constant 1 : i32
    %add3A_11 = arith.addi %mul3A_10, %add3A : i32
    %get3A_12 = arith.index_cast %add3A_11 : i32 to index
    %get3A_13 = tpu.vector_load %arg16[%get3A_12] {strides = array<i32>} : memref<32xi32, #tpu.memory_space<vmem>>, vector<16xi32>,
    %slice3A_14 = vector.extract_strided_slice %get3A_13 {offsets = [0], sizes = [1], strides = [1]} : vector<16xi32> to vector<1xi32>
    %squeeze3A_15 = vector.extract %slice3A_14[0] : i32 from vector<1xi32>
    %sub3A = arith.subi %squeeze3A_15, %squeeze3A : i32
    %sub3A_16 = arith.subi %sub3A, %arg1 : i32
    %add3A_17 = arith.constant 16 : i32
    %add3A_18 = arith.addi %sub3A_16, %add3A_17 : i32
    %sub3A_19 = arith.constant 1 : i32
    %sub3A_20 = arith.subi %add3A_18, %sub3A_19 : i32
    %max3A = arith.constant 0 : i32
    %max3A_21 = arith.maxsi %max3A, %sub3A_20 : i32
    %jit3A = arith.constant 16 : i32
    %div3A = arith.divsi %max3A_21, %jit3A : i32
    %sign3A = arith.constant 0 : i32
    %sign3A_22 = arith.cmpi sgt, %max3A_21, %sign3A : i32
    %sign3A_23 = arith.extui %sign3A_22 : i1 to i32
    %sign3A_24 = arith.constant 0 : i32
    %sign3A_25 = arith.cmpi slt, %max3A_21, %sign3A_24 : i32
    %sign3A_26 = arith.extui %sign3A_25 : i1 to i32
    %sign3A_27 = arith.subi %sign3A_23, %sign3A_26 : i32
    %sign3A_28 = arith.constant 0 : i32
    %sign3A_29 = arith.cmpi sgt, %jit3A, %sign3A_28 : i32
    %sign3A_30 = arith.extui %sign3A_29 : i1 to i32
    %sign3A_31 = arith.constant 0 : i32
    %sign3A_32 = arith.cmpi slt, %jit3A, %sign3A_31 : i32
    %sign3A_33 = arith.extui %sign3A_32 : i1 to i32
    %sign3A_34 = arith.subi %sign3A_30, %sign3A_33 : i32
    %ne3A = arith.cmpi ne, %sign3A_27, %sign3A_34 : i32
    %rem3A = arith.remsi %max3A_21, %jit3A : i32
    %ne3A_35 = arith.constant 0 : i32
    %ne3A_36 = arith.cmpi ne, %rem3A, %ne3A_35 : i32
    %and3A = arith.andi %ne3A, %ne3A_36 : i1
    %sub3A_37 = arith.constant 1 : i32
    %sub3A_38 = arith.subi %div3A, %sub3A_37 : i32
    %select_n3A = arith.select %and3A, %sub3A_38, %div3A : i32
    %while3A = arith.constant 0 : i32
    %while3A_39 = arith.constant 0 : i32
    %while3A_40 = arith.subi %select_n3A, %while3A : i32
    %while3A_41 = arith.addi %while3A, %while3A_40 : i32
    %while3A_42 = arith.constant 1 : i32
    %while3A_43 = arith.divsi %while3A_40, %while3A_42 : i32
    %while3A_44 = arith.muli %while3A_43, %while3A_42 : i32
    %while3A_45 = arith.addi %while3A, %while3A_44 : i32
    %while3A_46 = arith.constant 1 : i32
    %while3A_47 = scf.for %while3A_56 = %while3A to %while3A_45 step %while3A_46 iter_args(%while3A_57 = %while3A_39) -> (i32)  : i32 {
      %add3A_58 = arith.addi %squeeze3A, %arg1 : i32
      %mul3A_59 = arith.constant 16 : i32
      %mul3A_60 = arith.muli %while3A_56, %mul3A_59 : i32
      %add3A_61 = arith.addi %add3A_58, %mul3A_60 : i32
      %mul3A_62 = arith.constant 32 : i32
      %mul3A_63 = arith.muli %add3A_61, %mul3A_62 : i32
      "tpu.region"() ({
        %run_scoped3A_211 = tpu.sem_alloc : memref<!tpu.dma_semaphore, #tpu.memory_space<semaphore_mem>>
        %dma_start3A_212 = tpu.memref_slice %arg5[%mul3A_63] : memref<160048xi32, #tpu.memory_space<hbm>> -> memref<32xi32, #tpu.memory_space<hbm>>
        %dma_start3A_213 = tpu.memref_slice %arg5[%mul3A_63] : memref<160048xi32, #tpu.memory_space<hbm>> -> memref<32xi32, #tpu.memory_space<hbm>>
        tpu.enqueue_dma source(%dma_start3A_213 : memref<32xi32, #tpu.memory_space<hbm>>) target(%arg10 : memref<32xi32, #tpu.memory_space<vmem>>) target_semaphore(%run_scoped3A_211 : memref<!tpu.dma_semaphore, #tpu.memory_space<semaphore_mem>>)
        %dma_wait3A_214 = tpu.memref_slice %arg5[%mul3A_63] : memref<160048xi32, #tpu.memory_space<hbm>> -> memref<32xi32, #tpu.memory_space<hbm>>
        %dma_wait3A_215 = tpu.memref_slice %arg5[%mul3A_63] : memref<160048xi32, #tpu.memory_space<hbm>> -> memref<32xi32, #tpu.memory_space<hbm>>
        tpu.wait_dma2 semaphore(%run_scoped3A_211 : memref<!tpu.dma_semaphore, #tpu.memory_space<semaphore_mem>>) src(%dma_wait3A_215 : memref<32xi32, #tpu.memory_space<hbm>>) dst(%arg10 : memref<32xi32, #tpu.memory_space<vmem>>)
        tpu.yield
      }) : () -> ()
      "tpu.region"() ({
        %run_scoped3A_211 = tpu.sem_alloc : memref<!tpu.dma_semaphore, #tpu.memory_space<semaphore_mem>>
        %dma_start3A_212 = tpu.memref_slice %arg6[%mul3A_63] : memref<160048xi32, #tpu.memory_space<hbm>> -> memref<32xi32, #tpu.memory_space<hbm>>
        %dma_start3A_213 = tpu.memref_slice %arg6[%mul3A_63] : memref<160048xi32, #tpu.memory_space<hbm>> -> memref<32xi32, #tpu.memory_space<hbm>>
        tpu.enqueue_dma source(%dma_start3A_213 : memref<32xi32, #tpu.memory_space<hbm>>) target(%arg11 : memref<32xi32, #tpu.memory_space<vmem>>) target_semaphore(%run_scoped3A_211 : memref<!tpu.dma_semaphore, #tpu.memory_space<semaphore_mem>>)
        %dma_wait3A_214 = tpu.memref_slice %arg6[%mul3A_63] : memref<160048xi32, #tpu.memory_space<hbm>> -> memref<32xi32, #tpu.memory_space<hbm>>
        %dma_wait3A_215 = tpu.memref_slice %arg6[%mul3A_63] : memref<160048xi32, #tpu.memory_space<hbm>> -> memref<32xi32, #tpu.memory_space<hbm>>
        tpu.wait_dma2 semaphore(%run_scoped3A_211 : memref<!tpu.dma_semaphore, #tpu.memory_space<semaphore_mem>>) src(%dma_wait3A_215 : memref<32xi32, #tpu.memory_space<hbm>>) dst(%arg11 : memref<32xi32, #tpu.memory_space<vmem>>)
        tpu.yield
      }) : () -> ()
      "tpu.region"() ({
        %run_scoped3A_211 = tpu.sem_alloc : memref<!tpu.dma_semaphore, #tpu.memory_space<semaphore_mem>>
        %dma_start3A_212 = tpu.memref_slice %arg6[%mul3A_63] : memref<160048xi32, #tpu.memory_space<hbm>> -> memref<32xi32, #tpu.memory_space<hbm>>
        %dma_start3A_213 = tpu.memref_slice %arg6[%mul3A_63] : memref<160048xi32, #tpu.memory_space<hbm>> -> memref<32xi32, #tpu.memory_space<hbm>>
        tpu.enqueue_dma source(%dma_start3A_213 : memref<32xi32, #tpu.memory_space<hbm>>) target(%arg12 : memref<32xi32, #tpu.memory_space<vmem>>) target_semaphore(%run_scoped3A_211 : memref<!tpu.dma_semaphore, #tpu.memory_space<semaphore_mem>>)
        %dma_wait3A_214 = tpu.memref_slice %arg6[%mul3A_63] : memref<160048xi32, #tpu.memory_space<hbm>> -> memref<32xi32, #tpu.memory_space<hbm>>
        %dma_wait3A_215 = tpu.memref_slice %arg6[%mul3A_63] : memref<160048xi32, #tpu.memory_space<hbm>> -> memref<32xi32, #tpu.memory_space<hbm>>
        tpu.wait_dma2 semaphore(%run_scoped3A_211 : memref<!tpu.dma_semaphore, #tpu.memory_space<semaphore_mem>>) src(%dma_wait3A_215 : memref<32xi32, #tpu.memory_space<hbm>>) dst(%arg12 : memref<32xi32, #tpu.memory_space<vmem>>)
        tpu.yield
      }) : () -> ()
      %dma_start3A = arith.constant 0 : i32
      %dma_start3A_64 = arith.constant 0 : i32
      %dma_start3A_65 = tpu.memref_slice %arg3[%dma_start3A, %dma_start3A_64] : memref<10000x256xf32, #tpu.memory_space<hbm>> -> memref<10000x256xf32, #tpu.memory_space<hbm>>
      tpu.enqueue_indirect_dma source(%dma_start3A_65 : memref<10000x256xf32, #tpu.memory_space<hbm>>) target(%arg17 : memref<32x256xf32, #tpu.memory_space<vmem>>) offsets(%arg10 : memref<32xi32, #tpu.memory_space<vmem>>) semaphore(%arg22 : memref<!tpu.dma_semaphore, #tpu.memory_space<semaphore_mem>>)
      %dma_start3A_66 = arith.constant 0 : i32
      %dma_start3A_67 = arith.constant 0 : i32
      %dma_start3A_68 = tpu.memref_slice %arg2[%dma_start3A_66, %dma_start3A_67] : memref<10000x256xf32, #tpu.memory_space<hbm>> -> memref<10000x256xf32, #tpu.memory_space<hbm>>
      tpu.enqueue_indirect_dma source(%dma_start3A_68 : memref<10000x256xf32, #tpu.memory_space<hbm>>) target(%arg18 : memref<32x256xf32, #tpu.memory_space<vmem>>) offsets(%arg11 : memref<32xi32, #tpu.memory_space<vmem>>) semaphore(%arg22 : memref<!tpu.dma_semaphore, #tpu.memory_space<semaphore_mem>>)
      %dma_start3A_69 = arith.constant 0 : i32
      %dma_start3A_70 = arith.constant 0 : i32
      %dma_start3A_71 = tpu.memref_slice %arg4[%dma_start3A_69, %dma_start3A_70] : memref<10000x256xf32, #tpu.memory_space<hbm>> -> memref<10000x256xf32, #tpu.memory_space<hbm>>
      tpu.enqueue_indirect_dma source(%dma_start3A_71 : memref<10000x256xf32, #tpu.memory_space<hbm>>) target(%arg19 : memref<32x256xf32, #tpu.memory_space<vmem>>) offsets(%arg10 : memref<32xi32, #tpu.memory_space<vmem>>) semaphore(%arg22 : memref<!tpu.dma_semaphore, #tpu.memory_space<semaphore_mem>>)
      %dma_start3A_72 = arith.constant 2 : i32
      %dma_start3A_73 = arith.constant 0 : i32
      %dma_start3A_74 = arith.constant 0 : i32
      %dma_start3A_75 = tpu.memref_slice %arg20[%dma_start3A_72, %dma_start3A_73, %dma_start3A_74] : memref<3x32x128xf32, #tpu.memory_space<vmem>> -> memref<1x32x128xf32, #tpu.memory_space<vmem>>
      %dma_start3A_76 = tpu.memref_squeeze %dma_start3A_75 : memref<1x32x128xf32, #tpu.memory_space<vmem>> -> memref<32x128xf32, #tpu.memory_space<vmem>>
      %dma_start3A_77 = arith.constant 0 : i32
      %dma_start3A_78 = arith.constant 0 : i32
      %dma_start3A_79 = tpu.memref_slice %arg8[%dma_start3A_77, %dma_start3A_78] : memref<10368x128xf32, #tpu.memory_space<hbm>> -> memref<32x128xf32, #tpu.memory_space<hbm>>
      %dma_start3A_80 = arith.constant 0 : i32
      %dma_start3A_81 = arith.constant 0 : i32
      %dma_start3A_82 = tpu.memref_slice %arg20[%dma_start3A_72, %dma_start3A_80, %dma_start3A_81] : memref<3x32x128xf32, #tpu.memory_space<vmem>> -> memref<1x32x128xf32, #tpu.memory_space<vmem>>
      %dma_start3A_83 = tpu.memref_squeeze %dma_start3A_82 : memref<1x32x128xf32, #tpu.memory_space<vmem>> -> memref<32x128xf32, #tpu.memory_space<vmem>>
      %dma_start3A_84 = arith.constant 0 : i32
      %dma_start3A_85 = arith.constant 0 : i32
      %dma_start3A_86 = tpu.memref_slice %arg8[%dma_start3A_84, %dma_start3A_85] : memref<10368x128xf32, #tpu.memory_space<hbm>> -> memref<32x128xf32, #tpu.memory_space<hbm>>
      tpu.enqueue_dma source(%dma_start3A_86 : memref<32x128xf32, #tpu.memory_space<hbm>>) target(%dma_start3A_83 : memref<32x128xf32, #tpu.memory_space<vmem>>) target_semaphore(%arg22 : memref<!tpu.dma_semaphore, #tpu.memory_space<semaphore_mem>>)
      %add3A_87 = arith.constant 0 : i32
      %add3A_88 = vector.broadcast %add3A_87 : i32 to vector<16xi32>
      %add3A_89 = arith.addi %add3A_88, %iota3A : vector<16xi32>
      %lt3A = arith.constant 32 : i32
      %lt3A_90 = vector.broadcast %lt3A : i32 to vector<16xi32>
      %lt3A_91 = arith.cmpi slt, %add3A_89, %lt3A_90 : vector<16xi32>
      %get3A_92 = arith.constant 0 : index
      %get3A_93 = tpu.vector_load %arg12[%get3A_92] {strides = array<i32>} : memref<32xi32, #tpu.memory_space<vmem>>, vector<16xi32>,
      %sub3A_94 = vector.broadcast %mul3A_4 : i32 to vector<16xi32>
      %sub3A_95 = arith.subi %get3A_93, %sub3A_94 : vector<16xi32>
      %ge3A = arith.constant 0 : i32
      %ge3A_96 = vector.broadcast %ge3A : i32 to vector<16xi32>
      %ge3A_97 = arith.cmpi sge, %sub3A_95, %ge3A_96 : vector<16xi32>
      %lt3A_98 = arith.constant 5000 : i32
      %lt3A_99 = vector.broadcast %lt3A_98 : i32 to vector<16xi32>
      %lt3A_100 = arith.cmpi slt, %sub3A_95, %lt3A_99 : vector<16xi32>
      %and3A_101 = arith.andi %ge3A_97, %lt3A_100 : vector<16xi1>
      %and3A_102 = arith.andi %and3A_101, %lt3A_91 : vector<16xi1>
      %jit3A_103 = arith.constant 5000 : i32
      %broadcast_in_dim3A_104 = vector.broadcast %jit3A_103 : i32 to vector<16xi32>
      %select_n3A_105 = arith.select %and3A_102, %sub3A_95, %broadcast_in_dim3A_104 : vector<16xi1>, vector<16xi32>
      %broadcast_in_dim3A_106 = arith.constant 0 : i32
      %broadcast_in_dim3A_107 = vector.broadcast %broadcast_in_dim3A_106 : i32 to vector<16xi32>
      %mul3A_108 = arith.constant 2 : i32
      %mul3A_109 = vector.broadcast %mul3A_108 : i32 to vector<16xi32>
      %mul3A_110 = arith.muli %mul3A_109, %select_n3A_105 : vector<16xi32>
      %add3A_111 = arith.constant 0 : i32
      %add3A_112 = vector.broadcast %add3A_111 : i32 to vector<16xi32>
      %add3A_113 = arith.addi %mul3A_110, %add3A_112 : vector<16xi32>
      tpu.vector_store_idx %arg13[%broadcast_in_dim3A_107, %add3A_89], %add3A_113 masked %lt3A_91 : memref<2x32xi32, #tpu.memory_space<vmem>>[vector<16xi32>, vector<16xi32>], vector<16xi32>, vector<16xi1>
      %broadcast_in_dim3A_114 = arith.constant 1 : i32
      %broadcast_in_dim3A_115 = vector.broadcast %broadcast_in_dim3A_114 : i32 to vector<16xi32>
      %mul3A_116 = arith.constant 2 : i32
      %mul3A_117 = vector.broadcast %mul3A_116 : i32 to vector<16xi32>
      %mul3A_118 = arith.muli %mul3A_117, %select_n3A_105 : vector<16xi32>
      %add3A_119 = arith.constant 1 : i32
      %add3A_120 = vector.broadcast %add3A_119 : i32 to vector<16xi32>
      %add3A_121 = arith.addi %mul3A_118, %add3A_120 : vector<16xi32>
      tpu.vector_store_idx %arg13[%broadcast_in_dim3A_115, %add3A_89], %add3A_121 masked %lt3A_91 : memref<2x32xi32, #tpu.memory_space<vmem>>[vector<16xi32>, vector<16xi32>], vector<16xi32>, vector<16xi1>
      %shift_right_arithmetic3A = arith.constant 4 : i32
      %shift_right_arithmetic3A_122 = vector.broadcast %shift_right_arithmetic3A : i32 to vector<16xi32>
      %shift_right_arithmetic3A_123 = arith.shrsi %select_n3A_105, %shift_right_arithmetic3A_122 : vector<16xi32>
      %add3A_124 = arith.constant 10048 : i32
      %add3A_125 = vector.broadcast %add3A_124 : i32 to vector<16xi32>
      %add3A_126 = arith.addi %add3A_125, %shift_right_arithmetic3A_123 : vector<16xi32>
      tpu.vector_store_idx %arg14[%add3A_89], %add3A_126 masked %lt3A_91 : memref<32xi32, #tpu.memory_space<vmem>>[vector<16xi32>], vector<16xi32>, vector<16xi1>
      %and3A_127 = arith.constant 15 : i32
      %and3A_128 = vector.broadcast %and3A_127 : i32 to vector<16xi32>
      %and3A_129 = arith.andi %select_n3A_105, %and3A_128 : vector<16xi32>
      %shift_left3A = arith.constant 3 : i32
      %shift_left3A_130 = vector.broadcast %shift_left3A : i32 to vector<16xi32>
      %shift_left3A_131 = arith.shli %and3A_129, %shift_left3A_130 : vector<16xi32>
      tpu.vector_store_idx %arg15[%add3A_89], %shift_left3A_131 masked %lt3A_91 : memref<48xi32, #tpu.memory_space<vmem>>[vector<16xi32>], vector<16xi32>, vector<16xi1>
      %add3A_132 = arith.constant 16 : i32
      %add3A_133 = vector.broadcast %add3A_132 : i32 to vector<16xi32>
      %add3A_134 = arith.addi %add3A_133, %iota3A : vector<16xi32>
      %lt3A_135 = arith.constant 32 : i32
      %lt3A_136 = vector.broadcast %lt3A_135 : i32 to vector<16xi32>
      %lt3A_137 = arith.cmpi slt, %add3A_134, %lt3A_136 : vector<16xi32>
      %get3A_138 = arith.constant 16 : index
      %get3A_139 = tpu.vector_load %arg12[%get3A_138] {strides = array<i32>} : memref<32xi32, #tpu.memory_space<vmem>>, vector<16xi32>,
      %sub3A_140 = vector.broadcast %mul3A_4 : i32 to vector<16xi32>
      %sub3A_141 = arith.subi %get3A_139, %sub3A_140 : vector<16xi32>
      %ge3A_142 = arith.constant 0 : i32
      %ge3A_143 = vector.broadcast %ge3A_142 : i32 to vector<16xi32>
      %ge3A_144 = arith.cmpi sge, %sub3A_141, %ge3A_143 : vector<16xi32>
      %lt3A_145 = arith.constant 5000 : i32
      %lt3A_146 = vector.broadcast %lt3A_145 : i32 to vector<16xi32>
      %lt3A_147 = arith.cmpi slt, %sub3A_141, %lt3A_146 : vector<16xi32>
      %and3A_148 = arith.andi %ge3A_144, %lt3A_147 : vector<16xi1>
      %and3A_149 = arith.andi %and3A_148, %lt3A_137 : vector<16xi1>
      %jit3A_150 = arith.constant 5000 : i32
      %broadcast_in_dim3A_151 = vector.broadcast %jit3A_150 : i32 to vector<16xi32>
      %select_n3A_152 = arith.select %and3A_149, %sub3A_141, %broadcast_in_dim3A_151 : vector<16xi1>, vector<16xi32>
      %broadcast_in_dim3A_153 = arith.constant 0 : i32
      %broadcast_in_dim3A_154 = vector.broadcast %broadcast_in_dim3A_153 : i32 to vector<16xi32>
      %mul3A_155 = arith.constant 2 : i32
      %mul3A_156 = vector.broadcast %mul3A_155 : i32 to vector<16xi32>
      %mul3A_157 = arith.muli %mul3A_156, %select_n3A_152 : vector<16xi32>
      %add3A_158 = arith.constant 0 : i32
      %add3A_159 = vector.broadcast %add3A_158 : i32 to vector<16xi32>
      %add3A_160 = arith.addi %mul3A_157, %add3A_159 : vector<16xi32>
      tpu.vector_store_idx %arg13[%broadcast_in_dim3A_154, %add3A_134], %add3A_160 masked %lt3A_137 : memref<2x32xi32, #tpu.memory_space<vmem>>[vector<16xi32>, vector<16xi32>], vector<16xi32>, vector<16xi1>
      %broadcast_in_dim3A_161 = arith.constant 1 : i32
      %broadcast_in_dim3A_162 = vector.broadcast %broadcast_in_dim3A_161 : i32 to vector<16xi32>
      %mul3A_163 = arith.constant 2 : i32
      %mul3A_164 = vector.broadcast %mul3A_163 : i32 to vector<16xi32>
      %mul3A_165 = arith.muli %mul3A_164, %select_n3A_152 : vector<16xi32>
      %add3A_166 = arith.constant 1 : i32
      %add3A_167 = vector.broadcast %add3A_166 : i32 to vector<16xi32>
      %add3A_168 = arith.addi %mul3A_165, %add3A_167 : vector<16xi32>
      tpu.vector_store_idx %arg13[%broadcast_in_dim3A_162, %add3A_134], %add3A_168 masked %lt3A_137 : memref<2x32xi32, #tpu.memory_space<vmem>>[vector<16xi32>, vector<16xi32>], vector<16xi32>, vector<16xi1>
      %shift_right_arithmetic3A_169 = arith.constant 4 : i32
      %shift_right_arithmetic3A_170 = vector.broadcast %shift_right_arithmetic3A_169 : i32 to vector<16xi32>
      %shift_right_arithmetic3A_171 = arith.shrsi %select_n3A_152, %shift_right_arithmetic3A_170 : vector<16xi32>
      %add3A_172 = arith.constant 10048 : i32
      %add3A_173 = vector.broadcast %add3A_172 : i32 to vector<16xi32>
      %add3A_174 = arith.addi %add3A_173, %shift_right_arithmetic3A_171 : vector<16xi32>
      tpu.vector_store_idx %arg14[%add3A_134], %add3A_174 masked %lt3A_137 : memref<32xi32, #tpu.memory_space<vmem>>[vector<16xi32>], vector<16xi32>, vector<16xi1>
      %and3A_175 = arith.constant 15 : i32
      %and3A_176 = vector.broadcast %and3A_175 : i32 to vector<16xi32>
      %and3A_177 = arith.andi %select_n3A_152, %and3A_176 : vector<16xi32>
      %shift_left3A_178 = arith.constant 3 : i32
      %shift_left3A_179 = vector.broadcast %shift_left3A_178 : i32 to vector<16xi32>
      %shift_left3A_180 = arith.shli %and3A_177, %shift_left3A_179 : vector<16xi32>
      tpu.vector_store_idx %arg15[%add3A_134], %shift_left3A_180 masked %lt3A_137 : memref<48xi32, #tpu.memory_space<vmem>>[vector<16xi32>], vector<16xi32>, vector<16xi1>
      %dma_wait3A = arith.constant 0 : i32
      %dma_wait3A_181 = arith.constant 0 : i32
      %dma_wait3A_182 = tpu.memref_slice %arg3[%dma_wait3A, %dma_wait3A_181] : memref<10000x256xf32, #tpu.memory_space<hbm>> -> memref<10000x256xf32, #tpu.memory_space<hbm>>
      tpu.wait_indirect_dma semaphore(%arg22 : memref<!tpu.dma_semaphore, #tpu.memory_space<semaphore_mem>>) src(%dma_wait3A_182 : memref<10000x256xf32, #tpu.memory_space<hbm>>) dst(%arg17 : memref<32x256xf32, #tpu.memory_space<vmem>>)
      %dma_wait3A_183 = arith.constant 0 : i32
      %dma_wait3A_184 = arith.constant 0 : i32
      %dma_wait3A_185 = tpu.memref_slice %arg2[%dma_wait3A_183, %dma_wait3A_184] : memref<10000x256xf32, #tpu.memory_space<hbm>> -> memref<10000x256xf32, #tpu.memory_space<hbm>>
      tpu.wait_indirect_dma semaphore(%arg22 : memref<!tpu.dma_semaphore, #tpu.memory_space<semaphore_mem>>) src(%dma_wait3A_185 : memref<10000x256xf32, #tpu.memory_space<hbm>>) dst(%arg18 : memref<32x256xf32, #tpu.memory_space<vmem>>)
      %dma_wait3A_186 = arith.constant 0 : i32
      %dma_wait3A_187 = arith.constant 0 : i32
      %dma_wait3A_188 = tpu.memref_slice %arg4[%dma_wait3A_186, %dma_wait3A_187] : memref<10000x256xf32, #tpu.memory_space<hbm>> -> memref<10000x256xf32, #tpu.memory_space<hbm>>
      tpu.wait_indirect_dma semaphore(%arg22 : memref<!tpu.dma_semaphore, #tpu.memory_space<semaphore_mem>>) src(%dma_wait3A_188 : memref<10000x256xf32, #tpu.memory_space<hbm>>) dst(%arg19 : memref<32x256xf32, #tpu.memory_space<vmem>>)
      %dma_wait3A_189 = arith.constant 2 : i32
      %dma_wait3A_190 = arith.constant 0 : i32
      %dma_wait3A_191 = arith.constant 0 : i32
      %dma_wait3A_192 = tpu.memref_slice %arg20[%dma_wait3A_189, %dma_wait3A_190, %dma_wait3A_191] : memref<3x32x128xf32, #tpu.memory_space<vmem>> -> memref<1x32x128xf32, #tpu.memory_space<vmem>>
      %dma_wait3A_193 = tpu.memref_squeeze %dma_wait3A_192 : memref<1x32x128xf32, #tpu.memory_space<vmem>> -> memref<32x128xf32, #tpu.memory_space<vmem>>
      %dma_wait3A_194 = arith.constant 0 : i32
      %dma_wait3A_195 = arith.constant 0 : i32
      %dma_wait3A_196 = tpu.memref_slice %arg8[%dma_wait3A_194, %dma_wait3A_195] : memref<10368x128xf32, #tpu.memory_space<hbm>> -> memref<32x128xf32, #tpu.memory_space<hbm>>
      %dma_wait3A_197 = arith.constant 0 : i32
      %dma_wait3A_198 = arith.constant 0 : i32
      %dma_wait3A_199 = tpu.memref_slice %arg20[%dma_wait3A_189, %dma_wait3A_197, %dma_wait3A_198] : memref<3x32x128xf32, #tpu.memory_space<vmem>> -> memref<1x32x128xf32, #tpu.memory_space<vmem>>
      %dma_wait3A_200 = tpu.memref_squeeze %dma_wait3A_199 : memref<1x32x128xf32, #tpu.memory_space<vmem>> -> memref<32x128xf32, #tpu.memory_space<vmem>>
      %dma_wait3A_201 = arith.constant 0 : i32
      %dma_wait3A_202 = arith.constant 0 : i32
      %dma_wait3A_203 = tpu.memref_slice %arg8[%dma_wait3A_201, %dma_wait3A_202] : memref<10368x128xf32, #tpu.memory_space<hbm>> -> memref<32x128xf32, #tpu.memory_space<hbm>>
      tpu.wait_dma2 semaphore(%arg22 : memref<!tpu.dma_semaphore, #tpu.memory_space<semaphore_mem>>) src(%dma_wait3A_203 : memref<32x128xf32, #tpu.memory_space<hbm>>) dst(%dma_wait3A_200 : memref<32x128xf32, #tpu.memory_space<vmem>>)
      %parallel_loop3A = arith.constant 0 : i32
      %parallel_loop3A_204 = arith.constant 32 : i32
      %parallel_loop3A_205 = arith.constant 1 : i32
      scf.for %parallel_loop3A_211 = %parallel_loop3A to %parallel_loop3A_204 step %parallel_loop3A_205  : i32 {
        %parallel_loop3A_212 = arith.index_cast %parallel_loop3A_211 : i32 to index
        %parallel_loop3A_213 = arith.constant 0 : index
        %parallel_loop3A_214 = tpu.vector_load %arg17[%parallel_loop3A_212, %parallel_loop3A_213] {strides = array<i32>} : memref<32x256xf32, #tpu.memory_space<vmem>>, vector<16xf32>,
        %parallel_loop3A_215 = arith.index_cast %parallel_loop3A_211 : i32 to index
        %parallel_loop3A_216 = arith.constant 0 : index
        %parallel_loop3A_217 = tpu.vector_load %arg18[%parallel_loop3A_215, %parallel_loop3A_216] {strides = array<i32>} : memref<32x256xf32, #tpu.memory_space<vmem>>, vector<16xf32>,
        %parallel_loop3A_218 = arith.mulf %parallel_loop3A_214, %parallel_loop3A_217 : vector<16xf32>
        %parallel_loop3A_219 = arith.index_cast %parallel_loop3A_211 : i32 to index
        %parallel_loop3A_220 = arith.constant 16 : index
        %parallel_loop3A_221 = tpu.vector_load %arg17[%parallel_loop3A_219, %parallel_loop3A_220] {strides = array<i32>} : memref<32x256xf32, #tpu.memory_space<vmem>>, vector<16xf32>,
        %parallel_loop3A_222 = arith.index_cast %parallel_loop3A_211 : i32 to index
        %parallel_loop3A_223 = arith.constant 16 : index
        %parallel_loop3A_224 = tpu.vector_load %arg18[%parallel_loop3A_222, %parallel_loop3A_223] {strides = array<i32>} : memref<32x256xf32, #tpu.memory_space<vmem>>, vector<16xf32>,
        %parallel_loop3A_225 = arith.mulf %parallel_loop3A_221, %parallel_loop3A_224 : vector<16xf32>
        %parallel_loop3A_226 = arith.addf %parallel_loop3A_218, %parallel_loop3A_225 : vector<16xf32>
        %parallel_loop3A_227 = arith.constant true
        %parallel_loop3A_228 = vector.broadcast %parallel_loop3A_227 : i1 to vector<16xi1>
        %parallel_loop3A_229 = tpu.scan <sum>, %parallel_loop3A_226 masked %parallel_loop3A_228 : vector<16xf32>, vector<16xi1> -> vector<16xf32>
        %parallel_loop3A_230 = vector.extract %parallel_loop3A_229[15] : f32 from vector<16xf32>
        %parallel_loop3A_231 = arith.constant 0.176776692 : f32
        %parallel_loop3A_232 = arith.mulf %parallel_loop3A_230, %parallel_loop3A_231 : f32
        %parallel_loop3A_233 = arith.constant -5.000000e+00 : f32
        %parallel_loop3A_234 = arith.maximumf %parallel_loop3A_232, %parallel_loop3A_233 : f32
        %parallel_loop3A_235 = arith.constant 5.000000e+00 : f32
        %parallel_loop3A_236 = arith.minimumf %parallel_loop3A_234, %parallel_loop3A_235 : f32
        %parallel_loop3A_237 = vector.broadcast %parallel_loop3A_236 : f32 to vector<16xf32>
        %parallel_loop3A_238 = math.exp %parallel_loop3A_237 : vector<16xf32>
        %parallel_loop3A_239 = arith.constant 0 : i32
        %parallel_loop3A_240 = vector.broadcast %parallel_loop3A_239 : i32 to vector<16xi32>
        %parallel_loop3A_241 = arith.cmpi eq, %iota3A, %parallel_loop3A_240 : vector<16xi32>
        %parallel_loop3A_242 = arith.select %parallel_loop3A_241, %parallel_loop3A_238, %broadcast_in_dim3A_5 : vector<16xi1>, vector<16xf32>
        %parallel_loop3A_243 = arith.constant 8 : i32
        %parallel_loop3A_244 = vector.broadcast %parallel_loop3A_243 : i32 to vector<16xi32>
        %parallel_loop3A_245 = arith.cmpi eq, %iota3A, %parallel_loop3A_244 : vector<16xi32>
        %parallel_loop3A_246 = arith.select %parallel_loop3A_245, %parallel_loop3A_238, %broadcast_in_dim3A_5 : vector<16xi1>, vector<16xf32>
        %parallel_loop3A_247 = arith.index_cast %parallel_loop3A_211 : i32 to index
        %parallel_loop3A_248 = arith.constant 0 : index
        %parallel_loop3A_249 = tpu.vector_load %arg19[%parallel_loop3A_247, %parallel_loop3A_248] {strides = array<i32>} : memref<32x256xf32, #tpu.memory_space<vmem>>, vector<16xf32>,
        %parallel_loop3A_250 = arith.mulf %parallel_loop3A_249, %parallel_loop3A_238 : vector<16xf32>
        %parallel_loop3A_251 = arith.constant 0 : i32
        %parallel_loop3A_252 = arith.index_cast %parallel_loop3A_251 : i32 to index
        %parallel_loop3A_253 = arith.index_cast %parallel_loop3A_211 : i32 to index
        %parallel_loop3A_254 = arith.constant 0 : index
        %parallel_loop3A_255 = tpu.vector_load %arg20[%parallel_loop3A_252, %parallel_loop3A_253, %parallel_loop3A_254] {strides = array<i32>} : memref<3x32x128xf32, #tpu.memory_space<vmem>>, vector<16xf32>,
        tpu.vector_store %arg20[%parallel_loop3A_252, %parallel_loop3A_253, %parallel_loop3A_254], %parallel_loop3A_250 {strides = array<i32>} : memref<3x32x128xf32, #tpu.memory_space<vmem>>, vector<16xf32>,
        %parallel_loop3A_256 = arith.index_cast %parallel_loop3A_211 : i32 to index
        %parallel_loop3A_257 = arith.constant 16 : index
        %parallel_loop3A_258 = tpu.vector_load %arg19[%parallel_loop3A_256, %parallel_loop3A_257] {strides = array<i32>} : memref<32x256xf32, #tpu.memory_space<vmem>>, vector<16xf32>,
        %parallel_loop3A_259 = arith.mulf %parallel_loop3A_258, %parallel_loop3A_238 : vector<16xf32>
        %parallel_loop3A_260 = arith.constant 0 : i32
        %parallel_loop3A_261 = arith.index_cast %parallel_loop3A_260 : i32 to index
        %parallel_loop3A_262 = arith.index_cast %parallel_loop3A_211 : i32 to index
        %parallel_loop3A_263 = arith.constant 16 : index
        %parallel_loop3A_264 = tpu.vector_load %arg20[%parallel_loop3A_261, %parallel_loop3A_262, %parallel_loop3A_263] {strides = array<i32>} : memref<3x32x128xf32, #tpu.memory_space<vmem>>, vector<16xf32>,
        tpu.vector_store %arg20[%parallel_loop3A_261, %parallel_loop3A_262, %parallel_loop3A_263], %parallel_loop3A_259 {strides = array<i32>} : memref<3x32x128xf32, #tpu.memory_space<vmem>>, vector<16xf32>,
        %parallel_loop3A_265 = arith.index_cast %parallel_loop3A_211 : i32 to index
        %parallel_loop3A_266 = arith.constant 32 : index
        %parallel_loop3A_267 = tpu.vector_load %arg17[%parallel_loop3A_265, %parallel_loop3A_266] {strides = array<i32>} : memref<32x256xf32, #tpu.memory_space<vmem>>, vector<16xf32>,
        %parallel_loop3A_268 = arith.index_cast %parallel_loop3A_211 : i32 to index
        %parallel_loop3A_269 = arith.constant 32 : index
        %parallel_loop3A_270 = tpu.vector_load %arg18[%parallel_loop3A_268, %parallel_loop3A_269] {strides = array<i32>} : memref<32x256xf32, #tpu.memory_space<vmem>>, vector<16xf32>,
        %parallel_loop3A_271 = arith.mulf %parallel_loop3A_267, %parallel_loop3A_270 : vector<16xf32>
        %parallel_loop3A_272 = arith.index_cast %parallel_loop3A_211 : i32 to index
        %parallel_loop3A_273 = arith.constant 48 : index
        %parallel_loop3A_274 = tpu.vector_load %arg17[%parallel_loop3A_272, %parallel_loop3A_273] {strides = array<i32>} : memref<32x256xf32, #tpu.memory_space<vmem>>, vector<16xf32>,
        %parallel_loop3A_275 = arith.index_cast %parallel_loop3A_211 : i32 to index
        %parallel_loop3A_276 = arith.constant 48 : index
        %parallel_loop3A_277 = tpu.vector_load %arg18[%parallel_loop3A_275, %parallel_loop3A_276] {strides = array<i32>} : memref<32x256xf32, #tpu.memory_space<vmem>>, vector<16xf32>,
        %parallel_loop3A_278 = arith.mulf %parallel_loop3A_274, %parallel_loop3A_277 : vector<16xf32>
        %parallel_loop3A_279 = arith.addf %parallel_loop3A_271, %parallel_loop3A_278 : vector<16xf32>
        %parallel_loop3A_280 = arith.constant true
        %parallel_loop3A_281 = vector.broadcast %parallel_loop3A_280 : i1 to vector<16xi1>
        %parallel_loop3A_282 = tpu.scan <sum>, %parallel_loop3A_279 masked %parallel_loop3A_281 : vector<16xf32>, vector<16xi1> -> vector<16xf32>
        %parallel_loop3A_283 = vector.extract %parallel_loop3A_282[15] : f32 from vector<16xf32>
        %parallel_loop3A_284 = arith.constant 0.176776692 : f32
        %parallel_loop3A_285 = arith.mulf %parallel_loop3A_283, %parallel_loop3A_284 : f32
        %parallel_loop3A_286 = arith.constant -5.000000e+00 : f32
        %parallel_loop3A_287 = arith.maximumf %parallel_loop3A_285, %parallel_loop3A_286 : f32
        %parallel_loop3A_288 = arith.constant 5.000000e+00 : f32
        %parallel_loop3A_289 = arith.minimumf %parallel_loop3A_287, %parallel_loop3A_288 : f32
        %parallel_loop3A_290 = vector.broadcast %parallel_loop3A_289 : f32 to vector<16xf32>
        %parallel_loop3A_291 = math.exp %parallel_loop3A_290 : vector<16xf32>
        %parallel_loop3A_292 = arith.constant 1 : i32
        %parallel_loop3A_293 = vector.broadcast %parallel_loop3A_292 : i32 to vector<16xi32>
        %parallel_loop3A_294 = arith.cmpi eq, %iota3A, %parallel_loop3A_293 : vector<16xi32>
        %parallel_loop3A_295 = arith.select %parallel_loop3A_294, %parallel_loop3A_291, %parallel_loop3A_242 : vector<16xi1>, vector<16xf32>
        %parallel_loop3A_296 = arith.constant 9 : i32
        %parallel_loop3A_297 = vector.broadcast %parallel_loop3A_296 : i32 to vector<16xi32>
        %parallel_loop3A_298 = arith.cmpi eq, %iota3A, %parallel_loop3A_297 : vector<16xi32>
        %parallel_loop3A_299 = arith.select %parallel_loop3A_298, %parallel_loop3A_291, %parallel_loop3A_246 : vector<16xi1>, vector<16xf32>
        %parallel_loop3A_300 = arith.index_cast %parallel_loop3A_211 : i32 to index
        %parallel_loop3A_301 = arith.constant 32 : index
        %parallel_loop3A_302 = tpu.vector_load %arg19[%parallel_loop3A_300, %parallel_loop3A_301] {strides = array<i32>} : memref<32x256xf32, #tpu.memory_space<vmem>>, vector<16xf32>,
        %parallel_loop3A_303 = arith.mulf %parallel_loop3A_302, %parallel_loop3A_291 : vector<16xf32>
        %parallel_loop3A_304 = arith.constant 0 : i32
        %parallel_loop3A_305 = arith.index_cast %parallel_loop3A_304 : i32 to index
        %parallel_loop3A_306 = arith.index_cast %parallel_loop3A_211 : i32 to index
        %parallel_loop3A_307 = arith.constant 32 : index
        %parallel_loop3A_308 = tpu.vector_load %arg20[%parallel_loop3A_305, %parallel_loop3A_306, %parallel_loop3A_307] {strides = array<i32>} : memref<3x32x128xf32, #tpu.memory_space<vmem>>, vector<16xf32>,
        tpu.vector_store %arg20[%parallel_loop3A_305, %parallel_loop3A_306, %parallel_loop3A_307], %parallel_loop3A_303 {strides = array<i32>} : memref<3x32x128xf32, #tpu.memory_space<vmem>>, vector<16xf32>,
        %parallel_loop3A_309 = arith.index_cast %parallel_loop3A_211 : i32 to index
        %parallel_loop3A_310 = arith.constant 48 : index
        %parallel_loop3A_311 = tpu.vector_load %arg19[%parallel_loop3A_309, %parallel_loop3A_310] {strides = array<i32>} : memref<32x256xf32, #tpu.memory_space<vmem>>, vector<16xf32>,
        %parallel_loop3A_312 = arith.mulf %parallel_loop3A_311, %parallel_loop3A_291 : vector<16xf32>
        %parallel_loop3A_313 = arith.constant 0 : i32
        %parallel_loop3A_314 = arith.index_cast %parallel_loop3A_313 : i32 to index
        %parallel_loop3A_315 = arith.index_cast %parallel_loop3A_211 : i32 to index
        %parallel_loop3A_316 = arith.constant 48 : index
        %parallel_loop3A_317 = tpu.vector_load %arg20[%parallel_loop3A_314, %parallel_loop3A_315, %parallel_loop3A_316] {strides = array<i32>} : memref<3x32x128xf32, #tpu.memory_space<vmem>>, vector<16xf32>,
        tpu.vector_store %arg20[%parallel_loop3A_314, %parallel_loop3A_315, %parallel_loop3A_316], %parallel_loop3A_312 {strides = array<i32>} : memref<3x32x128xf32, #tpu.memory_space<vmem>>, vector<16xf32>,
        %parallel_loop3A_318 = arith.index_cast %parallel_loop3A_211 : i32 to index
        %parallel_loop3A_319 = arith.constant 64 : index
        %parallel_loop3A_320 = tpu.vector_load %arg17[%parallel_loop3A_318, %parallel_loop3A_319] {strides = array<i32>} : memref<32x256xf32, #tpu.memory_space<vmem>>, vector<16xf32>,
        %parallel_loop3A_321 = arith.index_cast %parallel_loop3A_211 : i32 to index
        %parallel_loop3A_322 = arith.constant 64 : index
        %parallel_loop3A_323 = tpu.vector_load %arg18[%parallel_loop3A_321, %parallel_loop3A_322] {strides = array<i32>} : memref<32x256xf32, #tpu.memory_space<vmem>>, vector<16xf32>,
        %parallel_loop3A_324 = arith.mulf %parallel_loop3A_320, %parallel_loop3A_323 : vector<16xf32>
        %parallel_loop3A_325 = arith.index_cast %parallel_loop3A_211 : i32 to index
        %parallel_loop3A_326 = arith.constant 80 : index
        %parallel_loop3A_327 = tpu.vector_load %arg17[%parallel_loop3A_325, %parallel_loop3A_326] {strides = array<i32>} : memref<32x256xf32, #tpu.memory_space<vmem>>, vector<16xf32>,
        %parallel_loop3A_328 = arith.index_cast %parallel_loop3A_211 : i32 to index
        %parallel_loop3A_329 = arith.constant 80 : index
        %parallel_loop3A_330 = tpu.vector_load %arg18[%parallel_loop3A_328, %parallel_loop3A_329] {strides = array<i32>} : memref<32x256xf32, #tpu.memory_space<vmem>>, vector<16xf32>,
        %parallel_loop3A_331 = arith.mulf %parallel_loop3A_327, %parallel_loop3A_330 : vector<16xf32>
        %parallel_loop3A_332 = arith.addf %parallel_loop3A_324, %parallel_loop3A_331 : vector<16xf32>
        %parallel_loop3A_333 = arith.constant true
        %parallel_loop3A_334 = vector.broadcast %parallel_loop3A_333 : i1 to vector<16xi1>
        %parallel_loop3A_335 = tpu.scan <sum>, %parallel_loop3A_332 masked %parallel_loop3A_334 : vector<16xf32>, vector<16xi1> -> vector<16xf32>
        %parallel_loop3A_336 = vector.extract %parallel_loop3A_335[15] : f32 from vector<16xf32>
        %parallel_loop3A_337 = arith.constant 0.176776692 : f32
        %parallel_loop3A_338 = arith.mulf %parallel_loop3A_336, %parallel_loop3A_337 : f32
        %parallel_loop3A_339 = arith.constant -5.000000e+00 : f32
        %parallel_loop3A_340 = arith.maximumf %parallel_loop3A_338, %parallel_loop3A_339 : f32
        %parallel_loop3A_341 = arith.constant 5.000000e+00 : f32
        %parallel_loop3A_342 = arith.minimumf %parallel_loop3A_340, %parallel_loop3A_341 : f32
        %parallel_loop3A_343 = vector.broadcast %parallel_loop3A_342 : f32 to vector<16xf32>
        %parallel_loop3A_344 = math.exp %parallel_loop3A_343 : vector<16xf32>
        %parallel_loop3A_345 = arith.constant 2 : i32
        %parallel_loop3A_346 = vector.broadcast %parallel_loop3A_345 : i32 to vector<16xi32>
        %parallel_loop3A_347 = arith.cmpi eq, %iota3A, %parallel_loop3A_346 : vector<16xi32>
        %parallel_loop3A_348 = arith.select %parallel_loop3A_347, %parallel_loop3A_344, %parallel_loop3A_295 : vector<16xi1>, vector<16xf32>
        %parallel_loop3A_349 = arith.constant 10 : i32
        %parallel_loop3A_350 = vector.broadcast %parallel_loop3A_349 : i32 to vector<16xi32>
        %parallel_loop3A_351 = arith.cmpi eq, %iota3A, %parallel_loop3A_350 : vector<16xi32>
        %parallel_loop3A_352 = arith.select %parallel_loop3A_351, %parallel_loop3A_344, %parallel_loop3A_299 : vector<16xi1>, vector<16xf32>
        %parallel_loop3A_353 = arith.index_cast %parallel_loop3A_211 : i32 to index
        %parallel_loop3A_354 = arith.constant 64 : index
        %parallel_loop3A_355 = tpu.vector_load %arg19[%parallel_loop3A_353, %parallel_loop3A_354] {strides = array<i32>} : memref<32x256xf32, #tpu.memory_space<vmem>>, vector<16xf32>,
        %parallel_loop3A_356 = arith.mulf %parallel_loop3A_355, %parallel_loop3A_344 : vector<16xf32>
        %parallel_loop3A_357 = arith.constant 0 : i32
        %parallel_loop3A_358 = arith.index_cast %parallel_loop3A_357 : i32 to index
        %parallel_loop3A_359 = arith.index_cast %parallel_loop3A_211 : i32 to index
        %parallel_loop3A_360 = arith.constant 64 : index
        %parallel_loop3A_361 = tpu.vector_load %arg20[%parallel_loop3A_358, %parallel_loop3A_359, %parallel_loop3A_360] {strides = array<i32>} : memref<3x32x128xf32, #tpu.memory_space<vmem>>, vector<16xf32>,
        tpu.vector_store %arg20[%parallel_loop3A_358, %parallel_loop3A_359, %parallel_loop3A_360], %parallel_loop3A_356 {strides = array<i32>} : memref<3x32x128xf32, #tpu.memory_space<vmem>>, vector<16xf32>,
        %parallel_loop3A_362 = arith.index_cast %parallel_loop3A_211 : i32 to index
        %parallel_loop3A_363 = arith.constant 80 : index
        %parallel_loop3A_364 = tpu.vector_load %arg19[%parallel_loop3A_362, %parallel_loop3A_363] {strides = array<i32>} : memref<32x256xf32, #tpu.memory_space<vmem>>, vector<16xf32>,
        %parallel_loop3A_365 = arith.mulf %parallel_loop3A_364, %parallel_loop3A_344 : vector<16xf32>
        %parallel_loop3A_366 = arith.constant 0 : i32
        %parallel_loop3A_367 = arith.index_cast %parallel_loop3A_366 : i32 to index
        %parallel_loop3A_368 = arith.index_cast %parallel_loop3A_211 : i32 to index
        %parallel_loop3A_369 = arith.constant 80 : index
        %parallel_loop3A_370 = tpu.vector_load %arg20[%parallel_loop3A_367, %parallel_loop3A_368, %parallel_loop3A_369] {strides = array<i32>} : memref<3x32x128xf32, #tpu.memory_space<vmem>>, vector<16xf32>,
        tpu.vector_store %arg20[%parallel_loop3A_367, %parallel_loop3A_368, %parallel_loop3A_369], %parallel_loop3A_365 {strides = array<i32>} : memref<3x32x128xf32, #tpu.memory_space<vmem>>, vector<16xf32>,
        %parallel_loop3A_371 = arith.index_cast %parallel_loop3A_211 : i32 to index
        %parallel_loop3A_372 = arith.constant 96 : index
        %parallel_loop3A_373 = tpu.vector_load %arg17[%parallel_loop3A_371, %parallel_loop3A_372] {strides = array<i32>} : memref<32x256xf32, #tpu.memory_space<vmem>>, vector<16xf32>,
        %parallel_loop3A_374 = arith.index_cast %parallel_loop3A_211 : i32 to index
        %parallel_loop3A_375 = arith.constant 96 : index
        %parallel_loop3A_376 = tpu.vector_load %arg18[%parallel_loop3A_374, %parallel_loop3A_375] {strides = array<i32>} : memref<32x256xf32, #tpu.memory_space<vmem>>, vector<16xf32>,
        %parallel_loop3A_377 = arith.mulf %parallel_loop3A_373, %parallel_loop3A_376 : vector<16xf32>
        %parallel_loop3A_378 = arith.index_cast %parallel_loop3A_211 : i32 to index
        %parallel_loop3A_379 = arith.constant 112 : index
        %parallel_loop3A_380 = tpu.vector_load %arg17[%parallel_loop3A_378, %parallel_loop3A_379] {strides = array<i32>} : memref<32x256xf32, #tpu.memory_space<vmem>>, vector<16xf32>,
        %parallel_loop3A_381 = arith.index_cast %parallel_loop3A_211 : i32 to index
        %parallel_loop3A_382 = arith.constant 112 : index
        %parallel_loop3A_383 = tpu.vector_load %arg18[%parallel_loop3A_381, %parallel_loop3A_382] {strides = array<i32>} : memref<32x256xf32, #tpu.memory_space<vmem>>, vector<16xf32>,
        %parallel_loop3A_384 = arith.mulf %parallel_loop3A_380, %parallel_loop3A_383 : vector<16xf32>
        %parallel_loop3A_385 = arith.addf %parallel_loop3A_377, %parallel_loop3A_384 : vector<16xf32>
        %parallel_loop3A_386 = arith.constant true
        %parallel_loop3A_387 = vector.broadcast %parallel_loop3A_386 : i1 to vector<16xi1>
        %parallel_loop3A_388 = tpu.scan <sum>, %parallel_loop3A_385 masked %parallel_loop3A_387 : vector<16xf32>, vector<16xi1> -> vector<16xf32>
        %parallel_loop3A_389 = vector.extract %parallel_loop3A_388[15] : f32 from vector<16xf32>
        %parallel_loop3A_390 = arith.constant 0.176776692 : f32
        %parallel_loop3A_391 = arith.mulf %parallel_loop3A_389, %parallel_loop3A_390 : f32
        %parallel_loop3A_392 = arith.constant -5.000000e+00 : f32
        %parallel_loop3A_393 = arith.maximumf %parallel_loop3A_391, %parallel_loop3A_392 : f32
        %parallel_loop3A_394 = arith.constant 5.000000e+00 : f32
        %parallel_loop3A_395 = arith.minimumf %parallel_loop3A_393, %parallel_loop3A_394 : f32
        %parallel_loop3A_396 = vector.broadcast %parallel_loop3A_395 : f32 to vector<16xf32>
        %parallel_loop3A_397 = math.exp %parallel_loop3A_396 : vector<16xf32>
        %parallel_loop3A_398 = arith.constant 3 : i32
        %parallel_loop3A_399 = vector.broadcast %parallel_loop3A_398 : i32 to vector<16xi32>
        %parallel_loop3A_400 = arith.cmpi eq, %iota3A, %parallel_loop3A_399 : vector<16xi32>
        %parallel_loop3A_401 = arith.select %parallel_loop3A_400, %parallel_loop3A_397, %parallel_loop3A_348 : vector<16xi1>, vector<16xf32>
        %parallel_loop3A_402 = arith.constant 11 : i32
        %parallel_loop3A_403 = vector.broadcast %parallel_loop3A_402 : i32 to vector<16xi32>
        %parallel_loop3A_404 = arith.cmpi eq, %iota3A, %parallel_loop3A_403 : vector<16xi32>
        %parallel_loop3A_405 = arith.select %parallel_loop3A_404, %parallel_loop3A_397, %parallel_loop3A_352 : vector<16xi1>, vector<16xf32>
        %parallel_loop3A_406 = arith.index_cast %parallel_loop3A_211 : i32 to index
        %parallel_loop3A_407 = arith.constant 96 : index
        %parallel_loop3A_408 = tpu.vector_load %arg19[%parallel_loop3A_406, %parallel_loop3A_407] {strides = array<i32>} : memref<32x256xf32, #tpu.memory_space<vmem>>, vector<16xf32>,
        %parallel_loop3A_409 = arith.mulf %parallel_loop3A_408, %parallel_loop3A_397 : vector<16xf32>
        %parallel_loop3A_410 = arith.constant 0 : i32
        %parallel_loop3A_411 = arith.index_cast %parallel_loop3A_410 : i32 to index
        %parallel_loop3A_412 = arith.index_cast %parallel_loop3A_211 : i32 to index
        %parallel_loop3A_413 = arith.constant 96 : index
        %parallel_loop3A_414 = tpu.vector_load %arg20[%parallel_loop3A_411, %parallel_loop3A_412, %parallel_loop3A_413] {strides = array<i32>} : memref<3x32x128xf32, #tpu.memory_space<vmem>>, vector<16xf32>,
        tpu.vector_store %arg20[%parallel_loop3A_411, %parallel_loop3A_412, %parallel_loop3A_413], %parallel_loop3A_409 {strides = array<i32>} : memref<3x32x128xf32, #tpu.memory_space<vmem>>, vector<16xf32>,
        %parallel_loop3A_415 = arith.index_cast %parallel_loop3A_211 : i32 to index
        %parallel_loop3A_416 = arith.constant 112 : index
        %parallel_loop3A_417 = tpu.vector_load %arg19[%parallel_loop3A_415, %parallel_loop3A_416] {strides = array<i32>} : memref<32x256xf32, #tpu.memory_space<vmem>>, vector<16xf32>,
        %parallel_loop3A_418 = arith.mulf %parallel_loop3A_417, %parallel_loop3A_397 : vector<16xf32>
        %parallel_loop3A_419 = arith.constant 0 : i32
        %parallel_loop3A_420 = arith.index_cast %parallel_loop3A_419 : i32 to index
        %parallel_loop3A_421 = arith.index_cast %parallel_loop3A_211 : i32 to index
        %parallel_loop3A_422 = arith.constant 112 : index
        %parallel_loop3A_423 = tpu.vector_load %arg20[%parallel_loop3A_420, %parallel_loop3A_421, %parallel_loop3A_422] {strides = array<i32>} : memref<3x32x128xf32, #tpu.memory_space<vmem>>, vector<16xf32>,
        tpu.vector_store %arg20[%parallel_loop3A_420, %parallel_loop3A_421, %parallel_loop3A_422], %parallel_loop3A_418 {strides = array<i32>} : memref<3x32x128xf32, #tpu.memory_space<vmem>>, vector<16xf32>,
        %parallel_loop3A_424 = arith.index_cast %parallel_loop3A_211 : i32 to index
        %parallel_loop3A_425 = arith.constant 128 : index
        %parallel_loop3A_426 = tpu.vector_load %arg17[%parallel_loop3A_424, %parallel_loop3A_425] {strides = array<i32>} : memref<32x256xf32, #tpu.memory_space<vmem>>, vector<16xf32>,
        %parallel_loop3A_427 = arith.index_cast %parallel_loop3A_211 : i32 to index
        %parallel_loop3A_428 = arith.constant 128 : index
        %parallel_loop3A_429 = tpu.vector_load %arg18[%parallel_loop3A_427, %parallel_loop3A_428] {strides = array<i32>} : memref<32x256xf32, #tpu.memory_space<vmem>>, vector<16xf32>,
        %parallel_loop3A_430 = arith.mulf %parallel_loop3A_426, %parallel_loop3A_429 : vector<16xf32>
        %parallel_loop3A_431 = arith.index_cast %parallel_loop3A_211 : i32 to index
        %parallel_loop3A_432 = arith.constant 144 : index
        %parallel_loop3A_433 = tpu.vector_load %arg17[%parallel_loop3A_431, %parallel_loop3A_432] {strides = array<i32>} : memref<32x256xf32, #tpu.memory_space<vmem>>, vector<16xf32>,
        %parallel_loop3A_434 = arith.index_cast %parallel_loop3A_211 : i32 to index
        %parallel_loop3A_435 = arith.constant 144 : index
        %parallel_loop3A_436 = tpu.vector_load %arg18[%parallel_loop3A_434, %parallel_loop3A_435] {strides = array<i32>} : memref<32x256xf32, #tpu.memory_space<vmem>>, vector<16xf32>,
        %parallel_loop3A_437 = arith.mulf %parallel_loop3A_433, %parallel_loop3A_436 : vector<16xf32>
        %parallel_loop3A_438 = arith.addf %parallel_loop3A_430, %parallel_loop3A_437 : vector<16xf32>
        %parallel_loop3A_439 = arith.constant true
        %parallel_loop3A_440 = vector.broadcast %parallel_loop3A_439 : i1 to vector<16xi1>
        %parallel_loop3A_441 = tpu.scan <sum>, %parallel_loop3A_438 masked %parallel_loop3A_440 : vector<16xf32>, vector<16xi1> -> vector<16xf32>
        %parallel_loop3A_442 = vector.extract %parallel_loop3A_441[15] : f32 from vector<16xf32>
        %parallel_loop3A_443 = arith.constant 0.176776692 : f32
        %parallel_loop3A_444 = arith.mulf %parallel_loop3A_442, %parallel_loop3A_443 : f32
        %parallel_loop3A_445 = arith.constant -5.000000e+00 : f32
        %parallel_loop3A_446 = arith.maximumf %parallel_loop3A_444, %parallel_loop3A_445 : f32
        %parallel_loop3A_447 = arith.constant 5.000000e+00 : f32
        %parallel_loop3A_448 = arith.minimumf %parallel_loop3A_446, %parallel_loop3A_447 : f32
        %parallel_loop3A_449 = vector.broadcast %parallel_loop3A_448 : f32 to vector<16xf32>
        %parallel_loop3A_450 = math.exp %parallel_loop3A_449 : vector<16xf32>
        %parallel_loop3A_451 = arith.constant 4 : i32
        %parallel_loop3A_452 = vector.broadcast %parallel_loop3A_451 : i32 to vector<16xi32>
        %parallel_loop3A_453 = arith.cmpi eq, %iota3A, %parallel_loop3A_452 : vector<16xi32>
        %parallel_loop3A_454 = arith.select %parallel_loop3A_453, %parallel_loop3A_450, %parallel_loop3A_401 : vector<16xi1>, vector<16xf32>
        %parallel_loop3A_455 = arith.constant 12 : i32
        %parallel_loop3A_456 = vector.broadcast %parallel_loop3A_455 : i32 to vector<16xi32>
        %parallel_loop3A_457 = arith.cmpi eq, %iota3A, %parallel_loop3A_456 : vector<16xi32>
        %parallel_loop3A_458 = arith.select %parallel_loop3A_457, %parallel_loop3A_450, %parallel_loop3A_405 : vector<16xi1>, vector<16xf32>
        %parallel_loop3A_459 = arith.index_cast %parallel_loop3A_211 : i32 to index
        %parallel_loop3A_460 = arith.constant 128 : index
        %parallel_loop3A_461 = tpu.vector_load %arg19[%parallel_loop3A_459, %parallel_loop3A_460] {strides = array<i32>} : memref<32x256xf32, #tpu.memory_space<vmem>>, vector<16xf32>,
        %parallel_loop3A_462 = arith.mulf %parallel_loop3A_461, %parallel_loop3A_450 : vector<16xf32>
        %parallel_loop3A_463 = arith.constant 1 : i32
        %parallel_loop3A_464 = arith.index_cast %parallel_loop3A_463 : i32 to index
        %parallel_loop3A_465 = arith.index_cast %parallel_loop3A_211 : i32 to index
        %parallel_loop3A_466 = arith.constant 0 : index
        %parallel_loop3A_467 = tpu.vector_load %arg20[%parallel_loop3A_464, %parallel_loop3A_465, %parallel_loop3A_466] {strides = array<i32>} : memref<3x32x128xf32, #tpu.memory_space<vmem>>, vector<16xf32>,
        tpu.vector_store %arg20[%parallel_loop3A_464, %parallel_loop3A_465, %parallel_loop3A_466], %parallel_loop3A_462 {strides = array<i32>} : memref<3x32x128xf32, #tpu.memory_space<vmem>>, vector<16xf32>,
        %parallel_loop3A_468 = arith.index_cast %parallel_loop3A_211 : i32 to index
        %parallel_loop3A_469 = arith.constant 144 : index
        %parallel_loop3A_470 = tpu.vector_load %arg19[%parallel_loop3A_468, %parallel_loop3A_469] {strides = array<i32>} : memref<32x256xf32, #tpu.memory_space<vmem>>, vector<16xf32>,
        %parallel_loop3A_471 = arith.mulf %parallel_loop3A_470, %parallel_loop3A_450 : vector<16xf32>
        %parallel_loop3A_472 = arith.constant 1 : i32
        %parallel_loop3A_473 = arith.index_cast %parallel_loop3A_472 : i32 to index
        %parallel_loop3A_474 = arith.index_cast %parallel_loop3A_211 : i32 to index
        %parallel_loop3A_475 = arith.constant 16 : index
        %parallel_loop3A_476 = tpu.vector_load %arg20[%parallel_loop3A_473, %parallel_loop3A_474, %parallel_loop3A_475] {strides = array<i32>} : memref<3x32x128xf32, #tpu.memory_space<vmem>>, vector<16xf32>,
        tpu.vector_store %arg20[%parallel_loop3A_473, %parallel_loop3A_474, %parallel_loop3A_475], %parallel_loop3A_471 {strides = array<i32>} : memref<3x32x128xf32, #tpu.memory_space<vmem>>, vector<16xf32>,
        %parallel_loop3A_477 = arith.index_cast %parallel_loop3A_211 : i32 to index
        %parallel_loop3A_478 = arith.constant 160 : index
        %parallel_loop3A_479 = tpu.vector_load %arg17[%parallel_loop3A_477, %parallel_loop3A_478] {strides = array<i32>} : memref<32x256xf32, #tpu.memory_space<vmem>>, vector<16xf32>,
        %parallel_loop3A_480 = arith.index_cast %parallel_loop3A_211 : i32 to index
        %parallel_loop3A_481 = arith.constant 160 : index
        %parallel_loop3A_482 = tpu.vector_load %arg18[%parallel_loop3A_480, %parallel_loop3A_481] {strides = array<i32>} : memref<32x256xf32, #tpu.memory_space<vmem>>, vector<16xf32>,
        %parallel_loop3A_483 = arith.mulf %parallel_loop3A_479, %parallel_loop3A_482 : vector<16xf32>
        %parallel_loop3A_484 = arith.index_cast %parallel_loop3A_211 : i32 to index
        %parallel_loop3A_485 = arith.constant 176 : index
        %parallel_loop3A_486 = tpu.vector_load %arg17[%parallel_loop3A_484, %parallel_loop3A_485] {strides = array<i32>} : memref<32x256xf32, #tpu.memory_space<vmem>>, vector<16xf32>,
        %parallel_loop3A_487 = arith.index_cast %parallel_loop3A_211 : i32 to index
        %parallel_loop3A_488 = arith.constant 176 : index
        %parallel_loop3A_489 = tpu.vector_load %arg18[%parallel_loop3A_487, %parallel_loop3A_488] {strides = array<i32>} : memref<32x256xf32, #tpu.memory_space<vmem>>, vector<16xf32>,
        %parallel_loop3A_490 = arith.mulf %parallel_loop3A_486, %parallel_loop3A_489 : vector<16xf32>
        %parallel_loop3A_491 = arith.addf %parallel_loop3A_483, %parallel_loop3A_490 : vector<16xf32>
        %parallel_loop3A_492 = arith.constant true
        %parallel_loop3A_493 = vector.broadcast %parallel_loop3A_492 : i1 to vector<16xi1>
        %parallel_loop3A_494 = tpu.scan <sum>, %parallel_loop3A_491 masked %parallel_loop3A_493 : vector<16xf32>, vector<16xi1> -> vector<16xf32>
        %parallel_loop3A_495 = vector.extract %parallel_loop3A_494[15] : f32 from vector<16xf32>
        %parallel_loop3A_496 = arith.constant 0.176776692 : f32
        %parallel_loop3A_497 = arith.mulf %parallel_loop3A_495, %parallel_loop3A_496 : f32
        %parallel_loop3A_498 = arith.constant -5.000000e+00 : f32
        %parallel_loop3A_499 = arith.maximumf %parallel_loop3A_497, %parallel_loop3A_498 : f32
        %parallel_loop3A_500 = arith.constant 5.000000e+00 : f32
        %parallel_loop3A_501 = arith.minimumf %parallel_loop3A_499, %parallel_loop3A_500 : f32
        %parallel_loop3A_502 = vector.broadcast %parallel_loop3A_501 : f32 to vector<16xf32>
        %parallel_loop3A_503 = math.exp %parallel_loop3A_502 : vector<16xf32>
        %parallel_loop3A_504 = arith.constant 5 : i32
        %parallel_loop3A_505 = vector.broadcast %parallel_loop3A_504 : i32 to vector<16xi32>
        %parallel_loop3A_506 = arith.cmpi eq, %iota3A, %parallel_loop3A_505 : vector<16xi32>
        %parallel_loop3A_507 = arith.select %parallel_loop3A_506, %parallel_loop3A_503, %parallel_loop3A_454 : vector<16xi1>, vector<16xf32>
        %parallel_loop3A_508 = arith.constant 13 : i32
        %parallel_loop3A_509 = vector.broadcast %parallel_loop3A_508 : i32 to vector<16xi32>
        %parallel_loop3A_510 = arith.cmpi eq, %iota3A, %parallel_loop3A_509 : vector<16xi32>
        %parallel_loop3A_511 = arith.select %parallel_loop3A_510, %parallel_loop3A_503, %parallel_loop3A_458 : vector<16xi1>, vector<16xf32>
        %parallel_loop3A_512 = arith.index_cast %parallel_loop3A_211 : i32 to index
        %parallel_loop3A_513 = arith.constant 160 : index
        %parallel_loop3A_514 = tpu.vector_load %arg19[%parallel_loop3A_512, %parallel_loop3A_513] {strides = array<i32>} : memref<32x256xf32, #tpu.memory_space<vmem>>, vector<16xf32>,
        %parallel_loop3A_515 = arith.mulf %parallel_loop3A_514, %parallel_loop3A_503 : vector<16xf32>
        %parallel_loop3A_516 = arith.constant 1 : i32
        %parallel_loop3A_517 = arith.index_cast %parallel_loop3A_516 : i32 to index
        %parallel_loop3A_518 = arith.index_cast %parallel_loop3A_211 : i32 to index
        %parallel_loop3A_519 = arith.constant 32 : index
        %parallel_loop3A_520 = tpu.vector_load %arg20[%parallel_loop3A_517, %parallel_loop3A_518, %parallel_loop3A_519] {strides = array<i32>} : memref<3x32x128xf32, #tpu.memory_space<vmem>>, vector<16xf32>,
        tpu.vector_store %arg20[%parallel_loop3A_517, %parallel_loop3A_518, %parallel_loop3A_519], %parallel_loop3A_515 {strides = array<i32>} : memref<3x32x128xf32, #tpu.memory_space<vmem>>, vector<16xf32>,
        %parallel_loop3A_521 = arith.index_cast %parallel_loop3A_211 : i32 to index
        %parallel_loop3A_522 = arith.constant 176 : index
        %parallel_loop3A_523 = tpu.vector_load %arg19[%parallel_loop3A_521, %parallel_loop3A_522] {strides = array<i32>} : memref<32x256xf32, #tpu.memory_space<vmem>>, vector<16xf32>,
        %parallel_loop3A_524 = arith.mulf %parallel_loop3A_523, %parallel_loop3A_503 : vector<16xf32>
        %parallel_loop3A_525 = arith.constant 1 : i32
        %parallel_loop3A_526 = arith.index_cast %parallel_loop3A_525 : i32 to index
        %parallel_loop3A_527 = arith.index_cast %parallel_loop3A_211 : i32 to index
        %parallel_loop3A_528 = arith.constant 48 : index
        %parallel_loop3A_529 = tpu.vector_load %arg20[%parallel_loop3A_526, %parallel_loop3A_527, %parallel_loop3A_528] {strides = array<i32>} : memref<3x32x128xf32, #tpu.memory_space<vmem>>, vector<16xf32>,
        tpu.vector_store %arg20[%parallel_loop3A_526, %parallel_loop3A_527, %parallel_loop3A_528], %parallel_loop3A_524 {strides = array<i32>} : memref<3x32x128xf32, #tpu.memory_space<vmem>>, vector<16xf32>,
        %parallel_loop3A_530 = arith.index_cast %parallel_loop3A_211 : i32 to index
        %parallel_loop3A_531 = arith.constant 192 : index
        %parallel_loop3A_532 = tpu.vector_load %arg17[%parallel_loop3A_530, %parallel_loop3A_531] {strides = array<i32>} : memref<32x256xf32, #tpu.memory_space<vmem>>, vector<16xf32>,
        %parallel_loop3A_533 = arith.index_cast %parallel_loop3A_211 : i32 to index
        %parallel_loop3A_534 = arith.constant 192 : index
        %parallel_loop3A_535 = tpu.vector_load %arg18[%parallel_loop3A_533, %parallel_loop3A_534] {strides = array<i32>} : memref<32x256xf32, #tpu.memory_space<vmem>>, vector<16xf32>,
        %parallel_loop3A_536 = arith.mulf %parallel_loop3A_532, %parallel_loop3A_535 : vector<16xf32>
        %parallel_loop3A_537 = arith.index_cast %parallel_loop3A_211 : i32 to index
        %parallel_loop3A_538 = arith.constant 208 : index
        %parallel_loop3A_539 = tpu.vector_load %arg17[%parallel_loop3A_537, %parallel_loop3A_538] {strides = array<i32>} : memref<32x256xf32, #tpu.memory_space<vmem>>, vector<16xf32>,
        %parallel_loop3A_540 = arith.index_cast %parallel_loop3A_211 : i32 to index
        %parallel_loop3A_541 = arith.constant 208 : index
        %parallel_loop3A_542 = tpu.vector_load %arg18[%parallel_loop3A_540, %parallel_loop3A_541] {strides = array<i32>} : memref<32x256xf32, #tpu.memory_space<vmem>>, vector<16xf32>,
        %parallel_loop3A_543 = arith.mulf %parallel_loop3A_539, %parallel_loop3A_542 : vector<16xf32>
        %parallel_loop3A_544 = arith.addf %parallel_loop3A_536, %parallel_loop3A_543 : vector<16xf32>
        %parallel_loop3A_545 = arith.constant true
        %parallel_loop3A_546 = vector.broadcast %parallel_loop3A_545 : i1 to vector<16xi1>
        %parallel_loop3A_547 = tpu.scan <sum>, %parallel_loop3A_544 masked %parallel_loop3A_546 : vector<16xf32>, vector<16xi1> -> vector<16xf32>
        %parallel_loop3A_548 = vector.extract %parallel_loop3A_547[15] : f32 from vector<16xf32>
        %parallel_loop3A_549 = arith.constant 0.176776692 : f32
        %parallel_loop3A_550 = arith.mulf %parallel_loop3A_548, %parallel_loop3A_549 : f32
        %parallel_loop3A_551 = arith.constant -5.000000e+00 : f32
        %parallel_loop3A_552 = arith.maximumf %parallel_loop3A_550, %parallel_loop3A_551 : f32
        %parallel_loop3A_553 = arith.constant 5.000000e+00 : f32
        %parallel_loop3A_554 = arith.minimumf %parallel_loop3A_552, %parallel_loop3A_553 : f32
        %parallel_loop3A_555 = vector.broadcast %parallel_loop3A_554 : f32 to vector<16xf32>
        %parallel_loop3A_556 = math.exp %parallel_loop3A_555 : vector<16xf32>
        %parallel_loop3A_557 = arith.constant 6 : i32
        %parallel_loop3A_558 = vector.broadcast %parallel_loop3A_557 : i32 to vector<16xi32>
        %parallel_loop3A_559 = arith.cmpi eq, %iota3A, %parallel_loop3A_558 : vector<16xi32>
        %parallel_loop3A_560 = arith.select %parallel_loop3A_559, %parallel_loop3A_556, %parallel_loop3A_507 : vector<16xi1>, vector<16xf32>
        %parallel_loop3A_561 = arith.constant 14 : i32
        %parallel_loop3A_562 = vector.broadcast %parallel_loop3A_561 : i32 to vector<16xi32>
        %parallel_loop3A_563 = arith.cmpi eq, %iota3A, %parallel_loop3A_562 : vector<16xi32>
        %parallel_loop3A_564 = arith.select %parallel_loop3A_563, %parallel_loop3A_556, %parallel_loop3A_511 : vector<16xi1>, vector<16xf32>
        %parallel_loop3A_565 = arith.index_cast %parallel_loop3A_211 : i32 to index
        %parallel_loop3A_566 = arith.constant 192 : index
        %parallel_loop3A_567 = tpu.vector_load %arg19[%parallel_loop3A_565, %parallel_loop3A_566] {strides = array<i32>} : memref<32x256xf32, #tpu.memory_space<vmem>>, vector<16xf32>,
        %parallel_loop3A_568 = arith.mulf %parallel_loop3A_567, %parallel_loop3A_556 : vector<16xf32>
        %parallel_loop3A_569 = arith.constant 1 : i32
        %parallel_loop3A_570 = arith.index_cast %parallel_loop3A_569 : i32 to index
        %parallel_loop3A_571 = arith.index_cast %parallel_loop3A_211 : i32 to index
        %parallel_loop3A_572 = arith.constant 64 : index
        %parallel_loop3A_573 = tpu.vector_load %arg20[%parallel_loop3A_570, %parallel_loop3A_571, %parallel_loop3A_572] {strides = array<i32>} : memref<3x32x128xf32, #tpu.memory_space<vmem>>, vector<16xf32>,
        tpu.vector_store %arg20[%parallel_loop3A_570, %parallel_loop3A_571, %parallel_loop3A_572], %parallel_loop3A_568 {strides = array<i32>} : memref<3x32x128xf32, #tpu.memory_space<vmem>>, vector<16xf32>,
        %parallel_loop3A_574 = arith.index_cast %parallel_loop3A_211 : i32 to index
        %parallel_loop3A_575 = arith.constant 208 : index
        %parallel_loop3A_576 = tpu.vector_load %arg19[%parallel_loop3A_574, %parallel_loop3A_575] {strides = array<i32>} : memref<32x256xf32, #tpu.memory_space<vmem>>, vector<16xf32>,
        %parallel_loop3A_577 = arith.mulf %parallel_loop3A_576, %parallel_loop3A_556 : vector<16xf32>
        %parallel_loop3A_578 = arith.constant 1 : i32
        %parallel_loop3A_579 = arith.index_cast %parallel_loop3A_578 : i32 to index
        %parallel_loop3A_580 = arith.index_cast %parallel_loop3A_211 : i32 to index
        %parallel_loop3A_581 = arith.constant 80 : index
        %parallel_loop3A_582 = tpu.vector_load %arg20[%parallel_loop3A_579, %parallel_loop3A_580, %parallel_loop3A_581] {strides = array<i32>} : memref<3x32x128xf32, #tpu.memory_space<vmem>>, vector<16xf32>,
        tpu.vector_store %arg20[%parallel_loop3A_579, %parallel_loop3A_580, %parallel_loop3A_581], %parallel_loop3A_577 {strides = array<i32>} : memref<3x32x128xf32, #tpu.memory_space<vmem>>, vector<16xf32>,
        %parallel_loop3A_583 = arith.index_cast %parallel_loop3A_211 : i32 to index
        %parallel_loop3A_584 = arith.constant 224 : index
        %parallel_loop3A_585 = tpu.vector_load %arg17[%parallel_loop3A_583, %parallel_loop3A_584] {strides = array<i32>} : memref<32x256xf32, #tpu.memory_space<vmem>>, vector<16xf32>,
        %parallel_loop3A_586 = arith.index_cast %parallel_loop3A_211 : i32 to index
        %parallel_loop3A_587 = arith.constant 224 : index
        %parallel_loop3A_588 = tpu.vector_load %arg18[%parallel_loop3A_586, %parallel_loop3A_587] {strides = array<i32>} : memref<32x256xf32, #tpu.memory_space<vmem>>, vector<16xf32>,
        %parallel_loop3A_589 = arith.mulf %parallel_loop3A_585, %parallel_loop3A_588 : vector<16xf32>
        %parallel_loop3A_590 = arith.index_cast %parallel_loop3A_211 : i32 to index
        %parallel_loop3A_591 = arith.constant 240 : index
        %parallel_loop3A_592 = tpu.vector_load %arg17[%parallel_loop3A_590, %parallel_loop3A_591] {strides = array<i32>} : memref<32x256xf32, #tpu.memory_space<vmem>>, vector<16xf32>,
        %parallel_loop3A_593 = arith.index_cast %parallel_loop3A_211 : i32 to index
        %parallel_loop3A_594 = arith.constant 240 : index
        %parallel_loop3A_595 = tpu.vector_load %arg18[%parallel_loop3A_593, %parallel_loop3A_594] {strides = array<i32>} : memref<32x256xf32, #tpu.memory_space<vmem>>, vector<16xf32>,
        %parallel_loop3A_596 = arith.mulf %parallel_loop3A_592, %parallel_loop3A_595 : vector<16xf32>
        %parallel_loop3A_597 = arith.addf %parallel_loop3A_589, %parallel_loop3A_596 : vector<16xf32>
        %parallel_loop3A_598 = arith.constant true
        %parallel_loop3A_599 = vector.broadcast %parallel_loop3A_598 : i1 to vector<16xi1>
        %parallel_loop3A_600 = tpu.scan <sum>, %parallel_loop3A_597 masked %parallel_loop3A_599 : vector<16xf32>, vector<16xi1> -> vector<16xf32>
        %parallel_loop3A_601 = vector.extract %parallel_loop3A_600[15] : f32 from vector<16xf32>
        %parallel_loop3A_602 = arith.constant 0.176776692 : f32
        %parallel_loop3A_603 = arith.mulf %parallel_loop3A_601, %parallel_loop3A_602 : f32
        %parallel_loop3A_604 = arith.constant -5.000000e+00 : f32
        %parallel_loop3A_605 = arith.maximumf %parallel_loop3A_603, %parallel_loop3A_604 : f32
        %parallel_loop3A_606 = arith.constant 5.000000e+00 : f32
        %parallel_loop3A_607 = arith.minimumf %parallel_loop3A_605, %parallel_loop3A_606 : f32
        %parallel_loop3A_608 = vector.broadcast %parallel_loop3A_607 : f32 to vector<16xf32>
        %parallel_loop3A_609 = math.exp %parallel_loop3A_608 : vector<16xf32>
        %parallel_loop3A_610 = arith.constant 7 : i32
        %parallel_loop3A_611 = vector.broadcast %parallel_loop3A_610 : i32 to vector<16xi32>
        %parallel_loop3A_612 = arith.cmpi eq, %iota3A, %parallel_loop3A_611 : vector<16xi32>
        %parallel_loop3A_613 = arith.select %parallel_loop3A_612, %parallel_loop3A_609, %parallel_loop3A_560 : vector<16xi1>, vector<16xf32>
        %parallel_loop3A_614 = arith.constant 15 : i32
        %parallel_loop3A_615 = vector.broadcast %parallel_loop3A_614 : i32 to vector<16xi32>
        %parallel_loop3A_616 = arith.cmpi eq, %iota3A, %parallel_loop3A_615 : vector<16xi32>
        %parallel_loop3A_617 = arith.select %parallel_loop3A_616, %parallel_loop3A_609, %parallel_loop3A_564 : vector<16xi1>, vector<16xf32>
        %parallel_loop3A_618 = arith.index_cast %parallel_loop3A_211 : i32 to index
        %parallel_loop3A_619 = arith.constant 224 : index
        %parallel_loop3A_620 = tpu.vector_load %arg19[%parallel_loop3A_618, %parallel_loop3A_619] {strides = array<i32>} : memref<32x256xf32, #tpu.memory_space<vmem>>, vector<16xf32>,
        %parallel_loop3A_621 = arith.mulf %parallel_loop3A_620, %parallel_loop3A_609 : vector<16xf32>
        %parallel_loop3A_622 = arith.constant 1 : i32
        %parallel_loop3A_623 = arith.index_cast %parallel_loop3A_622 : i32 to index
        %parallel_loop3A_624 = arith.index_cast %parallel_loop3A_211 : i32 to index
        %parallel_loop3A_625 = arith.constant 96 : index
        %parallel_loop3A_626 = tpu.vector_load %arg20[%parallel_loop3A_623, %parallel_loop3A_624, %parallel_loop3A_625] {strides = array<i32>} : memref<3x32x128xf32, #tpu.memory_space<vmem>>, vector<16xf32>,
        tpu.vector_store %arg20[%parallel_loop3A_623, %parallel_loop3A_624, %parallel_loop3A_625], %parallel_loop3A_621 {strides = array<i32>} : memref<3x32x128xf32, #tpu.memory_space<vmem>>, vector<16xf32>,
        %parallel_loop3A_627 = arith.index_cast %parallel_loop3A_211 : i32 to index
        %parallel_loop3A_628 = arith.constant 240 : index
        %parallel_loop3A_629 = tpu.vector_load %arg19[%parallel_loop3A_627, %parallel_loop3A_628] {strides = array<i32>} : memref<32x256xf32, #tpu.memory_space<vmem>>, vector<16xf32>,
        %parallel_loop3A_630 = arith.mulf %parallel_loop3A_629, %parallel_loop3A_609 : vector<16xf32>
        %parallel_loop3A_631 = arith.constant 1 : i32
        %parallel_loop3A_632 = arith.index_cast %parallel_loop3A_631 : i32 to index
        %parallel_loop3A_633 = arith.index_cast %parallel_loop3A_211 : i32 to index
        %parallel_loop3A_634 = arith.constant 112 : index
        %parallel_loop3A_635 = tpu.vector_load %arg20[%parallel_loop3A_632, %parallel_loop3A_633, %parallel_loop3A_634] {strides = array<i32>} : memref<3x32x128xf32, #tpu.memory_space<vmem>>, vector<16xf32>,
        tpu.vector_store %arg20[%parallel_loop3A_632, %parallel_loop3A_633, %parallel_loop3A_634], %parallel_loop3A_630 {strides = array<i32>} : memref<3x32x128xf32, #tpu.memory_space<vmem>>, vector<16xf32>,
        %parallel_loop3A_636 = arith.index_cast %parallel_loop3A_211 : i32 to index
        %parallel_loop3A_637 = tpu.vector_load %arg15[%parallel_loop3A_636] {strides = array<i32>} : memref<48xi32, #tpu.memory_space<vmem>>, vector<16xi32>,
        %parallel_loop3A_638 = vector.extract_strided_slice %parallel_loop3A_637 {offsets = [0], sizes = [1], strides = [1]} : vector<16xi32> to vector<1xi32>
        %parallel_loop3A_639 = vector.extract %parallel_loop3A_638[0] : i32 from vector<1xi32>
        %parallel_loop3A_640 = arith.constant -16 : i32
        %parallel_loop3A_641 = arith.andi %parallel_loop3A_639, %parallel_loop3A_640 : i32
        %parallel_loop3A_642 = arith.constant 8 : i32
        %parallel_loop3A_643 = arith.andi %parallel_loop3A_639, %parallel_loop3A_642 : i32
        %parallel_loop3A_644 = arith.constant 0 : i32
        %parallel_loop3A_645 = arith.cmpi sgt, %parallel_loop3A_643, %parallel_loop3A_644 : i32
        %parallel_loop3A_646 = arith.select %parallel_loop3A_645, %parallel_loop3A_617, %parallel_loop3A_613 : vector<16xf32>
        %parallel_loop3A_647 = arith.constant 2 : i32
        %parallel_loop3A_648 = arith.index_cast %parallel_loop3A_647 : i32 to index
        %parallel_loop3A_649 = arith.index_cast %parallel_loop3A_211 : i32 to index
        %parallel_loop3A_650 = arith.index_cast %parallel_loop3A_641 : i32 to index
        %parallel_loop3A_651 = tpu.vector_load %arg20[%parallel_loop3A_648, %parallel_loop3A_649, %parallel_loop3A_650] {strides = array<i32>} : memref<3x32x128xf32, #tpu.memory_space<vmem>>, vector<16xf32>,
        tpu.vector_store %arg20[%parallel_loop3A_648, %parallel_loop3A_649, %parallel_loop3A_650], %parallel_loop3A_646 {strides = array<i32>} : memref<3x32x128xf32, #tpu.memory_space<vmem>>, vector<16xf32>,
      } {sc.loop_unroll_factor = 2 : i64, sc.parallel_access}
      %run_scoped3A = arith.constant 0 : i32
      %run_scoped3A_206 = arith.constant 0 : i32
      "tpu.region"() ({
        %run_scoped3A_211 = tpu.sem_alloc : memref<!tpu.dma_semaphore, #tpu.memory_space<semaphore_mem>>
        %dma_start3A_212 = arith.constant 0 : i32
        %dma_start3A_213 = arith.constant 0 : i32
        %dma_start3A_214 = tpu.memref_slice %arg20[%run_scoped3A, %dma_start3A_212, %dma_start3A_213] : memref<3x32x128xf32, #tpu.memory_space<vmem>> -> memref<1x32x128xf32, #tpu.memory_space<vmem>>
        %dma_start3A_215 = tpu.memref_squeeze %dma_start3A_214 : memref<1x32x128xf32, #tpu.memory_space<vmem>> -> memref<32x128xf32, #tpu.memory_space<vmem>>
        %dma_start3A_216 = arith.constant 0 : i32
        %dma_start3A_217 = tpu.memref_slice %arg13[%run_scoped3A_206, %dma_start3A_216] : memref<2x32xi32, #tpu.memory_space<vmem>> -> memref<1x32xi32, #tpu.memory_space<vmem>>
        %dma_start3A_218 = tpu.memref_squeeze %dma_start3A_217 : memref<1x32xi32, #tpu.memory_space<vmem>> -> memref<32xi32, #tpu.memory_space<vmem>>
        %dma_start3A_219 = arith.constant 0 : i32
        %dma_start3A_220 = arith.constant 0 : i32
        %dma_start3A_221 = tpu.memref_slice %arg21[%dma_start3A_219, %dma_start3A_220] : memref<10368x128xf32, #tpu.memory_space<vmem_shared>> -> memref<10368x128xf32, #tpu.memory_space<vmem_shared>>
        tpu.enqueue_indirect_dma source(%dma_start3A_215 : memref<32x128xf32, #tpu.memory_space<vmem>>) target(%dma_start3A_221 : memref<10368x128xf32, #tpu.memory_space<vmem_shared>>) offsets(%dma_start3A_218 : memref<32xi32, #tpu.memory_space<vmem>>) semaphore(%run_scoped3A_211 : memref<!tpu.dma_semaphore, #tpu.memory_space<semaphore_mem>>) {add = true}
        %dma_wait3A_222 = arith.constant 0 : i32
        %dma_wait3A_223 = arith.constant 0 : i32
        %dma_wait3A_224 = tpu.memref_slice %arg20[%run_scoped3A, %dma_wait3A_222, %dma_wait3A_223] : memref<3x32x128xf32, #tpu.memory_space<vmem>> -> memref<1x32x128xf32, #tpu.memory_space<vmem>>
        %dma_wait3A_225 = tpu.memref_squeeze %dma_wait3A_224 : memref<1x32x128xf32, #tpu.memory_space<vmem>> -> memref<32x128xf32, #tpu.memory_space<vmem>>
        %dma_wait3A_226 = arith.constant 0 : i32
        %dma_wait3A_227 = tpu.memref_slice %arg13[%run_scoped3A_206, %dma_wait3A_226] : memref<2x32xi32, #tpu.memory_space<vmem>> -> memref<1x32xi32, #tpu.memory_space<vmem>>
        %dma_wait3A_228 = tpu.memref_squeeze %dma_wait3A_227 : memref<1x32xi32, #tpu.memory_space<vmem>> -> memref<32xi32, #tpu.memory_space<vmem>>
        %dma_wait3A_229 = arith.constant 0 : i32
        %dma_wait3A_230 = arith.constant 0 : i32
        %dma_wait3A_231 = tpu.memref_slice %arg21[%dma_wait3A_229, %dma_wait3A_230] : memref<10368x128xf32, #tpu.memory_space<vmem_shared>> -> memref<10368x128xf32, #tpu.memory_space<vmem_shared>>
        tpu.wait_indirect_dma semaphore(%run_scoped3A_211 : memref<!tpu.dma_semaphore, #tpu.memory_space<semaphore_mem>>) src(%dma_wait3A_225 : memref<32x128xf32, #tpu.memory_space<vmem>>) dst(%dma_wait3A_231 : memref<10368x128xf32, #tpu.memory_space<vmem_shared>>)
        tpu.yield
      }) : () -> ()
      %run_scoped3A_207 = arith.constant 1 : i32
      %run_scoped3A_208 = arith.constant 1 : i32
      "tpu.region"() ({
        %run_scoped3A_211 = tpu.sem_alloc : memref<!tpu.dma_semaphore, #tpu.memory_space<semaphore_mem>>
        %dma_start3A_212 = arith.constant 0 : i32
        %dma_start3A_213 = arith.constant 0 : i32
        %dma_start3A_214 = tpu.memref_slice %arg20[%run_scoped3A_207, %dma_start3A_212, %dma_start3A_213] : memref<3x32x128xf32, #tpu.memory_space<vmem>> -> memref<1x32x128xf32, #tpu.memory_space<vmem>>
        %dma_start3A_215 = tpu.memref_squeeze %dma_start3A_214 : memref<1x32x128xf32, #tpu.memory_space<vmem>> -> memref<32x128xf32, #tpu.memory_space<vmem>>
        %dma_start3A_216 = arith.constant 0 : i32
        %dma_start3A_217 = tpu.memref_slice %arg13[%run_scoped3A_208, %dma_start3A_216] : memref<2x32xi32, #tpu.memory_space<vmem>> -> memref<1x32xi32, #tpu.memory_space<vmem>>
        %dma_start3A_218 = tpu.memref_squeeze %dma_start3A_217 : memref<1x32xi32, #tpu.memory_space<vmem>> -> memref<32xi32, #tpu.memory_space<vmem>>
        %dma_start3A_219 = arith.constant 0 : i32
        %dma_start3A_220 = arith.constant 0 : i32
        %dma_start3A_221 = tpu.memref_slice %arg21[%dma_start3A_219, %dma_start3A_220] : memref<10368x128xf32, #tpu.memory_space<vmem_shared>> -> memref<10368x128xf32, #tpu.memory_space<vmem_shared>>
        tpu.enqueue_indirect_dma source(%dma_start3A_215 : memref<32x128xf32, #tpu.memory_space<vmem>>) target(%dma_start3A_221 : memref<10368x128xf32, #tpu.memory_space<vmem_shared>>) offsets(%dma_start3A_218 : memref<32xi32, #tpu.memory_space<vmem>>) semaphore(%run_scoped3A_211 : memref<!tpu.dma_semaphore, #tpu.memory_space<semaphore_mem>>) {add = true}
        %dma_wait3A_222 = arith.constant 0 : i32
        %dma_wait3A_223 = arith.constant 0 : i32
        %dma_wait3A_224 = tpu.memref_slice %arg20[%run_scoped3A_207, %dma_wait3A_222, %dma_wait3A_223] : memref<3x32x128xf32, #tpu.memory_space<vmem>> -> memref<1x32x128xf32, #tpu.memory_space<vmem>>
        %dma_wait3A_225 = tpu.memref_squeeze %dma_wait3A_224 : memref<1x32x128xf32, #tpu.memory_space<vmem>> -> memref<32x128xf32, #tpu.memory_space<vmem>>
        %dma_wait3A_226 = arith.constant 0 : i32
        %dma_wait3A_227 = tpu.memref_slice %arg13[%run_scoped3A_208, %dma_wait3A_226] : memref<2x32xi32, #tpu.memory_space<vmem>> -> memref<1x32xi32, #tpu.memory_space<vmem>>
        %dma_wait3A_228 = tpu.memref_squeeze %dma_wait3A_227 : memref<1x32xi32, #tpu.memory_space<vmem>> -> memref<32xi32, #tpu.memory_space<vmem>>
        %dma_wait3A_229 = arith.constant 0 : i32
        %dma_wait3A_230 = arith.constant 0 : i32
        %dma_wait3A_231 = tpu.memref_slice %arg21[%dma_wait3A_229, %dma_wait3A_230] : memref<10368x128xf32, #tpu.memory_space<vmem_shared>> -> memref<10368x128xf32, #tpu.memory_space<vmem_shared>>
        tpu.wait_indirect_dma semaphore(%run_scoped3A_211 : memref<!tpu.dma_semaphore, #tpu.memory_space<semaphore_mem>>) src(%dma_wait3A_225 : memref<32x128xf32, #tpu.memory_space<vmem>>) dst(%dma_wait3A_231 : memref<10368x128xf32, #tpu.memory_space<vmem_shared>>)
        tpu.yield
      }) : () -> ()
      %run_scoped3A_209 = arith.constant 2 : i32
      "tpu.region"() ({
        %run_scoped3A_211 = tpu.sem_alloc : memref<!tpu.dma_semaphore, #tpu.memory_space<semaphore_mem>>
        %dma_start3A_212 = arith.constant 0 : i32
        %dma_start3A_213 = arith.constant 0 : i32
        %dma_start3A_214 = tpu.memref_slice %arg20[%run_scoped3A_209, %dma_start3A_212, %dma_start3A_213] : memref<3x32x128xf32, #tpu.memory_space<vmem>> -> memref<1x32x128xf32, #tpu.memory_space<vmem>>
        %dma_start3A_215 = tpu.memref_squeeze %dma_start3A_214 : memref<1x32x128xf32, #tpu.memory_space<vmem>> -> memref<32x128xf32, #tpu.memory_space<vmem>>
        %dma_start3A_216 = arith.constant 0 : i32
        %dma_start3A_217 = arith.constant 0 : i32
        %dma_start3A_218 = tpu.memref_slice %arg21[%dma_start3A_216, %dma_start3A_217] : memref<10368x128xf32, #tpu.memory_space<vmem_shared>> -> memref<10368x128xf32, #tpu.memory_space<vmem_shared>>
        tpu.enqueue_indirect_dma source(%dma_start3A_215 : memref<32x128xf32, #tpu.memory_space<vmem>>) target(%dma_start3A_218 : memref<10368x128xf32, #tpu.memory_space<vmem_shared>>) offsets(%arg14 : memref<32xi32, #tpu.memory_space<vmem>>) semaphore(%run_scoped3A_211 : memref<!tpu.dma_semaphore, #tpu.memory_space<semaphore_mem>>) {add = true}
        %dma_wait3A_219 = arith.constant 0 : i32
        %dma_wait3A_220 = arith.constant 0 : i32
        %dma_wait3A_221 = tpu.memref_slice %arg20[%run_scoped3A_209, %dma_wait3A_219, %dma_wait3A_220] : memref<3x32x128xf32, #tpu.memory_space<vmem>> -> memref<1x32x128xf32, #tpu.memory_space<vmem>>
        %dma_wait3A_222 = tpu.memref_squeeze %dma_wait3A_221 : memref<1x32x128xf32, #tpu.memory_space<vmem>> -> memref<32x128xf32, #tpu.memory_space<vmem>>
        %dma_wait3A_223 = arith.constant 0 : i32
        %dma_wait3A_224 = arith.constant 0 : i32
        %dma_wait3A_225 = tpu.memref_slice %arg21[%dma_wait3A_223, %dma_wait3A_224] : memref<10368x128xf32, #tpu.memory_space<vmem_shared>> -> memref<10368x128xf32, #tpu.memory_space<vmem_shared>>
        tpu.wait_indirect_dma semaphore(%run_scoped3A_211 : memref<!tpu.dma_semaphore, #tpu.memory_space<semaphore_mem>>) src(%dma_wait3A_222 : memref<32x128xf32, #tpu.memory_space<vmem>>) dst(%dma_wait3A_225 : memref<10368x128xf32, #tpu.memory_space<vmem_shared>>)
        tpu.yield
      }) : () -> ()
      %while3A_210 = arith.constant 0 : i32
      scf.yield %while3A_210 : i32
    }
    %while3A_48 = arith.constant 1 : i32
    %while3A_49 = scf.for %while3A_56 = %while3A_45 to %while3A_41 step %while3A_48 iter_args(%while3A_57 = %while3A_47) -> (i32)  : i32 {
      %add3A_58 = arith.addi %squeeze3A, %arg1 : i32
      %mul3A_59 = arith.constant 16 : i32
      %mul3A_60 = arith.muli %while3A_56, %mul3A_59 : i32
      %add3A_61 = arith.addi %add3A_58, %mul3A_60 : i32
      %mul3A_62 = arith.constant 32 : i32
      %mul3A_63 = arith.muli %add3A_61, %mul3A_62 : i32
      "tpu.region"() ({
        %run_scoped3A_211 = tpu.sem_alloc : memref<!tpu.dma_semaphore, #tpu.memory_space<semaphore_mem>>
        %dma_start3A_212 = tpu.memref_slice %arg5[%mul3A_63] : memref<160048xi32, #tpu.memory_space<hbm>> -> memref<32xi32, #tpu.memory_space<hbm>>
        %dma_start3A_213 = tpu.memref_slice %arg5[%mul3A_63] : memref<160048xi32, #tpu.memory_space<hbm>> -> memref<32xi32, #tpu.memory_space<hbm>>
        tpu.enqueue_dma source(%dma_start3A_213 : memref<32xi32, #tpu.memory_space<hbm>>) target(%arg10 : memref<32xi32, #tpu.memory_space<vmem>>) target_semaphore(%run_scoped3A_211 : memref<!tpu.dma_semaphore, #tpu.memory_space<semaphore_mem>>)
        %dma_wait3A_214 = tpu.memref_slice %arg5[%mul3A_63] : memref<160048xi32, #tpu.memory_space<hbm>> -> memref<32xi32, #tpu.memory_space<hbm>>
        %dma_wait3A_215 = tpu.memref_slice %arg5[%mul3A_63] : memref<160048xi32, #tpu.memory_space<hbm>> -> memref<32xi32, #tpu.memory_space<hbm>>
        tpu.wait_dma2 semaphore(%run_scoped3A_211 : memref<!tpu.dma_semaphore, #tpu.memory_space<semaphore_mem>>) src(%dma_wait3A_215 : memref<32xi32, #tpu.memory_space<hbm>>) dst(%arg10 : memref<32xi32, #tpu.memory_space<vmem>>)
        tpu.yield
      }) : () -> ()
      "tpu.region"() ({
        %run_scoped3A_211 = tpu.sem_alloc : memref<!tpu.dma_semaphore, #tpu.memory_space<semaphore_mem>>
        %dma_start3A_212 = tpu.memref_slice %arg6[%mul3A_63] : memref<160048xi32, #tpu.memory_space<hbm>> -> memref<32xi32, #tpu.memory_space<hbm>>
        %dma_start3A_213 = tpu.memref_slice %arg6[%mul3A_63] : memref<160048xi32, #tpu.memory_space<hbm>> -> memref<32xi32, #tpu.memory_space<hbm>>
        tpu.enqueue_dma source(%dma_start3A_213 : memref<32xi32, #tpu.memory_space<hbm>>) target(%arg11 : memref<32xi32, #tpu.memory_space<vmem>>) target_semaphore(%run_scoped3A_211 : memref<!tpu.dma_semaphore, #tpu.memory_space<semaphore_mem>>)
        %dma_wait3A_214 = tpu.memref_slice %arg6[%mul3A_63] : memref<160048xi32, #tpu.memory_space<hbm>> -> memref<32xi32, #tpu.memory_space<hbm>>
        %dma_wait3A_215 = tpu.memref_slice %arg6[%mul3A_63] : memref<160048xi32, #tpu.memory_space<hbm>> -> memref<32xi32, #tpu.memory_space<hbm>>
        tpu.wait_dma2 semaphore(%run_scoped3A_211 : memref<!tpu.dma_semaphore, #tpu.memory_space<semaphore_mem>>) src(%dma_wait3A_215 : memref<32xi32, #tpu.memory_space<hbm>>) dst(%arg11 : memref<32xi32, #tpu.memory_space<vmem>>)
        tpu.yield
      }) : () -> ()
      "tpu.region"() ({
        %run_scoped3A_211 = tpu.sem_alloc : memref<!tpu.dma_semaphore, #tpu.memory_space<semaphore_mem>>
        %dma_start3A_212 = tpu.memref_slice %arg6[%mul3A_63] : memref<160048xi32, #tpu.memory_space<hbm>> -> memref<32xi32, #tpu.memory_space<hbm>>
        %dma_start3A_213 = tpu.memref_slice %arg6[%mul3A_63] : memref<160048xi32, #tpu.memory_space<hbm>> -> memref<32xi32, #tpu.memory_space<hbm>>
        tpu.enqueue_dma source(%dma_start3A_213 : memref<32xi32, #tpu.memory_space<hbm>>) target(%arg12 : memref<32xi32, #tpu.memory_space<vmem>>) target_semaphore(%run_scoped3A_211 : memref<!tpu.dma_semaphore, #tpu.memory_space<semaphore_mem>>)
        %dma_wait3A_214 = tpu.memref_slice %arg6[%mul3A_63] : memref<160048xi32, #tpu.memory_space<hbm>> -> memref<32xi32, #tpu.memory_space<hbm>>
        %dma_wait3A_215 = tpu.memref_slice %arg6[%mul3A_63] : memref<160048xi32, #tpu.memory_space<hbm>> -> memref<32xi32, #tpu.memory_space<hbm>>
        tpu.wait_dma2 semaphore(%run_scoped3A_211 : memref<!tpu.dma_semaphore, #tpu.memory_space<semaphore_mem>>) src(%dma_wait3A_215 : memref<32xi32, #tpu.memory_space<hbm>>) dst(%arg12 : memref<32xi32, #tpu.memory_space<vmem>>)
        tpu.yield
      }) : () -> ()
      %dma_start3A = arith.constant 0 : i32
      %dma_start3A_64 = arith.constant 0 : i32
      %dma_start3A_65 = tpu.memref_slice %arg3[%dma_start3A, %dma_start3A_64] : memref<10000x256xf32, #tpu.memory_space<hbm>> -> memref<10000x256xf32, #tpu.memory_space<hbm>>
      tpu.enqueue_indirect_dma source(%dma_start3A_65 : memref<10000x256xf32, #tpu.memory_space<hbm>>) target(%arg17 : memref<32x256xf32, #tpu.memory_space<vmem>>) offsets(%arg10 : memref<32xi32, #tpu.memory_space<vmem>>) semaphore(%arg22 : memref<!tpu.dma_semaphore, #tpu.memory_space<semaphore_mem>>)
      %dma_start3A_66 = arith.constant 0 : i32
      %dma_start3A_67 = arith.constant 0 : i32
      %dma_start3A_68 = tpu.memref_slice %arg2[%dma_start3A_66, %dma_start3A_67] : memref<10000x256xf32, #tpu.memory_space<hbm>> -> memref<10000x256xf32, #tpu.memory_space<hbm>>
      tpu.enqueue_indirect_dma source(%dma_start3A_68 : memref<10000x256xf32, #tpu.memory_space<hbm>>) target(%arg18 : memref<32x256xf32, #tpu.memory_space<vmem>>) offsets(%arg11 : memref<32xi32, #tpu.memory_space<vmem>>) semaphore(%arg22 : memref<!tpu.dma_semaphore, #tpu.memory_space<semaphore_mem>>)
      %dma_start3A_69 = arith.constant 0 : i32
      %dma_start3A_70 = arith.constant 0 : i32
      %dma_start3A_71 = tpu.memref_slice %arg4[%dma_start3A_69, %dma_start3A_70] : memref<10000x256xf32, #tpu.memory_space<hbm>> -> memref<10000x256xf32, #tpu.memory_space<hbm>>
      tpu.enqueue_indirect_dma source(%dma_start3A_71 : memref<10000x256xf32, #tpu.memory_space<hbm>>) target(%arg19 : memref<32x256xf32, #tpu.memory_space<vmem>>) offsets(%arg10 : memref<32xi32, #tpu.memory_space<vmem>>) semaphore(%arg22 : memref<!tpu.dma_semaphore, #tpu.memory_space<semaphore_mem>>)
      %dma_start3A_72 = arith.constant 2 : i32
      %dma_start3A_73 = arith.constant 0 : i32
      %dma_start3A_74 = arith.constant 0 : i32
      %dma_start3A_75 = tpu.memref_slice %arg20[%dma_start3A_72, %dma_start3A_73, %dma_start3A_74] : memref<3x32x128xf32, #tpu.memory_space<vmem>> -> memref<1x32x128xf32, #tpu.memory_space<vmem>>
      %dma_start3A_76 = tpu.memref_squeeze %dma_start3A_75 : memref<1x32x128xf32, #tpu.memory_space<vmem>> -> memref<32x128xf32, #tpu.memory_space<vmem>>
      %dma_start3A_77 = arith.constant 0 : i32
      %dma_start3A_78 = arith.constant 0 : i32
      %dma_start3A_79 = tpu.memref_slice %arg8[%dma_start3A_77, %dma_start3A_78] : memref<10368x128xf32, #tpu.memory_space<hbm>> -> memref<32x128xf32, #tpu.memory_space<hbm>>
      %dma_start3A_80 = arith.constant 0 : i32
      %dma_start3A_81 = arith.constant 0 : i32
      %dma_start3A_82 = tpu.memref_slice %arg20[%dma_start3A_72, %dma_start3A_80, %dma_start3A_81] : memref<3x32x128xf32, #tpu.memory_space<vmem>> -> memref<1x32x128xf32, #tpu.memory_space<vmem>>
      %dma_start3A_83 = tpu.memref_squeeze %dma_start3A_82 : memref<1x32x128xf32, #tpu.memory_space<vmem>> -> memref<32x128xf32, #tpu.memory_space<vmem>>
      %dma_start3A_84 = arith.constant 0 : i32
      %dma_start3A_85 = arith.constant 0 : i32
      %dma_start3A_86 = tpu.memref_slice %arg8[%dma_start3A_84, %dma_start3A_85] : memref<10368x128xf32, #tpu.memory_space<hbm>> -> memref<32x128xf32, #tpu.memory_space<hbm>>
      tpu.enqueue_dma source(%dma_start3A_86 : memref<32x128xf32, #tpu.memory_space<hbm>>) target(%dma_start3A_83 : memref<32x128xf32, #tpu.memory_space<vmem>>) target_semaphore(%arg22 : memref<!tpu.dma_semaphore, #tpu.memory_space<semaphore_mem>>)
      %add3A_87 = arith.constant 0 : i32
      %add3A_88 = vector.broadcast %add3A_87 : i32 to vector<16xi32>
      %add3A_89 = arith.addi %add3A_88, %iota3A : vector<16xi32>
      %lt3A = arith.constant 32 : i32
      %lt3A_90 = vector.broadcast %lt3A : i32 to vector<16xi32>
      %lt3A_91 = arith.cmpi slt, %add3A_89, %lt3A_90 : vector<16xi32>
      %get3A_92 = arith.constant 0 : index
      %get3A_93 = tpu.vector_load %arg12[%get3A_92] {strides = array<i32>} : memref<32xi32, #tpu.memory_space<vmem>>, vector<16xi32>,
      %sub3A_94 = vector.broadcast %mul3A_4 : i32 to vector<16xi32>
      %sub3A_95 = arith.subi %get3A_93, %sub3A_94 : vector<16xi32>
      %ge3A = arith.constant 0 : i32
      %ge3A_96 = vector.broadcast %ge3A : i32 to vector<16xi32>
      %ge3A_97 = arith.cmpi sge, %sub3A_95, %ge3A_96 : vector<16xi32>
      %lt3A_98 = arith.constant 5000 : i32
      %lt3A_99 = vector.broadcast %lt3A_98 : i32 to vector<16xi32>
      %lt3A_100 = arith.cmpi slt, %sub3A_95, %lt3A_99 : vector<16xi32>
      %and3A_101 = arith.andi %ge3A_97, %lt3A_100 : vector<16xi1>
      %and3A_102 = arith.andi %and3A_101, %lt3A_91 : vector<16xi1>
      %jit3A_103 = arith.constant 5000 : i32
      %broadcast_in_dim3A_104 = vector.broadcast %jit3A_103 : i32 to vector<16xi32>
      %select_n3A_105 = arith.select %and3A_102, %sub3A_95, %broadcast_in_dim3A_104 : vector<16xi1>, vector<16xi32>
      %broadcast_in_dim3A_106 = arith.constant 0 : i32
      %broadcast_in_dim3A_107 = vector.broadcast %broadcast_in_dim3A_106 : i32 to vector<16xi32>
      %mul3A_108 = arith.constant 2 : i32
      %mul3A_109 = vector.broadcast %mul3A_108 : i32 to vector<16xi32>
      %mul3A_110 = arith.muli %mul3A_109, %select_n3A_105 : vector<16xi32>
      %add3A_111 = arith.constant 0 : i32
      %add3A_112 = vector.broadcast %add3A_111 : i32 to vector<16xi32>
      %add3A_113 = arith.addi %mul3A_110, %add3A_112 : vector<16xi32>
      tpu.vector_store_idx %arg13[%broadcast_in_dim3A_107, %add3A_89], %add3A_113 masked %lt3A_91 : memref<2x32xi32, #tpu.memory_space<vmem>>[vector<16xi32>, vector<16xi32>], vector<16xi32>, vector<16xi1>
      %broadcast_in_dim3A_114 = arith.constant 1 : i32
      %broadcast_in_dim3A_115 = vector.broadcast %broadcast_in_dim3A_114 : i32 to vector<16xi32>
      %mul3A_116 = arith.constant 2 : i32
      %mul3A_117 = vector.broadcast %mul3A_116 : i32 to vector<16xi32>
      %mul3A_118 = arith.muli %mul3A_117, %select_n3A_105 : vector<16xi32>
      %add3A_119 = arith.constant 1 : i32
      %add3A_120 = vector.broadcast %add3A_119 : i32 to vector<16xi32>
      %add3A_121 = arith.addi %mul3A_118, %add3A_120 : vector<16xi32>
      tpu.vector_store_idx %arg13[%broadcast_in_dim3A_115, %add3A_89], %add3A_121 masked %lt3A_91 : memref<2x32xi32, #tpu.memory_space<vmem>>[vector<16xi32>, vector<16xi32>], vector<16xi32>, vector<16xi1>
      %shift_right_arithmetic3A = arith.constant 4 : i32
      %shift_right_arithmetic3A_122 = vector.broadcast %shift_right_arithmetic3A : i32 to vector<16xi32>
      %shift_right_arithmetic3A_123 = arith.shrsi %select_n3A_105, %shift_right_arithmetic3A_122 : vector<16xi32>
      %add3A_124 = arith.constant 10048 : i32
      %add3A_125 = vector.broadcast %add3A_124 : i32 to vector<16xi32>
      %add3A_126 = arith.addi %add3A_125, %shift_right_arithmetic3A_123 : vector<16xi32>
      tpu.vector_store_idx %arg14[%add3A_89], %add3A_126 masked %lt3A_91 : memref<32xi32, #tpu.memory_space<vmem>>[vector<16xi32>], vector<16xi32>, vector<16xi1>
      %and3A_127 = arith.constant 15 : i32
      %and3A_128 = vector.broadcast %and3A_127 : i32 to vector<16xi32>
      %and3A_129 = arith.andi %select_n3A_105, %and3A_128 : vector<16xi32>
      %shift_left3A = arith.constant 3 : i32
      %shift_left3A_130 = vector.broadcast %shift_left3A : i32 to vector<16xi32>
      %shift_left3A_131 = arith.shli %and3A_129, %shift_left3A_130 : vector<16xi32>
      tpu.vector_store_idx %arg15[%add3A_89], %shift_left3A_131 masked %lt3A_91 : memref<48xi32, #tpu.memory_space<vmem>>[vector<16xi32>], vector<16xi32>, vector<16xi1>
      %add3A_132 = arith.constant 16 : i32
      %add3A_133 = vector.broadcast %add3A_132 : i32 to vector<16xi32>
      %add3A_134 = arith.addi %add3A_133, %iota3A : vector<16xi32>
      %lt3A_135 = arith.constant 32 : i32
      %lt3A_136 = vector.broadcast %lt3A_135 : i32 to vector<16xi32>
      %lt3A_137 = arith.cmpi slt, %add3A_134, %lt3A_136 : vector<16xi32>
      %get3A_138 = arith.constant 16 : index
      %get3A_139 = tpu.vector_load %arg12[%get3A_138] {strides = array<i32>} : memref<32xi32, #tpu.memory_space<vmem>>, vector<16xi32>,
      %sub3A_140 = vector.broadcast %mul3A_4 : i32 to vector<16xi32>
      %sub3A_141 = arith.subi %get3A_139, %sub3A_140 : vector<16xi32>
      %ge3A_142 = arith.constant 0 : i32
      %ge3A_143 = vector.broadcast %ge3A_142 : i32 to vector<16xi32>
      %ge3A_144 = arith.cmpi sge, %sub3A_141, %ge3A_143 : vector<16xi32>
      %lt3A_145 = arith.constant 5000 : i32
      %lt3A_146 = vector.broadcast %lt3A_145 : i32 to vector<16xi32>
      %lt3A_147 = arith.cmpi slt, %sub3A_141, %lt3A_146 : vector<16xi32>
      %and3A_148 = arith.andi %ge3A_144, %lt3A_147 : vector<16xi1>
      %and3A_149 = arith.andi %and3A_148, %lt3A_137 : vector<16xi1>
      %jit3A_150 = arith.constant 5000 : i32
      %broadcast_in_dim3A_151 = vector.broadcast %jit3A_150 : i32 to vector<16xi32>
      %select_n3A_152 = arith.select %and3A_149, %sub3A_141, %broadcast_in_dim3A_151 : vector<16xi1>, vector<16xi32>
      %broadcast_in_dim3A_153 = arith.constant 0 : i32
      %broadcast_in_dim3A_154 = vector.broadcast %broadcast_in_dim3A_153 : i32 to vector<16xi32>
      %mul3A_155 = arith.constant 2 : i32
      %mul3A_156 = vector.broadcast %mul3A_155 : i32 to vector<16xi32>
      %mul3A_157 = arith.muli %mul3A_156, %select_n3A_152 : vector<16xi32>
      %add3A_158 = arith.constant 0 : i32
      %add3A_159 = vector.broadcast %add3A_158 : i32 to vector<16xi32>
      %add3A_160 = arith.addi %mul3A_157, %add3A_159 : vector<16xi32>
      tpu.vector_store_idx %arg13[%broadcast_in_dim3A_154, %add3A_134], %add3A_160 masked %lt3A_137 : memref<2x32xi32, #tpu.memory_space<vmem>>[vector<16xi32>, vector<16xi32>], vector<16xi32>, vector<16xi1>
      %broadcast_in_dim3A_161 = arith.constant 1 : i32
      %broadcast_in_dim3A_162 = vector.broadcast %broadcast_in_dim3A_161 : i32 to vector<16xi32>
      %mul3A_163 = arith.constant 2 : i32
      %mul3A_164 = vector.broadcast %mul3A_163 : i32 to vector<16xi32>
      %mul3A_165 = arith.muli %mul3A_164, %select_n3A_152 : vector<16xi32>
      %add3A_166 = arith.constant 1 : i32
      %add3A_167 = vector.broadcast %add3A_166 : i32 to vector<16xi32>
      %add3A_168 = arith.addi %mul3A_165, %add3A_167 : vector<16xi32>
      tpu.vector_store_idx %arg13[%broadcast_in_dim3A_162, %add3A_134], %add3A_168 masked %lt3A_137 : memref<2x32xi32, #tpu.memory_space<vmem>>[vector<16xi32>, vector<16xi32>], vector<16xi32>, vector<16xi1>
      %shift_right_arithmetic3A_169 = arith.constant 4 : i32
      %shift_right_arithmetic3A_170 = vector.broadcast %shift_right_arithmetic3A_169 : i32 to vector<16xi32>
      %shift_right_arithmetic3A_171 = arith.shrsi %select_n3A_152, %shift_right_arithmetic3A_170 : vector<16xi32>
      %add3A_172 = arith.constant 10048 : i32
      %add3A_173 = vector.broadcast %add3A_172 : i32 to vector<16xi32>
      %add3A_174 = arith.addi %add3A_173, %shift_right_arithmetic3A_171 : vector<16xi32>
      tpu.vector_store_idx %arg14[%add3A_134], %add3A_174 masked %lt3A_137 : memref<32xi32, #tpu.memory_space<vmem>>[vector<16xi32>], vector<16xi32>, vector<16xi1>
      %and3A_175 = arith.constant 15 : i32
      %and3A_176 = vector.broadcast %and3A_175 : i32 to vector<16xi32>
      %and3A_177 = arith.andi %select_n3A_152, %and3A_176 : vector<16xi32>
      %shift_left3A_178 = arith.constant 3 : i32
      %shift_left3A_179 = vector.broadcast %shift_left3A_178 : i32 to vector<16xi32>
      %shift_left3A_180 = arith.shli %and3A_177, %shift_left3A_179 : vector<16xi32>
      tpu.vector_store_idx %arg15[%add3A_134], %shift_left3A_180 masked %lt3A_137 : memref<48xi32, #tpu.memory_space<vmem>>[vector<16xi32>], vector<16xi32>, vector<16xi1>
      %dma_wait3A = arith.constant 0 : i32
      %dma_wait3A_181 = arith.constant 0 : i32
      %dma_wait3A_182 = tpu.memref_slice %arg3[%dma_wait3A, %dma_wait3A_181] : memref<10000x256xf32, #tpu.memory_space<hbm>> -> memref<10000x256xf32, #tpu.memory_space<hbm>>
      tpu.wait_indirect_dma semaphore(%arg22 : memref<!tpu.dma_semaphore, #tpu.memory_space<semaphore_mem>>) src(%dma_wait3A_182 : memref<10000x256xf32, #tpu.memory_space<hbm>>) dst(%arg17 : memref<32x256xf32, #tpu.memory_space<vmem>>)
      %dma_wait3A_183 = arith.constant 0 : i32
      %dma_wait3A_184 = arith.constant 0 : i32
      %dma_wait3A_185 = tpu.memref_slice %arg2[%dma_wait3A_183, %dma_wait3A_184] : memref<10000x256xf32, #tpu.memory_space<hbm>> -> memref<10000x256xf32, #tpu.memory_space<hbm>>
      tpu.wait_indirect_dma semaphore(%arg22 : memref<!tpu.dma_semaphore, #tpu.memory_space<semaphore_mem>>) src(%dma_wait3A_185 : memref<10000x256xf32, #tpu.memory_space<hbm>>) dst(%arg18 : memref<32x256xf32, #tpu.memory_space<vmem>>)
      %dma_wait3A_186 = arith.constant 0 : i32
      %dma_wait3A_187 = arith.constant 0 : i32
      %dma_wait3A_188 = tpu.memref_slice %arg4[%dma_wait3A_186, %dma_wait3A_187] : memref<10000x256xf32, #tpu.memory_space<hbm>> -> memref<10000x256xf32, #tpu.memory_space<hbm>>
      tpu.wait_indirect_dma semaphore(%arg22 : memref<!tpu.dma_semaphore, #tpu.memory_space<semaphore_mem>>) src(%dma_wait3A_188 : memref<10000x256xf32, #tpu.memory_space<hbm>>) dst(%arg19 : memref<32x256xf32, #tpu.memory_space<vmem>>)
      %dma_wait3A_189 = arith.constant 2 : i32
      %dma_wait3A_190 = arith.constant 0 : i32
      %dma_wait3A_191 = arith.constant 0 : i32
      %dma_wait3A_192 = tpu.memref_slice %arg20[%dma_wait3A_189, %dma_wait3A_190, %dma_wait3A_191] : memref<3x32x128xf32, #tpu.memory_space<vmem>> -> memref<1x32x128xf32, #tpu.memory_space<vmem>>
      %dma_wait3A_193 = tpu.memref_squeeze %dma_wait3A_192 : memref<1x32x128xf32, #tpu.memory_space<vmem>> -> memref<32x128xf32, #tpu.memory_space<vmem>>
      %dma_wait3A_194 = arith.constant 0 : i32
      %dma_wait3A_195 = arith.constant 0 : i32
      %dma_wait3A_196 = tpu.memref_slice %arg8[%dma_wait3A_194, %dma_wait3A_195] : memref<10368x128xf32, #tpu.memory_space<hbm>> -> memref<32x128xf32, #tpu.memory_space<hbm>>
      %dma_wait3A_197 = arith.constant 0 : i32
      %dma_wait3A_198 = arith.constant 0 : i32
      %dma_wait3A_199 = tpu.memref_slice %arg20[%dma_wait3A_189, %dma_wait3A_197, %dma_wait3A_198] : memref<3x32x128xf32, #tpu.memory_space<vmem>> -> memref<1x32x128xf32, #tpu.memory_space<vmem>>
      %dma_wait3A_200 = tpu.memref_squeeze %dma_wait3A_199 : memref<1x32x128xf32, #tpu.memory_space<vmem>> -> memref<32x128xf32, #tpu.memory_space<vmem>>
      %dma_wait3A_201 = arith.constant 0 : i32
      %dma_wait3A_202 = arith.constant 0 : i32
      %dma_wait3A_203 = tpu.memref_slice %arg8[%dma_wait3A_201, %dma_wait3A_202] : memref<10368x128xf32, #tpu.memory_space<hbm>> -> memref<32x128xf32, #tpu.memory_space<hbm>>
      tpu.wait_dma2 semaphore(%arg22 : memref<!tpu.dma_semaphore, #tpu.memory_space<semaphore_mem>>) src(%dma_wait3A_203 : memref<32x128xf32, #tpu.memory_space<hbm>>) dst(%dma_wait3A_200 : memref<32x128xf32, #tpu.memory_space<vmem>>)
      %parallel_loop3A = arith.constant 0 : i32
      %parallel_loop3A_204 = arith.constant 32 : i32
      %parallel_loop3A_205 = arith.constant 1 : i32
      scf.for %parallel_loop3A_211 = %parallel_loop3A to %parallel_loop3A_204 step %parallel_loop3A_205  : i32 {
        %parallel_loop3A_212 = arith.index_cast %parallel_loop3A_211 : i32 to index
        %parallel_loop3A_213 = arith.constant 0 : index
        %parallel_loop3A_214 = tpu.vector_load %arg17[%parallel_loop3A_212, %parallel_loop3A_213] {strides = array<i32>} : memref<32x256xf32, #tpu.memory_space<vmem>>, vector<16xf32>,
        %parallel_loop3A_215 = arith.index_cast %parallel_loop3A_211 : i32 to index
        %parallel_loop3A_216 = arith.constant 0 : index
        %parallel_loop3A_217 = tpu.vector_load %arg18[%parallel_loop3A_215, %parallel_loop3A_216] {strides = array<i32>} : memref<32x256xf32, #tpu.memory_space<vmem>>, vector<16xf32>,
        %parallel_loop3A_218 = arith.mulf %parallel_loop3A_214, %parallel_loop3A_217 : vector<16xf32>
        %parallel_loop3A_219 = arith.index_cast %parallel_loop3A_211 : i32 to index
        %parallel_loop3A_220 = arith.constant 16 : index
        %parallel_loop3A_221 = tpu.vector_load %arg17[%parallel_loop3A_219, %parallel_loop3A_220] {strides = array<i32>} : memref<32x256xf32, #tpu.memory_space<vmem>>, vector<16xf32>,
        %parallel_loop3A_222 = arith.index_cast %parallel_loop3A_211 : i32 to index
        %parallel_loop3A_223 = arith.constant 16 : index
        %parallel_loop3A_224 = tpu.vector_load %arg18[%parallel_loop3A_222, %parallel_loop3A_223] {strides = array<i32>} : memref<32x256xf32, #tpu.memory_space<vmem>>, vector<16xf32>,
        %parallel_loop3A_225 = arith.mulf %parallel_loop3A_221, %parallel_loop3A_224 : vector<16xf32>
        %parallel_loop3A_226 = arith.addf %parallel_loop3A_218, %parallel_loop3A_225 : vector<16xf32>
        %parallel_loop3A_227 = arith.constant true
        %parallel_loop3A_228 = vector.broadcast %parallel_loop3A_227 : i1 to vector<16xi1>
        %parallel_loop3A_229 = tpu.scan <sum>, %parallel_loop3A_226 masked %parallel_loop3A_228 : vector<16xf32>, vector<16xi1> -> vector<16xf32>
        %parallel_loop3A_230 = vector.extract %parallel_loop3A_229[15] : f32 from vector<16xf32>
        %parallel_loop3A_231 = arith.constant 0.176776692 : f32
        %parallel_loop3A_232 = arith.mulf %parallel_loop3A_230, %parallel_loop3A_231 : f32
        %parallel_loop3A_233 = arith.constant -5.000000e+00 : f32
        %parallel_loop3A_234 = arith.maximumf %parallel_loop3A_232, %parallel_loop3A_233 : f32
        %parallel_loop3A_235 = arith.constant 5.000000e+00 : f32
        %parallel_loop3A_236 = arith.minimumf %parallel_loop3A_234, %parallel_loop3A_235 : f32
        %parallel_loop3A_237 = vector.broadcast %parallel_loop3A_236 : f32 to vector<16xf32>
        %parallel_loop3A_238 = math.exp %parallel_loop3A_237 : vector<16xf32>
        %parallel_loop3A_239 = arith.constant 0 : i32
        %parallel_loop3A_240 = vector.broadcast %parallel_loop3A_239 : i32 to vector<16xi32>
        %parallel_loop3A_241 = arith.cmpi eq, %iota3A, %parallel_loop3A_240 : vector<16xi32>
        %parallel_loop3A_242 = arith.select %parallel_loop3A_241, %parallel_loop3A_238, %broadcast_in_dim3A_5 : vector<16xi1>, vector<16xf32>
        %parallel_loop3A_243 = arith.constant 8 : i32
        %parallel_loop3A_244 = vector.broadcast %parallel_loop3A_243 : i32 to vector<16xi32>
        %parallel_loop3A_245 = arith.cmpi eq, %iota3A, %parallel_loop3A_244 : vector<16xi32>
        %parallel_loop3A_246 = arith.select %parallel_loop3A_245, %parallel_loop3A_238, %broadcast_in_dim3A_5 : vector<16xi1>, vector<16xf32>
        %parallel_loop3A_247 = arith.index_cast %parallel_loop3A_211 : i32 to index
        %parallel_loop3A_248 = arith.constant 0 : index
        %parallel_loop3A_249 = tpu.vector_load %arg19[%parallel_loop3A_247, %parallel_loop3A_248] {strides = array<i32>} : memref<32x256xf32, #tpu.memory_space<vmem>>, vector<16xf32>,
        %parallel_loop3A_250 = arith.mulf %parallel_loop3A_249, %parallel_loop3A_238 : vector<16xf32>
        %parallel_loop3A_251 = arith.constant 0 : i32
        %parallel_loop3A_252 = arith.index_cast %parallel_loop3A_251 : i32 to index
        %parallel_loop3A_253 = arith.index_cast %parallel_loop3A_211 : i32 to index
        %parallel_loop3A_254 = arith.constant 0 : index
        %parallel_loop3A_255 = tpu.vector_load %arg20[%parallel_loop3A_252, %parallel_loop3A_253, %parallel_loop3A_254] {strides = array<i32>} : memref<3x32x128xf32, #tpu.memory_space<vmem>>, vector<16xf32>,
        tpu.vector_store %arg20[%parallel_loop3A_252, %parallel_loop3A_253, %parallel_loop3A_254], %parallel_loop3A_250 {strides = array<i32>} : memref<3x32x128xf32, #tpu.memory_space<vmem>>, vector<16xf32>,
        %parallel_loop3A_256 = arith.index_cast %parallel_loop3A_211 : i32 to index
        %parallel_loop3A_257 = arith.constant 16 : index
        %parallel_loop3A_258 = tpu.vector_load %arg19[%parallel_loop3A_256, %parallel_loop3A_257] {strides = array<i32>} : memref<32x256xf32, #tpu.memory_space<vmem>>, vector<16xf32>,
        %parallel_loop3A_259 = arith.mulf %parallel_loop3A_258, %parallel_loop3A_238 : vector<16xf32>
        %parallel_loop3A_260 = arith.constant 0 : i32
        %parallel_loop3A_261 = arith.index_cast %parallel_loop3A_260 : i32 to index
        %parallel_loop3A_262 = arith.index_cast %parallel_loop3A_211 : i32 to index
        %parallel_loop3A_263 = arith.constant 16 : index
        %parallel_loop3A_264 = tpu.vector_load %arg20[%parallel_loop3A_261, %parallel_loop3A_262, %parallel_loop3A_263] {strides = array<i32>} : memref<3x32x128xf32, #tpu.memory_space<vmem>>, vector<16xf32>,
        tpu.vector_store %arg20[%parallel_loop3A_261, %parallel_loop3A_262, %parallel_loop3A_263], %parallel_loop3A_259 {strides = array<i32>} : memref<3x32x128xf32, #tpu.memory_space<vmem>>, vector<16xf32>,
        %parallel_loop3A_265 = arith.index_cast %parallel_loop3A_211 : i32 to index
        %parallel_loop3A_266 = arith.constant 32 : index
        %parallel_loop3A_267 = tpu.vector_load %arg17[%parallel_loop3A_265, %parallel_loop3A_266] {strides = array<i32>} : memref<32x256xf32, #tpu.memory_space<vmem>>, vector<16xf32>,
        %parallel_loop3A_268 = arith.index_cast %parallel_loop3A_211 : i32 to index
        %parallel_loop3A_269 = arith.constant 32 : index
        %parallel_loop3A_270 = tpu.vector_load %arg18[%parallel_loop3A_268, %parallel_loop3A_269] {strides = array<i32>} : memref<32x256xf32, #tpu.memory_space<vmem>>, vector<16xf32>,
        %parallel_loop3A_271 = arith.mulf %parallel_loop3A_267, %parallel_loop3A_270 : vector<16xf32>
        %parallel_loop3A_272 = arith.index_cast %parallel_loop3A_211 : i32 to index
        %parallel_loop3A_273 = arith.constant 48 : index
        %parallel_loop3A_274 = tpu.vector_load %arg17[%parallel_loop3A_272, %parallel_loop3A_273] {strides = array<i32>} : memref<32x256xf32, #tpu.memory_space<vmem>>, vector<16xf32>,
        %parallel_loop3A_275 = arith.index_cast %parallel_loop3A_211 : i32 to index
        %parallel_loop3A_276 = arith.constant 48 : index
        %parallel_loop3A_277 = tpu.vector_load %arg18[%parallel_loop3A_275, %parallel_loop3A_276] {strides = array<i32>} : memref<32x256xf32, #tpu.memory_space<vmem>>, vector<16xf32>,
        %parallel_loop3A_278 = arith.mulf %parallel_loop3A_274, %parallel_loop3A_277 : vector<16xf32>
        %parallel_loop3A_279 = arith.addf %parallel_loop3A_271, %parallel_loop3A_278 : vector<16xf32>
        %parallel_loop3A_280 = arith.constant true
        %parallel_loop3A_281 = vector.broadcast %parallel_loop3A_280 : i1 to vector<16xi1>
        %parallel_loop3A_282 = tpu.scan <sum>, %parallel_loop3A_279 masked %parallel_loop3A_281 : vector<16xf32>, vector<16xi1> -> vector<16xf32>
        %parallel_loop3A_283 = vector.extract %parallel_loop3A_282[15] : f32 from vector<16xf32>
        %parallel_loop3A_284 = arith.constant 0.176776692 : f32
        %parallel_loop3A_285 = arith.mulf %parallel_loop3A_283, %parallel_loop3A_284 : f32
        %parallel_loop3A_286 = arith.constant -5.000000e+00 : f32
        %parallel_loop3A_287 = arith.maximumf %parallel_loop3A_285, %parallel_loop3A_286 : f32
        %parallel_loop3A_288 = arith.constant 5.000000e+00 : f32
        %parallel_loop3A_289 = arith.minimumf %parallel_loop3A_287, %parallel_loop3A_288 : f32
        %parallel_loop3A_290 = vector.broadcast %parallel_loop3A_289 : f32 to vector<16xf32>
        %parallel_loop3A_291 = math.exp %parallel_loop3A_290 : vector<16xf32>
        %parallel_loop3A_292 = arith.constant 1 : i32
        %parallel_loop3A_293 = vector.broadcast %parallel_loop3A_292 : i32 to vector<16xi32>
        %parallel_loop3A_294 = arith.cmpi eq, %iota3A, %parallel_loop3A_293 : vector<16xi32>
        %parallel_loop3A_295 = arith.select %parallel_loop3A_294, %parallel_loop3A_291, %parallel_loop3A_242 : vector<16xi1>, vector<16xf32>
        %parallel_loop3A_296 = arith.constant 9 : i32
        %parallel_loop3A_297 = vector.broadcast %parallel_loop3A_296 : i32 to vector<16xi32>
        %parallel_loop3A_298 = arith.cmpi eq, %iota3A, %parallel_loop3A_297 : vector<16xi32>
        %parallel_loop3A_299 = arith.select %parallel_loop3A_298, %parallel_loop3A_291, %parallel_loop3A_246 : vector<16xi1>, vector<16xf32>
        %parallel_loop3A_300 = arith.index_cast %parallel_loop3A_211 : i32 to index
        %parallel_loop3A_301 = arith.constant 32 : index
        %parallel_loop3A_302 = tpu.vector_load %arg19[%parallel_loop3A_300, %parallel_loop3A_301] {strides = array<i32>} : memref<32x256xf32, #tpu.memory_space<vmem>>, vector<16xf32>,
        %parallel_loop3A_303 = arith.mulf %parallel_loop3A_302, %parallel_loop3A_291 : vector<16xf32>
        %parallel_loop3A_304 = arith.constant 0 : i32
        %parallel_loop3A_305 = arith.index_cast %parallel_loop3A_304 : i32 to index
        %parallel_loop3A_306 = arith.index_cast %parallel_loop3A_211 : i32 to index
        %parallel_loop3A_307 = arith.constant 32 : index
        %parallel_loop3A_308 = tpu.vector_load %arg20[%parallel_loop3A_305, %parallel_loop3A_306, %parallel_loop3A_307] {strides = array<i32>} : memref<3x32x128xf32, #tpu.memory_space<vmem>>, vector<16xf32>,
        tpu.vector_store %arg20[%parallel_loop3A_305, %parallel_loop3A_306, %parallel_loop3A_307], %parallel_loop3A_303 {strides = array<i32>} : memref<3x32x128xf32, #tpu.memory_space<vmem>>, vector<16xf32>,
        %parallel_loop3A_309 = arith.index_cast %parallel_loop3A_211 : i32 to index
        %parallel_loop3A_310 = arith.constant 48 : index
        %parallel_loop3A_311 = tpu.vector_load %arg19[%parallel_loop3A_309, %parallel_loop3A_310] {strides = array<i32>} : memref<32x256xf32, #tpu.memory_space<vmem>>, vector<16xf32>,
        %parallel_loop3A_312 = arith.mulf %parallel_loop3A_311, %parallel_loop3A_291 : vector<16xf32>
        %parallel_loop3A_313 = arith.constant 0 : i32
        %parallel_loop3A_314 = arith.index_cast %parallel_loop3A_313 : i32 to index
        %parallel_loop3A_315 = arith.index_cast %parallel_loop3A_211 : i32 to index
        %parallel_loop3A_316 = arith.constant 48 : index
        %parallel_loop3A_317 = tpu.vector_load %arg20[%parallel_loop3A_314, %parallel_loop3A_315, %parallel_loop3A_316] {strides = array<i32>} : memref<3x32x128xf32, #tpu.memory_space<vmem>>, vector<16xf32>,
        tpu.vector_store %arg20[%parallel_loop3A_314, %parallel_loop3A_315, %parallel_loop3A_316], %parallel_loop3A_312 {strides = array<i32>} : memref<3x32x128xf32, #tpu.memory_space<vmem>>, vector<16xf32>,
        %parallel_loop3A_318 = arith.index_cast %parallel_loop3A_211 : i32 to index
        %parallel_loop3A_319 = arith.constant 64 : index
        %parallel_loop3A_320 = tpu.vector_load %arg17[%parallel_loop3A_318, %parallel_loop3A_319] {strides = array<i32>} : memref<32x256xf32, #tpu.memory_space<vmem>>, vector<16xf32>,
        %parallel_loop3A_321 = arith.index_cast %parallel_loop3A_211 : i32 to index
        %parallel_loop3A_322 = arith.constant 64 : index
        %parallel_loop3A_323 = tpu.vector_load %arg18[%parallel_loop3A_321, %parallel_loop3A_322] {strides = array<i32>} : memref<32x256xf32, #tpu.memory_space<vmem>>, vector<16xf32>,
        %parallel_loop3A_324 = arith.mulf %parallel_loop3A_320, %parallel_loop3A_323 : vector<16xf32>
        %parallel_loop3A_325 = arith.index_cast %parallel_loop3A_211 : i32 to index
        %parallel_loop3A_326 = arith.constant 80 : index
        %parallel_loop3A_327 = tpu.vector_load %arg17[%parallel_loop3A_325, %parallel_loop3A_326] {strides = array<i32>} : memref<32x256xf32, #tpu.memory_space<vmem>>, vector<16xf32>,
        %parallel_loop3A_328 = arith.index_cast %parallel_loop3A_211 : i32 to index
        %parallel_loop3A_329 = arith.constant 80 : index
        %parallel_loop3A_330 = tpu.vector_load %arg18[%parallel_loop3A_328, %parallel_loop3A_329] {strides = array<i32>} : memref<32x256xf32, #tpu.memory_space<vmem>>, vector<16xf32>,
        %parallel_loop3A_331 = arith.mulf %parallel_loop3A_327, %parallel_loop3A_330 : vector<16xf32>
        %parallel_loop3A_332 = arith.addf %parallel_loop3A_324, %parallel_loop3A_331 : vector<16xf32>
        %parallel_loop3A_333 = arith.constant true
        %parallel_loop3A_334 = vector.broadcast %parallel_loop3A_333 : i1 to vector<16xi1>
        %parallel_loop3A_335 = tpu.scan <sum>, %parallel_loop3A_332 masked %parallel_loop3A_334 : vector<16xf32>, vector<16xi1> -> vector<16xf32>
        %parallel_loop3A_336 = vector.extract %parallel_loop3A_335[15] : f32 from vector<16xf32>
        %parallel_loop3A_337 = arith.constant 0.176776692 : f32
        %parallel_loop3A_338 = arith.mulf %parallel_loop3A_336, %parallel_loop3A_337 : f32
        %parallel_loop3A_339 = arith.constant -5.000000e+00 : f32
        %parallel_loop3A_340 = arith.maximumf %parallel_loop3A_338, %parallel_loop3A_339 : f32
        %parallel_loop3A_341 = arith.constant 5.000000e+00 : f32
        %parallel_loop3A_342 = arith.minimumf %parallel_loop3A_340, %parallel_loop3A_341 : f32
        %parallel_loop3A_343 = vector.broadcast %parallel_loop3A_342 : f32 to vector<16xf32>
        %parallel_loop3A_344 = math.exp %parallel_loop3A_343 : vector<16xf32>
        %parallel_loop3A_345 = arith.constant 2 : i32
        %parallel_loop3A_346 = vector.broadcast %parallel_loop3A_345 : i32 to vector<16xi32>
        %parallel_loop3A_347 = arith.cmpi eq, %iota3A, %parallel_loop3A_346 : vector<16xi32>
        %parallel_loop3A_348 = arith.select %parallel_loop3A_347, %parallel_loop3A_344, %parallel_loop3A_295 : vector<16xi1>, vector<16xf32>
        %parallel_loop3A_349 = arith.constant 10 : i32
        %parallel_loop3A_350 = vector.broadcast %parallel_loop3A_349 : i32 to vector<16xi32>
        %parallel_loop3A_351 = arith.cmpi eq, %iota3A, %parallel_loop3A_350 : vector<16xi32>
        %parallel_loop3A_352 = arith.select %parallel_loop3A_351, %parallel_loop3A_344, %parallel_loop3A_299 : vector<16xi1>, vector<16xf32>
        %parallel_loop3A_353 = arith.index_cast %parallel_loop3A_211 : i32 to index
        %parallel_loop3A_354 = arith.constant 64 : index
        %parallel_loop3A_355 = tpu.vector_load %arg19[%parallel_loop3A_353, %parallel_loop3A_354] {strides = array<i32>} : memref<32x256xf32, #tpu.memory_space<vmem>>, vector<16xf32>,
        %parallel_loop3A_356 = arith.mulf %parallel_loop3A_355, %parallel_loop3A_344 : vector<16xf32>
        %parallel_loop3A_357 = arith.constant 0 : i32
        %parallel_loop3A_358 = arith.index_cast %parallel_loop3A_357 : i32 to index
        %parallel_loop3A_359 = arith.index_cast %parallel_loop3A_211 : i32 to index
        %parallel_loop3A_360 = arith.constant 64 : index
        %parallel_loop3A_361 = tpu.vector_load %arg20[%parallel_loop3A_358, %parallel_loop3A_359, %parallel_loop3A_360] {strides = array<i32>} : memref<3x32x128xf32, #tpu.memory_space<vmem>>, vector<16xf32>,
        tpu.vector_store %arg20[%parallel_loop3A_358, %parallel_loop3A_359, %parallel_loop3A_360], %parallel_loop3A_356 {strides = array<i32>} : memref<3x32x128xf32, #tpu.memory_space<vmem>>, vector<16xf32>,
        %parallel_loop3A_362 = arith.index_cast %parallel_loop3A_211 : i32 to index
        %parallel_loop3A_363 = arith.constant 80 : index
        %parallel_loop3A_364 = tpu.vector_load %arg19[%parallel_loop3A_362, %parallel_loop3A_363] {strides = array<i32>} : memref<32x256xf32, #tpu.memory_space<vmem>>, vector<16xf32>,
        %parallel_loop3A_365 = arith.mulf %parallel_loop3A_364, %parallel_loop3A_344 : vector<16xf32>
        %parallel_loop3A_366 = arith.constant 0 : i32
        %parallel_loop3A_367 = arith.index_cast %parallel_loop3A_366 : i32 to index
        %parallel_loop3A_368 = arith.index_cast %parallel_loop3A_211 : i32 to index
        %parallel_loop3A_369 = arith.constant 80 : index
        %parallel_loop3A_370 = tpu.vector_load %arg20[%parallel_loop3A_367, %parallel_loop3A_368, %parallel_loop3A_369] {strides = array<i32>} : memref<3x32x128xf32, #tpu.memory_space<vmem>>, vector<16xf32>,
        tpu.vector_store %arg20[%parallel_loop3A_367, %parallel_loop3A_368, %parallel_loop3A_369], %parallel_loop3A_365 {strides = array<i32>} : memref<3x32x128xf32, #tpu.memory_space<vmem>>, vector<16xf32>,
        %parallel_loop3A_371 = arith.index_cast %parallel_loop3A_211 : i32 to index
        %parallel_loop3A_372 = arith.constant 96 : index
        %parallel_loop3A_373 = tpu.vector_load %arg17[%parallel_loop3A_371, %parallel_loop3A_372] {strides = array<i32>} : memref<32x256xf32, #tpu.memory_space<vmem>>, vector<16xf32>,
        %parallel_loop3A_374 = arith.index_cast %parallel_loop3A_211 : i32 to index
        %parallel_loop3A_375 = arith.constant 96 : index
        %parallel_loop3A_376 = tpu.vector_load %arg18[%parallel_loop3A_374, %parallel_loop3A_375] {strides = array<i32>} : memref<32x256xf32, #tpu.memory_space<vmem>>, vector<16xf32>,
        %parallel_loop3A_377 = arith.mulf %parallel_loop3A_373, %parallel_loop3A_376 : vector<16xf32>
        %parallel_loop3A_378 = arith.index_cast %parallel_loop3A_211 : i32 to index
        %parallel_loop3A_379 = arith.constant 112 : index
        %parallel_loop3A_380 = tpu.vector_load %arg17[%parallel_loop3A_378, %parallel_loop3A_379] {strides = array<i32>} : memref<32x256xf32, #tpu.memory_space<vmem>>, vector<16xf32>,
        %parallel_loop3A_381 = arith.index_cast %parallel_loop3A_211 : i32 to index
        %parallel_loop3A_382 = arith.constant 112 : index
        %parallel_loop3A_383 = tpu.vector_load %arg18[%parallel_loop3A_381, %parallel_loop3A_382] {strides = array<i32>} : memref<32x256xf32, #tpu.memory_space<vmem>>, vector<16xf32>,
        %parallel_loop3A_384 = arith.mulf %parallel_loop3A_380, %parallel_loop3A_383 : vector<16xf32>
        %parallel_loop3A_385 = arith.addf %parallel_loop3A_377, %parallel_loop3A_384 : vector<16xf32>
        %parallel_loop3A_386 = arith.constant true
        %parallel_loop3A_387 = vector.broadcast %parallel_loop3A_386 : i1 to vector<16xi1>
        %parallel_loop3A_388 = tpu.scan <sum>, %parallel_loop3A_385 masked %parallel_loop3A_387 : vector<16xf32>, vector<16xi1> -> vector<16xf32>
        %parallel_loop3A_389 = vector.extract %parallel_loop3A_388[15] : f32 from vector<16xf32>
        %parallel_loop3A_390 = arith.constant 0.176776692 : f32
        %parallel_loop3A_391 = arith.mulf %parallel_loop3A_389, %parallel_loop3A_390 : f32
        %parallel_loop3A_392 = arith.constant -5.000000e+00 : f32
        %parallel_loop3A_393 = arith.maximumf %parallel_loop3A_391, %parallel_loop3A_392 : f32
        %parallel_loop3A_394 = arith.constant 5.000000e+00 : f32
        %parallel_loop3A_395 = arith.minimumf %parallel_loop3A_393, %parallel_loop3A_394 : f32
        %parallel_loop3A_396 = vector.broadcast %parallel_loop3A_395 : f32 to vector<16xf32>
        %parallel_loop3A_397 = math.exp %parallel_loop3A_396 : vector<16xf32>
        %parallel_loop3A_398 = arith.constant 3 : i32
        %parallel_loop3A_399 = vector.broadcast %parallel_loop3A_398 : i32 to vector<16xi32>
        %parallel_loop3A_400 = arith.cmpi eq, %iota3A, %parallel_loop3A_399 : vector<16xi32>
        %parallel_loop3A_401 = arith.select %parallel_loop3A_400, %parallel_loop3A_397, %parallel_loop3A_348 : vector<16xi1>, vector<16xf32>
        %parallel_loop3A_402 = arith.constant 11 : i32
        %parallel_loop3A_403 = vector.broadcast %parallel_loop3A_402 : i32 to vector<16xi32>
        %parallel_loop3A_404 = arith.cmpi eq, %iota3A, %parallel_loop3A_403 : vector<16xi32>
        %parallel_loop3A_405 = arith.select %parallel_loop3A_404, %parallel_loop3A_397, %parallel_loop3A_352 : vector<16xi1>, vector<16xf32>
        %parallel_loop3A_406 = arith.index_cast %parallel_loop3A_211 : i32 to index
        %parallel_loop3A_407 = arith.constant 96 : index
        %parallel_loop3A_408 = tpu.vector_load %arg19[%parallel_loop3A_406, %parallel_loop3A_407] {strides = array<i32>} : memref<32x256xf32, #tpu.memory_space<vmem>>, vector<16xf32>,
        %parallel_loop3A_409 = arith.mulf %parallel_loop3A_408, %parallel_loop3A_397 : vector<16xf32>
        %parallel_loop3A_410 = arith.constant 0 : i32
        %parallel_loop3A_411 = arith.index_cast %parallel_loop3A_410 : i32 to index
        %parallel_loop3A_412 = arith.index_cast %parallel_loop3A_211 : i32 to index
        %parallel_loop3A_413 = arith.constant 96 : index
        %parallel_loop3A_414 = tpu.vector_load %arg20[%parallel_loop3A_411, %parallel_loop3A_412, %parallel_loop3A_413] {strides = array<i32>} : memref<3x32x128xf32, #tpu.memory_space<vmem>>, vector<16xf32>,
        tpu.vector_store %arg20[%parallel_loop3A_411, %parallel_loop3A_412, %parallel_loop3A_413], %parallel_loop3A_409 {strides = array<i32>} : memref<3x32x128xf32, #tpu.memory_space<vmem>>, vector<16xf32>,
        %parallel_loop3A_415 = arith.index_cast %parallel_loop3A_211 : i32 to index
        %parallel_loop3A_416 = arith.constant 112 : index
        %parallel_loop3A_417 = tpu.vector_load %arg19[%parallel_loop3A_415, %parallel_loop3A_416] {strides = array<i32>} : memref<32x256xf32, #tpu.memory_space<vmem>>, vector<16xf32>,
        %parallel_loop3A_418 = arith.mulf %parallel_loop3A_417, %parallel_loop3A_397 : vector<16xf32>
        %parallel_loop3A_419 = arith.constant 0 : i32
        %parallel_loop3A_420 = arith.index_cast %parallel_loop3A_419 : i32 to index
        %parallel_loop3A_421 = arith.index_cast %parallel_loop3A_211 : i32 to index
        %parallel_loop3A_422 = arith.constant 112 : index
        %parallel_loop3A_423 = tpu.vector_load %arg20[%parallel_loop3A_420, %parallel_loop3A_421, %parallel_loop3A_422] {strides = array<i32>} : memref<3x32x128xf32, #tpu.memory_space<vmem>>, vector<16xf32>,
        tpu.vector_store %arg20[%parallel_loop3A_420, %parallel_loop3A_421, %parallel_loop3A_422], %parallel_loop3A_418 {strides = array<i32>} : memref<3x32x128xf32, #tpu.memory_space<vmem>>, vector<16xf32>,
        %parallel_loop3A_424 = arith.index_cast %parallel_loop3A_211 : i32 to index
        %parallel_loop3A_425 = arith.constant 128 : index
        %parallel_loop3A_426 = tpu.vector_load %arg17[%parallel_loop3A_424, %parallel_loop3A_425] {strides = array<i32>} : memref<32x256xf32, #tpu.memory_space<vmem>>, vector<16xf32>,
        %parallel_loop3A_427 = arith.index_cast %parallel_loop3A_211 : i32 to index
        %parallel_loop3A_428 = arith.constant 128 : index
        %parallel_loop3A_429 = tpu.vector_load %arg18[%parallel_loop3A_427, %parallel_loop3A_428] {strides = array<i32>} : memref<32x256xf32, #tpu.memory_space<vmem>>, vector<16xf32>,
        %parallel_loop3A_430 = arith.mulf %parallel_loop3A_426, %parallel_loop3A_429 : vector<16xf32>
        %parallel_loop3A_431 = arith.index_cast %parallel_loop3A_211 : i32 to index
        %parallel_loop3A_432 = arith.constant 144 : index
        %parallel_loop3A_433 = tpu.vector_load %arg17[%parallel_loop3A_431, %parallel_loop3A_432] {strides = array<i32>} : memref<32x256xf32, #tpu.memory_space<vmem>>, vector<16xf32>,
        %parallel_loop3A_434 = arith.index_cast %parallel_loop3A_211 : i32 to index
        %parallel_loop3A_435 = arith.constant 144 : index
        %parallel_loop3A_436 = tpu.vector_load %arg18[%parallel_loop3A_434, %parallel_loop3A_435] {strides = array<i32>} : memref<32x256xf32, #tpu.memory_space<vmem>>, vector<16xf32>,
        %parallel_loop3A_437 = arith.mulf %parallel_loop3A_433, %parallel_loop3A_436 : vector<16xf32>
        %parallel_loop3A_438 = arith.addf %parallel_loop3A_430, %parallel_loop3A_437 : vector<16xf32>
        %parallel_loop3A_439 = arith.constant true
        %parallel_loop3A_440 = vector.broadcast %parallel_loop3A_439 : i1 to vector<16xi1>
        %parallel_loop3A_441 = tpu.scan <sum>, %parallel_loop3A_438 masked %parallel_loop3A_440 : vector<16xf32>, vector<16xi1> -> vector<16xf32>
        %parallel_loop3A_442 = vector.extract %parallel_loop3A_441[15] : f32 from vector<16xf32>
        %parallel_loop3A_443 = arith.constant 0.176776692 : f32
        %parallel_loop3A_444 = arith.mulf %parallel_loop3A_442, %parallel_loop3A_443 : f32
        %parallel_loop3A_445 = arith.constant -5.000000e+00 : f32
        %parallel_loop3A_446 = arith.maximumf %parallel_loop3A_444, %parallel_loop3A_445 : f32
        %parallel_loop3A_447 = arith.constant 5.000000e+00 : f32
        %parallel_loop3A_448 = arith.minimumf %parallel_loop3A_446, %parallel_loop3A_447 : f32
        %parallel_loop3A_449 = vector.broadcast %parallel_loop3A_448 : f32 to vector<16xf32>
        %parallel_loop3A_450 = math.exp %parallel_loop3A_449 : vector<16xf32>
        %parallel_loop3A_451 = arith.constant 4 : i32
        %parallel_loop3A_452 = vector.broadcast %parallel_loop3A_451 : i32 to vector<16xi32>
        %parallel_loop3A_453 = arith.cmpi eq, %iota3A, %parallel_loop3A_452 : vector<16xi32>
        %parallel_loop3A_454 = arith.select %parallel_loop3A_453, %parallel_loop3A_450, %parallel_loop3A_401 : vector<16xi1>, vector<16xf32>
        %parallel_loop3A_455 = arith.constant 12 : i32
        %parallel_loop3A_456 = vector.broadcast %parallel_loop3A_455 : i32 to vector<16xi32>
        %parallel_loop3A_457 = arith.cmpi eq, %iota3A, %parallel_loop3A_456 : vector<16xi32>
        %parallel_loop3A_458 = arith.select %parallel_loop3A_457, %parallel_loop3A_450, %parallel_loop3A_405 : vector<16xi1>, vector<16xf32>
        %parallel_loop3A_459 = arith.index_cast %parallel_loop3A_211 : i32 to index
        %parallel_loop3A_460 = arith.constant 128 : index
        %parallel_loop3A_461 = tpu.vector_load %arg19[%parallel_loop3A_459, %parallel_loop3A_460] {strides = array<i32>} : memref<32x256xf32, #tpu.memory_space<vmem>>, vector<16xf32>,
        %parallel_loop3A_462 = arith.mulf %parallel_loop3A_461, %parallel_loop3A_450 : vector<16xf32>
        %parallel_loop3A_463 = arith.constant 1 : i32
        %parallel_loop3A_464 = arith.index_cast %parallel_loop3A_463 : i32 to index
        %parallel_loop3A_465 = arith.index_cast %parallel_loop3A_211 : i32 to index
        %parallel_loop3A_466 = arith.constant 0 : index
        %parallel_loop3A_467 = tpu.vector_load %arg20[%parallel_loop3A_464, %parallel_loop3A_465, %parallel_loop3A_466] {strides = array<i32>} : memref<3x32x128xf32, #tpu.memory_space<vmem>>, vector<16xf32>,
        tpu.vector_store %arg20[%parallel_loop3A_464, %parallel_loop3A_465, %parallel_loop3A_466], %parallel_loop3A_462 {strides = array<i32>} : memref<3x32x128xf32, #tpu.memory_space<vmem>>, vector<16xf32>,
        %parallel_loop3A_468 = arith.index_cast %parallel_loop3A_211 : i32 to index
        %parallel_loop3A_469 = arith.constant 144 : index
        %parallel_loop3A_470 = tpu.vector_load %arg19[%parallel_loop3A_468, %parallel_loop3A_469] {strides = array<i32>} : memref<32x256xf32, #tpu.memory_space<vmem>>, vector<16xf32>,
        %parallel_loop3A_471 = arith.mulf %parallel_loop3A_470, %parallel_loop3A_450 : vector<16xf32>
        %parallel_loop3A_472 = arith.constant 1 : i32
        %parallel_loop3A_473 = arith.index_cast %parallel_loop3A_472 : i32 to index
        %parallel_loop3A_474 = arith.index_cast %parallel_loop3A_211 : i32 to index
        %parallel_loop3A_475 = arith.constant 16 : index
        %parallel_loop3A_476 = tpu.vector_load %arg20[%parallel_loop3A_473, %parallel_loop3A_474, %parallel_loop3A_475] {strides = array<i32>} : memref<3x32x128xf32, #tpu.memory_space<vmem>>, vector<16xf32>,
        tpu.vector_store %arg20[%parallel_loop3A_473, %parallel_loop3A_474, %parallel_loop3A_475], %parallel_loop3A_471 {strides = array<i32>} : memref<3x32x128xf32, #tpu.memory_space<vmem>>, vector<16xf32>,
        %parallel_loop3A_477 = arith.index_cast %parallel_loop3A_211 : i32 to index
        %parallel_loop3A_478 = arith.constant 160 : index
        %parallel_loop3A_479 = tpu.vector_load %arg17[%parallel_loop3A_477, %parallel_loop3A_478] {strides = array<i32>} : memref<32x256xf32, #tpu.memory_space<vmem>>, vector<16xf32>,
        %parallel_loop3A_480 = arith.index_cast %parallel_loop3A_211 : i32 to index
        %parallel_loop3A_481 = arith.constant 160 : index
        %parallel_loop3A_482 = tpu.vector_load %arg18[%parallel_loop3A_480, %parallel_loop3A_481] {strides = array<i32>} : memref<32x256xf32, #tpu.memory_space<vmem>>, vector<16xf32>,
        %parallel_loop3A_483 = arith.mulf %parallel_loop3A_479, %parallel_loop3A_482 : vector<16xf32>
        %parallel_loop3A_484 = arith.index_cast %parallel_loop3A_211 : i32 to index
        %parallel_loop3A_485 = arith.constant 176 : index
        %parallel_loop3A_486 = tpu.vector_load %arg17[%parallel_loop3A_484, %parallel_loop3A_485] {strides = array<i32>} : memref<32x256xf32, #tpu.memory_space<vmem>>, vector<16xf32>,
        %parallel_loop3A_487 = arith.index_cast %parallel_loop3A_211 : i32 to index
        %parallel_loop3A_488 = arith.constant 176 : index
        %parallel_loop3A_489 = tpu.vector_load %arg18[%parallel_loop3A_487, %parallel_loop3A_488] {strides = array<i32>} : memref<32x256xf32, #tpu.memory_space<vmem>>, vector<16xf32>,
        %parallel_loop3A_490 = arith.mulf %parallel_loop3A_486, %parallel_loop3A_489 : vector<16xf32>
        %parallel_loop3A_491 = arith.addf %parallel_loop3A_483, %parallel_loop3A_490 : vector<16xf32>
        %parallel_loop3A_492 = arith.constant true
        %parallel_loop3A_493 = vector.broadcast %parallel_loop3A_492 : i1 to vector<16xi1>
        %parallel_loop3A_494 = tpu.scan <sum>, %parallel_loop3A_491 masked %parallel_loop3A_493 : vector<16xf32>, vector<16xi1> -> vector<16xf32>
        %parallel_loop3A_495 = vector.extract %parallel_loop3A_494[15] : f32 from vector<16xf32>
        %parallel_loop3A_496 = arith.constant 0.176776692 : f32
        %parallel_loop3A_497 = arith.mulf %parallel_loop3A_495, %parallel_loop3A_496 : f32
        %parallel_loop3A_498 = arith.constant -5.000000e+00 : f32
        %parallel_loop3A_499 = arith.maximumf %parallel_loop3A_497, %parallel_loop3A_498 : f32
        %parallel_loop3A_500 = arith.constant 5.000000e+00 : f32
        %parallel_loop3A_501 = arith.minimumf %parallel_loop3A_499, %parallel_loop3A_500 : f32
        %parallel_loop3A_502 = vector.broadcast %parallel_loop3A_501 : f32 to vector<16xf32>
        %parallel_loop3A_503 = math.exp %parallel_loop3A_502 : vector<16xf32>
        %parallel_loop3A_504 = arith.constant 5 : i32
        %parallel_loop3A_505 = vector.broadcast %parallel_loop3A_504 : i32 to vector<16xi32>
        %parallel_loop3A_506 = arith.cmpi eq, %iota3A, %parallel_loop3A_505 : vector<16xi32>
        %parallel_loop3A_507 = arith.select %parallel_loop3A_506, %parallel_loop3A_503, %parallel_loop3A_454 : vector<16xi1>, vector<16xf32>
        %parallel_loop3A_508 = arith.constant 13 : i32
        %parallel_loop3A_509 = vector.broadcast %parallel_loop3A_508 : i32 to vector<16xi32>
        %parallel_loop3A_510 = arith.cmpi eq, %iota3A, %parallel_loop3A_509 : vector<16xi32>
        %parallel_loop3A_511 = arith.select %parallel_loop3A_510, %parallel_loop3A_503, %parallel_loop3A_458 : vector<16xi1>, vector<16xf32>
        %parallel_loop3A_512 = arith.index_cast %parallel_loop3A_211 : i32 to index
        %parallel_loop3A_513 = arith.constant 160 : index
        %parallel_loop3A_514 = tpu.vector_load %arg19[%parallel_loop3A_512, %parallel_loop3A_513] {strides = array<i32>} : memref<32x256xf32, #tpu.memory_space<vmem>>, vector<16xf32>,
        %parallel_loop3A_515 = arith.mulf %parallel_loop3A_514, %parallel_loop3A_503 : vector<16xf32>
        %parallel_loop3A_516 = arith.constant 1 : i32
        %parallel_loop3A_517 = arith.index_cast %parallel_loop3A_516 : i32 to index
        %parallel_loop3A_518 = arith.index_cast %parallel_loop3A_211 : i32 to index
        %parallel_loop3A_519 = arith.constant 32 : index
        %parallel_loop3A_520 = tpu.vector_load %arg20[%parallel_loop3A_517, %parallel_loop3A_518, %parallel_loop3A_519] {strides = array<i32>} : memref<3x32x128xf32, #tpu.memory_space<vmem>>, vector<16xf32>,
        tpu.vector_store %arg20[%parallel_loop3A_517, %parallel_loop3A_518, %parallel_loop3A_519], %parallel_loop3A_515 {strides = array<i32>} : memref<3x32x128xf32, #tpu.memory_space<vmem>>, vector<16xf32>,
        %parallel_loop3A_521 = arith.index_cast %parallel_loop3A_211 : i32 to index
        %parallel_loop3A_522 = arith.constant 176 : index
        %parallel_loop3A_523 = tpu.vector_load %arg19[%parallel_loop3A_521, %parallel_loop3A_522] {strides = array<i32>} : memref<32x256xf32, #tpu.memory_space<vmem>>, vector<16xf32>,
        %parallel_loop3A_524 = arith.mulf %parallel_loop3A_523, %parallel_loop3A_503 : vector<16xf32>
        %parallel_loop3A_525 = arith.constant 1 : i32
        %parallel_loop3A_526 = arith.index_cast %parallel_loop3A_525 : i32 to index
        %parallel_loop3A_527 = arith.index_cast %parallel_loop3A_211 : i32 to index
        %parallel_loop3A_528 = arith.constant 48 : index
        %parallel_loop3A_529 = tpu.vector_load %arg20[%parallel_loop3A_526, %parallel_loop3A_527, %parallel_loop3A_528] {strides = array<i32>} : memref<3x32x128xf32, #tpu.memory_space<vmem>>, vector<16xf32>,
        tpu.vector_store %arg20[%parallel_loop3A_526, %parallel_loop3A_527, %parallel_loop3A_528], %parallel_loop3A_524 {strides = array<i32>} : memref<3x32x128xf32, #tpu.memory_space<vmem>>, vector<16xf32>,
        %parallel_loop3A_530 = arith.index_cast %parallel_loop3A_211 : i32 to index
        %parallel_loop3A_531 = arith.constant 192 : index
        %parallel_loop3A_532 = tpu.vector_load %arg17[%parallel_loop3A_530, %parallel_loop3A_531] {strides = array<i32>} : memref<32x256xf32, #tpu.memory_space<vmem>>, vector<16xf32>,
        %parallel_loop3A_533 = arith.index_cast %parallel_loop3A_211 : i32 to index
        %parallel_loop3A_534 = arith.constant 192 : index
        %parallel_loop3A_535 = tpu.vector_load %arg18[%parallel_loop3A_533, %parallel_loop3A_534] {strides = array<i32>} : memref<32x256xf32, #tpu.memory_space<vmem>>, vector<16xf32>,
        %parallel_loop3A_536 = arith.mulf %parallel_loop3A_532, %parallel_loop3A_535 : vector<16xf32>
        %parallel_loop3A_537 = arith.index_cast %parallel_loop3A_211 : i32 to index
        %parallel_loop3A_538 = arith.constant 208 : index
        %parallel_loop3A_539 = tpu.vector_load %arg17[%parallel_loop3A_537, %parallel_loop3A_538] {strides = array<i32>} : memref<32x256xf32, #tpu.memory_space<vmem>>, vector<16xf32>,
        %parallel_loop3A_540 = arith.index_cast %parallel_loop3A_211 : i32 to index
        %parallel_loop3A_541 = arith.constant 208 : index
        %parallel_loop3A_542 = tpu.vector_load %arg18[%parallel_loop3A_540, %parallel_loop3A_541] {strides = array<i32>} : memref<32x256xf32, #tpu.memory_space<vmem>>, vector<16xf32>,
        %parallel_loop3A_543 = arith.mulf %parallel_loop3A_539, %parallel_loop3A_542 : vector<16xf32>
        %parallel_loop3A_544 = arith.addf %parallel_loop3A_536, %parallel_loop3A_543 : vector<16xf32>
        %parallel_loop3A_545 = arith.constant true
        %parallel_loop3A_546 = vector.broadcast %parallel_loop3A_545 : i1 to vector<16xi1>
        %parallel_loop3A_547 = tpu.scan <sum>, %parallel_loop3A_544 masked %parallel_loop3A_546 : vector<16xf32>, vector<16xi1> -> vector<16xf32>
        %parallel_loop3A_548 = vector.extract %parallel_loop3A_547[15] : f32 from vector<16xf32>
        %parallel_loop3A_549 = arith.constant 0.176776692 : f32
        %parallel_loop3A_550 = arith.mulf %parallel_loop3A_548, %parallel_loop3A_549 : f32
        %parallel_loop3A_551 = arith.constant -5.000000e+00 : f32
        %parallel_loop3A_552 = arith.maximumf %parallel_loop3A_550, %parallel_loop3A_551 : f32
        %parallel_loop3A_553 = arith.constant 5.000000e+00 : f32
        %parallel_loop3A_554 = arith.minimumf %parallel_loop3A_552, %parallel_loop3A_553 : f32
        %parallel_loop3A_555 = vector.broadcast %parallel_loop3A_554 : f32 to vector<16xf32>
        %parallel_loop3A_556 = math.exp %parallel_loop3A_555 : vector<16xf32>
        %parallel_loop3A_557 = arith.constant 6 : i32
        %parallel_loop3A_558 = vector.broadcast %parallel_loop3A_557 : i32 to vector<16xi32>
        %parallel_loop3A_559 = arith.cmpi eq, %iota3A, %parallel_loop3A_558 : vector<16xi32>
        %parallel_loop3A_560 = arith.select %parallel_loop3A_559, %parallel_loop3A_556, %parallel_loop3A_507 : vector<16xi1>, vector<16xf32>
        %parallel_loop3A_561 = arith.constant 14 : i32
        %parallel_loop3A_562 = vector.broadcast %parallel_loop3A_561 : i32 to vector<16xi32>
        %parallel_loop3A_563 = arith.cmpi eq, %iota3A, %parallel_loop3A_562 : vector<16xi32>
        %parallel_loop3A_564 = arith.select %parallel_loop3A_563, %parallel_loop3A_556, %parallel_loop3A_511 : vector<16xi1>, vector<16xf32>
        %parallel_loop3A_565 = arith.index_cast %parallel_loop3A_211 : i32 to index
        %parallel_loop3A_566 = arith.constant 192 : index
        %parallel_loop3A_567 = tpu.vector_load %arg19[%parallel_loop3A_565, %parallel_loop3A_566] {strides = array<i32>} : memref<32x256xf32, #tpu.memory_space<vmem>>, vector<16xf32>,
        %parallel_loop3A_568 = arith.mulf %parallel_loop3A_567, %parallel_loop3A_556 : vector<16xf32>
        %parallel_loop3A_569 = arith.constant 1 : i32
        %parallel_loop3A_570 = arith.index_cast %parallel_loop3A_569 : i32 to index
        %parallel_loop3A_571 = arith.index_cast %parallel_loop3A_211 : i32 to index
        %parallel_loop3A_572 = arith.constant 64 : index
        %parallel_loop3A_573 = tpu.vector_load %arg20[%parallel_loop3A_570, %parallel_loop3A_571, %parallel_loop3A_572] {strides = array<i32>} : memref<3x32x128xf32, #tpu.memory_space<vmem>>, vector<16xf32>,
        tpu.vector_store %arg20[%parallel_loop3A_570, %parallel_loop3A_571, %parallel_loop3A_572], %parallel_loop3A_568 {strides = array<i32>} : memref<3x32x128xf32, #tpu.memory_space<vmem>>, vector<16xf32>,
        %parallel_loop3A_574 = arith.index_cast %parallel_loop3A_211 : i32 to index
        %parallel_loop3A_575 = arith.constant 208 : index
        %parallel_loop3A_576 = tpu.vector_load %arg19[%parallel_loop3A_574, %parallel_loop3A_575] {strides = array<i32>} : memref<32x256xf32, #tpu.memory_space<vmem>>, vector<16xf32>,
        %parallel_loop3A_577 = arith.mulf %parallel_loop3A_576, %parallel_loop3A_556 : vector<16xf32>
        %parallel_loop3A_578 = arith.constant 1 : i32
        %parallel_loop3A_579 = arith.index_cast %parallel_loop3A_578 : i32 to index
        %parallel_loop3A_580 = arith.index_cast %parallel_loop3A_211 : i32 to index
        %parallel_loop3A_581 = arith.constant 80 : index
        %parallel_loop3A_582 = tpu.vector_load %arg20[%parallel_loop3A_579, %parallel_loop3A_580, %parallel_loop3A_581] {strides = array<i32>} : memref<3x32x128xf32, #tpu.memory_space<vmem>>, vector<16xf32>,
        tpu.vector_store %arg20[%parallel_loop3A_579, %parallel_loop3A_580, %parallel_loop3A_581], %parallel_loop3A_577 {strides = array<i32>} : memref<3x32x128xf32, #tpu.memory_space<vmem>>, vector<16xf32>,
        %parallel_loop3A_583 = arith.index_cast %parallel_loop3A_211 : i32 to index
        %parallel_loop3A_584 = arith.constant 224 : index
        %parallel_loop3A_585 = tpu.vector_load %arg17[%parallel_loop3A_583, %parallel_loop3A_584] {strides = array<i32>} : memref<32x256xf32, #tpu.memory_space<vmem>>, vector<16xf32>,
        %parallel_loop3A_586 = arith.index_cast %parallel_loop3A_211 : i32 to index
        %parallel_loop3A_587 = arith.constant 224 : index
        %parallel_loop3A_588 = tpu.vector_load %arg18[%parallel_loop3A_586, %parallel_loop3A_587] {strides = array<i32>} : memref<32x256xf32, #tpu.memory_space<vmem>>, vector<16xf32>,
        %parallel_loop3A_589 = arith.mulf %parallel_loop3A_585, %parallel_loop3A_588 : vector<16xf32>
        %parallel_loop3A_590 = arith.index_cast %parallel_loop3A_211 : i32 to index
        %parallel_loop3A_591 = arith.constant 240 : index
        %parallel_loop3A_592 = tpu.vector_load %arg17[%parallel_loop3A_590, %parallel_loop3A_591] {strides = array<i32>} : memref<32x256xf32, #tpu.memory_space<vmem>>, vector<16xf32>,
        %parallel_loop3A_593 = arith.index_cast %parallel_loop3A_211 : i32 to index
        %parallel_loop3A_594 = arith.constant 240 : index
        %parallel_loop3A_595 = tpu.vector_load %arg18[%parallel_loop3A_593, %parallel_loop3A_594] {strides = array<i32>} : memref<32x256xf32, #tpu.memory_space<vmem>>, vector<16xf32>,
        %parallel_loop3A_596 = arith.mulf %parallel_loop3A_592, %parallel_loop3A_595 : vector<16xf32>
        %parallel_loop3A_597 = arith.addf %parallel_loop3A_589, %parallel_loop3A_596 : vector<16xf32>
        %parallel_loop3A_598 = arith.constant true
        %parallel_loop3A_599 = vector.broadcast %parallel_loop3A_598 : i1 to vector<16xi1>
        %parallel_loop3A_600 = tpu.scan <sum>, %parallel_loop3A_597 masked %parallel_loop3A_599 : vector<16xf32>, vector<16xi1> -> vector<16xf32>
        %parallel_loop3A_601 = vector.extract %parallel_loop3A_600[15] : f32 from vector<16xf32>
        %parallel_loop3A_602 = arith.constant 0.176776692 : f32
        %parallel_loop3A_603 = arith.mulf %parallel_loop3A_601, %parallel_loop3A_602 : f32
        %parallel_loop3A_604 = arith.constant -5.000000e+00 : f32
        %parallel_loop3A_605 = arith.maximumf %parallel_loop3A_603, %parallel_loop3A_604 : f32
        %parallel_loop3A_606 = arith.constant 5.000000e+00 : f32
        %parallel_loop3A_607 = arith.minimumf %parallel_loop3A_605, %parallel_loop3A_606 : f32
        %parallel_loop3A_608 = vector.broadcast %parallel_loop3A_607 : f32 to vector<16xf32>
        %parallel_loop3A_609 = math.exp %parallel_loop3A_608 : vector<16xf32>
        %parallel_loop3A_610 = arith.constant 7 : i32
        %parallel_loop3A_611 = vector.broadcast %parallel_loop3A_610 : i32 to vector<16xi32>
        %parallel_loop3A_612 = arith.cmpi eq, %iota3A, %parallel_loop3A_611 : vector<16xi32>
        %parallel_loop3A_613 = arith.select %parallel_loop3A_612, %parallel_loop3A_609, %parallel_loop3A_560 : vector<16xi1>, vector<16xf32>
        %parallel_loop3A_614 = arith.constant 15 : i32
        %parallel_loop3A_615 = vector.broadcast %parallel_loop3A_614 : i32 to vector<16xi32>
        %parallel_loop3A_616 = arith.cmpi eq, %iota3A, %parallel_loop3A_615 : vector<16xi32>
        %parallel_loop3A_617 = arith.select %parallel_loop3A_616, %parallel_loop3A_609, %parallel_loop3A_564 : vector<16xi1>, vector<16xf32>
        %parallel_loop3A_618 = arith.index_cast %parallel_loop3A_211 : i32 to index
        %parallel_loop3A_619 = arith.constant 224 : index
        %parallel_loop3A_620 = tpu.vector_load %arg19[%parallel_loop3A_618, %parallel_loop3A_619] {strides = array<i32>} : memref<32x256xf32, #tpu.memory_space<vmem>>, vector<16xf32>,
        %parallel_loop3A_621 = arith.mulf %parallel_loop3A_620, %parallel_loop3A_609 : vector<16xf32>
        %parallel_loop3A_622 = arith.constant 1 : i32
        %parallel_loop3A_623 = arith.index_cast %parallel_loop3A_622 : i32 to index
        %parallel_loop3A_624 = arith.index_cast %parallel_loop3A_211 : i32 to index
        %parallel_loop3A_625 = arith.constant 96 : index
        %parallel_loop3A_626 = tpu.vector_load %arg20[%parallel_loop3A_623, %parallel_loop3A_624, %parallel_loop3A_625] {strides = array<i32>} : memref<3x32x128xf32, #tpu.memory_space<vmem>>, vector<16xf32>,
        tpu.vector_store %arg20[%parallel_loop3A_623, %parallel_loop3A_624, %parallel_loop3A_625], %parallel_loop3A_621 {strides = array<i32>} : memref<3x32x128xf32, #tpu.memory_space<vmem>>, vector<16xf32>,
        %parallel_loop3A_627 = arith.index_cast %parallel_loop3A_211 : i32 to index
        %parallel_loop3A_628 = arith.constant 240 : index
        %parallel_loop3A_629 = tpu.vector_load %arg19[%parallel_loop3A_627, %parallel_loop3A_628] {strides = array<i32>} : memref<32x256xf32, #tpu.memory_space<vmem>>, vector<16xf32>,
        %parallel_loop3A_630 = arith.mulf %parallel_loop3A_629, %parallel_loop3A_609 : vector<16xf32>
        %parallel_loop3A_631 = arith.constant 1 : i32
        %parallel_loop3A_632 = arith.index_cast %parallel_loop3A_631 : i32 to index
        %parallel_loop3A_633 = arith.index_cast %parallel_loop3A_211 : i32 to index
        %parallel_loop3A_634 = arith.constant 112 : index
        %parallel_loop3A_635 = tpu.vector_load %arg20[%parallel_loop3A_632, %parallel_loop3A_633, %parallel_loop3A_634] {strides = array<i32>} : memref<3x32x128xf32, #tpu.memory_space<vmem>>, vector<16xf32>,
        tpu.vector_store %arg20[%parallel_loop3A_632, %parallel_loop3A_633, %parallel_loop3A_634], %parallel_loop3A_630 {strides = array<i32>} : memref<3x32x128xf32, #tpu.memory_space<vmem>>, vector<16xf32>,
        %parallel_loop3A_636 = arith.index_cast %parallel_loop3A_211 : i32 to index
        %parallel_loop3A_637 = tpu.vector_load %arg15[%parallel_loop3A_636] {strides = array<i32>} : memref<48xi32, #tpu.memory_space<vmem>>, vector<16xi32>,
        %parallel_loop3A_638 = vector.extract_strided_slice %parallel_loop3A_637 {offsets = [0], sizes = [1], strides = [1]} : vector<16xi32> to vector<1xi32>
        %parallel_loop3A_639 = vector.extract %parallel_loop3A_638[0] : i32 from vector<1xi32>
        %parallel_loop3A_640 = arith.constant -16 : i32
        %parallel_loop3A_641 = arith.andi %parallel_loop3A_639, %parallel_loop3A_640 : i32
        %parallel_loop3A_642 = arith.constant 8 : i32
        %parallel_loop3A_643 = arith.andi %parallel_loop3A_639, %parallel_loop3A_642 : i32
        %parallel_loop3A_644 = arith.constant 0 : i32
        %parallel_loop3A_645 = arith.cmpi sgt, %parallel_loop3A_643, %parallel_loop3A_644 : i32
        %parallel_loop3A_646 = arith.select %parallel_loop3A_645, %parallel_loop3A_617, %parallel_loop3A_613 : vector<16xf32>
        %parallel_loop3A_647 = arith.constant 2 : i32
        %parallel_loop3A_648 = arith.index_cast %parallel_loop3A_647 : i32 to index
        %parallel_loop3A_649 = arith.index_cast %parallel_loop3A_211 : i32 to index
        %parallel_loop3A_650 = arith.index_cast %parallel_loop3A_641 : i32 to index
        %parallel_loop3A_651 = tpu.vector_load %arg20[%parallel_loop3A_648, %parallel_loop3A_649, %parallel_loop3A_650] {strides = array<i32>} : memref<3x32x128xf32, #tpu.memory_space<vmem>>, vector<16xf32>,
        tpu.vector_store %arg20[%parallel_loop3A_648, %parallel_loop3A_649, %parallel_loop3A_650], %parallel_loop3A_646 {strides = array<i32>} : memref<3x32x128xf32, #tpu.memory_space<vmem>>, vector<16xf32>,
      } {sc.loop_unroll_factor = 2 : i64, sc.parallel_access}
      %run_scoped3A = arith.constant 0 : i32
      %run_scoped3A_206 = arith.constant 0 : i32
      "tpu.region"() ({
        %run_scoped3A_211 = tpu.sem_alloc : memref<!tpu.dma_semaphore, #tpu.memory_space<semaphore_mem>>
        %dma_start3A_212 = arith.constant 0 : i32
        %dma_start3A_213 = arith.constant 0 : i32
        %dma_start3A_214 = tpu.memref_slice %arg20[%run_scoped3A, %dma_start3A_212, %dma_start3A_213] : memref<3x32x128xf32, #tpu.memory_space<vmem>> -> memref<1x32x128xf32, #tpu.memory_space<vmem>>
        %dma_start3A_215 = tpu.memref_squeeze %dma_start3A_214 : memref<1x32x128xf32, #tpu.memory_space<vmem>> -> memref<32x128xf32, #tpu.memory_space<vmem>>
        %dma_start3A_216 = arith.constant 0 : i32
        %dma_start3A_217 = tpu.memref_slice %arg13[%run_scoped3A_206, %dma_start3A_216] : memref<2x32xi32, #tpu.memory_space<vmem>> -> memref<1x32xi32, #tpu.memory_space<vmem>>
        %dma_start3A_218 = tpu.memref_squeeze %dma_start3A_217 : memref<1x32xi32, #tpu.memory_space<vmem>> -> memref<32xi32, #tpu.memory_space<vmem>>
        %dma_start3A_219 = arith.constant 0 : i32
        %dma_start3A_220 = arith.constant 0 : i32
        %dma_start3A_221 = tpu.memref_slice %arg21[%dma_start3A_219, %dma_start3A_220] : memref<10368x128xf32, #tpu.memory_space<vmem_shared>> -> memref<10368x128xf32, #tpu.memory_space<vmem_shared>>
        tpu.enqueue_indirect_dma source(%dma_start3A_215 : memref<32x128xf32, #tpu.memory_space<vmem>>) target(%dma_start3A_221 : memref<10368x128xf32, #tpu.memory_space<vmem_shared>>) offsets(%dma_start3A_218 : memref<32xi32, #tpu.memory_space<vmem>>) semaphore(%run_scoped3A_211 : memref<!tpu.dma_semaphore, #tpu.memory_space<semaphore_mem>>) {add = true}
        %dma_wait3A_222 = arith.constant 0 : i32
        %dma_wait3A_223 = arith.constant 0 : i32
        %dma_wait3A_224 = tpu.memref_slice %arg20[%run_scoped3A, %dma_wait3A_222, %dma_wait3A_223] : memref<3x32x128xf32, #tpu.memory_space<vmem>> -> memref<1x32x128xf32, #tpu.memory_space<vmem>>
        %dma_wait3A_225 = tpu.memref_squeeze %dma_wait3A_224 : memref<1x32x128xf32, #tpu.memory_space<vmem>> -> memref<32x128xf32, #tpu.memory_space<vmem>>
        %dma_wait3A_226 = arith.constant 0 : i32
        %dma_wait3A_227 = tpu.memref_slice %arg13[%run_scoped3A_206, %dma_wait3A_226] : memref<2x32xi32, #tpu.memory_space<vmem>> -> memref<1x32xi32, #tpu.memory_space<vmem>>
        %dma_wait3A_228 = tpu.memref_squeeze %dma_wait3A_227 : memref<1x32xi32, #tpu.memory_space<vmem>> -> memref<32xi32, #tpu.memory_space<vmem>>
        %dma_wait3A_229 = arith.constant 0 : i32
        %dma_wait3A_230 = arith.constant 0 : i32
        %dma_wait3A_231 = tpu.memref_slice %arg21[%dma_wait3A_229, %dma_wait3A_230] : memref<10368x128xf32, #tpu.memory_space<vmem_shared>> -> memref<10368x128xf32, #tpu.memory_space<vmem_shared>>
        tpu.wait_indirect_dma semaphore(%run_scoped3A_211 : memref<!tpu.dma_semaphore, #tpu.memory_space<semaphore_mem>>) src(%dma_wait3A_225 : memref<32x128xf32, #tpu.memory_space<vmem>>) dst(%dma_wait3A_231 : memref<10368x128xf32, #tpu.memory_space<vmem_shared>>)
        tpu.yield
      }) : () -> ()
      %run_scoped3A_207 = arith.constant 1 : i32
      %run_scoped3A_208 = arith.constant 1 : i32
      "tpu.region"() ({
        %run_scoped3A_211 = tpu.sem_alloc : memref<!tpu.dma_semaphore, #tpu.memory_space<semaphore_mem>>
        %dma_start3A_212 = arith.constant 0 : i32
        %dma_start3A_213 = arith.constant 0 : i32
        %dma_start3A_214 = tpu.memref_slice %arg20[%run_scoped3A_207, %dma_start3A_212, %dma_start3A_213] : memref<3x32x128xf32, #tpu.memory_space<vmem>> -> memref<1x32x128xf32, #tpu.memory_space<vmem>>
        %dma_start3A_215 = tpu.memref_squeeze %dma_start3A_214 : memref<1x32x128xf32, #tpu.memory_space<vmem>> -> memref<32x128xf32, #tpu.memory_space<vmem>>
        %dma_start3A_216 = arith.constant 0 : i32
        %dma_start3A_217 = tpu.memref_slice %arg13[%run_scoped3A_208, %dma_start3A_216] : memref<2x32xi32, #tpu.memory_space<vmem>> -> memref<1x32xi32, #tpu.memory_space<vmem>>
        %dma_start3A_218 = tpu.memref_squeeze %dma_start3A_217 : memref<1x32xi32, #tpu.memory_space<vmem>> -> memref<32xi32, #tpu.memory_space<vmem>>
        %dma_start3A_219 = arith.constant 0 : i32
        %dma_start3A_220 = arith.constant 0 : i32
        %dma_start3A_221 = tpu.memref_slice %arg21[%dma_start3A_219, %dma_start3A_220] : memref<10368x128xf32, #tpu.memory_space<vmem_shared>> -> memref<10368x128xf32, #tpu.memory_space<vmem_shared>>
        tpu.enqueue_indirect_dma source(%dma_start3A_215 : memref<32x128xf32, #tpu.memory_space<vmem>>) target(%dma_start3A_221 : memref<10368x128xf32, #tpu.memory_space<vmem_shared>>) offsets(%dma_start3A_218 : memref<32xi32, #tpu.memory_space<vmem>>) semaphore(%run_scoped3A_211 : memref<!tpu.dma_semaphore, #tpu.memory_space<semaphore_mem>>) {add = true}
        %dma_wait3A_222 = arith.constant 0 : i32
        %dma_wait3A_223 = arith.constant 0 : i32
        %dma_wait3A_224 = tpu.memref_slice %arg20[%run_scoped3A_207, %dma_wait3A_222, %dma_wait3A_223] : memref<3x32x128xf32, #tpu.memory_space<vmem>> -> memref<1x32x128xf32, #tpu.memory_space<vmem>>
        %dma_wait3A_225 = tpu.memref_squeeze %dma_wait3A_224 : memref<1x32x128xf32, #tpu.memory_space<vmem>> -> memref<32x128xf32, #tpu.memory_space<vmem>>
        %dma_wait3A_226 = arith.constant 0 : i32
        %dma_wait3A_227 = tpu.memref_slice %arg13[%run_scoped3A_208, %dma_wait3A_226] : memref<2x32xi32, #tpu.memory_space<vmem>> -> memref<1x32xi32, #tpu.memory_space<vmem>>
        %dma_wait3A_228 = tpu.memref_squeeze %dma_wait3A_227 : memref<1x32xi32, #tpu.memory_space<vmem>> -> memref<32xi32, #tpu.memory_space<vmem>>
        %dma_wait3A_229 = arith.constant 0 : i32
        %dma_wait3A_230 = arith.constant 0 : i32
        %dma_wait3A_231 = tpu.memref_slice %arg21[%dma_wait3A_229, %dma_wait3A_230] : memref<10368x128xf32, #tpu.memory_space<vmem_shared>> -> memref<10368x128xf32, #tpu.memory_space<vmem_shared>>
        tpu.wait_indirect_dma semaphore(%run_scoped3A_211 : memref<!tpu.dma_semaphore, #tpu.memory_space<semaphore_mem>>) src(%dma_wait3A_225 : memref<32x128xf32, #tpu.memory_space<vmem>>) dst(%dma_wait3A_231 : memref<10368x128xf32, #tpu.memory_space<vmem_shared>>)
        tpu.yield
      }) : () -> ()
      %run_scoped3A_209 = arith.constant 2 : i32
      "tpu.region"() ({
        %run_scoped3A_211 = tpu.sem_alloc : memref<!tpu.dma_semaphore, #tpu.memory_space<semaphore_mem>>
        %dma_start3A_212 = arith.constant 0 : i32
        %dma_start3A_213 = arith.constant 0 : i32
        %dma_start3A_214 = tpu.memref_slice %arg20[%run_scoped3A_209, %dma_start3A_212, %dma_start3A_213] : memref<3x32x128xf32, #tpu.memory_space<vmem>> -> memref<1x32x128xf32, #tpu.memory_space<vmem>>
        %dma_start3A_215 = tpu.memref_squeeze %dma_start3A_214 : memref<1x32x128xf32, #tpu.memory_space<vmem>> -> memref<32x128xf32, #tpu.memory_space<vmem>>
        %dma_start3A_216 = arith.constant 0 : i32
        %dma_start3A_217 = arith.constant 0 : i32
        %dma_start3A_218 = tpu.memref_slice %arg21[%dma_start3A_216, %dma_start3A_217] : memref<10368x128xf32, #tpu.memory_space<vmem_shared>> -> memref<10368x128xf32, #tpu.memory_space<vmem_shared>>
        tpu.enqueue_indirect_dma source(%dma_start3A_215 : memref<32x128xf32, #tpu.memory_space<vmem>>) target(%dma_start3A_218 : memref<10368x128xf32, #tpu.memory_space<vmem_shared>>) offsets(%arg14 : memref<32xi32, #tpu.memory_space<vmem>>) semaphore(%run_scoped3A_211 : memref<!tpu.dma_semaphore, #tpu.memory_space<semaphore_mem>>) {add = true}
        %dma_wait3A_219 = arith.constant 0 : i32
        %dma_wait3A_220 = arith.constant 0 : i32
        %dma_wait3A_221 = tpu.memref_slice %arg20[%run_scoped3A_209, %dma_wait3A_219, %dma_wait3A_220] : memref<3x32x128xf32, #tpu.memory_space<vmem>> -> memref<1x32x128xf32, #tpu.memory_space<vmem>>
        %dma_wait3A_222 = tpu.memref_squeeze %dma_wait3A_221 : memref<1x32x128xf32, #tpu.memory_space<vmem>> -> memref<32x128xf32, #tpu.memory_space<vmem>>
        %dma_wait3A_223 = arith.constant 0 : i32
        %dma_wait3A_224 = arith.constant 0 : i32
        %dma_wait3A_225 = tpu.memref_slice %arg21[%dma_wait3A_223, %dma_wait3A_224] : memref<10368x128xf32, #tpu.memory_space<vmem_shared>> -> memref<10368x128xf32, #tpu.memory_space<vmem_shared>>
        tpu.wait_indirect_dma semaphore(%run_scoped3A_211 : memref<!tpu.dma_semaphore, #tpu.memory_space<semaphore_mem>>) src(%dma_wait3A_222 : memref<32x128xf32, #tpu.memory_space<vmem>>) dst(%dma_wait3A_225 : memref<10368x128xf32, #tpu.memory_space<vmem_shared>>)
        tpu.yield
      }) : () -> ()
      %while3A_210 = arith.constant 0 : i32
      scf.yield %while3A_210 : i32
    }
    %barrier3A_50 = arith.constant 0 : index
    tpu.barrier barrier_id(%barrier3A_50)
    %mul3A_51 = arith.constant 648 : i32
    %mul3A_52 = arith.muli %arg1, %mul3A_51 : i32
    %mul3A_53 = arith.constant 10368 : i32
    %mul3A_54 = arith.muli %arg0, %mul3A_53 : i32
    %add3A_55 = arith.addi %mul3A_54, %mul3A_52 : i32
    "tpu.region"() ({
      %run_scoped3A = tpu.sem_alloc : memref<!tpu.dma_semaphore, #tpu.memory_space<semaphore_mem>>
      %dma_start3A = arith.constant 0 : i32
      %dma_start3A_56 = tpu.memref_slice %arg9[%add3A_55, %dma_start3A] : memref<20736x128xf32, #tpu.memory_space<hbm>> -> memref<648x128xf32, #tpu.memory_space<hbm>>
      %dma_start3A_57 = arith.constant 0 : i32
      %dma_start3A_58 = tpu.memref_slice %arg21[%mul3A_52, %dma_start3A_57] : memref<10368x128xf32, #tpu.memory_space<vmem_shared>> -> memref<648x128xf32, #tpu.memory_space<vmem_shared>>
      tpu.enqueue_dma source(%dma_start3A_58 : memref<648x128xf32, #tpu.memory_space<vmem_shared>>) target(%dma_start3A_56 : memref<648x128xf32, #tpu.memory_space<hbm>>) target_semaphore(%run_scoped3A : memref<!tpu.dma_semaphore, #tpu.memory_space<semaphore_mem>>)
      %dma_wait3A = arith.constant 0 : i32
      %dma_wait3A_59 = tpu.memref_slice %arg9[%add3A_55, %dma_wait3A] : memref<20736x128xf32, #tpu.memory_space<hbm>> -> memref<648x128xf32, #tpu.memory_space<hbm>>
      %dma_wait3A_60 = arith.constant 0 : i32
      %dma_wait3A_61 = tpu.memref_slice %arg21[%mul3A_52, %dma_wait3A_60] : memref<10368x128xf32, #tpu.memory_space<vmem_shared>> -> memref<648x128xf32, #tpu.memory_space<vmem_shared>>
      tpu.wait_dma2 semaphore(%run_scoped3A : memref<!tpu.dma_semaphore, #tpu.memory_space<semaphore_mem>>) src(%dma_wait3A_61 : memref<648x128xf32, #tpu.memory_space<vmem_shared>>) dst(%dma_wait3A_59 : memref<648x128xf32, #tpu.memory_space<hbm>>)
      tpu.yield
    }) : () -> ()
    return
  }
}

</mosaic_0001>

<sc_bundles>
// kernel: _run.3.cloned.1.call-start
scs
__scs_entry_jumppad:
0x0: {  	(pc) =	sbr.rel $0x88, $3  }
0x1: {  	(tag) =	ssettag $0x0;
	lr =	simm.s32 $0x1  }
0x2: {  	[smem:$0x3F9A] =	sst lr;
	_ =	strace $0xD0000000  }
0x3: {  	_ = 	snop  }
0x4: {  	_ = 	snop  }
0x5: {  	_ = 	snop  }
0x6: {  	_ = 	snop  }
0x7: {  	_ = 	snop  }
__scs_overlays_trampoline_lowered:
0x8: {  	[smem:$0x3FA9] =	sst s0  }
0x9: {  	[smem:$0x3FAA] =	sst s1  }
0xa: {  	[smem:$0x3FAB] =	sst s2  }
0xb: {  	[smem:$0x3FAC] =	sst s3  }
0xc: {  	[smem:$0x3FAD] =	sst s4  }
0xd: {  	[smem:$0x3FAE] =	sst s5  }
0xe: {  	[smem:$0x3FAF] =	sst s6  }
0xf: {  	[smem:$0x3FB0] =	sst s7  }
0x10: {  	[smem:$0x3FB1] =	sst s8  }
0x11: {  	[smem:$0x3FB2] =	sst s9;
	s0 =	simm.s32 @!p0 $0x0  }
0x12: {  	s1 =	sld [smem:$0x3F98];
	s0 =	simm.s32 @p0 $0x1  }
0x13: {  	[smem:$0x3FB3] =	sst s0;
	s0 =	simm.s32 @!p1 $0x0  }
0x14: {  	s2 =	sld [smem:$0x3F97];
	s0 =	simm.s32 @p1 $0x1  }
0x15: {  	[smem:$0x3FB4] =	sst s0;
	s0 =	simm.s32 @!p2 $0x0  }
0x16: {  	s3 =	sld [smem:$0x3FDB];
	s0 =	simm.s32 @p2 $0x1  }
0x17: {  	s4 =	simm.s32 $0x1BF5;
	[smem:$0x3FB6] =	sst s0  }
0x18: {  	s0 =	sld [smem:$0x3F99];
	_ =	swait.ge [sflag:s4], $0x0  }
0x19: {  	s7 =	sld [smem:$0x3F9A]  }
0x1a: {  	s8 =	sadd.s32 $0xFFFFE003, lr  }
0x1b: {  	s9 =	sadd.s32 $0xFFFFFEF7, lr;
	s5 =	simm.s32 $0xFFFFFFFF;
	p2 =	slt.u32 s8, $0xFFFFF086  }
0x1c: {  	p1 =	slt.u32 s9, $0xF7A;
	s5 =	simm.s32 @!p2 $0x0  }
0x1d: {  	s5 =	simm.s32 @p1 $0x1;
	p0 =	seq.s32 s7, s2  }
0x1e: {  	s7 =	smul.u32 @!p0 $0xF7A, s2;
	p2 =	seq.s32 @!p0 s5, $0x0  }
0x1f: {  	s9 =	smul.u32 $0xF7A, s1;
	s8 =	simm.s32 @!p0 $0x1BF5;
	p2 =	por !p2, p0  }
0x20: {  	[sflag:s8] =	ssyncset.s32 @!p0 $0xFFFFF086;
	s6 =	sadd.s32 @!p0 s3, s7;
	s7 =	simm.s32 @!p0 $0x108  }
0x21: {  	s3 =	sadd.s32 s3, s9;
	s6 =	sadd.s32 @!p0 $0x88, s6;
	s7 =	simm.s32 @p2 $0x1082  }
0x22: {  	[simem:s7], [sflag:s8] =	dma.local @!p0 [hbm:s6], $0xF7A  }
0x23: {  	s9 =	sor.u32 $0xD0000000, s2;
	s6 =	simm.s32 $0x108;
	_ =	swait.ge @!p0 [sflag:s8], $0x0  }
0x24: {  	s3 =	sadd.s32 $0x88, s3;
	s6 =	simm.s32 @!p1 $0x1082;
	[sflag:s4] =	ssyncset.s32 $0xFFFFF086  }
0x25: {  	[simem:s6], [sflag:s4] =	dma.local [hbm:s3], $0xF7A  }
0x26: {  	[smem:$0x3F9A] =	sst s1;
	(tag) =	ssettag s2;
	_ =	strace s9  }
0x27: {  	s1 =	sld [smem:$0x3FAA]  }
0x28: {  	s2 =	sld [smem:$0x3FAB]  }
0x29: {  	s4 =	sld [smem:$0x3FAD]  }
0x2a: {  	p0 =	seq.s32 s5, $0x0;
	s5 =	sld [smem:$0x3FAE]  }
0x2b: {  	s6 =	sld [smem:$0x3FAF]  }
0x2c: {  	s7 =	sld [smem:$0x3FB0]  }
0x2d: {  	s3 =	simm.s32 $0x108;
	s8 =	sld [smem:$0x3FB1]  }
0x2e: {  	s3 =	simm.s32 @!p0 $0x1082;
	s9 =	sld [smem:$0x3FB2]  }
0x2f: {  	lr =	sadd.s32 s0, s3;
	s0 =	sld [smem:$0x3FA9]  }
0x30: {  	s3 =	sld [smem:$0x3FAC]  }
0x31: {  	[smem:$0x3FB5] =	sst s10  }
0x32: {  	s10 =	sld [smem:$0x3FB3];
	_ =	sdelay $0x3  }
0x33: {  	p0 =	seq.s32 s10, $0x1;
	s10 =	sld [smem:$0x3FB5];
	_ =	sdelay $0x3  }
0x34: {  	[smem:$0x3FB5] =	sst s10  }
0x35: {  	s10 =	sld [smem:$0x3FB4];
	_ =	sdelay $0x3  }
0x36: {  	p1 =	seq.s32 s10, $0x1;
	s10 =	sld [smem:$0x3FB5];
	_ =	sdelay $0x3  }
0x37: {  	[smem:$0x3FB5] =	sst s10  }
0x38: {  	s10 =	sld [smem:$0x3FB6]  }
0x39: {  	_ = 	snop;
	(pc) =	sbr.ind lr, $3  }
0x3a: {  	_ = 	snop  }
0x3b: {  	_ = 	snop  }
0x3c: {  	p2 =	seq.s32 s10, $0x1;
	s10 =	sld [smem:$0x3FB5]  }
0x3d: {  	_ =	shalt  }
0x3e: {  	_ =	shalt  }
0x3f: {  	_ =	shalt  }
0x40: {  	_ =	shalt  }
0x41: {  	_ =	shalt  }
0x42: {  	_ =	shalt  }
0x43: {  	_ =	shalt  }
0x44: {  	_ =	shalt  }
0x45: {  	_ =	shalt  }
0x46: {  	_ =	shalt  }
0x47: {  	_ =	shalt  }
0x48: {  	_ =	shalt  }
0x49: {  	_ =	shalt  }
0x4a: {  	_ =	shalt  }
0x4b: {  	_ =	shalt  }
0x4c: {  	_ =	shalt  }
0x4d: {  	_ =	shalt  }
0x4e: {  	_ =	shalt  }
0x4f: {  	_ =	shalt  }
0x50: {  	_ =	shalt  }
0x51: {  	_ =	shalt  }
0x52: {  	_ =	shalt  }
0x53: {  	_ =	shalt  }
0x54: {  	_ =	shalt  }
0x55: {  	_ =	shalt  }
0x56: {  	_ =	shalt  }
0x57: {  	_ =	shalt  }
0x58: {  	_ =	shalt  }
0x59: {  	_ =	shalt  }
0x5a: {  	_ =	shalt  }
0x5b: {  	_ =	shalt  }
0x5c: {  	_ =	shalt  }
0x5d: {  	_ =	shalt  }
0x5e: {  	_ =	shalt  }
0x5f: {  	_ =	shalt  }
0x60: {  	_ =	shalt  }
0x61: {  	_ =	shalt  }
0x62: {  	_ =	shalt  }
0x63: {  	_ =	shalt  }
0x64: {  	_ =	shalt  }
0x65: {  	_ =	shalt  }
0x66: {  	_ =	shalt  }
0x67: {  	_ =	shalt  }
0x68: {  	_ =	shalt  }
0x69: {  	_ =	shalt  }
0x6a: {  	_ =	shalt  }
0x6b: {  	_ =	shalt  }
0x6c: {  	_ =	shalt  }
0x6d: {  	_ =	shalt  }
0x6e: {  	_ =	shalt  }
0x6f: {  	_ =	shalt  }
0x70: {  	_ =	shalt  }
0x71: {  	_ =	shalt  }
0x72: {  	_ =	shalt  }
0x73: {  	_ =	shalt  }
0x74: {  	_ =	shalt  }
0x75: {  	_ =	shalt  }
0x76: {  	_ =	shalt  }
0x77: {  	_ =	shalt  }
0x78: {  	_ =	shalt  }
0x79: {  	_ =	shalt  }
0x7a: {  	_ =	shalt  }
0x7b: {  	_ =	shalt  }
0x7c: {  	_ =	shalt  }
0x7d: {  	_ =	shalt  }
0x7e: {  	_ =	shalt  }
0x7f: {  	_ =	shalt  }
0x80: {  	_ =	shalt  }
0x81: {  	_ =	shalt  }
0x82: {  	_ =	shalt  }
0x83: {  	_ =	shalt  }
0x84: {  	_ =	shalt  }
0x85: {  	_ =	shalt  }
0x86: {  	_ =	shalt  }
0x87: {  	_ =	shalt  }
.Lfunc_end0:
.L_simem_size_0:
called_computation_lowered:
.L_overlay_start_0:
0x88: {  	s2 =	sld [smem:$0x3FD9]  }
0x89: {  	s3 =	sld [smem:$0x3FFE];
	_ =	sdelay $0x1  }
0x8a: {  	s1 =	srdreg.scid  }
0x8b: {  	s0 =	sand.u32 $0x1, s1  }
0x8c: {  	s18 =	sshll.u32 s0, $0xA;
	s2 =	sadd.s32 s3, s2  }
0x8d: {  	s2 =	sadd.s32 s2, s18  }
0x8e: {  	[smem:$0x3FC1] =	sst s2  }
0x8f: {  	_ = 	snop  }
0x90: {  	s2 =	sld [smem:$0x3FC9]  }
0x91: {  	s19 =	sld [smem:$0x3FC8]  }
0x92: {  	s4 =	sld [smem:$0x3FC7]  }
0x93: {  	s5 =	sld [smem:$0x3FC6]  }
0x94: {  	s6 =	sld [smem:$0x3FC5]  }
0x95: {  	s7 =	sld [smem:$0x3FC4]  }
0x96: {  	s8 =	sld [smem:$0x3FC3]  }
0x97: {  	s9 =	sld [smem:$0x3FD0];
	(tm) =	ssettm $0x1  }
0x98: {  	s10 =	sld [smem:$0x3FFB];
	_ =	sdelay $0x3  }
0x99: {  	_ =	strace s10  }
0x9a: {  	s10 =	sld [smem:$0x3FFC];
	_ =	sdelay $0x3  }
0x9b: {  	_ =	strace s10  }
0x9c: {  	s10 =	sld [smem:$0x3FFD];
	_ =	sdelay $0x3  }
0x9d: {  	_ =	strace s10  }
0x9e: {  	_ =	strace $0x8FFFFFFF  }
0x9f: {  	s20 =	sld [smem:$0x3FDB];
	_ =	sdelay $0x1  }
0xa0: {  	s11 =	simm.s32 $_scs_section_size  }
0xa1: {  	s12 =	simm.s32 $_size__tile_overlayer_lowered;
	s13 =	simm.s32 $_tile_overlayer_lowered  }
0xa2: {  	s23 =	simm.s32 $0x1BFF;
	s22 =	sshll.u32 s13, $0x1;
	s10 =	sadd.s32 s11, s20  }
0xa3: {  	s14 =	simm.s32 $0x0;
	s21 =	sshll.u32 s12, $0x1;
	s12 =	sadd.s32 s22, s10  }
0xa4: {  	[timem:s14], [sflag:s23] =	dma.local [hbm:s12], s21  }
0xa5: {  	_ =	swait.ge [sflag:s23], s21  }
0xa6: {  	s11 =	ssub.s32 $0x0, s21;
	[sflag:s23] =	ssyncset.done $0x0  }
0xa7: {  	[sflag:s23] =	ssyncadd.s32 s11;
	_ =	sdelay $0x1  }
0xa8: {  	s24 =	simm.s32 $0x1B8B  }
0xa9: {  	_ =	swait.ge [sflag:s24], $0x1  }
0xaa: {  	[sflag:s24] =	ssyncset.done $0x0  }
0xab: {  	s25 =	simm.s32 $0x1B8E;
	[sflag:s24] =	ssyncadd.s32 $0xFFFFFFFF  }
0xac: {  	s26 =	simm.s32 $execute0_lowered;
	[smem:$0x3FD2] =	sst s25  }
0xad: {  	s11 =	sshll.u32 s26, $0x1;
	_ =	strace $0x80000046;
	[dreg:$0x1] =	wrdreg $0xFFFFFFFF  }
0xae: {  	s28 =	simm.s32 $_size_execute0_lowered;
	s10 =	sadd.s32 s10, s11;
	[dreg:$0x0] =	wrdreg $0x0  }
0xaf: {  	s11 =	sshll.u32 s28, $0x1;
	[dreg:$0x2] =	wrdreg s10  }
0xb0: {  	[dreg:$0x3] =	wrdreg s11  }
0xb1: {  	[dreg:$0x4] =	wrdreg $0xC0  }
0xb2: {  	_ =	task [dreg:s14], $0x5FFFF  }
0xb3: {  	[dreg:$0x1] =	wrdreg $0xFFFFFFFF  }
0xb4: {  	[dreg:$0x0] =	wrdreg $0x60  }
0xb5: {  	[dreg:$0x2] =	wrdreg s2  }
0xb6: {  	[dreg:$0x3] =	wrdreg s19  }
0xb7: {  	[dreg:$0x4] =	wrdreg s4  }
0xb8: {  	[dreg:$0x5] =	wrdreg s5  }
0xb9: {  	[dreg:$0x6] =	wrdreg s6  }
0xba: {  	[dreg:$0x7] =	wrdreg s7  }
0xbb: {  	[dreg:$0x8] =	wrdreg s8  }
0xbc: {  	[dreg:$0x9] =	wrdreg s9  }
0xbd: {  	[dreg:$0xa] =	wrdreg $0x94000  }
0xbe: {  	[dreg:$0xb] =	wrdreg $0x9  }
0xbf: {  	_ =	task.clear_ibuf [dreg:s14], $0xCFFFF;
	_ =	strace $0x90000046  }
0xc0: {  	s29 =	simm.s32 $0x9;
	_ =	strace $0x80000048  }
0xc1: {  	_ =	swait.ge [sflag:s29], $0x1  }
0xc2: {  	[sflag:s29] =	ssyncadd.s32 $0xFFFFFFFF  }
0xc3: {  	_ =	strace $0x90000048  }
0xc4: {  	_ =	sfence  }
0xc5: {  	s30 =	sld [smem:$0x0];
	_ =	sdelay $0x2  }
0xc6: {  	s31 =	sshll.u32 s1, $0xD;
	s1 =	sshrl.u32 s1, $0x2  }
0xc7: {  	s3 =	sand.u32 $0x4000, s31;
	s1 =	sadd.s32 s1, s30  }
0xc8: {  	s0 =	sor.u32 s3, s0;
	s1 =	sshll.u32 s1, $0x11  }
0xc9: {  	s0 =	sor.u32 s1, s0  }
0xca: {  	s0 =	sadd.s32 $0x8F2B, s0  }
0xcb: {  	[sflag:s0] =	ssyncadd.remote.s32 $0x1  }
0xcc: {  	_ =	sfence.sel $0xFFFF  }
0xcd: {  	[dreg:$0x0] =	wrdreg $0xFFFFFFFF;
	(pc) =	sbr.abs _section_cstart, $3  }
0xce: {  	[dreg:$0x1] =	wrdreg $0xFFFFFFFF  }
0xcf: {  	_ =	task.clear_ibuf [dreg:s14], $0x2FFFF;
	_ =	strace $0x9FFFFFFF  }
0xd0: {  	(tm) =	ssettm $0x7FFFFFFF  }
0xd1: {  	_ =	shalt  }
tec
execute0_lowered:
.L_overlay_start_1:
0x0: {  	(tag) =	ssettag $0x1  }
0x1: {  	s7 =	rddreg [dreg:$0x6]  }
0x2: {  	s0 =	rddreg [dreg:$0x7]  }
0x3: {  	s9 =	rddreg [dreg:$0x8]  }
0x4: {  	s2 =	simm.s32 $0x0;
	s1 =	srdreg.scid;
	s8 =	stileid.u32  }
0x5: {  	[smem:$0x7FF] =	sst s2;
	s28 =	smul.u32 $0x51000, s8  }
0x6: {  	v1 =	vlaneseq.u32;
	s1 =	sand.u32 $0x1, s1;
	s4 =	smul.u32 $0x2880, s8;
	s29 =	sshll.u32 s8, $0x6  }
0x7: {  	vm0 =	vmmov $0xffff;
	v58 =	vand.u32 $0x7, v1;
	_ =	strace $0x80000047;
	s3 =	ssub.s32 $0x2, s1;
	s6 =	smul.u32 $0x28800, s1  }
0x8: {  	v59 =	vimm.s32 $0x0;
	vm1 =	vmmov $0x1;
	v60 =	vor.u32 $0x8, v1;
	s30 =	smul.u32 $0x1388, s1;
	s1 =	sshll.u32 s1, $0x1;
	[tilespmem:$0x1FF90] =	vst v58;
	s5 =	sshrl.u32 s3, $0x1  }
0x9: {  	vm2 =	vmmov $0xff;
	vm4 =	vmmov $0x1ff;
	v61 =	vor.u32 $0x80, v1;
	[tilespmem:$0x1FFC0] =	vst v60;
	s2 =	sshrl.u32 s28, $0x2;
	s7 =	sadd.s32 s7, s4;
	[dreg:$0xc] =	wrdreg s1  }
0xa: {  	vm5 =	vcmask $0x720;
	v0 =	vshrl.u32 v1, $0x3;
	v62 =	vor.u32 $0x10, v1;
	[tilespmem:$0x1FFD0] =	vst v61;
	s3 =	ssub.s32 s3, s5;
	s2 =	sadd.s32 s2, s9;
	[dreg:$0xa] =	wrdreg s7  }
.Ltmp0:
0xb: {  	vm6 =	vmmov $0x3ff;
	v63 =	vor.u32 $0x90, v1;
	v0 =	vmul.u32 $0x8, v0;
	[tilespmem:$0x1FFE0] =	vst v62;
	s7 =	sor.u32 $0x1C02, s29;
	s4 =	sadd.s32 s4, s6;
	(pc) =	sbr.rel .LBB2_1-.Ltmp0, $4  }
0xc: {  	vm7 =	vcmask $0xB20;
	vm8 =	vmmov $0x7ff;
	vm9 =	vcmask $0xF20;
	[tilespmem:$0x1FFF0] =	vst v63;
	s5 =	simm.s32 $0x180;
	s0 =	sadd.s32 s0, s4;
	[dreg:$0xb] =	wrdreg s7  }
0xd: {  	vm10 =	vmmov $0xfff;
	vm11 =	vcmask $0x1320;
	v2 =	vmov s30;
	[tilespmem:$0x1FFA0] =	vst v0;
	s6 =	simm.s32 $0x280;
	s31 =	smax.u32 s3, $0x1;
	[dreg:$0xd] =	wrdreg s0  }
0xe: {  	vm12 =	vmmov $0x1fff;
	vm13 =	vcmask $0x1720;
	v0 =	vsel vm0, $0xFFFFFFFF, v59;
	s1 =	sshrl.u32 s2, $0x3;
	s3 =	simm.s32 $0x2;
	[tilespmem:$0x1FF80] =	vst v2;
	[dreg:$0xe] =	wrdreg s31  }
0xf: {  	vm14 =	vmmov $0x3fff;
	vm15 =	vcmask $0x1B20;
	vm0 =	vmmov $0x7fff;
	[tilespmem:$0x1FFB0] =	vst v0;
	s4 =	simm.s32 $0x8400;
	s2 =	simm.s32 $0x0;
	[dreg:$0xf] =	wrdreg s1  }
.LBB2_6:
0x10: {  	[bflag:$0x0] =	sbarrier.arrive $0xFFFF  }
0x11: {  	s7 =	rddreg [dreg:$0xb]  }
0x12: {  	s0 =	rddreg [dreg:$0xd]  }
0x13: {  	s1 =	rddreg [dreg:$0xf]  }
0x14: {  	[hbm:s0], [sflag:s7] =	dma.local [spmem:s1], $0x2880  }
0x15: {  	_ =	swait.ge [sflag:s3], $0x2880  }
0x16: {  	s2 =	rddreg [dreg:$0x10]  }
0x17: {  	s31 =	rddreg [dreg:$0xe];
	s2 =	sadd.s32 $0x1, s2  }
0x18: {  	p0 =	sne.s32 s2, s31  }
.Ltmp1:
0x19: {  	_ = 	snop;
	(pc) =	sbr.rel @!p0 .LBB2_7-.Ltmp1, $3  }
0x1a: {  	_ =	sdelay $0x1  }
0x1b: {  	[sflag:s3] =	ssyncset.done $0x0  }
0x1c: {  	[sflag:s3] =	ssyncadd.s32 $0xFFFFD780  }
.LBB2_1:
0x1d: {  	[dreg:$0x10] =	wrdreg s2  }
0x1e: {  	s0 =	rddreg [dreg:$0xa]  }
0x1f: {  	[spmem:s1], [sflag:s7] =	dma.local [hbm:s0], $0x2880  }
0x20: {  	_ =	swait.ge [sflag:s3], $0x2880  }
0x21: {  	[sflag:s3] =	ssyncset.done $0x0  }
0x22: {  	[sflag:s3] =	ssyncadd.s32 $0xFFFFD780  }
0x23: {  	s24 =	simm.s32 $0x0;
	s25 =	simm.s32 $0x380;
	s23 =	rddreg [dreg:$0x5]  }
0x24: {  	[tilespmem:s25], [sflag:$0x2] =	stream.linear.gather [hbm4b:s23+s24], $0x80, $0x38;
	[tilespmem:$0x1D800] =	vst v63  }
0x25: {  	_ =	swait.ge [sflag:s3], $0x80  }
0x26: {  	[sflag:s3] =	ssyncset.done $0x0  }
0x27: {  	[sflag:s3] =	ssyncadd.s32 $0xFFFFFF80  }
0x28: {  	[bflag:$0x0] =	sbarrier.arrive $0xFFFF  }
0x29: {  	s26 =	rddreg [dreg:$0xc]  }
0x2a: {  	v0 =	vld [tilespmem:s26+$0x380]  }
0x2b: {  	v1 =	vld [tilespmem:s26+$0x381];
	_ =	sdelay $0x3  }
0x2c: {  	(v2sf) =	vpush v0, $0x0  }
0x2d: {  	(v2sf) =	vpush v1, $0x0;
	_ =	sdelay $0xd  }
0x2e: {  	s30 =	stileid.u32;
	s28 =	spop (v2sf)  }
0x2f: {  	s29 =	spop (v2sf);
	s0 =	sadd.s32 s30, s28  }
0x30: {  	s1 =	ssub.s32 s29, s0  }
0x31: {  	s1 =	sadd.s32 $0xF, s1  }
0x32: {  	p0 =	sgt.s32 s1, $0x0  }
0x33: {  	p1 =	slt.s32 s1, $0x1;
	s1 =	simm.s32 @!p0 $0x0  }
0x34: {  	s31 =	sand.u32 $0xF, s1  }
0x35: {  	p6 =	sne.s32 s31, $0x0  }
0x36: {  	p0 =	por !p1, !p6  }
0x37: {  	s2 =	simm.s32 $0x1;
	p0 =	por !p0, !p0  }
0x38: {  	s1 =	sshrl.u32 s1, $0x4;
	s2 =	simm.s32 @!p0 $0x0  }
0x39: {  	s1 =	ssub.s32 s1, s2  }
0x3a: {  	p0 =	slt.s32 s1, $0x1  }
.Ltmp2:
0x3b: {  	_ = 	snop;
	(pc) =	sbr.rel @p0 .LBB2_6-.Ltmp2, $2  }
0x3c: {  	_ =	sdelay $0x2  }
0x3d: {  	[dreg:$0x11] =	wrdreg s1  }
0x3e: {  	s0 =	sshll.u32 s0, $0x5  }
0x3f: {  	s1 =	simm.s32 $0x0;
	[dreg:$0x12] =	wrdreg s0  }
.LBB2_3:
0x40: {  	s0 =	sshll.u32 s1, $0x9;
	s25 =	rddreg [dreg:$0x12]  }
0x41: {  	s0 =	sadd.s32 s25, s0  }
0x42: {  	s26 =	rddreg [dreg:$0x3];
	s0 =	sshrl.u32 s0, $0x3  }
0x43: {  	[dreg:$0x13] =	wrdreg s1;
	s7 =	simm.s32 $0x0;
	s1 =	sadd.s32 s26, s0  }
0x44: {  	[tilespmem:s7], [sflag:$0x2] =	stream.linear.gather [hbm4b:s1+s7], $0x20, $0x38;
	[tilespmem:$0x1D800] =	vst v63  }
0x45: {  	_ =	swait.ge [sflag:s3], $0x20  }
0x46: {  	[sflag:s3] =	ssyncset.done $0x0  }
0x47: {  	[sflag:s3] =	ssyncadd.s32 $0xFFFFFFE0  }
0x48: {  	s2 =	rddreg [dreg:$0x4]  }
0x49: {  	s1 =	sadd.s32 s2, s0;
	s0 =	simm.s32 $0x80  }
0x4a: {  	[tilespmem:s0], [sflag:$0x2] =	stream.linear.gather [hbm4b:s1+s7], $0x20, $0x38;
	[tilespmem:$0x1D800] =	vst v63  }
0x4b: {  	_ =	swait.ge [sflag:s3], $0x20  }
0x4c: {  	[sflag:s3] =	ssyncset.done $0x0  }
0x4d: {  	s2 =	simm.s32 $0x100;
	[sflag:s3] =	ssyncadd.s32 $0xFFFFFFE0  }
0x4e: {  	[tilespmem:s2], [sflag:$0x2] =	stream.linear.gather [hbm4b:s1+s7], $0x20, $0x38;
	[tilespmem:$0x1D800] =	vst v63  }
0x4f: {  	_ =	swait.ge [sflag:s3], $0x20  }
0x50: {  	[sflag:s3] =	ssyncset.done $0x0  }
0x51: {  	[sflag:s3] =	ssyncadd.s32 $0xFFFFFFE0  }
0x52: {  	v0 =	vld [tilespmem:$0x0];
	_ =	sdelay $0x2  }
0x53: {  	v2 =	vld [tilespmem:$0x1FF90];
	_ =	sdelay $0x1  }
0x54: {  	v3 =	vld [tilespmem:$0x1FFA0];
	v1 =	vshll.u32 v0, $0x1  }
0x55: {  	v0 =	vand.u32 $0x7, v0;
	v1 =	vand.u32 $0xFFFFFFF0, v1  }
0x56: {  	v0 =	vor.u32 v0, v1  }
0x57: {  	v4 =	vld [tilespmem:$0x1FFC0];
	v1 =	vperm.xlane v0, v2  }
0x58: {  	v5 =	vld [tilespmem:$0x1FFB0]  }
0x59: {  	v1 =	vadd.s32 v3, v1;
	_ =	sdelay $0x3  }
0x5a: {  	s8 =	simm.s32 $0x400;
	s3 =	rddreg [dreg:$0x1];
	vm3 =	vnez.u8 v5;
	v0 =	vperm.xlane v0, v4  }
0x5b: {  	[tilespmem:s8], [sflag:$0x1] =	stream.indirect_vreg.gather [hbm4b:s3+s7], $0x80, v1, vm3, $0xb8;
	v1 =	vld [tilespmem:$0x1FFB0]  }
0x5c: {  	v0 =	vadd.s32 v3, v0;
	_ =	sdelay $0x3  }
0x5d: {  	s9 =	simm.s32 $0xC00;
	vm3 =	vnez.u8 v1  }
0x5e: {  	[tilespmem:s9], [sflag:$0x1] =	stream.indirect_vreg.gather [hbm4b:s3+s7], $0x80, v0, vm3, $0xb8;
	[tilespmem:$0x1D800] =	vst v63  }
0x5f: {  	v0 =	vld [tilespmem:$0x10];
	_ =	sdelay $0x4  }
0x60: {  	v1 =	vshll.u32 v0, $0x1  }
0x61: {  	v0 =	vand.u32 $0x7, v0;
	v1 =	vand.u32 $0xFFFFFFF0, v1  }
0x62: {  	v0 =	vor.u32 v0, v1  }
0x63: {  	v1 =	vperm.xlane v0, v2  }
0x64: {  	v5 =	vld [tilespmem:$0x1FFB0]  }
0x65: {  	v1 =	vadd.s32 v3, v1;
	_ =	sdelay $0x3  }
0x66: {  	s10 =	simm.s32 $0x1400;
	vm3 =	vnez.u8 v5;
	v0 =	vperm.xlane v0, v4  }
0x67: {  	[tilespmem:s10], [sflag:$0x1] =	stream.indirect_vreg.gather [hbm4b:s3+s7], $0x80, v1, vm3, $0xb8;
	v1 =	vld [tilespmem:$0x1FFB0]  }
0x68: {  	v0 =	vadd.s32 v3, v0;
	_ =	sdelay $0x3  }
0x69: {  	s11 =	simm.s32 $0x1C00;
	vm3 =	vnez.u8 v1  }
0x6a: {  	[tilespmem:s11], [sflag:$0x1] =	stream.indirect_vreg.gather [hbm4b:s3+s7], $0x80, v0, vm3, $0xb8;
	[tilespmem:$0x1D800] =	vst v63  }
0x6b: {  	v0 =	vld [tilespmem:$0x80];
	_ =	sdelay $0x4  }
0x6c: {  	v1 =	vshll.u32 v0, $0x1  }
0x6d: {  	v0 =	vand.u32 $0x7, v0;
	v1 =	vand.u32 $0xFFFFFFF0, v1  }
0x6e: {  	v0 =	vor.u32 v0, v1  }
0x6f: {  	v1 =	vperm.xlane v0, v2  }
0x70: {  	v5 =	vld [tilespmem:$0x1FFB0]  }
0x71: {  	v1 =	vadd.s32 v3, v1;
	_ =	sdelay $0x3  }
0x72: {  	s13 =	simm.s32 $0x2400;
	s12 =	rddreg [dreg:$0x0];
	vm3 =	vnez.u8 v5;
	v0 =	vperm.xlane v0, v4  }
0x73: {  	[tilespmem:s13], [sflag:$0x1] =	stream.indirect_vreg.gather [hbm4b:s12+s7], $0x80, v1, vm3, $0xb8;
	v1 =	vld [tilespmem:$0x1FFB0]  }
0x74: {  	v0 =	vadd.s32 v3, v0;
	_ =	sdelay $0x3  }
0x75: {  	s14 =	simm.s32 $0x2C00;
	vm3 =	vnez.u8 v1  }
0x76: {  	[tilespmem:s14], [sflag:$0x1] =	stream.indirect_vreg.gather [hbm4b:s12+s7], $0x80, v0, vm3, $0xb8;
	[tilespmem:$0x1D800] =	vst v63  }
0x77: {  	v0 =	vld [tilespmem:$0x90];
	_ =	sdelay $0x4  }
0x78: {  	v1 =	vshll.u32 v0, $0x1  }
0x79: {  	v0 =	vand.u32 $0x7, v0;
	v1 =	vand.u32 $0xFFFFFFF0, v1  }
0x7a: {  	v0 =	vor.u32 v0, v1  }
0x7b: {  	v1 =	vperm.xlane v0, v2  }
0x7c: {  	v5 =	vld [tilespmem:$0x1FFB0]  }
0x7d: {  	v1 =	vadd.s32 v3, v1;
	_ =	sdelay $0x3  }
0x7e: {  	s15 =	simm.s32 $0x3400;
	vm3 =	vnez.u8 v5;
	v0 =	vperm.xlane v0, v4  }
0x7f: {  	[tilespmem:s15], [sflag:$0x1] =	stream.indirect_vreg.gather [hbm4b:s12+s7], $0x80, v1, vm3, $0xb8;
	v1 =	vld [tilespmem:$0x1FFB0]  }
0x80: {  	v0 =	vadd.s32 v3, v0;
	_ =	sdelay $0x3  }
0x81: {  	s16 =	simm.s32 $0x3C00;
	vm3 =	vnez.u8 v1  }
0x82: {  	[tilespmem:s16], [sflag:$0x1] =	stream.indirect_vreg.gather [hbm4b:s12+s7], $0x80, v0, vm3, $0xb8;
	[tilespmem:$0x1D800] =	vst v63  }
0x83: {  	v0 =	vld [tilespmem:$0x0];
	_ =	sdelay $0x4  }
0x84: {  	v1 =	vshll.u32 v0, $0x1  }
0x85: {  	v0 =	vand.u32 $0x7, v0;
	v1 =	vand.u32 $0xFFFFFFF0, v1  }
0x86: {  	v0 =	vor.u32 v0, v1  }
0x87: {  	v1 =	vperm.xlane v0, v2  }
0x88: {  	v5 =	vld [tilespmem:$0x1FFB0]  }
0x89: {  	v1 =	vadd.s32 v3, v1;
	_ =	sdelay $0x3  }
0x8a: {  	s18 =	simm.s32 $0x4400;
	s17 =	rddreg [dreg:$0x2];
	vm3 =	vnez.u8 v5;
	v0 =	vperm.xlane v0, v4  }
0x8b: {  	[tilespmem:s18], [sflag:$0x1] =	stream.indirect_vreg.gather [hbm4b:s17+s7], $0x80, v1, vm3, $0xb8;
	v1 =	vld [tilespmem:$0x1FFB0]  }
0x8c: {  	v0 =	vadd.s32 v3, v0;
	_ =	sdelay $0x3  }
0x8d: {  	s19 =	simm.s32 $0x4C00;
	vm3 =	vnez.u8 v1  }
0x8e: {  	[tilespmem:s19], [sflag:$0x1] =	stream.indirect_vreg.gather [hbm4b:s17+s7], $0x80, v0, vm3, $0xb8;
	[tilespmem:$0x1D800] =	vst v63  }
0x8f: {  	v0 =	vld [tilespmem:$0x10];
	_ =	sdelay $0x4  }
0x90: {  	v1 =	vshll.u32 v0, $0x1  }
0x91: {  	v0 =	vand.u32 $0x7, v0;
	v1 =	vand.u32 $0xFFFFFFF0, v1  }
0x92: {  	v0 =	vor.u32 v0, v1  }
0x93: {  	v1 =	vperm.xlane v0, v2  }
0x94: {  	v2 =	vld [tilespmem:$0x1FFB0]  }
0x95: {  	v1 =	vadd.s32 v3, v1;
	_ =	sdelay $0x3  }
0x96: {  	s20 =	simm.s32 $0x5400;
	v0 =	vperm.xlane v0, v4;
	vm3 =	vnez.u8 v2  }
0x97: {  	[tilespmem:s20], [sflag:$0x1] =	stream.indirect_vreg.gather [hbm4b:s17+s7], $0x80, v1, vm3, $0xb8;
	v1 =	vld [tilespmem:$0x1FFB0]  }
0x98: {  	v0 =	vadd.s32 v3, v0;
	_ =	sdelay $0x3  }
0x99: {  	s21 =	simm.s32 $0x5C00;
	vm3 =	vnez.u8 v1  }
0x9a: {  	[tilespmem:s21], [sflag:$0x1] =	stream.indirect_vreg.gather [hbm4b:s17+s7], $0x80, v0, vm3, $0xb8;
	[tilespmem:$0x1D800] =	vst v63  }
0x9b: {  	s22 =	rddreg [dreg:$0x6]  }
0x9c: {  	v4 =	vld [tilespmem:$0x1FF80];
	[tilespmem:s4], [sflag:$0x1] =	stream.linear.gather [hbm4b:s22+s7], $0x1000, $0x38  }
0x9d: {  	v0 =	vld [tilespmem:$0x100]  }
0x9e: {  	v5 =	vld [tilespmem:$0x1FFD0];
	_ =	sdelay $0x1  }
0x9f: {  	v3 =	vlaneseq.u32;
	_ =	sdelay $0x1  }
0xa0: {  	v0 =	vsub.s32 v0, v4  }
0xa1: {  	v0 =	vmin.u32 v0, $0x1388  }
0xa2: {  	v1 =	vshll.u32 v0, $0x1  }
0xa3: {  	v2 =	vshrl.u32 v0, $0x4;
	[tilespmem:v3+s5+$0x0] =	vst.idx.msk $0xffff, v1;
	v1 =	vor.u32 $0x1, v1  }
0xa4: {  	v0 =	vshll.u32 v0, $0x3;
	[tilespmem:v5+s5+$0x0] =	vst.idx.msk $0xffff, v1;
	v1 =	vadd.s32 $0x2740, v2  }
0xa5: {  	s23 =	simm.s32 $0x300;
	v0 =	vand.u32 $0x78, v0;
	[tilespmem:v3+s6+$0x0] =	vst.idx.msk $0xffff, v1  }
0xa6: {  	[tilespmem:v3+s23+$0x0] =	vst.idx.msk $0xffff, v0  }
0xa7: {  	v0 =	vld [tilespmem:$0x110];
	_ =	sdelay $0x3  }
0xa8: {  	v3 =	vld [tilespmem:$0x1FFE0]  }
0xa9: {  	v0 =	vsub.s32 v0, v4;
	v4 =	vld [tilespmem:$0x1FFF0];
	_ =	sdelay $0x4  }
0xaa: {  	v0 =	vmin.u32 v0, $0x1388  }
0xab: {  	v1 =	vshll.u32 v0, $0x1  }
0xac: {  	v2 =	vshrl.u32 v0, $0x4;
	[tilespmem:v3+s5+$0x0] =	vst.idx.msk $0xffff, v1;
	v1 =	vor.u32 $0x1, v1  }
0xad: {  	v0 =	vshll.u32 v0, $0x3;
	[tilespmem:v4+s5+$0x0] =	vst.idx.msk $0xffff, v1;
	v1 =	vadd.s32 $0x2740, v2  }
0xae: {  	v0 =	vand.u32 $0x78, v0;
	[tilespmem:v3+s6+$0x0] =	vst.idx.msk $0xffff, v1  }
0xaf: {  	s24 =	simm.s32 $0x1;
	[tilespmem:v3+s23+$0x0] =	vst.idx.msk $0xffff, v0  }
0xb0: {  	_ =	swait.ge [sflag:s24], $0x2000  }
0xb1: {  	[sflag:s24] =	ssyncset.done $0x0  }
0xb2: {  	[sflag:s24] =	ssyncadd.s32 $0xFFFFE000  }
0xb3: {  	_ =	swait.ge [sflag:s24], $0x2000  }
0xb4: {  	[sflag:s24] =	ssyncset.done $0x0  }
0xb5: {  	[sflag:s24] =	ssyncadd.s32 $0xFFFFE000  }
0xb6: {  	_ =	swait.ge [sflag:s24], $0x2000  }
0xb7: {  	[sflag:s24] =	ssyncset.done $0x0  }
0xb8: {  	[sflag:s24] =	ssyncadd.s32 $0xFFFFE000  }
0xb9: {  	s25 =	simm.s32 $0x0;
	_ =	swait.ge [sflag:s24], $0x1000  }
0xba: {  	s26 =	sand.u32 $0x1800, s7;
	s1 =	sand.u32 $0x300, s25;
	[sflag:s24] =	ssyncset.done $0x0  }
0xbb: {  	s8 =	sor.u32 s1, s26;
	[sflag:s24] =	ssyncadd.s32 $0xFFFFF000  }
0xbc: {  	v0 =	vld [tilespmem:s8+$0x400]  }
0xbd: {  	v1 =	vld [tilespmem:s8+$0x2400]  }
0xbe: {  	v2 =	vld [tilespmem:s8+$0x410]  }
0xbf: {  	v3 =	vld [tilespmem:s8+$0x2410];
	_ =	sdelay $0x4  }
0xc0: {  	v0 =	vmul.f32 v1, v0;
	v1 =	vmul.f32 v3, v2;
	_ =	sdelay $0x1  }
0xc1: {  	v0 =	vadd.f32 v1, v0;
	_ =	sdelay $0x1  }
0xc2: {  	(xrf2) =	vadd.scan.msk.f32 $0xffff, v0;
	_ =	sdelay $0x9  }
0xc3: {  	s0 =	sand.u32 $0x380, s0;
	v0, _, _ =	vpop (xrf2)  }
0xc4: {  	s16 =	sor.u32 s26, s0;
	(v2sf) =	vpush v0, $0xF  }
0xc5: {  	v2 =	vld [tilespmem:s16+$0x410]  }
0xc6: {  	v3 =	vld [tilespmem:s16+$0x2410]  }
0xc7: {  	v1 =	vld [tilespmem:s16+$0x2400]  }
0xc8: {  	v0 =	vld [tilespmem:s16+$0x400];
	_ =	sdelay $0x4  }
0xc9: {  	v0 =	vmul.f32 v1, v0;
	v1 =	vmul.f32 v3, v2;
	_ =	sdelay $0x1  }
0xca: {  	v0 =	vadd.f32 v1, v0;
	_ =	sdelay $0x1  }
0xcb: {  	(xrf2) =	vadd.scan.msk.f32 $0xffff, v0;
	_ =	sdelay $0x1  }
0xcc: {  	s4 =	spop (v2sf)  }
0xcd: {  	s0 =	smul.f32 $1.767766920e-01, s4;
	_ =	sdelay $0x1  }
0xce: {  	s0 =	smax.f32 s0, $-5.000000000e+00  }
0xcf: {  	s0 =	smin.f32 s0, $5.000000000e+00  }
0xd0: {  	v0 =	vmov s0  }
0xd1: {  	v0 =	vmul.f32 $1.442695020e+00, v0;
	_ =	sdelay $0x1  }
0xd2: {  	v1, _, _ =	vpop (xrf2);
	v0 =	vbroadcast v0, $0x0  }
0xd3: {  	(v2sf) =	vpush v1, $0xF  }
0xd4: {  	(erf) = vpow2.f32 v0;
	_ =	sdelay $0x4  }
0xd5: {  	v0 =	vld [tilespmem:s8+$0x4400];
	_ =	sdelay $0x3  }
0xd6: {  	v1 =	vpop (erf)  }
0xd7: {  	v0 =	vmul.f32 v1, v0  }
0xd8: {  	s28 =	simm.s32 $0x6400;
	[tilespmem:$0x1FE60] =	vst v1  }
0xd9: {  	[tilespmem:s28+$0x0] =	vst v0  }
0xda: {  	v0 =	vld [tilespmem:s8+$0x4410]  }
0xdb: {  	s5 =	spop (v2sf)  }
0xdc: {  	s0 =	smul.f32 $1.767766920e-01, s5;
	_ =	sdelay $0x1  }
0xdd: {  	s0 =	smax.f32 s0, $-5.000000000e+00  }
0xde: {  	s0 =	smin.f32 s0, $5.000000000e+00;
	v0 =	vmul.f32 v1, v0  }
0xdf: {  	v1 =	vmov s0  }
0xe0: {  	v1 =	vmul.f32 $1.442695020e+00, v1;
	[tilespmem:s28+$0x10] =	vst v0  }
0xe1: {  	v0 =	vld [tilespmem:s8+$0x420]  }
0xe2: {  	v1 =	vbroadcast v1, $0x0;
	v2 =	vld [tilespmem:s8+$0x2420]  }
0xe3: {  	v3 =	vld [tilespmem:s8+$0x430]  }
0xe4: {  	(erf) = vpow2.f32 v1;
	v1 =	vld [tilespmem:s8+$0x2430];
	_ =	sdelay $0x4  }
0xe5: {  	v4 =	vld [tilespmem:s16+$0x4400];
	v0 =	vmul.f32 v2, v0;
	v1 =	vmul.f32 v1, v3;
	_ =	sdelay $0x1  }
0xe6: {  	v0 =	vadd.f32 v1, v0;
	_ =	sdelay $0x1  }
0xe7: {  	v1 =	vpop (erf);
	(xrf2) =	vadd.scan.msk.f32 $0xffff, v0  }
0xe8: {  	v0 =	vmul.f32 v1, v4  }
0xe9: {  	[tilespmem:$0x1FDA0] =	vst v1  }
0xea: {  	[tilespmem:s28+$0x80] =	vst v0  }
0xeb: {  	v0 =	vld [tilespmem:s16+$0x4410];
	_ =	sdelay $0x4  }
0xec: {  	v0 =	vmul.f32 v1, v0  }
0xed: {  	v1, _, _ =	vpop (xrf2)  }
0xee: {  	[tilespmem:s28+$0x90] =	vst v0;
	(v2sf) =	vpush v1, $0xF  }
0xef: {  	v0 =	vld [tilespmem:s16+$0x420]  }
0xf0: {  	s7 =	simm.s32 $0x200;
	s6 =	simm.s32 $0x100;
	v1 =	vld [tilespmem:s16+$0x2420]  }
0xf1: {  	s1 =	sand.u32 $0x1800, s7;
	s0 =	sand.u32 $0x300, s6;
	v2 =	vld [tilespmem:s16+$0x430]  }
0xf2: {  	s4 =	sor.u32 s0, s1;
	v3 =	vld [tilespmem:s16+$0x2430]  }
0xf3: {  	v4 =	vld [tilespmem:s4+$0x400]  }
0xf4: {  	v5 =	vld [tilespmem:s4+$0x2400]  }
0xf5: {  	v6 =	vld [tilespmem:s4+$0x410]  }
0xf6: {  	v7 =	vld [tilespmem:s4+$0x2410]  }
0xf7: {  	v0 =	vmul.f32 v1, v0;
	v1 =	vmul.f32 v3, v2;
	_ =	sdelay $0x1  }
0xf8: {  	v0 =	vadd.f32 v1, v0;
	_ =	sdelay $0x1  }
0xf9: {  	v1 =	vmul.f32 v7, v6;
	(xrf2) =	vadd.scan.msk.f32 $0xffff, v0;
	v0 =	vmul.f32 v5, v4;
	_ =	sdelay $0x1  }
0xfa: {  	v0 =	vadd.f32 v1, v0;
	s9 =	spop (v2sf)  }
0xfb: {  	s0 =	smul.f32 $1.767766920e-01, s9  }
0xfc: {  	(xrf2) =	vadd.scan.msk.f32 $0xffff, v0  }
0xfd: {  	s0 =	smax.f32 s0, $-5.000000000e+00  }
0xfe: {  	s0 =	smin.f32 s0, $5.000000000e+00  }
0xff: {  	v0 =	vmov s0  }
0x100: {  	v0 =	vmul.f32 $1.442695020e+00, v0;
	_ =	sdelay $0x1  }
0x101: {  	s10 =	simm.s32 $0x180;
	v1, _, _ =	vpop (xrf2);
	v0 =	vbroadcast v0, $0x0  }
0x102: {  	s0 =	sand.u32 $0x380, s10;
	(v2sf) =	vpush v1, $0xF  }
0x103: {  	s29 =	sor.u32 s1, s0;
	(erf) = vpow2.f32 v0  }
0x104: {  	v1 =	vld [tilespmem:s29+$0x2400]  }
0x105: {  	v3 =	vld [tilespmem:s29+$0x410];
	v2, _, _ =	vpop (xrf2)  }
0x106: {  	v0 =	vld [tilespmem:s29+$0x400];
	(v2sf) =	vpush v2, $0xF  }
0x107: {  	v2 =	vld [tilespmem:s29+$0x2410]  }
0x108: {  	v4 =	vld [tilespmem:s8+$0x4420];
	_ =	sdelay $0x3  }
0x109: {  	v0 =	vmul.f32 v1, v0;
	v1 =	vmul.f32 v2, v3;
	v3 =	vpop (erf)  }
0x10a: {  	v2 =	vmul.f32 v3, v4  }
0x10b: {  	v0 =	vadd.f32 v1, v0;
	[tilespmem:$0x1FE70] =	vst v3  }
0x10c: {  	[tilespmem:s28+$0x20] =	vst v2  }
0x10d: {  	(xrf2) =	vadd.scan.msk.f32 $0xffff, v0;
	v0 =	vld [tilespmem:s8+$0x4430]  }
0x10e: {  	s11 =	spop (v2sf)  }
0x10f: {  	s0 =	smul.f32 $1.767766920e-01, s11;
	_ =	sdelay $0x1  }
0x110: {  	s0 =	smax.f32 s0, $-5.000000000e+00  }
0x111: {  	s0 =	smin.f32 s0, $5.000000000e+00;
	s12 =	spop (v2sf);
	v0 =	vmul.f32 v3, v0  }
0x112: {  	v1 =	vmov s0;
	s13 =	smul.f32 $1.767766920e-01, s12  }
0x113: {  	v1 =	vmul.f32 $1.442695020e+00, v1;
	[tilespmem:s28+$0x30] =	vst v0  }
0x114: {  	s0 =	smax.f32 s13, $-5.000000000e+00;
	v0 =	vld [tilespmem:s8+$0x440]  }
0x115: {  	v1 =	vbroadcast v1, $0x0;
	s0 =	smin.f32 s0, $5.000000000e+00;
	v2 =	vld [tilespmem:s8+$0x2440]  }
0x116: {  	v3, _, _ =	vpop (xrf2);
	v4 =	vmov s0;
	v5 =	vld [tilespmem:s8+$0x450]  }
0x117: {  	(v2sf) =	vpush v3, $0xF;
	(erf) = vpow2.f32 v1;
	v1 =	vmul.f32 $1.442695020e+00, v4;
	v3 =	vld [tilespmem:s8+$0x2450];
	_ =	sdelay $0x1  }
0x118: {  	v1 =	vbroadcast v1, $0x0;
	_ =	sdelay $0x1  }
0x119: {  	(erf) = vpow2.f32 v1  }
0x11a: {  	v0 =	vmul.f32 v2, v0;
	v2 =	vmul.f32 v3, v5  }
0x11b: {  	v1 =	vld [tilespmem:s16+$0x4420]  }
0x11c: {  	v0 =	vadd.f32 v2, v0;
	_ =	sdelay $0x1  }
0x11d: {  	(xrf2) =	vadd.scan.msk.f32 $0xffff, v0  }
0x11e: {  	v2 =	vld [tilespmem:s4+$0x4400];
	v5 =	vpop (erf)  }
0x11f: {  	v0 =	vmul.f32 v5, v1  }
0x120: {  	[tilespmem:$0x1FDB0] =	vst v5  }
0x121: {  	[tilespmem:s28+$0xA0] =	vst v0  }
0x122: {  	v0 =	vld [tilespmem:s16+$0x4430];
	v4 =	vpop (erf)  }
0x123: {  	v1 =	vmul.f32 v4, v2;
	s14 =	spop (v2sf)  }
0x124: {  	s20 =	simm.s32 $0x6500;
	[tilespmem:$0x1FEC0] =	vst v4;
	s0 =	smul.f32 $1.767766920e-01, s14  }
0x125: {  	[tilespmem:s20+$0x0] =	vst v1  }
0x126: {  	v1 =	vld [tilespmem:s4+$0x4410];
	s0 =	smax.f32 s0, $-5.000000000e+00  }
0x127: {  	v0 =	vmul.f32 v5, v0;
	s0 =	smin.f32 s0, $5.000000000e+00;
	v2, _, _ =	vpop (xrf2)  }
0x128: {  	v3 =	vmov s0;
	(v2sf) =	vpush v2, $0xF  }
0x129: {  	[tilespmem:s28+$0xB0] =	vst v0;
	v0 =	vmul.f32 $1.442695020e+00, v3  }
0x12a: {  	v2 =	vld [tilespmem:s16+$0x440]  }
0x12b: {  	v3 =	vld [tilespmem:s16+$0x2440];
	v1 =	vmul.f32 v4, v1;
	v0 =	vbroadcast v0, $0x0  }
0x12c: {  	v5 =	vld [tilespmem:s16+$0x2450]  }
0x12d: {  	v4 =	vld [tilespmem:s16+$0x450];
	[tilespmem:s20+$0x10] =	vst v1;
	(erf) = vpow2.f32 v0  }
0x12e: {  	v0 =	vld [tilespmem:s4+$0x420]  }
0x12f: {  	v1 =	vld [tilespmem:s4+$0x2420]  }
0x130: {  	v6 =	vld [tilespmem:s4+$0x430]  }
0x131: {  	v7 =	vld [tilespmem:s4+$0x2430]  }
0x132: {  	v8 =	vld [tilespmem:s29+$0x4400];
	_ =	sdelay $0x2  }
0x133: {  	v2 =	vmul.f32 v3, v2;
	v3 =	vmul.f32 v5, v4  }
0x134: {  	v0 =	vmul.f32 v1, v0;
	v1 =	vmul.f32 v7, v6;
	v4 =	vpop (erf)  }
0x135: {  	v2 =	vadd.f32 v3, v2;
	v3 =	vmul.f32 v4, v8;
	s15 =	spop (v2sf)  }
0x136: {  	v0 =	vadd.f32 v1, v0;
	[tilespmem:$0x1FDD0] =	vst v4;
	s0 =	smul.f32 $1.767766920e-01, s15  }
0x137: {  	(xrf2) =	vadd.scan.msk.f32 $0xffff, v2;
	[tilespmem:s20+$0x80] =	vst v3  }
0x138: {  	(xrf2) =	vadd.scan.msk.f32 $0xffff, v0;
	v0 =	vld [tilespmem:s29+$0x4410];
	s0 =	smax.f32 s0, $-5.000000000e+00  }
0x139: {  	s0 =	smin.f32 s0, $5.000000000e+00  }
0x13a: {  	v1 =	vmov s0  }
0x13b: {  	v1 =	vmul.f32 $1.442695020e+00, v1;
	_ =	sdelay $0x1  }
0x13c: {  	v0 =	vmul.f32 v4, v0;
	v1 =	vbroadcast v1, $0x0;
	_ =	sdelay $0x1  }
0x13d: {  	(erf) = vpow2.f32 v1  }
0x13e: {  	[tilespmem:s20+$0x90] =	vst v0  }
0x13f: {  	v1 =	vld [tilespmem:s29+$0x420];
	v0, _, _ =	vpop (xrf2)  }
0x140: {  	v3 =	vld [tilespmem:s29+$0x430];
	(v2sf) =	vpush v0, $0xF;
	v2, _, _ =	vpop (xrf2)  }
0x141: {  	v0 =	vld [tilespmem:s29+$0x2420];
	(v2sf) =	vpush v2, $0xF  }
0x142: {  	v2 =	vld [tilespmem:s29+$0x2430]  }
0x143: {  	s18 =	simm.s32 $0x400;
	s17 =	simm.s32 $0x200;
	v4 =	vld [tilespmem:s8+$0x4440]  }
0x144: {  	s1 =	sand.u32 $0x1800, s18;
	s0 =	sand.u32 $0x300, s17  }
0x145: {  	s9 =	sor.u32 s0, s1  }
0x146: {  	v5 =	vld [tilespmem:s9+$0x400];
	v8 =	vpop (erf)  }
0x147: {  	s19 =	simm.s32 $0x280;
	v0 =	vmul.f32 v0, v1;
	v1 =	vld [tilespmem:s9+$0x2400];
	v2 =	vmul.f32 v2, v3;
	[tilespmem:$0x1FE80] =	vst v8  }
0x148: {  	s0 =	sand.u32 $0x380, s19;
	v3 =	vmul.f32 v8, v4;
	v4 =	vld [tilespmem:s9+$0x410]  }
0x149: {  	s25 =	sor.u32 s1, s0;
	v0 =	vadd.f32 v2, v0;
	v6 =	vld [tilespmem:s9+$0x2410]  }
0x14a: {  	v7 =	vld [tilespmem:s25+$0x410];
	[tilespmem:s28+$0x40] =	vst v3  }
0x14b: {  	(xrf2) =	vadd.scan.msk.f32 $0xffff, v0;
	v2 =	vld [tilespmem:s8+$0x4450]  }
0x14c: {  	v0 =	vld [tilespmem:s25+$0x400]  }
0x14d: {  	v3 =	vld [tilespmem:s25+$0x2400]  }
0x14e: {  	v1 =	vmul.f32 v1, v5;
	v5 =	vld [tilespmem:s25+$0x2410]  }
0x14f: {  	v4 =	vmul.f32 v6, v4;
	s21 =	spop (v2sf)  }
0x150: {  	s0 =	smul.f32 $1.767766920e-01, s21;
	s22 =	spop (v2sf);
	v2 =	vmul.f32 v8, v2  }
0x151: {  	v1 =	vadd.f32 v4, v1;
	s1 =	smul.f32 $1.767766920e-01, s22  }
0x152: {  	s0 =	smax.f32 s0, $-5.000000000e+00;
	[tilespmem:s28+$0x50] =	vst v2  }
0x153: {  	v0 =	vmul.f32 v3, v0;
	v3 =	vmul.f32 v5, v7;
	(xrf2) =	vadd.scan.msk.f32 $0xffff, v1;
	s0 =	smin.f32 s0, $5.000000000e+00;
	s23 =	smax.f32 s1, $-5.000000000e+00;
	v2 =	vld [tilespmem:s8+$0x460]  }
0x154: {  	v4 =	vld [tilespmem:s8+$0x2460];
	v1 =	vmov s0;
	s0 =	smin.f32 s23, $5.000000000e+00  }
0x155: {  	v0 =	vadd.f32 v3, v0;
	v7 =	vld [tilespmem:s8+$0x470];
	v6, _, _ =	vpop (xrf2);
	v1 =	vmul.f32 $1.442695020e+00, v1;
	v5 =	vmov s0  }
0x156: {  	(v2sf) =	vpush v6, $0xF;
	v3 =	vmul.f32 $1.442695020e+00, v5;
	v5 =	vld [tilespmem:s8+$0x2470]  }
0x157: {  	(xrf2) =	vadd.scan.msk.f32 $0xffff, v0;
	v1 =	vbroadcast v1, $0x0  }
0x158: {  	v0 =	vbroadcast v3, $0x0  }
0x159: {  	(erf) = vpow2.f32 v1  }
0x15a: {  	(erf) = vpow2.f32 v0  }
0x15b: {  	v0 =	vmul.f32 v4, v2;
	v1 =	vmul.f32 v5, v7;
	_ =	sdelay $0x1  }
0x15c: {  	v2, _, _ =	vpop (xrf2);
	v0 =	vadd.f32 v1, v0  }
0x15d: {  	(v2sf) =	vpush v2, $0xF  }
0x15e: {  	v1 =	vld [tilespmem:s4+$0x4420]  }
0x15f: {  	(xrf2) =	vadd.scan.msk.f32 $0xffff, v0  }
0x160: {  	v0, _, _ =	vpop (xrf2)  }
0x161: {  	v7 =	vpop (erf)  }
0x162: {  	v3 =	vpop (erf)  }
0x163: {  	(v2sf) =	vpush v0, $0xF;
	v0 =	vmul.f32 v3, v1  }
0x164: {  	[tilespmem:$0x1FED0] =	vst v3;
	s24 =	spop (v2sf)  }
0x165: {  	s0 =	smul.f32 $1.767766920e-01, s24;
	[tilespmem:s20+$0x20] =	vst v0  }
0x166: {  	v0 =	vld [tilespmem:s4+$0x4430]  }
0x167: {  	s0 =	smax.f32 s0, $-5.000000000e+00  }
0x168: {  	s0 =	smin.f32 s0, $5.000000000e+00  }
0x169: {  	v1, _, _ =	vpop (xrf2);
	v2 =	vmov s0  }
0x16a: {  	(v2sf) =	vpush v1, $0xF;
	v1 =	vmul.f32 $1.442695020e+00, v2  }
0x16b: {  	v0 =	vmul.f32 v3, v0  }
0x16c: {  	s26 =	spop (v2sf);
	v1 =	vbroadcast v1, $0x0  }
0x16d: {  	v2 =	vld [tilespmem:s16+$0x4440];
	s0 =	smul.f32 $1.767766920e-01, s26;
	[tilespmem:s20+$0x30] =	vst v0  }
0x16e: {  	(erf) = vpow2.f32 v1;
	v0 =	vld [tilespmem:s4+$0x440]  }
0x16f: {  	s0 =	smax.f32 s0, $-5.000000000e+00;
	v1 =	vld [tilespmem:s4+$0x2440]  }
0x170: {  	v4 =	vld [tilespmem:s4+$0x450];
	s0 =	smin.f32 s0, $5.000000000e+00  }
0x171: {  	v5 =	vld [tilespmem:s4+$0x2450];
	v3 =	vmov s0  }
0x172: {  	[tilespmem:$0x1FDC0] =	vst v7;
	v3 =	vmul.f32 $1.442695020e+00, v3  }
0x173: {  	v6 =	vld [tilespmem:s29+$0x4420]  }
0x174: {  	v2 =	vmul.f32 v7, v2;
	s1 =	spop (v2sf);
	v3 =	vbroadcast v3, $0x0  }
0x175: {  	s0 =	smul.f32 $1.767766920e-01, s1;
	v0 =	vmul.f32 v1, v0  }
0x176: {  	[tilespmem:s28+$0xC0] =	vst v2;
	v1 =	vmul.f32 v5, v4;
	(erf) = vpow2.f32 v3  }
0x177: {  	v2 =	vld [tilespmem:s16+$0x4450];
	s0 =	smax.f32 s0, $-5.000000000e+00;
	v9 =	vpop (erf)  }
0x178: {  	s0 =	smin.f32 s0, $5.000000000e+00;
	v0 =	vadd.f32 v1, v0;
	v1 =	vmul.f32 v9, v6  }
0x179: {  	v3 =	vmov s0;
	[tilespmem:$0x1FDE0] =	vst v9  }
0x17a: {  	v3 =	vmul.f32 $1.442695020e+00, v3;
	(xrf2) =	vadd.scan.msk.f32 $0xffff, v0;
	s2 =	spop (v2sf);
	[tilespmem:s20+$0xA0] =	vst v1  }
0x17b: {  	s0 =	smul.f32 $1.767766920e-01, s2;
	v1 =	vld [tilespmem:s29+$0x4430]  }
0x17c: {  	v0 =	vmul.f32 v7, v2;
	v4 =	vld [tilespmem:s9+$0x4400];
	v3 =	vbroadcast v3, $0x0  }
0x17d: {  	s0 =	smax.f32 s0, $-5.000000000e+00  }
0x17e: {  	v2 =	vld [tilespmem:s25+$0x4400];
	[tilespmem:s28+$0xD0] =	vst v0;
	(erf) = vpow2.f32 v3;
	s0 =	smin.f32 s0, $5.000000000e+00  }
0x17f: {  	v0 =	vld [tilespmem:s16+$0x460];
	v3 =	vmov s0;
	v8 =	vpop (erf)  }
0x180: {  	v5 =	vld [tilespmem:s16+$0x2460];
	v3 =	vmul.f32 $1.442695020e+00, v3;
	[tilespmem:$0x1FF20] =	vst v8;
	v1 =	vmul.f32 v9, v1  }
0x181: {  	v4 =	vmul.f32 v8, v4;
	v6 =	vld [tilespmem:s16+$0x470]  }
0x182: {  	s21 =	simm.s32 $0x6600;
	v7 =	vld [tilespmem:s16+$0x2470];
	v3 =	vbroadcast v3, $0x0  }
0x183: {  	[tilespmem:s21+$0x0] =	vst v4  }
0x184: {  	[tilespmem:s20+$0xB0] =	vst v1;
	(erf) = vpow2.f32 v3;
	v1, _, _ =	vpop (xrf2)  }
0x185: {  	v4 =	vld [tilespmem:s9+$0x4410];
	(v2sf) =	vpush v1, $0xF  }
0x186: {  	v3 =	vld [tilespmem:s29+$0x440]  }
0x187: {  	v0 =	vmul.f32 v5, v0;
	v5 =	vld [tilespmem:s29+$0x2440];
	v13 =	vpop (erf);
	v1 =	vmul.f32 v7, v6  }
0x188: {  	v6 =	vld [tilespmem:s29+$0x450];
	[tilespmem:$0x1FE10] =	vst v13  }
0x189: {  	v2 =	vmul.f32 v13, v2;
	v0 =	vadd.f32 v1, v0;
	v1 =	vld [tilespmem:s8+$0x4460]  }
0x18a: {  	v4 =	vmul.f32 v8, v4  }
0x18b: {  	v7 =	vld [tilespmem:s29+$0x2450];
	[tilespmem:s21+$0x80] =	vst v2  }
0x18c: {  	v2 =	vld [tilespmem:s25+$0x4410];
	[tilespmem:s21+$0x10] =	vst v4  }
0x18d: {  	(xrf2) =	vadd.scan.msk.f32 $0xffff, v0;
	v0 =	vld [tilespmem:s9+$0x420];
	v12 =	vpop (erf)  }
0x18e: {  	v4 =	vld [tilespmem:s9+$0x2420];
	v9 =	vmul.f32 v12, v1  }
0x18f: {  	v8 =	vld [tilespmem:s9+$0x430];
	[tilespmem:$0x1FE90] =	vst v12  }
0x190: {  	v10 =	vld [tilespmem:s9+$0x2430];
	[tilespmem:s28+$0x60] =	vst v9  }
0x191: {  	v3 =	vmul.f32 v5, v3;
	v5 =	vmul.f32 v7, v6;
	v6 =	vld [tilespmem:s8+$0x4470]  }
0x192: {  	v2 =	vmul.f32 v13, v2;
	_ =	sdelay $0x1  }
0x193: {  	v3 =	vadd.f32 v5, v3;
	[tilespmem:s21+$0x90] =	vst v2;
	s3 =	spop (v2sf)  }
0x194: {  	v2 =	vld [tilespmem:s25+$0x420];
	v0 =	vmul.f32 v4, v0;
	v4 =	vmul.f32 v10, v8;
	s0 =	smul.f32 $1.767766920e-01, s3  }
0x195: {  	v5 =	vld [tilespmem:s25+$0x2420];
	(xrf2) =	vadd.scan.msk.f32 $0xffff, v3;
	v6 =	vmul.f32 v12, v6  }
0x196: {  	v7 =	vld [tilespmem:s25+$0x430];
	v3 =	vadd.f32 v4, v0;
	s0 =	smax.f32 s0, $-5.000000000e+00  }
0x197: {  	v8, _, _ =	vpop (xrf2);
	v4 =	vld [tilespmem:s25+$0x2430];
	[tilespmem:s28+$0x70] =	vst v6;
	s0 =	smin.f32 s0, $5.000000000e+00  }
0x198: {  	(v2sf) =	vpush v8, $0xF;
	(xrf2) =	vadd.scan.msk.f32 $0xffff, v3;
	v3 =	vld [tilespmem:s8+$0x800];
	v8 =	vmov s0  }
0x199: {  	v6 =	vld [tilespmem:s8+$0x2800];
	v8 =	vmul.f32 $1.442695020e+00, v8  }
0x19a: {  	v9 =	vld [tilespmem:s8+$0x810]  }
0x19b: {  	v10 =	vld [tilespmem:s8+$0x2810];
	v8 =	vbroadcast v8, $0x0;
	_ =	sdelay $0x1  }
0x19c: {  	(erf) = vpow2.f32 v8;
	_ =	sdelay $0x1  }
0x19d: {  	v2 =	vmul.f32 v5, v2;
	v12, _, _ =	vpop (xrf2);
	v4 =	vmul.f32 v4, v7  }
0x19e: {  	(v2sf) =	vpush v12, $0xF;
	v3 =	vmul.f32 v6, v3;
	v5 =	vmul.f32 v10, v9  }
0x19f: {  	v2 =	vadd.f32 v4, v2  }
0x1a0: {  	v11 =	vld [tilespmem:s16+$0x4460];
	v3 =	vadd.f32 v5, v3;
	v6, _, _ =	vpop (xrf2)  }
0x1a1: {  	s5 =	simm.s32 $0x300;
	s6 =	simm.s32 $0x600;
	v1 =	vld [tilespmem:s29+$0x4440];
	(xrf2) =	vadd.scan.msk.f32 $0xffff, v2;
	(v2sf) =	vpush v6, $0xF  }
0x1a2: {  	s1 =	sand.u32 $0x1800, s6;
	v0 =	vld [tilespmem:s25+$0x4420];
	s0 =	sand.u32 $0x300, s5;
	(xrf2) =	vadd.scan.msk.f32 $0xffff, v3  }
0x1a3: {  	s6 =	sor.u32 s0, s1;
	v2 =	vld [tilespmem:s4+$0x4440]  }
0x1a4: {  	v4 =	vld [tilespmem:s6+$0x2400];
	v12 =	vpop (erf)  }
0x1a5: {  	v3 =	vld [tilespmem:s6+$0x400];
	[tilespmem:$0x1FEE0] =	vst v12  }
0x1a6: {  	v5 =	vld [tilespmem:s6+$0x410]  }
0x1a7: {  	s7 =	simm.s32 $0x380;
	v6 =	vld [tilespmem:s6+$0x2410]  }
0x1a8: {  	s0 =	sand.u32 $0x380, s7;
	s10 =	spop (v2sf);
	v2 =	vmul.f32 v12, v2  }
0x1a9: {  	s24 =	sor.u32 s1, s0;
	s11 =	smul.f32 $1.767766920e-01, s10  }
0x1aa: {  	v7 =	vld [tilespmem:s24+$0x400];
	[tilespmem:s20+$0x40] =	vst v2  }
0x1ab: {  	s0 =	smax.f32 s11, $-5.000000000e+00;
	v8, _, _ =	vpop (xrf2);
	v2 =	vld [tilespmem:s4+$0x4450]  }
0x1ac: {  	v3 =	vmul.f32 v4, v3;
	s0 =	smin.f32 s0, $5.000000000e+00;
	v9 =	vld [tilespmem:s24+$0x2400];
	(v2sf) =	vpush v8, $0xF;
	v8, _, _ =	vpop (xrf2);
	v4 =	vmul.f32 v6, v5  }
0x1ad: {  	v10 =	vld [tilespmem:s24+$0x410];
	s12 =	spop (v2sf);
	(v2sf) =	vpush v8, $0xF;
	v6 =	vmov s0  }
0x1ae: {  	v5 =	vld [tilespmem:s24+$0x2410];
	v3 =	vadd.f32 v4, v3;
	v4 =	vmul.f32 $1.442695020e+00, v6  }
0x1af: {  	s1 =	smul.f32 $1.767766920e-01, s12  }
0x1b0: {  	v2 =	vmul.f32 v12, v2;
	s13 =	spop (v2sf);
	(xrf2) =	vadd.scan.msk.f32 $0xffff, v3;
	v3 =	vbroadcast v4, $0x0  }
0x1b1: {  	s1 =	smax.f32 s1, $-5.000000000e+00;
	s0 =	smul.f32 $1.767766920e-01, s13  }
0x1b2: {  	s1 =	smin.f32 s1, $5.000000000e+00;
	[tilespmem:s20+$0x50] =	vst v2;
	(erf) = vpow2.f32 v3  }
0x1b3: {  	v4 =	vmul.f32 v9, v7;
	v2 =	vmov s1;
	v6 =	vld [tilespmem:s4+$0x460];
	v5 =	vmul.f32 v5, v10;
	s0 =	smax.f32 s0, $-5.000000000e+00  }
0x1b4: {  	v2 =	vmul.f32 $1.442695020e+00, v2;
	v8 =	vld [tilespmem:s4+$0x470];
	s0 =	smin.f32 s0, $5.000000000e+00  }
0x1b5: {  	v3 =	vld [tilespmem:s4+$0x2460];
	v4 =	vadd.f32 v5, v4;
	v7 =	vmov s0  }
0x1b6: {  	v2 =	vbroadcast v2, $0x0;
	v5 =	vmul.f32 $1.442695020e+00, v7;
	v7 =	vld [tilespmem:s4+$0x2470]  }
0x1b7: {  	(xrf2) =	vadd.scan.msk.f32 $0xffff, v4  }
0x1b8: {  	(erf) = vpow2.f32 v2;
	v2 =	vbroadcast v5, $0x0;
	_ =	sdelay $0x1  }
0x1b9: {  	(erf) = vpow2.f32 v2;
	v4, _, _ =	vpop (xrf2)  }
0x1ba: {  	s14 =	spop (v2sf);
	v2 =	vmul.f32 v3, v6;
	v3 =	vmul.f32 v7, v8;
	(v2sf) =	vpush v4, $0xF;
	v8 =	vpop (erf)  }
0x1bb: {  	s0 =	smul.f32 $1.767766920e-01, s14;
	s15 =	spop (v2sf)  }
0x1bc: {  	s1 =	smul.f32 $1.767766920e-01, s15  }
0x1bd: {  	s0 =	smax.f32 s0, $-5.000000000e+00;
	v2 =	vadd.f32 v3, v2;
	v3 =	vmul.f32 v8, v11;
	[tilespmem:$0x1FDF0] =	vst v8  }
0x1be: {  	s0 =	smin.f32 s0, $5.000000000e+00;
	v4 =	vld [tilespmem:s9+$0x4420];
	s1 =	smax.f32 s1, $-5.000000000e+00  }
0x1bf: {  	[tilespmem:s28+$0xE0] =	vst v3;
	v3 =	vmov s0;
	s17 =	smin.f32 s1, $5.000000000e+00  }
0x1c0: {  	(xrf2) =	vadd.scan.msk.f32 $0xffff, v2;
	v5, _, _ =	vpop (xrf2);
	v3 =	vmul.f32 $1.442695020e+00, v3;
	v6 =	vmov s17  }
0x1c1: {  	v13 =	vpop (erf);
	(v2sf) =	vpush v5, $0xF;
	v5 =	vmul.f32 $1.442695020e+00, v6  }
0x1c2: {  	v2 =	vld [tilespmem:s16+$0x4470];
	v3 =	vbroadcast v3, $0x0;
	v7 =	vpop (erf)  }
0x1c3: {  	[tilespmem:$0x1FE00] =	vst v13;
	v4 =	vmul.f32 v7, v4;
	v5 =	vbroadcast v5, $0x0  }
0x1c4: {  	[tilespmem:$0x1FF30] =	vst v7;
	(erf) = vpow2.f32 v3  }
0x1c5: {  	[tilespmem:s21+$0x20] =	vst v4;
	(erf) = vpow2.f32 v5  }
0x1c6: {  	v1 =	vmul.f32 v13, v1;
	v3 =	vld [tilespmem:s9+$0x4430]  }
0x1c7: {  	v2 =	vmul.f32 v8, v2  }
0x1c8: {  	[tilespmem:s20+$0xC0] =	vst v1;
	v6 =	vld [tilespmem:s8+$0x4800]  }
0x1c9: {  	v1 =	vld [tilespmem:s29+$0x4450];
	[tilespmem:s28+$0xF0] =	vst v2  }
0x1ca: {  	v2 =	vld [tilespmem:s16+$0x800];
	v4, _, _ =	vpop (xrf2)  }
0x1cb: {  	v5 =	vld [tilespmem:s16+$0x2800];
	(v2sf) =	vpush v4, $0xF;
	v3 =	vmul.f32 v7, v3  }
0x1cc: {  	v4 =	vld [tilespmem:s16+$0x810];
	s18 =	spop (v2sf)  }
0x1cd: {  	s0 =	smul.f32 $1.767766920e-01, s18;
	v7 =	vld [tilespmem:s16+$0x2810];
	v14 =	vpop (erf);
	[tilespmem:s21+$0x30] =	vst v3  }
0x1ce: {  	v3 =	vld [tilespmem:s9+$0x440];
	v12 =	vpop (erf)  }
0x1cf: {  	s0 =	smax.f32 s0, $-5.000000000e+00;
	v8 =	vld [tilespmem:s9+$0x2440];
	v6 =	vmul.f32 v12, v6  }
0x1d0: {  	s0 =	smin.f32 s0, $5.000000000e+00;
	v10 =	vld [tilespmem:s9+$0x450];
	[tilespmem:$0x1FEA0] =	vst v12  }
0x1d1: {  	v9 =	vmov s0;
	v11 =	vld [tilespmem:s9+$0x2450];
	[tilespmem:s28+$0x1000] =	vst v6  }
0x1d2: {  	v1 =	vmul.f32 v13, v1;
	s19 =	spop (v2sf);
	v9 =	vmul.f32 $1.442695020e+00, v9;
	[tilespmem:$0x1FE20] =	vst v14  }
0x1d3: {  	v2 =	vmul.f32 v5, v2;
	s0 =	smul.f32 $1.767766920e-01, s19;
	v5 =	vld [tilespmem:s8+$0x4810]  }
0x1d4: {  	v6 =	vbroadcast v9, $0x0;
	[tilespmem:s20+$0xD0] =	vst v1;
	v1 =	vmul.f32 v7, v4  }
0x1d5: {  	v0 =	vmul.f32 v14, v0;
	s0 =	smax.f32 s0, $-5.000000000e+00;
	v3 =	vmul.f32 v8, v3;
	v4 =	vld [tilespmem:s29+$0x460]  }
0x1d6: {  	s0 =	smin.f32 s0, $5.000000000e+00;
	(erf) = vpow2.f32 v6;
	v7 =	vld [tilespmem:s29+$0x2460];
	v6 =	vmul.f32 v11, v10;
	v1 =	vadd.f32 v1, v2  }
0x1d7: {  	[tilespmem:s21+$0xA0] =	vst v0;
	v9 =	vld [tilespmem:s29+$0x470];
	v2 =	vmov s0  }
0x1d8: {  	v0 =	vmul.f32 $1.442695020e+00, v2;
	v2 =	vadd.f32 v6, v3;
	(xrf2) =	vadd.scan.msk.f32 $0xffff, v1;
	v1 =	vld [tilespmem:s25+$0x4430];
	v3 =	vmul.f32 v12, v5  }
0x1d9: {  	v5 =	vld [tilespmem:s6+$0x4400]  }
0x1da: {  	s22 =	spop (v2sf);
	v0 =	vbroadcast v0, $0x0;
	(xrf2) =	vadd.scan.msk.f32 $0xffff, v2;
	v2 =	vld [tilespmem:s29+$0x2470];
	[tilespmem:s28+$0x1010] =	vst v3  }
0x1db: {  	s0 =	smul.f32 $1.767766920e-01, s22;
	v3 =	vld [tilespmem:s8+$0x820]  }
0x1dc: {  	(erf) = vpow2.f32 v0;
	v0 =	vld [tilespmem:s8+$0x2820]  }
0x1dd: {  	s0 =	smax.f32 s0, $-5.000000000e+00;
	v10 =	vld [tilespmem:s8+$0x830]  }
0x1de: {  	s0 =	smin.f32 s0, $5.000000000e+00;
	v11 =	vld [tilespmem:s8+$0x2830]  }
0x1df: {  	v4 =	vmul.f32 v7, v4;
	v6 =	vmov s0;
	v2 =	vmul.f32 v2, v9  }
0x1e0: {  	v8 =	vpop (erf);
	v1 =	vmul.f32 v14, v1;
	v6 =	vmul.f32 $1.442695020e+00, v6  }
0x1e1: {  	v5 =	vmul.f32 v8, v5  }
0x1e2: {  	s22 =	simm.s32 $0x6700;
	[tilespmem:s21+$0xB0] =	vst v1;
	v6 =	vbroadcast v6, $0x0  }
0x1e3: {  	v7 =	vld [tilespmem:s24+$0x4400];
	[tilespmem:s22+$0x0] =	vst v5;
	v1 =	vadd.f32 v2, v4;
	v0 =	vmul.f32 v0, v3;
	v3 =	vmul.f32 v11, v10;
	v2, _, _ =	vpop (xrf2)  }
0x1e4: {  	v5 =	vld [tilespmem:s6+$0x4410];
	(erf) = vpow2.f32 v6;
	(v2sf) =	vpush v2, $0xF;
	v4, _, _ =	vpop (xrf2)  }
0x1e5: {  	v0 =	vadd.f32 v3, v0;
	(v2sf) =	vpush v4, $0xF  }
0x1e6: {  	v6 =	vld [tilespmem:s25+$0x2440];
	(xrf2) =	vadd.scan.msk.f32 $0xffff, v1  }
0x1e7: {  	v1 =	vld [tilespmem:s25+$0x450];
	v12 =	vpop (erf);
	(xrf2) =	vadd.scan.msk.f32 $0xffff, v0  }
0x1e8: {  	v2 =	vld [tilespmem:s25+$0x440];
	v3 =	vmul.f32 v12, v7;
	[tilespmem:$0x1FE50] =	vst v12  }
0x1e9: {  	v5 =	vmul.f32 v8, v5;
	v0 =	vld [tilespmem:s4+$0x4460]  }
0x1ea: {  	v4 =	vld [tilespmem:s25+$0x2450];
	[tilespmem:s22+$0x80] =	vst v3  }
0x1eb: {  	[tilespmem:s22+$0x10] =	vst v5;
	v3 =	vld [tilespmem:s24+$0x4410]  }
0x1ec: {  	v5 =	vld [tilespmem:s6+$0x420]  }
0x1ed: {  	v7 =	vld [tilespmem:s6+$0x2420];
	v11 =	vpop (erf)  }
0x1ee: {  	v9 =	vld [tilespmem:s6+$0x430];
	v0 =	vmul.f32 v11, v0;
	[tilespmem:$0x1FEF0] =	vst v11  }
0x1ef: {  	v10 =	vld [tilespmem:s6+$0x2430]  }
0x1f0: {  	[tilespmem:s20+$0x60] =	vst v0;
	v0 =	vmul.f32 v6, v2;
	v2, _, _ =	vpop (xrf2)  }
0x1f1: {  	v6 =	vld [tilespmem:s4+$0x4470];
	(v2sf) =	vpush v2, $0xF;
	v2 =	vmul.f32 v12, v3;
	v3, _, _ =	vpop (xrf2)  }
0x1f2: {  	(v2sf) =	vpush v3, $0xF  }
0x1f3: {  	v1 =	vmul.f32 v4, v1;
	s23 =	spop (v2sf)  }
0x1f4: {  	v4 =	vmul.f32 v7, v5;
	v5 =	vmul.f32 v10, v9;
	s0 =	smul.f32 $1.767766920e-01, s23;
	s26 =	spop (v2sf)  }
0x1f5: {  	v0 =	vadd.f32 v1, v0;
	[tilespmem:s22+$0x90] =	vst v2;
	s1 =	smul.f32 $1.767766920e-01, s26  }
0x1f6: {  	v1 =	vld [tilespmem:s24+$0x420];
	v2 =	vadd.f32 v5, v4;
	v3 =	vmul.f32 v11, v6;
	s0 =	smax.f32 s0, $-5.000000000e+00  }
0x1f7: {  	(xrf2) =	vadd.scan.msk.f32 $0xffff, v0;
	v0 =	vld [tilespmem:s24+$0x2420];
	s0 =	smin.f32 s0, $5.000000000e+00;
	s1 =	smax.f32 s1, $-5.000000000e+00  }
0x1f8: {  	v4 =	vld [tilespmem:s24+$0x430];
	(xrf2) =	vadd.scan.msk.f32 $0xffff, v2;
	[tilespmem:s20+$0x70] =	vst v3;
	v3 =	vmov s0;
	s2 =	smin.f32 s1, $5.000000000e+00  }
0x1f9: {  	v2 =	vld [tilespmem:s24+$0x2430];
	v3 =	vmul.f32 $1.442695020e+00, v3;
	v7 =	vmov s2  }
0x1fa: {  	v5 =	vld [tilespmem:s4+$0x800];
	v7 =	vmul.f32 $1.442695020e+00, v7  }
0x1fb: {  	v6 =	vld [tilespmem:s4+$0x2800];
	v3 =	vbroadcast v3, $0x0  }
0x1fc: {  	v9 =	vld [tilespmem:s4+$0x810];
	v7 =	vbroadcast v7, $0x0  }
0x1fd: {  	v10 =	vld [tilespmem:s4+$0x2810];
	(erf) = vpow2.f32 v3  }
0x1fe: {  	(erf) = vpow2.f32 v7  }
0x1ff: {  	v0 =	vmul.f32 v0, v1;
	v1 =	vmul.f32 v2, v4  }
0x200: {  	s3 =	spop (v2sf)  }
0x201: {  	v0 =	vadd.f32 v1, v0;
	v3, _, _ =	vpop (xrf2);
	s0 =	smul.f32 $1.767766920e-01, s3;
	s5 =	spop (v2sf)  }
0x202: {  	s11 =	simm.s32 $0x800;
	v2 =	vmul.f32 v6, v5;
	(v2sf) =	vpush v3, $0xF;
	v3 =	vmul.f32 v10, v9;
	v4, _, _ =	vpop (xrf2);
	s1 =	smul.f32 $1.767766920e-01, s5  }
0x203: {  	s7 =	simm.s32 $0x400;
	s10 =	sand.u32 $0x1800, s11;
	(xrf2) =	vadd.scan.msk.f32 $0xffff, v0;
	(v2sf) =	vpush v4, $0xF;
	s0 =	smax.f32 s0, $-5.000000000e+00  }
0x204: {  	s2 =	sand.u32 $0x300, s7;
	v0 =	vld [tilespmem:s9+$0x4440];
	v1 =	vadd.f32 v3, v2;
	s0 =	smin.f32 s0, $5.000000000e+00;
	s1 =	smax.f32 s1, $-5.000000000e+00  }
0x205: {  	s3 =	sor.u32 s2, s10;
	v2 =	vmov s0;
	s12 =	smin.f32 s1, $5.000000000e+00  }
0x206: {  	v5 =	vld [tilespmem:s3+$0x2400];
	(xrf2) =	vadd.scan.msk.f32 $0xffff, v1;
	v2 =	vmul.f32 $1.442695020e+00, v2;
	v3 =	vmov s12;
	v13 =	vpop (erf)  }
0x207: {  	v4 =	vld [tilespmem:s3+$0x400];
	v3 =	vmul.f32 $1.442695020e+00, v3;
	v12 =	vpop (erf)  }
0x208: {  	v1 =	vld [tilespmem:s16+$0x4800];
	v2 =	vbroadcast v2, $0x0;
	[tilespmem:$0x1FF40] =	vst v12  }
0x209: {  	v3 =	vbroadcast v3, $0x0;
	v0 =	vmul.f32 v12, v0;
	v6 =	vld [tilespmem:s3+$0x410]  }
0x20a: {  	s13 =	simm.s32 $0x480;
	v7 =	vld [tilespmem:s3+$0x2410]  }
0x20b: {  	s0 =	sand.u32 $0x380, s13;
	(erf) = vpow2.f32 v2;
	v2 =	vld [tilespmem:s29+$0x4460];
	[tilespmem:s21+$0x40] =	vst v0  }
0x20c: {  	s26 =	sor.u32 s10, s0;
	(erf) = vpow2.f32 v3;
	v0 =	vld [tilespmem:s9+$0x4450]  }
0x20d: {  	v9 =	vld [tilespmem:s26+$0x400];
	v3, _, _ =	vpop (xrf2);
	[tilespmem:$0x1FE30] =	vst v13  }
0x20e: {  	(v2sf) =	vpush v3, $0xF;
	v3 =	vld [tilespmem:s26+$0x2400]  }
0x20f: {  	v1 =	vmul.f32 v13, v1;
	v11 =	vld [tilespmem:s26+$0x410]  }
0x210: {  	v4 =	vmul.f32 v5, v4;
	v10, _, _ =	vpop (xrf2);
	v5 =	vmul.f32 v7, v6;
	v6 =	vld [tilespmem:s26+$0x2410]  }
0x211: {  	[tilespmem:s28+$0x1080] =	vst v1;
	v1 =	vld [tilespmem:s8+$0x4820];
	s14 =	spop (v2sf);
	(v2sf) =	vpush v10, $0xF;
	v0 =	vmul.f32 v12, v0  }
0x212: {  	s0 =	smul.f32 $1.767766920e-01, s14;
	s15 =	spop (v2sf);
	v4 =	vadd.f32 v5, v4  }
0x213: {  	s1 =	smul.f32 $1.767766920e-01, s15;
	[tilespmem:s21+$0x50] =	vst v0;
	v0 =	vld [tilespmem:s16+$0x4810]  }
0x214: {  	v15 =	vpop (erf);
	s0 =	smax.f32 s0, $-5.000000000e+00;
	(xrf2) =	vadd.scan.msk.f32 $0xffff, v4;
	v4 =	vld [tilespmem:s9+$0x460]  }
0x215: {  	v3 =	vmul.f32 v3, v9;
	v12 =	vpop (erf);
	s0 =	smin.f32 s0, $5.000000000e+00;
	s1 =	smax.f32 s1, $-5.000000000e+00;
	v7 =	vld [tilespmem:s9+$0x2460];
	v6 =	vmul.f32 v6, v11  }
0x216: {  	v10 =	vld [tilespmem:s9+$0x470];
	v1 =	vmul.f32 v12, v1;
	[tilespmem:$0x1FEB0] =	vst v12;
	v5 =	vmov s0;
	s17 =	smin.f32 s1, $5.000000000e+00  }
0x217: {  	v11 =	vld [tilespmem:s9+$0x2470];
	[tilespmem:$0x1FE40] =	vst v15;
	v5 =	vmul.f32 $1.442695020e+00, v5;
	v9 =	vmov s17;
	v3 =	vadd.f32 v6, v3  }
0x218: {  	v2 =	vmul.f32 v15, v2;
	[tilespmem:s28+$0x1020] =	vst v1;
	v9 =	vmul.f32 $1.442695020e+00, v9  }
0x219: {  	v5 =	vbroadcast v5, $0x0;
	v0 =	vmul.f32 v13, v0;
	(xrf2) =	vadd.scan.msk.f32 $0xffff, v3;
	v3 =	vld [tilespmem:s8+$0x4830]  }
0x21a: {  	[tilespmem:s20+$0xE0] =	vst v2;
	v1 =	vbroadcast v9, $0x0  }
0x21b: {  	(erf) = vpow2.f32 v5;
	v5 =	vld [tilespmem:s25+$0x4440];
	[tilespmem:s28+$0x1090] =	vst v0;
	v0 =	vmul.f32 v7, v4  }
0x21c: {  	v2 =	vmul.f32 v11, v10;
	(erf) = vpow2.f32 v1;
	v1 =	vld [tilespmem:s29+$0x4470]  }
0x21d: {  	v4 =	vld [tilespmem:s16+$0x820]  }
0x21e: {  	v6 =	vld [tilespmem:s16+$0x2820];
	s18 =	spop (v2sf);
	v0 =	vadd.f32 v2, v0;
	v3 =	vmul.f32 v12, v3  }
0x21f: {  	v2 =	vld [tilespmem:s16+$0x830];
	v7, _, _ =	vpop (xrf2);
	s0 =	smul.f32 $1.767766920e-01, s18  }
0x220: {  	(v2sf) =	vpush v7, $0xF;
	(xrf2) =	vadd.scan.msk.f32 $0xffff, v0;
	v0 =	vld [tilespmem:s6+$0x4420];
	s19 =	spop (v2sf);
	[tilespmem:s28+$0x1030] =	vst v3  }
0x221: {  	s0 =	smax.f32 s0, $-5.000000000e+00;
	s1 =	smul.f32 $1.767766920e-01, s19;
	v3 =	vld [tilespmem:s8+$0x840]  }
0x222: {  	s0 =	smin.f32 s0, $5.000000000e+00;
	v10 =	vld [tilespmem:s8+$0x2840]  }
0x223: {  	v14 =	vld [tilespmem:s8+$0x850];
	v9 =	vmov s0;
	s1 =	smax.f32 s1, $-5.000000000e+00  }
0x224: {  	v1 =	vmul.f32 v15, v1;
	v15 =	vld [tilespmem:s8+$0x2850];
	v12, _, _ =	vpop (xrf2);
	s23 =	smin.f32 s1, $5.000000000e+00  }
0x225: {  	v7 =	vld [tilespmem:s16+$0x2830];
	v4 =	vmul.f32 v6, v4;
	v11 =	vmul.f32 $1.442695020e+00, v9;
	v42 =	vpop (erf);
	v13 =	vmov s23  }
0x226: {  	v9 =	vpop (erf);
	v5 =	vmul.f32 v42, v5;
	v13 =	vmul.f32 $1.442695020e+00, v13  }
0x227: {  	(v2sf) =	vpush v12, $0xF;
	v11 =	vbroadcast v11, $0x0;
	v0 =	vmul.f32 v9, v0  }
0x228: {  	v3 =	vmul.f32 v10, v3;
	[tilespmem:s21+$0xC0] =	vst v5;
	v6 =	vbroadcast v13, $0x0  }
0x229: {  	(erf) = vpow2.f32 v11;
	v5 =	vmul.f32 v15, v14;
	[tilespmem:s22+$0x20] =	vst v0  }
0x22a: {  	v0 =	vmul.f32 v7, v2;
	v2 =	vld [tilespmem:s6+$0x4430];
	(erf) = vpow2.f32 v6  }
0x22b: {  	[tilespmem:s20+$0xF0] =	vst v1;
	v1 =	vld [tilespmem:s25+$0x4450];
	v7, _, _ =	vpop (xrf2);
	v3 =	vadd.f32 v5, v3  }
0x22c: {  	v5 =	vld [tilespmem:s29+$0x2800];
	v0 =	vadd.f32 v0, v4;
	(v2sf) =	vpush v7, $0xF  }
0x22d: {  	v6 =	vld [tilespmem:s24+$0x4420]  }
0x22e: {  	v4 =	vld [tilespmem:s29+$0x800];
	(xrf2) =	vadd.scan.msk.f32 $0xffff, v0  }
0x22f: {  	(xrf2) =	vadd.scan.msk.f32 $0xffff, v3;
	v3 =	vld [tilespmem:s4+$0x4800];
	s1 =	spop (v2sf);
	v2 =	vmul.f32 v9, v2  }
0x230: {  	v7 =	vld [tilespmem:s29+$0x2810];
	s0 =	smul.f32 $1.767766920e-01, s1  }
0x231: {  	v0 =	vld [tilespmem:s29+$0x810];
	[tilespmem:s22+$0x30] =	vst v2  }
0x232: {  	v43 =	vpop (erf);
	s0 =	smax.f32 s0, $-5.000000000e+00;
	v2 =	vld [tilespmem:s6+$0x440]  }
0x233: {  	v10 =	vld [tilespmem:s6+$0x2440];
	s0 =	smin.f32 s0, $5.000000000e+00;
	v14 =	vpop (erf)  }
0x234: {  	v12 =	vld [tilespmem:s6+$0x450];
	v11 =	vmov s0;
	v3 =	vmul.f32 v14, v3;
	[tilespmem:$0x1FF00] =	vst v14  }
0x235: {  	v1 =	vmul.f32 v42, v1;
	v11 =	vmul.f32 $1.442695020e+00, v11;
	v13 =	vld [tilespmem:s6+$0x2450]  }
0x236: {  	v4 =	vmul.f32 v5, v4;
	v5 =	vmul.f32 v43, v6;
	s2 =	spop (v2sf);
	[tilespmem:s20+$0x1000] =	vst v3  }
0x237: {  	v0 =	vmul.f32 v7, v0;
	s0 =	smul.f32 $1.767766920e-01, s2;
	v3 =	vbroadcast v11, $0x0;
	v11 =	vld [tilespmem:s4+$0x4810]  }
0x238: {  	[tilespmem:s21+$0xD0] =	vst v1;
	v6, _, _ =	vpop (xrf2)  }
0x239: {  	v0 =	vadd.f32 v0, v4;
	[tilespmem:s22+$0xA0] =	vst v5;
	v5 =	vld [tilespmem:s3+$0x4400];
	s0 =	smax.f32 s0, $-5.000000000e+00;
	(v2sf) =	vpush v6, $0xF;
	v1, _, _ =	vpop (xrf2);
	(erf) = vpow2.f32 v3  }
0x23a: {  	v7 =	vld [tilespmem:s25+$0x470];
	s0 =	smin.f32 s0, $5.000000000e+00;
	(v2sf) =	vpush v1, $0xF;
	v1 =	vmul.f32 v10, v2;
	v2 =	vmul.f32 v13, v12  }
0x23b: {  	(xrf2) =	vadd.scan.msk.f32 $0xffff, v0;
	v0 =	vld [tilespmem:s24+$0x4430];
	v4 =	vmov s0;
	s5 =	spop (v2sf)  }
0x23c: {  	v6 =	vld [tilespmem:s25+$0x2460];
	v4 =	vmul.f32 $1.442695020e+00, v4;
	s0 =	smul.f32 $1.767766920e-01, s5;
	v1 =	vadd.f32 v2, v1;
	v2 =	vmul.f32 v14, v11  }
0x23d: {  	v3 =	vld [tilespmem:s25+$0x460]  }
0x23e: {  	v4 =	vbroadcast v4, $0x0;
	s0 =	smax.f32 s0, $-5.000000000e+00;
	(xrf2) =	vadd.scan.msk.f32 $0xffff, v1;
	v1 =	vld [tilespmem:s25+$0x2470];
	[tilespmem:s20+$0x1010] =	vst v2  }
0x23f: {  	s0 =	smin.f32 s0, $5.000000000e+00;
	v2 =	vld [tilespmem:s4+$0x820]  }
0x240: {  	(erf) = vpow2.f32 v4;
	v4 =	vmov s0;
	v11 =	vld [tilespmem:s4+$0x2820]  }
0x241: {  	v4 =	vmul.f32 $1.442695020e+00, v4;
	v12 =	vld [tilespmem:s4+$0x830]  }
0x242: {  	v0 =	vmul.f32 v43, v0;
	v13 =	vld [tilespmem:s4+$0x2830];
	v10 =	vpop (erf)  }
0x243: {  	v4 =	vbroadcast v4, $0x0;
	v5 =	vmul.f32 v10, v5  }
0x244: {  	s23 =	simm.s32 $0x6800;
	v3 =	vmul.f32 v6, v3  }
0x245: {  	v14 =	vld [tilespmem:s26+$0x4400];
	(erf) = vpow2.f32 v4;
	v1 =	vmul.f32 v1, v7;
	[tilespmem:s23+$0x0] =	vst v5  }
0x246: {  	v4 =	vld [tilespmem:s3+$0x4410]  }
0x247: {  	[tilespmem:s22+$0xB0] =	vst v0;
	v0, _, _ =	vpop (xrf2);
	v2 =	vmul.f32 v11, v2;
	v5 =	vmul.f32 v13, v12;
	v1 =	vadd.f32 v1, v3  }
0x248: {  	(v2sf) =	vpush v0, $0xF;
	v0 =	vld [tilespmem:s24+$0x2440];
	s7 =	spop (v2sf)  }
0x249: {  	v7 =	vld [tilespmem:s24+$0x2450];
	v41 =	vpop (erf);
	s0 =	smul.f32 $1.767766920e-01, s7;
	s10 =	spop (v2sf);
	(xrf2) =	vadd.scan.msk.f32 $0xffff, v1;
	v1 =	vadd.f32 v5, v2  }
0x24a: {  	v3 =	vld [tilespmem:s24+$0x440];
	v2 =	vmul.f32 v41, v14;
	s1 =	smul.f32 $1.767766920e-01, s10  }
0x24b: {  	v5 =	vld [tilespmem:s9+$0x4460];
	v6, _, _ =	vpop (xrf2);
	s0 =	smax.f32 s0, $-5.000000000e+00;
	(xrf2) =	vadd.scan.msk.f32 $0xffff, v1;
	v4 =	vmul.f32 v10, v4  }
0x24c: {  	(v2sf) =	vpush v6, $0xF;
	v6 =	vld [tilespmem:s24+$0x450];
	[tilespmem:s23+$0x80] =	vst v2;
	s0 =	smin.f32 s0, $5.000000000e+00;
	s1 =	smax.f32 s1, $-5.000000000e+00  }
0x24d: {  	v2 =	vld [tilespmem:s26+$0x4410];
	v1 =	vmov s0;
	s11 =	smin.f32 s1, $5.000000000e+00;
	[tilespmem:s23+$0x10] =	vst v4  }
0x24e: {  	v1 =	vmul.f32 $1.442695020e+00, v1;
	v4 =	vmov s11;
	v15 =	vpop (erf);
	v11 =	vld [tilespmem:s3+$0x420]  }
0x24f: {  	v4 =	vmul.f32 $1.442695020e+00, v4;
	v12 =	vld [tilespmem:s3+$0x2420];
	[tilespmem:$0x1FF50] =	vst v15  }
0x250: {  	v0 =	vmul.f32 v0, v3;
	v1 =	vbroadcast v1, $0x0;
	v13 =	vld [tilespmem:s3+$0x430]  }
0x251: {  	v5 =	vmul.f32 v15, v5;
	v14 =	vld [tilespmem:s3+$0x2430];
	v4 =	vbroadcast v4, $0x0  }
0x252: {  	(erf) = vpow2.f32 v1;
	v1 =	vmul.f32 v41, v2  }
0x253: {  	[tilespmem:s21+$0x60] =	vst v5;
	(erf) = vpow2.f32 v4;
	v4 =	vmul.f32 v7, v6  }
0x254: {  	v2 =	vld [tilespmem:s9+$0x4470];
	v3, _, _ =	vpop (xrf2)  }
0x255: {  	v6 =	vld [tilespmem:s8+$0x4840];
	[tilespmem:s23+$0x90] =	vst v1;
	(v2sf) =	vpush v3, $0xF;
	v0 =	vadd.f32 v4, v0;
	v3, _, _ =	vpop (xrf2)  }
0x256: {  	v1 =	vld [tilespmem:s26+$0x420];
	v4 =	vmul.f32 v12, v11;
	(v2sf) =	vpush v3, $0xF;
	v3 =	vmul.f32 v14, v13  }
0x257: {  	v5 =	vld [tilespmem:s26+$0x2420]  }
0x258: {  	(xrf2) =	vadd.scan.msk.f32 $0xffff, v0;
	v0 =	vld [tilespmem:s26+$0x430];
	v3 =	vadd.f32 v3, v4  }
0x259: {  	s12 =	spop (v2sf);
	v2 =	vmul.f32 v15, v2;
	v4 =	vld [tilespmem:s26+$0x2430]  }
0x25a: {  	s0 =	smul.f32 $1.767766920e-01, s12;
	(xrf2) =	vadd.scan.msk.f32 $0xffff, v3  }
0x25b: {  	[tilespmem:s21+$0x70] =	vst v2;
	s13 =	spop (v2sf)  }
0x25c: {  	s0 =	smax.f32 s0, $-5.000000000e+00;
	v2 =	vld [tilespmem:s9+$0x800];
	s1 =	smul.f32 $1.767766920e-01, s13;
	v56 =	vpop (erf)  }
0x25d: {  	s0 =	smin.f32 s0, $5.000000000e+00;
	v3 =	vld [tilespmem:s9+$0x2800];
	v1 =	vmul.f32 v5, v1;
	v55 =	vpop (erf)  }
0x25e: {  	v11 =	vmov s0;
	v7 =	vld [tilespmem:s9+$0x810];
	s1 =	smax.f32 s1, $-5.000000000e+00;
	v6 =	vmul.f32 v55, v6;
	v0 =	vmul.f32 v4, v0  }
0x25f: {  	v11 =	vmul.f32 $1.442695020e+00, v11;
	v12 =	vld [tilespmem:s9+$0x2810];
	s14 =	smin.f32 s1, $5.000000000e+00  }
0x260: {  	v13 =	vmov s14;
	[tilespmem:s28+$0x1040] =	vst v6;
	v0 =	vadd.f32 v0, v1  }
0x261: {  	v13 =	vmul.f32 $1.442695020e+00, v13;
	v5 =	vld [tilespmem:s8+$0x4850]  }
0x262: {  	v6 =	vbroadcast v11, $0x0  }
0x263: {  	v2 =	vmul.f32 v3, v2;
	v11, _, _ =	vpop (xrf2);
	v4 =	vbroadcast v13, $0x0  }
0x264: {  	v3 =	vmul.f32 v12, v7;
	v7 =	vld [tilespmem:s16+$0x4820];
	(erf) = vpow2.f32 v6;
	(xrf2) =	vadd.scan.msk.f32 $0xffff, v0;
	(v2sf) =	vpush v11, $0xF;
	s15 =	spop (v2sf);
	v0, _, _ =	vpop (xrf2)  }
0x265: {  	v1 =	vld [tilespmem:s24+$0x4440];
	(erf) = vpow2.f32 v4;
	s17 =	spop (v2sf);
	(v2sf) =	vpush v0, $0xF  }
0x266: {  	v6 =	vld [tilespmem:s29+$0x4800];
	v2 =	vadd.f32 v3, v2;
	s0 =	smul.f32 $1.767766920e-01, s15;
	v4 =	vmul.f32 v55, v5  }
0x267: {  	v3 =	vld [tilespmem:s25+$0x4460];
	s1 =	smul.f32 $1.767766920e-01, s17  }
0x268: {  	(xrf2) =	vadd.scan.msk.f32 $0xffff, v2;
	v0 =	vld [tilespmem:s6+$0x4440];
	s0 =	smax.f32 s0, $-5.000000000e+00;
	[tilespmem:s28+$0x1050] =	vst v4  }
0x269: {  	s0 =	smin.f32 s0, $5.000000000e+00;
	v2 =	vld [tilespmem:s8+$0x860];
	s1 =	smax.f32 s1, $-5.000000000e+00  }
0x26a: {  	s18 =	simm.s32 $0x500;
	s19 =	simm.s32 $0xA00;
	v4 =	vld [tilespmem:s8+$0x2860];
	v5 =	vmov s0;
	s1 =	smin.f32 s1, $5.000000000e+00  }
0x26b: {  	s2 =	sand.u32 $0x300, s18;
	s5 =	sand.u32 $0x1800, s19;
	v12 =	vld [tilespmem:s8+$0x870];
	v5 =	vmul.f32 $1.442695020e+00, v5;
	v11 =	vmov s1  }
0x26c: {  	s15 =	sor.u32 s2, s5;
	v13 =	vld [tilespmem:s8+$0x2870]  }
0x26d: {  	v15 =	vld [tilespmem:s15+$0x400];
	v57 =	vpop (erf);
	v14 =	vmul.f32 $1.442695020e+00, v11;
	v5 =	vbroadcast v5, $0x0  }
0x26e: {  	s7 =	simm.s32 $0x580;
	v7 =	vmul.f32 v56, v7;
	v16 =	vld [tilespmem:s15+$0x2400];
	v11 =	vpop (erf)  }
0x26f: {  	v18 =	vld [tilespmem:s15+$0x410];
	s0 =	sand.u32 $0x380, s7;
	v14 =	vbroadcast v14, $0x0;
	v17 =	vmul.f32 v11, v0  }
0x270: {  	v19 =	vld [tilespmem:s15+$0x2410];
	s31 =	sor.u32 s5, s0;
	(erf) = vpow2.f32 v5;
	v2 =	vmul.f32 v4, v2  }
0x271: {  	v4 =	vmul.f32 v13, v12;
	v12 =	vld [tilespmem:s31+$0x400];
	v5, _, _ =	vpop (xrf2);
	(erf) = vpow2.f32 v14;
	[tilespmem:s22+$0x40] =	vst v17  }
0x272: {  	[tilespmem:s28+$0x10A0] =	vst v7;
	v6 =	vmul.f32 v57, v6;
	(v2sf) =	vpush v5, $0xF;
	v5, _, _ =	vpop (xrf2);
	v7 =	vld [tilespmem:s6+$0x4450]  }
0x273: {  	v13 =	vld [tilespmem:s31+$0x2400];
	(v2sf) =	vpush v5, $0xF;
	s10 =	spop (v2sf)  }
0x274: {  	[tilespmem:s20+$0x1080] =	vst v6;
	v6 =	vld [tilespmem:s31+$0x2410];
	v2 =	vadd.f32 v4, v2;
	s0 =	smul.f32 $1.767766920e-01, s10;
	s11 =	spop (v2sf)  }
0x275: {  	v0 =	vld [tilespmem:s26+$0x4420];
	v4 =	vmul.f32 v16, v15;
	v14 =	vmul.f32 v19, v18;
	s1 =	smul.f32 $1.767766920e-01, s11  }
0x276: {  	v15 =	vld [tilespmem:s4+$0x4820];
	(xrf2) =	vadd.scan.msk.f32 $0xffff, v2;
	s0 =	smax.f32 s0, $-5.000000000e+00  }
0x277: {  	v16 =	vld [tilespmem:s31+$0x410];
	v4 =	vadd.f32 v14, v4;
	s0 =	smin.f32 s0, $5.000000000e+00;
	v2 =	vmul.f32 v11, v7;
	s12 =	smax.f32 s1, $-5.000000000e+00  }
0x278: {  	v5 =	vld [tilespmem:s16+$0x4830];
	v7 =	vmov s0;
	s0 =	smin.f32 s12, $5.000000000e+00  }
0x279: {  	(xrf2) =	vadd.scan.msk.f32 $0xffff, v4;
	v58 =	vpop (erf);
	v4 =	vmul.f32 $1.442695020e+00, v7;
	[tilespmem:s22+$0x50] =	vst v2;
	v2 =	vld [tilespmem:s29+$0x4810];
	v17 =	vmov s0  }
0x27a: {  	v3 =	vmul.f32 v58, v3;
	v18 =	vpop (erf);
	v7 =	vld [tilespmem:s6+$0x460];
	v17 =	vmul.f32 $1.442695020e+00, v17  }
0x27b: {  	v12 =	vmul.f32 v13, v12;
	v14 =	vld [tilespmem:s6+$0x2460];
	v4 =	vbroadcast v4, $0x0;
	[tilespmem:$0x1FF10] =	vst v18  }
0x27c: {  	v15 =	vmul.f32 v18, v15;
	[tilespmem:s21+$0xE0] =	vst v3;
	v3 =	vbroadcast v17, $0x0  }
0x27d: {  	v6 =	vmul.f32 v6, v16;
	v5 =	vmul.f32 v56, v5;
	v13 =	vld [tilespmem:s6+$0x470]  }
0x27e: {  	v16 =	vld [tilespmem:s6+$0x2470];
	(erf) = vpow2.f32 v4;
	[tilespmem:s20+$0x1020] =	vst v15  }
0x27f: {  	[tilespmem:s28+$0x10B0] =	vst v5;
	v5 =	vadd.f32 v6, v12;
	v4 =	vld [tilespmem:s4+$0x4830]  }
0x280: {  	v6 =	vld [tilespmem:s25+$0x4470];
	v2 =	vmul.f32 v57, v2;
	(erf) = vpow2.f32 v3;
	v3, _, _ =	vpop (xrf2)  }
0x281: {  	v15 =	vld [tilespmem:s3+$0x4420];
	(xrf2) =	vadd.scan.msk.f32 $0xffff, v5;
	s13 =	spop (v2sf);
	(v2sf) =	vpush v3, $0xF  }
0x282: {  	[tilespmem:s20+$0x1090] =	vst v2;
	v2 =	vld [tilespmem:s16+$0x840];
	s0 =	smul.f32 $1.767766920e-01, s13;
	s14 =	spop (v2sf)  }
0x283: {  	v5 =	vld [tilespmem:s29+$0x820];
	v3 =	vmul.f32 v14, v7;
	s1 =	smul.f32 $1.767766920e-01, s14  }
0x284: {  	v12 =	vld [tilespmem:s29+$0x2820];
	v7 =	vmul.f32 v16, v13;
	v14, _, _ =	vpop (xrf2);
	v4 =	vmul.f32 v18, v4;
	s0 =	smax.f32 s0, $-5.000000000e+00  }
0x285: {  	v13 =	vld [tilespmem:s29+$0x830];
	(v2sf) =	vpush v14, $0xF;
	s0 =	smin.f32 s0, $5.000000000e+00;
	s1 =	smax.f32 s1, $-5.000000000e+00  }
0x286: {  	v3 =	vadd.f32 v7, v3;
	v7 =	vld [tilespmem:s29+$0x2830];
	[tilespmem:s20+$0x1030] =	vst v4;
	v14 =	vmov s0;
	s17 =	smin.f32 s1, $5.000000000e+00  }
0x287: {  	v6 =	vmul.f32 v58, v6;
	v59 =	vpop (erf);
	v16 =	vld [tilespmem:s4+$0x2840];
	v4 =	vmul.f32 $1.442695020e+00, v14;
	v14 =	vmov s17  }
0x288: {  	v17 =	vld [tilespmem:s4+$0x850];
	(xrf2) =	vadd.scan.msk.f32 $0xffff, v3;
	v1 =	vmul.f32 v59, v1;
	v14 =	vmul.f32 $1.442695020e+00, v14  }
0x289: {  	[tilespmem:s21+$0xF0] =	vst v6;
	v3 =	vld [tilespmem:s4+$0x840];
	v5 =	vmul.f32 v12, v5;
	v4 =	vbroadcast v4, $0x0;
	v12 =	vpop (erf)  }
0x28a: {  	[tilespmem:s22+$0xC0] =	vst v1;
	v1 =	vld [tilespmem:s4+$0x2850];
	v14 =	vbroadcast v14, $0x0;
	v6 =	vmul.f32 v12, v15  }
0x28b: {  	v15, _, _ =	vpop (xrf2);
	v7 =	vmul.f32 v7, v13;
	(erf) = vpow2.f32 v4;
	v4 =	vld [tilespmem:s24+$0x4450]  }
0x28c: {  	v13 =	vld [tilespmem:s25+$0x800];
	(v2sf) =	vpush v15, $0xF;
	(erf) = vpow2.f32 v14  }
0x28d: {  	v14 =	vld [tilespmem:s25+$0x2800];
	[tilespmem:s23+$0x20] =	vst v6;
	v5 =	vadd.f32 v7, v5  }
0x28e: {  	v6 =	vld [tilespmem:s3+$0x4430]  }
0x28f: {  	v7 =	vld [tilespmem:s25+$0x810];
	v3 =	vmul.f32 v16, v3;
	(xrf2) =	vadd.scan.msk.f32 $0xffff, v5  }
0x290: {  	v16 =	vld [tilespmem:s9+$0x4800];
	v1 =	vmul.f32 v1, v17;
	v4 =	vmul.f32 v59, v4;
	s18 =	spop (v2sf)  }
0x291: {  	v5 =	vld [tilespmem:s25+$0x2810];
	s0 =	smul.f32 $1.767766920e-01, s18  }
0x292: {  	v1 =	vadd.f32 v1, v3;
	v3 =	vld [tilespmem:s16+$0x2840];
	v15, _, _ =	vpop (xrf2);
	[tilespmem:s22+$0xD0] =	vst v4  }
0x293: {  	(v2sf) =	vpush v15, $0xF;
	v4 =	vmul.f32 v12, v6;
	v6 =	vld [tilespmem:s24+$0x460];
	s0 =	smax.f32 s0, $-5.000000000e+00  }
0x294: {  	(xrf2) =	vadd.scan.msk.f32 $0xffff, v1;
	s19 =	spop (v2sf);
	v1 =	vld [tilespmem:s24+$0x2460];
	v60 =	vpop (erf);
	s0 =	smin.f32 s0, $5.000000000e+00  }
0x295: {  	s1 =	smul.f32 $1.767766920e-01, s19;
	[tilespmem:s23+$0x30] =	vst v4;
	v4 =	vld [tilespmem:s24+$0x470];
	v22 =	vpop (erf);
	v0 =	vmul.f32 v60, v0;
	v17 =	vmov s0  }
0x296: {  	v15 =	vld [tilespmem:s3+$0x440];
	v16 =	vmul.f32 v22, v16;
	[tilespmem:$0x1FF60] =	vst v22;
	v17 =	vmul.f32 $1.442695020e+00, v17  }
0x297: {  	s1 =	smax.f32 s1, $-5.000000000e+00;
	v18 =	vld [tilespmem:s3+$0x2440]  }
0x298: {  	s0 =	smin.f32 s1, $5.000000000e+00;
	v19 =	vld [tilespmem:s3+$0x450];
	[tilespmem:s21+$0x1000] =	vst v16;
	v17 =	vbroadcast v17, $0x0  }
0x299: {  	[tilespmem:s23+$0xA0] =	vst v0;
	v16 =	vmov s0;
	v20 =	vld [tilespmem:s9+$0x4810];
	v0, _, _ =	vpop (xrf2)  }
0x29a: {  	v21 =	vld [tilespmem:s3+$0x2450];
	v16 =	vmul.f32 $1.442695020e+00, v16;
	(v2sf) =	vpush v0, $0xF;
	(erf) = vpow2.f32 v17  }
0x29b: {  	v13 =	vmul.f32 v14, v13;
	v5 =	vmul.f32 v5, v7;
	v7 =	vld [tilespmem:s8+$0x4860];
	s2 =	spop (v2sf)  }
0x29c: {  	v0 =	vld [tilespmem:s26+$0x4430];
	v16 =	vbroadcast v16, $0x0;
	s0 =	smul.f32 $1.767766920e-01, s2  }
0x29d: {  	v5 =	vadd.f32 v5, v13;
	v17 =	vld [tilespmem:s24+$0x2470];
	v13 =	vmul.f32 v18, v15  }
0x29e: {  	v14, _, _ =	vpop (xrf2);
	v18 =	vld [tilespmem:s15+$0x4400];
	(erf) = vpow2.f32 v16;
	s0 =	smax.f32 s0, $-5.000000000e+00;
	v16 =	vmul.f32 v22, v20  }
0x29f: {  	v15 =	vmul.f32 v21, v19;
	(v2sf) =	vpush v14, $0xF;
	v14 =	vld [tilespmem:s16+$0x2850];
	s0 =	smin.f32 s0, $5.000000000e+00  }
0x2a0: {  	(xrf2) =	vadd.scan.msk.f32 $0xffff, v5;
	v20 =	vld [tilespmem:s16+$0x850];
	v5 =	vmov s0;
	[tilespmem:s21+$0x1010] =	vst v16  }
0x2a1: {  	v13 =	vadd.f32 v15, v13;
	v5 =	vmul.f32 $1.442695020e+00, v5;
	v16 =	vld [tilespmem:s9+$0x820]  }
0x2a2: {  	s5 =	spop (v2sf);
	v15 =	vld [tilespmem:s9+$0x2820]  }
0x2a3: {  	v1 =	vmul.f32 v1, v6;
	(xrf2) =	vadd.scan.msk.f32 $0xffff, v13;
	v19 =	vld [tilespmem:s9+$0x830];
	s0 =	smul.f32 $1.767766920e-01, s5;
	v5 =	vbroadcast v5, $0x0;
	v54 =	vpop (erf)  }
0x2a4: {  	v21 =	vld [tilespmem:s9+$0x2830];
	v6 =	vmul.f32 v17, v4;
	v7 =	vmul.f32 v54, v7  }
0x2a5: {  	s0 =	smax.f32 s0, $-5.000000000e+00;
	(erf) = vpow2.f32 v5  }
0x2a6: {  	v0 =	vmul.f32 v60, v0;
	v6 =	vadd.f32 v6, v1;
	s0 =	smin.f32 s0, $5.000000000e+00;
	[tilespmem:s28+$0x1060] =	vst v7;
	v7 =	vmul.f32 v14, v20  }
0x2a7: {  	v3 =	vmul.f32 v3, v2;
	v5 =	vmov s0  }
0x2a8: {  	[tilespmem:s23+$0xB0] =	vst v0;
	(xrf2) =	vadd.scan.msk.f32 $0xffff, v6;
	v13 =	vpop (erf);
	v6 =	vmul.f32 v15, v16;
	v5 =	vmul.f32 $1.442695020e+00, v5;
	v0 =	vld [tilespmem:s8+$0x4870]  }
0x2a9: {  	v15 =	vmul.f32 v21, v19;
	v14 =	vmul.f32 v13, v18;
	s7 =	spop (v2sf)  }
0x2aa: {  	v22 =	vld [tilespmem:s31+$0x4400];
	v5 =	vbroadcast v5, $0x0;
	v3 =	vadd.f32 v7, v3;
	s0 =	smul.f32 $1.767766920e-01, s7;
	v7, _, _ =	vpop (xrf2)  }
0x2ab: {  	v6 =	vadd.f32 v15, v6;
	(v2sf) =	vpush v7, $0xF  }
0x2ac: {  	s30 =	simm.s32 $0x6900;
	v2 =	vld [tilespmem:s29+$0x4820];
	(erf) = vpow2.f32 v5;
	(xrf2) =	vadd.scan.msk.f32 $0xffff, v3;
	s0 =	smax.f32 s0, $-5.000000000e+00  }
0x2ad: {  	v31 =	vld [tilespmem:s16+$0x4840];
	[tilespmem:s30+$0x0] =	vst v14;
	(xrf2) =	vadd.scan.msk.f32 $0xffff, v6;
	s0 =	smin.f32 s0, $5.000000000e+00;
	v14, _, _ =	vpop (xrf2);
	v0 =	vmul.f32 v54, v0  }
0x2ae: {  	s17 =	simm.s32 $0x301;
	v4 =	vld [tilespmem:s25+$0x4800];
	s8 =	spop (v2sf);
	v15 =	vmov s0;
	v63 =	vpop (erf);
	(v2sf) =	vpush v14, $0xF  }
0x2af: {  	v5 =	vld [tilespmem:s15+$0x4410];
	s1 =	smul.f32 $1.767766920e-01, s8;
	v14 =	vmul.f32 $1.442695020e+00, v15;
	v15 =	vmul.f32 v63, v22;
	[tilespmem:s28+$0x1070] =	vst v0  }
0x2b0: {  	v18 =	vld [tilespmem:s17+$0xFFFFFFFF]  }
0x2b1: {  	v17 =	vld [tilespmem:s26+$0x2440];
	s1 =	smax.f32 s1, $-5.000000000e+00;
	v14 =	vbroadcast v14, $0x0  }
0x2b2: {  	v16 =	vld [tilespmem:s26+$0x440];
	s1 =	smin.f32 s1, $5.000000000e+00  }
0x2b3: {  	v19 =	vld [tilespmem:s6+$0x4460];
	[tilespmem:s30+$0x80] =	vst v15;
	v20 =	vmov s1;
	v15, _, _ =	vpop (xrf2)  }
0x2b4: {  	v1 =	vld [tilespmem:s24+$0x4460];
	v20 =	vmul.f32 $1.442695020e+00, v20;
	(v2sf) =	vpush v15, $0xF  }
0x2b5: {  	v7 =	vld [tilespmem:s26+$0x450];
	v5 =	vmul.f32 v13, v5;
	(erf) = vpow2.f32 v14;
	v14 =	vpop (erf);
	(v2sf) =	vpush v18, $0x0  }
0x2b6: {  	v6 =	vld [tilespmem:s26+$0x2450];
	v20 =	vbroadcast v20, $0x0;
	v18, _, _ =	vpop (xrf2)  }
0x2b7: {  	v16 =	vmul.f32 v17, v16;
	[tilespmem:s30+$0x10] =	vst v5;
	v5 =	vld [tilespmem:s31+$0x4410];
	(v2sf) =	vpush v18, $0xF;
	v18, _, _ =	vpop (xrf2)  }
0x2b8: {  	v17 =	vld [tilespmem:s15+$0x2430];
	v19 =	vmul.f32 v14, v19;
	(erf) = vpow2.f32 v20;
	(v2sf) =	vpush v18, $0xF  }
0x2b9: {  	v15 =	vld [tilespmem:s15+$0x420]  }
0x2ba: {  	v20 =	vld [tilespmem:s15+$0x430];
	[tilespmem:s22+$0x60] =	vst v19;
	s10 =	spop (v2sf)  }
0x2bb: {  	v6 =	vmul.f32 v6, v7;
	v7 =	vld [tilespmem:s6+$0x4470];
	s1 =	smul.f32 $1.767766920e-01, s10  }
0x2bc: {  	v5 =	vmul.f32 v63, v5;
	v18 =	vld [tilespmem:s15+$0x2420]  }
0x2bd: {  	v6 =	vadd.f32 v6, v16;
	v16 =	vld [tilespmem:s4+$0x4840];
	s11 =	spop (v2sf);
	s1 =	smax.f32 s1, $-5.000000000e+00  }
0x2be: {  	v3 =	vld [tilespmem:s26+$0x4440];
	[tilespmem:s30+$0x90] =	vst v5;
	s2 =	smul.f32 $1.767766920e-01, s11;
	s1 =	smin.f32 s1, $5.000000000e+00  }
0x2bf: {  	(xrf2) =	vadd.scan.msk.f32 $0xffff, v6;
	v5 =	vld [tilespmem:s31+$0x420];
	v6 =	vmov s1  }
0x2c0: {  	v19 =	vld [tilespmem:s31+$0x2420];
	v51 =	vpop (erf);
	v7 =	vmul.f32 v14, v7;
	s12 =	smax.f32 s2, $-5.000000000e+00;
	v6 =	vmul.f32 $1.442695020e+00, v6  }
0x2c1: {  	v17 =	vmul.f32 v17, v20;
	v20 =	vld [tilespmem:s31+$0x2430];
	v15 =	vmul.f32 v18, v15;
	v62 =	vpop (erf);
	s1 =	smin.f32 s12, $5.000000000e+00  }
0x2c2: {  	v18 =	vld [tilespmem:s31+$0x430];
	[tilespmem:s22+$0x70] =	vst v7;
	v7 =	vmul.f32 v62, v16;
	v21 =	vmov s1;
	v6 =	vbroadcast v6, $0x0  }
0x2c3: {  	v15 =	vadd.f32 v17, v15;
	v16 =	vld [tilespmem:s6+$0x800];
	s13 =	spop (v2sf);
	v21 =	vmul.f32 $1.442695020e+00, v21  }
0x2c4: {  	v17 =	vld [tilespmem:s6+$0x2800];
	[tilespmem:s20+$0x1040] =	vst v7;
	s2 =	spop (v2sf);
	(erf) = vpow2.f32 v6  }
0x2c5: {  	v7 =	vld [tilespmem:s4+$0x4850];
	(xrf2) =	vadd.scan.msk.f32 $0xffff, v15;
	v15 =	vbroadcast v21, $0x0  }
0x2c6: {  	s1 =	smul.f32 $1.767766920e-01, s13;
	s14 =	spop (v2sf)  }
0x2c7: {  	v5 =	vmul.f32 v19, v5;
	v18 =	vmul.f32 v20, v18;
	s8 =	smul.f32 $1.767766920e-01, s14;
	s18 =	spop (v2sf)  }
0x2c8: {  	s1 =	smax.f32 s1, $-5.000000000e+00;
	v6 =	vld [tilespmem:s6+$0x810];
	s10 =	smul.f32 $1.767766920e-01, s18  }
0x2c9: {  	v5 =	vadd.f32 v18, v5;
	s1 =	smin.f32 s1, $5.000000000e+00;
	v19 =	vld [tilespmem:s6+$0x2810];
	(erf) = vpow2.f32 v15;
	v15, _, _ =	vpop (xrf2);
	s8 =	smax.f32 s8, $-5.000000000e+00  }
0x2ca: {  	v7 =	vmul.f32 v62, v7;
	(v2sf) =	vpush v15, $0xF;
	s8 =	smin.f32 s8, $5.000000000e+00;
	v15 =	vmov s1;
	s19 =	smax.f32 s10, $-5.000000000e+00  }
0x2cb: {  	v16 =	vmul.f32 v17, v16;
	v15 =	vmul.f32 $1.442695020e+00, v15;
	v17 =	vmov s8;
	s1 =	smin.f32 s19, $5.000000000e+00  }
0x2cc: {  	[tilespmem:s20+$0x1050] =	vst v7;
	v7 =	vmul.f32 $1.442695020e+00, v17;
	v17 =	vmov s1  }
0x2cd: {  	(xrf2) =	vadd.scan.msk.f32 $0xffff, v5;
	v5 =	vbroadcast v15, $0x0;
	v15 =	vmul.f32 $1.442695020e+00, v17  }
0x2ce: {  	v18 =	vld [tilespmem:s3+$0x4440];
	v6 =	vmul.f32 v19, v6  }
0x2cf: {  	v22 =	vld [tilespmem:s9+$0x4820];
	v7 =	vbroadcast v7, $0x0  }
0x2d0: {  	v20 =	vld [tilespmem:s4+$0x2870];
	v50 =	vpop (erf);
	v6 =	vadd.f32 v6, v16;
	(erf) = vpow2.f32 v5;
	v16 =	vbroadcast v15, $0x0  }
0x2d1: {  	s5 =	simm.s32 $0xC00;
	s0 =	simm.s32 $0x600;
	v19 =	vld [tilespmem:s4+$0x860];
	(erf) = vpow2.f32 v7;
	v15, _, _ =	vpop (xrf2)  }
0x2d2: {  	s8 =	sand.u32 $0x1800, s5;
	s1 =	sand.u32 $0x300, s0;
	v17 =	vld [tilespmem:s4+$0x2860];
	(v2sf) =	vpush v15, $0xF;
	v15 =	vpop (erf);
	(erf) = vpow2.f32 v16  }
0x2d3: {  	s18 =	sor.u32 s1, s8;
	v5 =	vld [tilespmem:s4+$0x870];
	(xrf2) =	vadd.scan.msk.f32 $0xffff, v6  }
0x2d4: {  	v6 =	vld [tilespmem:s18+$0x400];
	v16 =	vmul.f32 v15, v18  }
0x2d5: {  	v7 =	vld [tilespmem:s18+$0x2400]  }
0x2d6: {  	v18 =	vld [tilespmem:s18+$0x410];
	[tilespmem:s23+$0x40] =	vst v16  }
0x2d7: {  	s7 =	simm.s32 $0x680;
	v21 =	vld [tilespmem:s3+$0x4450]  }
0x2d8: {  	s1 =	sand.u32 $0x380, s7;
	v4 =	vmul.f32 v50, v4;
	v24, _, _ =	vpop (xrf2);
	v16 =	vld [tilespmem:s18+$0x2410]  }
0x2d9: {  	s13 =	sor.u32 s8, s1;
	v48 =	vpop (erf)  }
0x2da: {  	[tilespmem:s21+$0x1080] =	vst v4;
	v4 =	vld [tilespmem:s13+$0x2400];
	v17 =	vmul.f32 v17, v19;
	v5 =	vmul.f32 v20, v5;
	v49 =	vpop (erf)  }
0x2db: {  	v19 =	vld [tilespmem:s13+$0x400];
	(v2sf) =	vpush v24, $0xF;
	v0 =	vpop (erf)  }
0x2dc: {  	v6 =	vmul.f32 v7, v6;
	v5 =	vadd.f32 v5, v17;
	v17 =	vld [tilespmem:s25+$0x4810];
	v7 =	vmul.f32 v15, v21;
	[tilespmem:$0x1FF70] =	vst v0  }
0x2dd: {  	s10 =	spop (v2sf);
	v20, _, _ =	vpop (xrf2);
	v16 =	vmul.f32 v16, v18;
	v18 =	vmul.f32 v0, v22;
	v21 =	vld [tilespmem:s13+$0x410]  }
0x2de: {  	(xrf2) =	vadd.scan.msk.f32 $0xffff, v5;
	(v2sf) =	vpush v20, $0xF;
	s1 =	smul.f32 $1.767766920e-01, s10;
	[tilespmem:s23+$0x50] =	vst v7;
	v5 =	vld [tilespmem:s13+$0x2410]  }
0x2df: {  	v6 =	vadd.f32 v16, v6;
	[tilespmem:s21+$0x1020] =	vst v18;
	v7 =	vld [tilespmem:s3+$0x460]  }
0x2e0: {  	s1 =	smax.f32 s1, $-5.000000000e+00;
	v16 =	vld [tilespmem:s9+$0x4830]  }
0x2e1: {  	s1 =	smin.f32 s1, $5.000000000e+00;
	(xrf2) =	vadd.scan.msk.f32 $0xffff, v6;
	v6 =	vmul.f32 v50, v17;
	v17 =	vld [tilespmem:s3+$0x2460]  }
0x2e2: {  	v18 =	vmov s1;
	v20 =	vld [tilespmem:s3+$0x470]  }
0x2e3: {  	[tilespmem:s21+$0x1090] =	vst v6;
	v6 =	vmul.f32 $1.442695020e+00, v18;
	v18 =	vld [tilespmem:s3+$0x2470];
	s11 =	spop (v2sf)  }
0x2e4: {  	v4 =	vmul.f32 v4, v19;
	v19 =	vld [tilespmem:s25+$0x820];
	s12 =	smul.f32 $1.767766920e-01, s11;
	v5 =	vmul.f32 v5, v21  }
0x2e5: {  	v21 =	vld [tilespmem:s25+$0x2820];
	v16 =	vmul.f32 v0, v16  }
0x2e6: {  	v6 =	vbroadcast v6, $0x0;
	s1 =	smax.f32 s12, $-5.000000000e+00;
	v4 =	vadd.f32 v5, v4;
	v5 =	vld [tilespmem:s25+$0x830]  }
0x2e7: {  	v2 =	vmul.f32 v51, v2;
	s1 =	smin.f32 s1, $5.000000000e+00;
	[tilespmem:s21+$0x1030] =	vst v16;
	v16 =	vld [tilespmem:s25+$0x2830]  }
0x2e8: {  	(erf) = vpow2.f32 v6;
	v6 =	vmov s1;
	(xrf2) =	vadd.scan.msk.f32 $0xffff, v4;
	v4 =	vmul.f32 v17, v7;
	v7, _, _ =	vpop (xrf2);
	v17 =	vld [tilespmem:s9+$0x840]  }
0x2e9: {  	v6 =	vmul.f32 $1.442695020e+00, v6;
	(v2sf) =	vpush v7, $0xF;
	v7 =	vmul.f32 v18, v20;
	v18 =	vld [tilespmem:s9+$0x2840]  }
0x2ea: {  	v20 =	vld [tilespmem:s9+$0x850]  }
0x2eb: {  	[tilespmem:s20+$0x10A0] =	vst v2;
	s14 =	spop (v2sf);
	v6 =	vbroadcast v6, $0x0;
	v2 =	vadd.f32 v7, v4;
	v7 =	vld [tilespmem:s9+$0x2850]  }
0x2ec: {  	v1 =	vmul.f32 v48, v1;
	s1 =	smul.f32 $1.767766920e-01, s14;
	v4, _, _ =	vpop (xrf2)  }
0x2ed: {  	s19 =	spop (v2sf);
	(erf) = vpow2.f32 v6;
	(v2sf) =	vpush v4, $0xF;
	v4 =	vld [tilespmem:s29+$0x4830]  }
0x2ee: {  	[tilespmem:s22+$0xE0] =	vst v1;
	s1 =	smax.f32 s1, $-5.000000000e+00;
	s8 =	smul.f32 $1.767766920e-01, s19  }
0x2ef: {  	v1 =	vmul.f32 v21, v19;
	s1 =	smin.f32 s1, $5.000000000e+00;
	(xrf2) =	vadd.scan.msk.f32 $0xffff, v2;
	v2 =	vmul.f32 v16, v5;
	v5 =	vld [tilespmem:s24+$0x4470]  }
0x2f0: {  	v16 =	vmov s1;
	s8 =	smax.f32 s8, $-5.000000000e+00;
	v6 =	vmul.f32 v18, v17;
	v7 =	vmul.f32 v7, v20  }
0x2f1: {  	v16 =	vmul.f32 $1.442695020e+00, v16;
	v1 =	vadd.f32 v2, v1;
	s0 =	smin.f32 s8, $5.000000000e+00  }
0x2f2: {  	v17 =	vld [tilespmem:s15+$0x4420];
	v47 =	vpop (erf);
	v4 =	vmul.f32 v51, v4;
	v6 =	vadd.f32 v7, v6;
	v7 =	vmov s0  }
0x2f3: {  	v3 =	vmul.f32 v47, v3;
	(xrf2) =	vadd.scan.msk.f32 $0xffff, v1;
	v2, _, _ =	vpop (xrf2);
	v7 =	vmul.f32 $1.442695020e+00, v7  }
0x2f4: {  	(v2sf) =	vpush v2, $0xF;
	[tilespmem:s20+$0x10B0] =	vst v4;
	v4 =	vmul.f32 v48, v5  }
0x2f5: {  	[tilespmem:s23+$0xC0] =	vst v3;
	v5 =	vbroadcast v16, $0x0;
	v3 =	vbroadcast v7, $0x0  }
0x2f6: {  	v29 =	vld [tilespmem:s13+$0x4400];
	(xrf2) =	vadd.scan.msk.f32 $0xffff, v6;
	v16 =	vpop (erf)  }
0x2f7: {  	v19 =	vld [tilespmem:s31+$0x4420];
	(erf) = vpow2.f32 v5;
	v5 =	vmul.f32 v16, v17  }
0x2f8: {  	v21 =	vld [tilespmem:s6+$0x4800];
	s5 =	spop (v2sf)  }
0x2f9: {  	v2 =	vld [tilespmem:s4+$0x4860];
	(erf) = vpow2.f32 v3;
	v3, _, _ =	vpop (xrf2);
	[tilespmem:s30+$0x20] =	vst v5;
	s1 =	smul.f32 $1.767766920e-01, s5  }
0x2fa: {  	(v2sf) =	vpush v3, $0xF;
	v3 =	vld [tilespmem:s15+$0x4430]  }
0x2fb: {  	[tilespmem:s22+$0xF0] =	vst v4;
	v4 =	vld [tilespmem:s26+$0x4450];
	s1 =	smax.f32 s1, $-5.000000000e+00  }
0x2fc: {  	v30 =	vld [tilespmem:s29+$0x840];
	s7 =	spop (v2sf);
	s1 =	smin.f32 s1, $5.000000000e+00  }
0x2fd: {  	v28 =	vld [tilespmem:s29+$0x2840];
	v18, _, _ =	vpop (xrf2);
	s8 =	smul.f32 $1.767766920e-01, s7;
	v6 =	vmov s1  }
0x2fe: {  	v26 =	vld [tilespmem:s29+$0x850];
	(v2sf) =	vpush v18, $0xF  }
0x2ff: {  	v23 =	vld [tilespmem:s29+$0x2850];
	v18 =	vmul.f32 $1.442695020e+00, v6;
	v3 =	vmul.f32 v16, v3;
	s8 =	smax.f32 s8, $-5.000000000e+00  }
0x300: {  	v22 =	vld [tilespmem:s24+$0x800];
	v4 =	vmul.f32 v47, v4;
	v6, _, _ =	vpop (xrf2);
	s1 =	smin.f32 s8, $5.000000000e+00  }
0x301: {  	v7 =	vld [tilespmem:s24+$0x2800];
	(v2sf) =	vpush v6, $0xF;
	[tilespmem:s30+$0x30] =	vst v3;
	v3 =	vbroadcast v18, $0x0;
	v0 =	vmov s1  }
0x302: {  	v17 =	vld [tilespmem:s24+$0x810];
	v45 =	vpop (erf);
	v0 =	vmul.f32 $1.442695020e+00, v0  }
0x303: {  	v20 =	vld [tilespmem:s24+$0x2810];
	[tilespmem:s23+$0xD0] =	vst v4;
	v18 =	vpop (erf);
	s10 =	spop (v2sf);
	(erf) = vpow2.f32 v3  }
0x304: {  	v25 =	vld [tilespmem:s26+$0x460];
	v21 =	vmul.f32 v18, v21;
	s1 =	smul.f32 $1.767766920e-01, s10;
	v0 =	vbroadcast v0, $0x0  }
0x305: {  	v6 =	vld [tilespmem:s15+$0x440]  }
0x306: {  	v19 =	vmul.f32 v45, v19;
	v5 =	vld [tilespmem:s15+$0x2440];
	[tilespmem:s22+$0x1000] =	vst v21;
	s1 =	smax.f32 s1, $-5.000000000e+00;
	(erf) = vpow2.f32 v0  }
0x307: {  	v1 =	vld [tilespmem:s6+$0x4810];
	s1 =	smin.f32 s1, $5.000000000e+00  }
0x308: {  	[tilespmem:s30+$0xA0] =	vst v19;
	v4 =	vld [tilespmem:s15+$0x2450];
	v0 =	vmov s1  }
0x309: {  	v19 =	vld [tilespmem:s31+$0x4430];
	v0 =	vmul.f32 $1.442695020e+00, v0;
	s11 =	spop (v2sf)  }
0x30a: {  	v21 =	vld [tilespmem:s15+$0x450];
	s12 =	smul.f32 $1.767766920e-01, s11  }
0x30b: {  	v17 =	vmul.f32 v20, v17;
	v3 =	vld [tilespmem:s18+$0x4400];
	v0 =	vbroadcast v0, $0x0  }
0x30c: {  	v22 =	vmul.f32 v7, v22;
	v27 =	vld [tilespmem:s26+$0x2460];
	v1 =	vmul.f32 v18, v1;
	s1 =	smax.f32 s12, $-5.000000000e+00;
	v52 =	vpop (erf)  }
0x30d: {  	v34 =	vld [tilespmem:s26+$0x470];
	s14 =	spop (v2sf);
	(erf) = vpow2.f32 v0;
	s1 =	smin.f32 s1, $5.000000000e+00;
	v0 =	vmul.f32 v52, v2  }
0x30e: {  	v24 =	vld [tilespmem:s26+$0x2470];
	v5 =	vmul.f32 v5, v6;
	[tilespmem:s22+$0x1010] =	vst v1;
	v20 =	vmov s1;
	s1 =	smul.f32 $1.767766920e-01, s14  }
0x30f: {  	v22 =	vadd.f32 v17, v22;
	v4 =	vmul.f32 v4, v21;
	v7 =	vld [tilespmem:s6+$0x820];
	v6 =	vmul.f32 $1.442695020e+00, v20;
	[tilespmem:s20+$0x1060] =	vst v0;
	v17 =	vpop (erf)  }
0x310: {  	v0 =	vmul.f32 v45, v19;
	s19 =	spop (v2sf);
	v3 =	vmul.f32 v17, v3;
	v19 =	vld [tilespmem:s4+$0x4870];
	s1 =	smax.f32 s1, $-5.000000000e+00  }
0x311: {  	v4 =	vadd.f32 v4, v5;
	s12 =	simm.s32 $0x6A00;
	v21 =	vld [tilespmem:s6+$0x830];
	s8 =	smul.f32 $1.767766920e-01, s19;
	s1 =	smin.f32 s1, $5.000000000e+00  }
0x312: {  	(xrf2) =	vadd.scan.msk.f32 $0xffff, v22;
	v20 =	vld [tilespmem:s6+$0x2820];
	v6 =	vbroadcast v6, $0x0;
	[tilespmem:s12+$0x0] =	vst v3;
	v5 =	vmov s1  }
0x313: {  	(xrf2) =	vadd.scan.msk.f32 $0xffff, v4;
	s0 =	smax.f32 s8, $-5.000000000e+00;
	v4 =	vld [tilespmem:s18+$0x4410];
	v5 =	vmul.f32 $1.442695020e+00, v5  }
0x314: {  	[tilespmem:s30+$0xB0] =	vst v0;
	v0 =	vld [tilespmem:s6+$0x2830];
	(erf) = vpow2.f32 v6;
	v6 =	vmul.f32 v27, v25;
	s4 =	smin.f32 s0, $5.000000000e+00  }
0x315: {  	v3 =	vld [tilespmem:s31+$0x440];
	v25 =	vmov s4;
	v19 =	vmul.f32 v52, v19;
	v5 =	vbroadcast v5, $0x0  }
0x316: {  	v31 =	vmul.f32 v49, v31;
	v22 =	vld [tilespmem:s31+$0x2440];
	v53 =	vpop (erf);
	v25 =	vmul.f32 $1.442695020e+00, v25  }
0x317: {  	v2 =	vld [tilespmem:s31+$0x450];
	[tilespmem:s20+$0x1070] =	vst v19;
	v19 =	vmul.f32 v53, v29;
	(erf) = vpow2.f32 v5  }
0x318: {  	v1 =	vld [tilespmem:s31+$0x2450];
	v5 =	vmul.f32 v24, v34;
	v4 =	vmul.f32 v17, v4  }
0x319: {  	[tilespmem:s28+$0x10C0] =	vst v31;
	v29 =	vld [tilespmem:s3+$0x4460];
	v25 =	vbroadcast v25, $0x0  }
0x31a: {  	v24 =	vld [tilespmem:s16+$0x4850];
	[tilespmem:s12+$0x80] =	vst v19;
	v5 =	vadd.f32 v5, v6;
	v6 =	vmul.f32 v23, v26  }
0x31b: {  	(erf) = vpow2.f32 v25;
	v25 =	vmul.f32 v28, v30;
	[tilespmem:s12+$0x10] =	vst v4;
	v28 =	vld [tilespmem:s13+$0x4410]  }
0x31c: {  	v7 =	vmul.f32 v20, v7;
	v0 =	vmul.f32 v0, v21;
	v20 =	vld [tilespmem:s18+$0x420];
	v4, _, _ =	vpop (xrf2)  }
0x31d: {  	v21 =	vld [tilespmem:s18+$0x2420];
	(xrf2) =	vadd.scan.msk.f32 $0xffff, v5;
	v19 =	vpop (erf);
	v5 =	vadd.f32 v6, v25  }
0x31e: {  	v0 =	vadd.f32 v0, v7;
	v23 =	vld [tilespmem:s18+$0x430];
	(v2sf) =	vpush v4, $0xF;
	v4 =	vmul.f32 v19, v29;
	v6, _, _ =	vpop (xrf2)  }
0x31f: {  	(v2sf) =	vpush v6, $0xF;
	v6 =	vld [tilespmem:s9+$0x4840];
	(xrf2) =	vadd.scan.msk.f32 $0xffff, v5  }
0x320: {  	[tilespmem:s23+$0x60] =	vst v4;
	v4 =	vmul.f32 v49, v24;
	(xrf2) =	vadd.scan.msk.f32 $0xffff, v0;
	v0 =	vld [tilespmem:s18+$0x2430]  }
0x321: {  	s8 =	simm.s32 $0x303;
	v5 =	vmul.f32 v53, v28;
	v7 =	vld [tilespmem:s3+$0x4470]  }
0x322: {  	v3 =	vmul.f32 v22, v3;
	v1 =	vmul.f32 v1, v2;
	v31 =	vld [tilespmem:s8+$0xFFFFFFFF];
	[tilespmem:s28+$0x10D0] =	vst v4  }
0x323: {  	v44 =	vpop (erf);
	[tilespmem:s12+$0x90] =	vst v5;
	v5 =	vld [tilespmem:s16+$0x860]  }
0x324: {  	v1 =	vadd.f32 v1, v3;
	v20 =	vmul.f32 v21, v20;
	v24 =	vld [tilespmem:s13+$0x420];
	v61 =	vpop (erf)  }
0x325: {  	v22 =	vld [tilespmem:s13+$0x2420];
	v6 =	vmul.f32 v61, v6;
	v0 =	vmul.f32 v0, v23  }
0x326: {  	(xrf2) =	vadd.scan.msk.f32 $0xffff, v1;
	v1 =	vld [tilespmem:s16+$0x2870];
	v2 =	vmul.f32 v19, v7  }
0x327: {  	v23 =	vld [tilespmem:s16+$0x870];
	[tilespmem:s21+$0x1040] =	vst v6;
	v0 =	vadd.f32 v0, v20  }
0x328: {  	[tilespmem:s23+$0x70] =	vst v2;
	v2 =	vld [tilespmem:s9+$0x4850]  }
0x329: {  	v7 =	vld [tilespmem:s13+$0x430];
	v3, _, _ =	vpop (xrf2)  }
0x32a: {  	v6 =	vld [tilespmem:s13+$0x2430];
	(v2sf) =	vpush v3, $0xF  }
0x32b: {  	(v2sf) =	vpush v31, $0x0;
	v20 =	vld [tilespmem:s3+$0x800];
	(xrf2) =	vadd.scan.msk.f32 $0xffff, v0;
	v0, _, _ =	vpop (xrf2)  }
0x32c: {  	v3 =	vld [tilespmem:s3+$0x2800];
	(v2sf) =	vpush v0, $0xF;
	v0, _, _ =	vpop (xrf2)  }
0x32d: {  	v4 =	vld [tilespmem:s3+$0x810];
	(v2sf) =	vpush v0, $0xF;
	s4 =	spop (v2sf);
	v0 =	vmul.f32 v61, v2  }
0x32e: {  	v21 =	vld [tilespmem:s3+$0x2810];
	s1 =	smul.f32 $1.767766920e-01, s4  }
0x32f: {  	v2 =	vld [tilespmem:s16+$0x2860];
	s5 =	spop (v2sf);
	[tilespmem:s21+$0x1050] =	vst v0  }
0x330: {  	s4 =	smul.f32 $1.767766920e-01, s5;
	s1 =	smax.f32 s1, $-5.000000000e+00;
	v25 =	vld [tilespmem:s9+$0x860]  }
0x331: {  	s11 =	simm.s32 $0x700;
	s14 =	simm.s32 $0xE00;
	v26 =	vld [tilespmem:s9+$0x2860];
	s7 =	smin.f32 s1, $5.000000000e+00  }
0x332: {  	s11 =	sand.u32 $0x300, s11;
	v28 =	vld [tilespmem:s9+$0x870];
	s4 =	smax.f32 s4, $-5.000000000e+00;
	s1 =	sand.u32 $0x1800, s14;
	v29 =	vmov s7  }
0x333: {  	v30 =	vld [tilespmem:s9+$0x2870];
	s19 =	smin.f32 s4, $5.000000000e+00;
	s4 =	sor.u32 s11, s1  }
0x334: {  	v22 =	vmul.f32 v22, v24;
	v6 =	vmul.f32 v6, v7;
	v0 =	vld [tilespmem:s4+$0x400]  }
0x335: {  	v4 =	vmul.f32 v21, v4;
	v24 =	vmul.f32 $1.442695020e+00, v29;
	v31 =	vmov s19;
	v21 =	vld [tilespmem:s4+$0x2410];
	v29, _, _ =	vpop (xrf2)  }
0x336: {  	v3 =	vmul.f32 v3, v20;
	v7 =	vmul.f32 $1.442695020e+00, v31;
	v31 =	vld [tilespmem:s4+$0x2400];
	(v2sf) =	vpush v29, $0xF;
	v29, _, _ =	vpop (xrf2)  }
0x337: {  	v6 =	vadd.f32 v6, v22;
	v20 =	vbroadcast v24, $0x0;
	v24 =	vld [tilespmem:s4+$0x410];
	(v2sf) =	vpush v29, $0xF  }
0x338: {  	v1 =	vmul.f32 v1, v23;
	v3 =	vadd.f32 v4, v3  }
0x339: {  	(xrf2) =	vadd.scan.msk.f32 $0xffff, v6;
	v2 =	vmul.f32 v2, v5;
	v7 =	vbroadcast v7, $0x0;
	s0 =	spop (v2sf)  }
0x33a: {  	(xrf2) =	vadd.scan.msk.f32 $0xffff, v3;
	v3 =	vmul.f32 v26, v25;
	(erf) = vpow2.f32 v20;
	s11 =	smul.f32 $1.767766920e-01, s0  }
0x33b: {  	v4 =	vmul.f32 v30, v28;
	s10 =	spop (v2sf);
	(erf) = vpow2.f32 v7  }
0x33c: {  	v1 =	vadd.f32 v1, v2;
	v0 =	vmul.f32 v31, v0;
	s11 =	smax.f32 s11, $-5.000000000e+00;
	v2 =	vmul.f32 v21, v24;
	s19 =	spop (v2sf)  }
0x33d: {  	v3 =	vadd.f32 v4, v3;
	s19 =	smul.f32 $1.767766920e-01, s19;
	s5 =	spop (v2sf)  }
0x33e: {  	(xrf2) =	vadd.scan.msk.f32 $0xffff, v1;
	s11 =	smin.f32 s11, $5.000000000e+00;
	v0 =	vadd.f32 v2, v0;
	s0 =	smul.f32 $1.767766920e-01, s5  }
0x33f: {  	(xrf2) =	vadd.scan.msk.f32 $0xffff, v3;
	v1 =	vmov s11;
	s19 =	smax.f32 s19, $-5.000000000e+00  }
0x340: {  	(xrf2) =	vadd.scan.msk.f32 $0xffff, v0;
	v0 =	vmul.f32 $1.442695020e+00, v1;
	v1 =	vld [tilespmem:s15+$0x4440];
	s7 =	smin.f32 s19, $5.000000000e+00;
	s0 =	smax.f32 s0, $-5.000000000e+00  }
0x341: {  	v2 =	vmov s7;
	s0 =	smin.f32 s0, $5.000000000e+00  }
0x342: {  	v0 =	vbroadcast v0, $0x0;
	v3 =	vmov s0;
	v2 =	vmul.f32 $1.442695020e+00, v2  }
0x343: {  	v40 =	vpop (erf);
	v3 =	vmul.f32 $1.442695020e+00, v3  }
0x344: {  	v20 =	vpop (erf);
	(erf) = vpow2.f32 v0;
	v2 =	vbroadcast v2, $0x0  }
0x345: {  	v1 =	vmul.f32 v20, v1;
	v0 =	vbroadcast v3, $0x0;
	s19 =	spop (v2sf)  }
0x346: {  	(erf) = vpow2.f32 v2;
	s0 =	smul.f32 $1.767766920e-01, s19;
	s5 =	spop (v2sf)  }
0x347: {  	v5, _, _ =	vpop (xrf2);
	[tilespmem:s30+$0x40] =	vst v1;
	(erf) = vpow2.f32 v0;
	v0 =	vld [tilespmem:s24+$0x4800];
	s11 =	smul.f32 $1.767766920e-01, s5  }
0x348: {  	(v2sf) =	vpush v5, $0xF;
	s7 =	simm.s32 $0x780;
	v1 =	vld [tilespmem:s15+$0x4450];
	v2, _, _ =	vpop (xrf2);
	s0 =	smax.f32 s0, $-5.000000000e+00  }
0x349: {  	s19 =	sand.u32 $0x380, s7;
	(v2sf) =	vpush v2, $0xF;
	v2, _, _ =	vpop (xrf2);
	s0 =	smin.f32 s0, $5.000000000e+00;
	s5 =	smax.f32 s11, $-5.000000000e+00  }
0x34a: {  	s11 =	sor.u32 s1, s19;
	(v2sf) =	vpush v2, $0xF;
	v5, _, _ =	vpop (xrf2);
	v3 =	vmov s0;
	s1 =	smin.f32 s5, $5.000000000e+00  }
0x34b: {  	v28 =	vld [tilespmem:s18+$0x4420];
	(v2sf) =	vpush v5, $0xF;
	v7, _, _ =	vpop (xrf2);
	v6 =	vmov s1;
	v3 =	vmul.f32 $1.442695020e+00, v3  }
0x34c: {  	(v2sf) =	vpush v7, $0xF;
	v7 =	vld [tilespmem:s6+$0x4820];
	v21 =	vmul.f32 v40, v0;
	v6 =	vmul.f32 $1.442695020e+00, v6  }
0x34d: {  	v2 =	vld [tilespmem:s26+$0x4460];
	v1 =	vmul.f32 v20, v1;
	v3 =	vbroadcast v3, $0x0  }
0x34e: {  	v5 =	vld [tilespmem:s11+$0x400];
	v39 =	vpop (erf);
	[tilespmem:s22+$0x1080] =	vst v21;
	v6 =	vbroadcast v6, $0x0  }
0x34f: {  	[tilespmem:s30+$0x50] =	vst v1;
	v46 =	vpop (erf);
	v1 =	vld [tilespmem:s24+$0x4810];
	(erf) = vpow2.f32 v3  }
0x350: {  	v23 =	vld [tilespmem:s11+$0x2400];
	v22 =	vpop (erf);
	(erf) = vpow2.f32 v6  }
0x351: {  	v24 =	vld [tilespmem:s11+$0x410];
	v6 =	vmul.f32 v22, v7  }
0x352: {  	v25 =	vld [tilespmem:s11+$0x2410]  }
0x353: {  	v32 =	vld [tilespmem:s15+$0x460];
	v2 =	vmul.f32 v39, v2;
	[tilespmem:s22+$0x1020] =	vst v6  }
0x354: {  	v21 =	vld [tilespmem:s6+$0x4830];
	v1 =	vmul.f32 v40, v1  }
0x355: {  	v27 =	vld [tilespmem:s15+$0x2460];
	[tilespmem:s23+$0xE0] =	vst v2  }
0x356: {  	[tilespmem:s22+$0x1090] =	vst v1;
	v1 =	vld [tilespmem:s26+$0x4470]  }
0x357: {  	v36 =	vld [tilespmem:s15+$0x470]  }
0x358: {  	v35 =	vld [tilespmem:s15+$0x2470];
	v38 =	vpop (erf)  }
0x359: {  	v30 =	vld [tilespmem:s24+$0x820];
	v31 =	vmul.f32 v22, v21;
	v21 =	vpop (erf)  }
0x35a: {  	s5 =	spop (v2sf);
	v29 =	vld [tilespmem:s24+$0x2820];
	v28 =	vmul.f32 v21, v28  }
0x35b: {  	s0 =	smul.f32 $1.767766920e-01, s5;
	v24 =	vmul.f32 v25, v24;
	v26 =	vld [tilespmem:s24+$0x830];
	[tilespmem:s22+$0x1030] =	vst v31;
	v25 =	vmul.f32 v39, v1  }
0x35c: {  	v31 =	vld [tilespmem:s24+$0x2830];
	[tilespmem:s12+$0x20] =	vst v28  }
0x35d: {  	s0 =	smax.f32 s0, $-5.000000000e+00;
	v5 =	vmul.f32 v23, v5;
	s7 =	spop (v2sf);
	[tilespmem:s23+$0xF0] =	vst v25;
	v23 =	vld [tilespmem:s18+$0x4430]  }
0x35e: {  	s1 =	smul.f32 $1.767766920e-01, s7;
	s19 =	spop (v2sf);
	v2 =	vld [tilespmem:$0x1FDA0]  }
0x35f: {  	s0 =	smin.f32 s0, $5.000000000e+00;
	v5 =	vadd.f32 v24, v5;
	s7 =	smul.f32 $1.767766920e-01, s19;
	v0 =	vld [tilespmem:$0x1FDB0]  }
0x360: {  	s1 =	smax.f32 s1, $-5.000000000e+00;
	v1 =	vmov s0;
	v4 =	vld [tilespmem:s6+$0x2840]  }
0x361: {  	vm3 =	vcmask $0x320;
	(xrf2) =	vadd.scan.msk.f32 $0xffff, v5;
	v5 =	vmul.f32 v35, v36;
	s7 =	smax.f32 s7, $-5.000000000e+00;
	s1 =	smin.f32 s1, $5.000000000e+00;
	v7 =	vld [tilespmem:s6+$0x850];
	v1 =	vmul.f32 $1.442695020e+00, v1  }
0x362: {  	v24 =	vld [tilespmem:s6+$0x2850];
	s7 =	smin.f32 s7, $5.000000000e+00;
	v3 =	vmov s1;
	v25 =	vmul.f32 v27, v32;
	v23 =	vmul.f32 v21, v23  }
0x363: {  	v28 =	vld [tilespmem:s6+$0x840];
	v6 =	vmov s7;
	v27 =	vnsel vm1, $0x0, v2;
	v32 =	vsel vm2, $0x0, v2  }
0x364: {  	v33 =	vld [tilespmem:s26+$0x800];
	v27 =	vsel vm3, v27, v0;
	v32 =	vsel vm4, v32, v0;
	v0 =	vbroadcast v1, $0x0;
	[tilespmem:s12+$0x30] =	vst v23  }
0x365: {  	v1 =	vmul.f32 $1.442695020e+00, v3;
	v3 =	vmul.f32 $1.442695020e+00, v6;
	v6 =	vld [tilespmem:$0x1FDD0]  }
0x366: {  	v26 =	vmul.f32 v31, v26;
	v31 =	vld [tilespmem:$0x1FDC0]  }
0x367: {  	v29 =	vmul.f32 v29, v30;
	v30 =	vld [tilespmem:s26+$0x810];
	v5 =	vadd.f32 v5, v25  }
0x368: {  	v2 =	vld [tilespmem:s26+$0x2800]  }
0x369: {  	(xrf2) =	vadd.scan.msk.f32 $0xffff, v5;
	v5 =	vmul.f32 v24, v7;
	v25 =	vld [tilespmem:s18+$0x440]  }
0x36a: {  	v4 =	vmul.f32 v4, v28;
	v28 =	vnsel vm1, $0x0, v6;
	v7 =	vsel vm2, $0x0, v6;
	v6 =	vld [tilespmem:$0x1FDE0]  }
0x36b: {  	v23 =	vsel vm5, v27, v31;
	v27 =	vld [tilespmem:s26+$0x2810]  }
0x36c: {  	s5 =	spop (v2sf);
	(erf) = vpow2.f32 v0;
	v0 =	vadd.f32 v26, v29;
	v26 =	vld [tilespmem:s18+$0x2440];
	v1 =	vbroadcast v1, $0x0  }
0x36d: {  	s19 =	smul.f32 $1.767766920e-01, s5;
	v29 =	vld [tilespmem:s18+$0x450]  }
0x36e: {  	(erf) = vpow2.f32 v1;
	v1 =	vadd.f32 v5, v4;
	v5 =	vld [tilespmem:$0x1FDF0]  }
0x36f: {  	s19 =	smax.f32 s19, $-5.000000000e+00;
	(xrf2) =	vadd.scan.msk.f32 $0xffff, v0;
	v0 =	vbroadcast v3, $0x0;
	v24 =	vsel vm3, v28, v6;
	v7 =	vsel vm4, v7, v6;
	v6 =	vld [tilespmem:$0x1FE00]  }
0x370: {  	s1 =	smin.f32 s19, $5.000000000e+00;
	v2 =	vmul.f32 v2, v33;
	v28 =	vld [tilespmem:s18+$0x2450];
	v3 =	vmul.f32 v27, v30  }
0x371: {  	v34 =	vmov s1  }
0x372: {  	(xrf2) =	vadd.scan.msk.f32 $0xffff, v1;
	v1 =	vadd.f32 v3, v2;
	v3 =	vmul.f32 $1.442695020e+00, v34  }
0x373: {  	(erf) = vpow2.f32 v0  }
0x374: {  	v4 =	vsel vm7, v23, v5;
	v3 =	vbroadcast v3, $0x0;
	v2 =	vsel vm5, v24, v6  }
0x375: {  	v0 =	vld [tilespmem:s31+$0x4440];
	v6 =	vsel vm6, v7, v6;
	v7 =	vmul.f32 v26, v25;
	v23 =	vmul.f32 v28, v29  }
0x376: {  	v24 =	vld [tilespmem:$0x1FE10]  }
0x377: {  	(erf) = vpow2.f32 v3;
	v3 =	vadd.f32 v23, v7;
	v23 =	vld [tilespmem:$0x1FE30]  }
0x378: {  	v26 =	vld [tilespmem:$0x1FE20];
	_ =	sdelay $0x1  }
0x379: {  	v31 =	vsel vm6, v32, v31;
	v0 =	vmul.f32 v38, v0;
	(xrf2) =	vadd.scan.msk.f32 $0xffff, v1  }
0x37a: {  	v5 =	vsel vm8, v31, v5;
	v7 =	vld [tilespmem:s25+$0x4820]  }
0x37b: {  	v25, _, _ =	vpop (xrf2);
	v1 =	vnsel vm1, $0x0, v24;
	v4 =	vsel vm9, v4, v23;
	v5 =	vsel vm10, v5, v23;
	v23 =	vld [tilespmem:$0x1FE40];
	[tilespmem:s30+$0xC0] =	vst v0  }
0x37c: {  	(v2sf) =	vpush v25, $0xF;
	v1 =	vsel vm3, v1, v26;
	v25 =	vld [tilespmem:$0x1FE50]  }
0x37d: {  	v24 =	vsel vm2, $0x0, v24  }
0x37e: {  	v24 =	vsel vm4, v24, v26  }
0x37f: {  	v0 =	vsel vm5, v1, v42;
	v26 =	vsel vm11, v4, v56;
	v4 =	vmul.f32 v44, v7;
	v1, _, _ =	vpop (xrf2)  }
0x380: {  	s5 =	spop (v2sf);
	(xrf2) =	vadd.scan.msk.f32 $0xffff, v3;
	v3 =	vsel vm6, v24, v42;
	v42 =	vpop (erf);
	v24 =	vld [tilespmem:s31+$0x4450];
	(v2sf) =	vpush v1, $0xF  }
0x381: {  	v1, _, _ =	vpop (xrf2);
	v2 =	vsel vm7, v2, v23;
	v6 =	vsel vm8, v6, v23;
	v23 =	vnsel vm1, $0x0, v25  }
0x382: {  	v7 =	vld [tilespmem:s9+$0x4860];
	v28, _, _ =	vpop (xrf2)  }
0x383: {  	[tilespmem:s21+$0x10A0] =	vst v4;
	(v2sf) =	vpush v1, $0xF;
	v4, _, _ =	vpop (xrf2);
	v1 =	vsel vm2, $0x0, v25  }
0x384: {  	v29 =	vsel vm7, v0, v58;
	v25 =	vsel vm3, v23, v43;
	v1 =	vsel vm4, v1, v43;
	v23 =	vpop (erf)  }
0x385: {  	(v2sf) =	vpush v28, $0xF;
	v32 =	vsel vm6, v1, v59;
	v1 =	vmul.f32 v38, v24;
	v43 =	vpop (erf)  }
0x386: {  	v0 =	vld [tilespmem:s3+$0x4800];
	(v2sf) =	vpush v4, $0xF;
	v4 =	vnsel vm1, $0x0, v41;
	v24 =	vsel vm2, $0x0, v41;
	v41 =	vpop (erf)  }
0x387: {  	v28 =	vld [tilespmem:s16+$0x4860];
	v33 =	vsel vm3, v4, v60;
	[tilespmem:s30+$0xD0] =	vst v1;
	v4 =	vmul.f32 v41, v7  }
0x388: {  	v25 =	vsel vm5, v25, v59;
	v59 =	vld [tilespmem:$0x1FE60]  }
0x389: {  	v36 =	vld [tilespmem:$0x1FE70];
	[tilespmem:s21+$0x1060] =	vst v4  }
0x38a: {  	s5 =	smul.f32 $1.767766920e-01, s5;
	v24 =	vsel vm4, v24, v60;
	v60 =	vld [tilespmem:$0x1FE80]  }
0x38b: {  	v31 =	vld [tilespmem:s29+$0x4840]  }
0x38c: {  	s5 =	smax.f32 s5, $-5.000000000e+00;
	v27 =	vld [tilespmem:s13+$0x4420];
	v30 =	vsel vm8, v3, v58  }
0x38d: {  	s7 =	smin.f32 s5, $5.000000000e+00;
	v3 =	vld [tilespmem:s25+$0x4830];
	v0 =	vmul.f32 v23, v0;
	v7 =	vnsel vm1, $0x0, v59;
	v34 =	vsel vm2, $0x0, v59  }
0x38e: {  	v37 =	vmov s7;
	v35 =	vld [tilespmem:s31+$0x460];
	v7 =	vsel vm3, v7, v36;
	v34 =	vsel vm4, v34, v36  }
0x38f: {  	v4 =	vsel vm5, v7, v60;
	v34 =	vsel vm6, v34, v60;
	v60 =	vld [tilespmem:$0x1FE90];
	[tilespmem:s23+$0x1000] =	vst v0;
	v0 =	vmul.f32 v43, v28  }
0x390: {  	v37 =	vmul.f32 $1.442695020e+00, v37;
	v5 =	vsel vm12, v5, v56;
	v56 =	vld [tilespmem:s9+$0x4870]  }
0x391: {  	s9 =	spop (v2sf);
	v36, _, _ =	vpop (xrf2);
	v59 =	vld [tilespmem:$0x1FEA0];
	[tilespmem:s28+$0x10E0] =	vst v0  }
0x392: {  	v37 =	vbroadcast v37, $0x0;
	s0 =	smul.f32 $1.767766920e-01, s9;
	(v2sf) =	vpush v36, $0xF;
	v36 =	vld [tilespmem:$0x1FEB0]  }
0x393: {  	v27 =	vmul.f32 v42, v27;
	v2 =	vsel vm9, v2, v57;
	v6 =	vsel vm10, v6, v57;
	v7 =	vld [tilespmem:s31+$0x2460]  }
0x394: {  	v3 =	vmul.f32 v44, v3;
	(erf) = vpow2.f32 v37;
	s0 =	smax.f32 s0, $-5.000000000e+00;
	v28 =	vld [tilespmem:s31+$0x470];
	v0 =	vsel vm11, v2, v51  }
0x395: {  	s0 =	smin.f32 s0, $5.000000000e+00;
	v2 =	vsel vm12, v6, v51;
	v4 =	vsel vm7, v4, v60;
	v34 =	vsel vm8, v34, v60;
	v60 =	vld [tilespmem:s31+$0x2470]  }
0x396: {  	v57 =	vld [tilespmem:s3+$0x4810];
	v51 =	vmov s0;
	[tilespmem:s12+$0xA0] =	vst v27;
	v4 =	vsel vm9, v4, v59;
	v34 =	vsel vm10, v34, v59  }
0x397: {  	[tilespmem:s21+$0x10B0] =	vst v3;
	v27 =	vsel vm7, v25, v48;
	v59 =	vld [tilespmem:s13+$0x4430];
	v4 =	vsel vm11, v4, v36;
	v6 =	vsel vm12, v34, v36  }
0x398: {  	v25 =	vmul.f32 $1.442695020e+00, v51;
	v34 =	vld [tilespmem:s25+$0x840];
	v4 =	vsel vm13, v4, v55;
	v6 =	vsel vm14, v6, v55  }
0x399: {  	v4 =	vsel vm15, v4, v54;
	v6 =	vsel vm0, v6, v54;
	v54 =	vld [tilespmem:s25+$0x2840]  }
0x39a: {  	v25 =	vbroadcast v25, $0x0;
	v28 =	vmul.f32 v60, v28;
	v60 =	vld [tilespmem:s4+$0x4400]  }
0x39b: {  	s19 =	spop (v2sf);
	v3 =	vld [tilespmem:s16+$0x4870];
	s16 =	sand.u32 $0x8, s2;
	v58 =	vmul.f32 v23, v57  }
0x39c: {  	v1 =	vld [tilespmem:s11+$0x4400];
	s7 =	smul.f32 $1.767766920e-01, s19;
	p0 =	seq.s32 s16, $0x0;
	v7 =	vmul.f32 v7, v35;
	(erf) = vpow2.f32 v25  }
0x39d: {  	v35 =	vld [tilespmem:s25+$0x2850];
	v25 =	vnsel vm1, $0x0, v63;
	[tilespmem:s23+$0x1010] =	vst v58;
	v55 =	vsel vm8, v32, v48;
	v4 =	vpsel p0, v4, v6  }
0x39e: {  	s9 =	spop (v2sf);
	s1 =	smax.f32 s7, $-5.000000000e+00;
	v37 =	vld [tilespmem:s3+$0x830];
	v32 =	vpop (erf);
	v34 =	vmul.f32 v54, v34;
	v54 =	vsel vm3, v25, v45;
	v25 =	vmul.f32 v42, v59  }
0x39f: {  	s1 =	smin.f32 s1, $5.000000000e+00;
	s16 =	spop (v2sf);
	v6 =	vsel vm9, v29, v50;
	v29 =	vsel vm10, v30, v50;
	v30 =	vld [tilespmem:s25+$0x850];
	v48 =	vmul.f32 v32, v60  }
0x3a0: {  	v50 =	vsel vm13, v26, v49;
	v26 =	vmov s1;
	s1 =	smul.f32 $1.767766920e-01, s16;
	s16 =	simm.s32 $0x6B00;
	v7 =	vadd.f32 v28, v7;
	v28 =	vld [tilespmem:s3+$0x820];
	[tilespmem:s12+$0xB0] =	vst v25  }
0x3a1: {  	v36 =	vmul.f32 $1.442695020e+00, v26;
	v59 =	vld [tilespmem:s3+$0x2830];
	[tilespmem:s16+$0x0] =	vst v48  }
0x3a2: {  	(xrf2) =	vadd.scan.msk.f32 $0xffff, v7;
	v7 =	vsel vm2, $0x0, v63;
	v63 =	vld [tilespmem:$0x1FEC0]  }
0x3a3: {  	v45 =	vsel vm4, v7, v45;
	v7 =	vbroadcast v36, $0x0;
	v36 =	vmul.f32 v41, v56;
	v48 =	vld [tilespmem:$0x1FED0]  }
0x3a4: {  	v30 =	vmul.f32 v35, v30;
	v35 =	vld [tilespmem:s3+$0x2820]  }
0x3a5: {  	[tilespmem:s21+$0x1070] =	vst v36  }
0x3a6: {  	v25 =	vsel vm11, v6, v44;
	v6 =	vadd.f32 v30, v34;
	v57 =	vld [tilespmem:$0x1FEE0]  }
0x3a7: {  	v30 =	vnsel vm1, $0x0, v63;
	v34 =	vsel vm2, $0x0, v63;
	v63 =	vmul.f32 v59, v37;
	v59 =	vld [tilespmem:$0x1FEF0]  }
0x3a8: {  	v31 =	vmul.f32 v46, v31;
	v30 =	vsel vm3, v30, v48;
	v34 =	vsel vm4, v34, v48;
	v48 =	vpop (erf)  }
0x3a9: {  	v28 =	vmul.f32 v35, v28;
	v1 =	vmul.f32 v48, v1  }
0x3aa: {  	(erf) = vpow2.f32 v7;
	v56 =	vld [tilespmem:s4+$0x4410];
	[tilespmem:s20+$0x10C0] =	vst v31  }
0x3ab: {  	s0 =	smul.f32 $1.767766920e-01, s9;
	v30 =	vsel vm5, v30, v57;
	v34 =	vsel vm6, v34, v57;
	v28 =	vadd.f32 v63, v28;
	v63 =	vld [tilespmem:$0x1FF00];
	[tilespmem:s16+$0x80] =	vst v1  }
0x3ac: {  	s1 =	smax.f32 s1, $-5.000000000e+00;
	v30 =	vsel vm7, v30, v59;
	v34 =	vsel vm8, v34, v59;
	v59 =	vld [tilespmem:$0x1FF10]  }
0x3ad: {  	s0 =	smax.f32 s0, $-5.000000000e+00;
	v26 =	vsel vm12, v29, v44;
	s1 =	smin.f32 s1, $5.000000000e+00;
	v29 =	vld [tilespmem:s13+$0x440]  }
0x3ae: {  	v24 =	vsel vm6, v24, v47;
	s0 =	smin.f32 s0, $5.000000000e+00;
	v58 =	vmov s1;
	s1 =	simm.s32 $0x305;
	v7 =	vld [tilespmem:s13+$0x2440]  }
0x3af: {  	v51 =	vsel vm14, v5, v49;
	v5 =	vsel vm5, v33, v47;
	v33 =	vmov s0;
	v37 =	vld [tilespmem:s1+$0xFFFFFFFF]  }
0x3b0: {  	(xrf2) =	vadd.scan.msk.f32 $0xffff, v6;
	v31 =	vmul.f32 v32, v56;
	v56 =	vld [tilespmem:s15+$0x4460];
	v30 =	vsel vm9, v30, v63;
	v34 =	vsel vm10, v34, v63  }
0x3b1: {  	v33 =	vmul.f32 $1.442695020e+00, v33;
	(xrf2) =	vadd.scan.msk.f32 $0xffff, v28;
	v28, _, _ =	vpop (xrf2);
	v1 =	vsel vm11, v30, v59;
	v34 =	vsel vm12, v34, v59  }
0x3b2: {  	s9 =	sand.u32 $0x8, s10;
	s19 =	spop (v2sf);
	[tilespmem:s16+$0x10] =	vst v31;
	(v2sf) =	vpush v28, $0xF;
	v1 =	vsel vm13, v1, v62;
	v31 =	vsel vm14, v34, v62  }
0x3b3: {  	v47 =	vld [tilespmem:s26+$0x4800];
	p5 =	seq.s32 s9, $0x0;
	v63 =	vmul.f32 $1.442695020e+00, v58;
	v1 =	vsel vm15, v1, v52;
	v31 =	vsel vm0, v31, v52  }
0x3b4: {  	v44 =	vld [tilespmem:s13+$0x450];
	(v2sf) =	vpush v37, $0x0;
	v37 =	vpop (erf);
	v58 =	vpsel p5, v1, v31;
	v31 =	vmul.f32 v7, v29  }
0x3b5: {  	v35 =	vld [tilespmem:s13+$0x2450];
	v1 =	vbroadcast v33, $0x0;
	v29 =	vmul.f32 v37, v56  }
0x3b6: {  	v30 =	vld [tilespmem:s29+$0x4850];
	v52 =	vbroadcast v63, $0x0  }
0x3b7: {  	v28 =	vld [tilespmem:s11+$0x4410];
	(erf) = vpow2.f32 v1;
	[tilespmem:s30+$0x60] =	vst v29  }
0x3b8: {  	(erf) = vpow2.f32 v52;
	v52 =	vld [tilespmem:s15+$0x4470]  }
0x3b9: {  	v57 =	vld [tilespmem:s4+$0x2420]  }
0x3ba: {  	v34 =	vld [tilespmem:s4+$0x420]  }
0x3bb: {  	v35 =	vmul.f32 v35, v44;
	v62 =	vld [tilespmem:s4+$0x430];
	v44 =	vmul.f32 v46, v30  }
0x3bc: {  	v63 =	vld [tilespmem:s4+$0x2430];
	v29 =	vsel vm7, v5, v39;
	v5 =	vmul.f32 v48, v28  }
0x3bd: {  	v49 =	vld [tilespmem:s24+$0x4820];
	v30 =	vsel vm8, v24, v39;
	[tilespmem:s20+$0x10D0] =	vst v44;
	v39 =	vmul.f32 v37, v52  }
0x3be: {  	s0 =	smul.f32 $1.767766920e-01, s19;
	v7 =	vld [tilespmem:s31+$0x4460];
	[tilespmem:s16+$0x90] =	vst v5  }
0x3bf: {  	v28 =	vsel vm13, v0, v46;
	v0 =	vld [tilespmem:s25+$0x4840];
	[tilespmem:s30+$0x70] =	vst v39  }
0x3c0: {  	s0 =	smax.f32 s0, $-5.000000000e+00;
	v5 =	vmul.f32 v57, v34;
	v57 =	vld [tilespmem:$0x1FF20]  }
0x3c1: {  	s0 =	smin.f32 s0, $5.000000000e+00;
	v24 =	vsel vm14, v2, v46;
	v2 =	vadd.f32 v35, v31;
	v1, _, _ =	vpop (xrf2);
	v33 =	vmul.f32 v63, v62;
	v63 =	vld [tilespmem:s6+$0x4840]  }
0x3c2: {  	v27 =	vsel vm9, v27, v40;
	s5 =	spop (v2sf);
	v60 =	vmov s0;
	(v2sf) =	vpush v1, $0xF;
	v1 =	vld [tilespmem:s13+$0x4440]  }
0x3c3: {  	v55 =	vsel vm10, v55, v40;
	v36 =	vsel vm6, v45, v38;
	(xrf2) =	vadd.scan.msk.f32 $0xffff, v2;
	v2 =	vmul.f32 $1.442695020e+00, v60;
	v60 =	vld [tilespmem:$0x1FF30]  }
0x3c4: {  	v59 =	vnsel vm1, $0x0, v53;
	v35 =	vsel vm5, v54, v38;
	v62 =	vsel vm2, $0x0, v53;
	v31, _, _ =	vpop (xrf2);
	v38 =	vld [tilespmem:s11+$0x420]  }
0x3c5: {  	v56 =	vld [tilespmem:s11+$0x2420];
	(v2sf) =	vpush v31, $0xF;
	v54 =	vadd.f32 v33, v5;
	v40 =	vsel vm2, $0x0, v57  }
0x3c6: {  	v31 =	vsel vm3, v59, v42;
	v33 =	vsel vm4, v62, v42;
	v2 =	vbroadcast v2, $0x0;
	v42 =	vld [tilespmem:s11+$0x430]  }
0x3c7: {  	v51 =	vsel vm0, v51, v43;
	s7 =	smul.f32 $1.767766920e-01, s5;
	v5 =	vsel vm15, v50, v43;
	v43 =	vmul.f32 v43, v3;
	v3 =	vld [tilespmem:s11+$0x2430];
	v50 =	vpop (erf)  }
0x3c8: {  	(erf) = vpow2.f32 v2;
	v2 =	vld [tilespmem:s15+$0x800];
	v46 =	vsel vm4, v40, v60;
	v40 =	vpop (erf)  }
0x3c9: {  	s0 =	smax.f32 s7, $-5.000000000e+00;
	v62 =	vld [tilespmem:$0x1FF40];
	v45 =	vmul.f32 v40, v63  }
0x3ca: {  	s0 =	smin.f32 s0, $5.000000000e+00;
	v52 =	vld [tilespmem:s15+$0x2800]  }
0x3cb: {  	v6 =	vmov s0;
	v59 =	vnsel vm1, $0x0, v57;
	v63 =	vld [tilespmem:$0x1FF50];
	[tilespmem:s22+$0x1040] =	vst v45  }
0x3cc: {  	v6 =	vmul.f32 $1.442695020e+00, v6;
	(xrf2) =	vadd.scan.msk.f32 $0xffff, v54;
	v39 =	vsel vm3, v59, v60;
	v59 =	vld [tilespmem:$0x1FF60]  }
0x3cd: {  	v60 =	vld [tilespmem:$0x1FF70]  }
0x3ce: {  	s2 =	sshll.u32 s2, $0x2;
	v6 =	vbroadcast v6, $0x0;
	v44 =	vld [tilespmem:s29+$0x860];
	v34 =	vmul.f32 v56, v38  }
0x3cf: {  	s2 =	sshra.s32 s2, $0x2;
	v57 =	vmul.f32 v50, v49;
	v49 =	vld [tilespmem:s15+$0x2810];
	v39 =	vsel vm5, v39, v62;
	v46 =	vsel vm6, v46, v62  }
0x3d0: {  	s10 =	sshll.u32 s10, $0x2;
	s2 =	sand.u32 $0xFFFFFFF0, s2;
	s0 =	spop (v2sf);
	v42 =	vmul.f32 v3, v42;
	v54 =	vsel vm7, v39, v63;
	v56 =	vsel vm8, v46, v63;
	v46 =	vld [tilespmem:s15+$0x810]  }
0x3d1: {  	s2 =	sadd.s32 $0x6400, s2;
	s7 =	sshra.s32 s10, $0x2;
	s5 =	spop (v2sf);
	(erf) = vpow2.f32 v6;
	v6 =	vld [tilespmem:s29+$0x4860];
	v38 =	vsel vm9, v54, v59;
	v39 =	vsel vm10, v56, v59  }
0x3d2: {  	s7 =	sand.u32 $0xFFFFFFF0, s7;
	s0 =	smul.f32 $1.767766920e-01, s0;
	s19 =	sand.u32 $0x8, s5;
	v2 =	vmul.f32 v52, v2;
	[tilespmem:s22+$0x10A0] =	vst v57;
	v63 =	vld [tilespmem:s6+$0x4850];
	v3 =	vsel vm11, v38, v60;
	v62 =	vsel vm12, v39, v60  }
0x3d3: {  	s7 =	sadd.s32 $0x6500, s7;
	s5 =	sshll.u32 s5, $0x2;
	p6 =	seq.s32 s19, $0x0;
	[tilespmem:s2+$0x2000] =	vst v4;
	v4 =	vadd.f32 v42, v34;
	v57 =	vld [tilespmem:s24+$0x4830];
	v54, _, _ =	vpop (xrf2);
	v53 =	vsel vm13, v3, v61;
	v38 =	vsel vm14, v62, v61  }
0x3d4: {  	s5 =	sshra.s32 s5, $0x2;
	s0 =	smax.f32 s0, $-5.000000000e+00;
	s19 =	spop (v2sf);
	[tilespmem:s7+$0x2000] =	vst v58;
	v42 =	vld [tilespmem:s29+$0x870];
	(v2sf) =	vpush v54, $0xF;
	v56 =	vsel vm15, v53, v41;
	v38 =	vsel vm0, v38, v41  }
0x3d5: {  	s10 =	sand.u32 $0xFFFFFFF0, s5;
	s0 =	smin.f32 s0, $5.000000000e+00;
	s5 =	smul.f32 $1.767766920e-01, s19;
	[tilespmem:s28+$0x10F0] =	vst v43;
	v59 =	vld [tilespmem:s29+$0x2860];
	v58 =	vpsel p6, v56, v38;
	v38 =	vsel vm11, v27, v50;
	v27 =	vmul.f32 v49, v46  }
0x3d6: {  	s2 =	sadd.s32 $0x6600, s10;
	v43 =	vld [tilespmem:s29+$0x2870];
	s10 =	spop (v2sf);
	v34 =	vnsel vm1, $0x0, v48;
	v60, _, _ =	vpop (xrf2);
	(xrf2) =	vadd.scan.msk.f32 $0xffff, v4;
	v4 =	vmov s0;
	v39 =	vsel vm12, v55, v50  }
0x3d7: {  	s9 =	smax.f32 s5, $-5.000000000e+00;
	s19 =	smul.f32 $1.767766920e-01, s10;
	v3 =	vld [tilespmem:s11+$0x4420];
	v61 =	vmul.f32 v40, v63;
	v63 =	vmul.f32 $1.442695020e+00, v4;
	v41 =	vpop (erf);
	v2 =	vadd.f32 v27, v2  }
0x3d8: {  	(v2sf) =	vpush v60, $0xF;
	v4 =	vmul.f32 v50, v57;
	v62 =	vmul.f32 v41, v47;
	v46 =	vld [tilespmem:s17+$0x0];
	[tilespmem:s2+$0x2000] =	vst v58;
	s2 =	smin.f32 s9, $5.000000000e+00  }
0x3d9: {  	s10 =	smax.f32 s19, $-5.000000000e+00;
	s0 =	simm.s32 $0xE;
	[tilespmem:s22+$0x1050] =	vst v61;
	v47 =	vld [tilespmem:s18+$0x4440];
	v50 =	vbroadcast v63, $0x0;
	(xrf2) =	vadd.scan.msk.f32 $0xffff, v2;
	v2 =	vmov s2  }
0x3da: {  	v49 =	vmul.f32 v59, v44;
	s9 =	simm.s32 $0x305;
	v27 =	vsel vm2, $0x0, v48;
	[tilespmem:s23+$0x1080] =	vst v62;
	v48 =	vld [tilespmem:s6+$0x860];
	s2 =	simm.s32 $0x880;
	v52 =	vmul.f32 $1.442695020e+00, v2  }
.LBB2_4:
0x3db: {  	s5 =	sadd.s32 $0xFFFFFF80, s2;
	s14 =	sadd.s32 $0x200, s14;
	s7 =	smin.f32 s10, $5.000000000e+00;
	v45 =	vsel vm9, v29, v41;
	v44 =	vsel vm10, v30, v41;
	v29 =	vld [tilespmem:s6+$0x2860];
	[tilespmem:s22+$0x10B0] =	vst v4;
	v53 =	vmul.f32 v43, v42  }
0x3dc: {  	s17 =	sand.u32 $0x380, s2;
	v2 =	vmovc v32;
	v42 =	vmovc v14;
	s10 =	sand.u32 $0x1800, s14;
	s5 =	sand.u32 $0x300, s5;
	(erf) = vpow2.f32 v50;
	v30 =	vmov s7;
	v50 =	vld [tilespmem:s6+$0x870];
	v52 =	vbroadcast v52, $0x0  }
0x3dd: {  	v14 =	vmovc v19;
	v19 =	vmovc v37;
	s19 =	sor.u32 s5, s10;
	s10 =	sor.u32 s10, s17;
	v30 =	vmul.f32 $1.442695020e+00, v30;
	v32 =	vld [tilespmem:s6+$0x2870];
	v53 =	vadd.f32 v53, v49;
	(v2sf) =	vpush v46, $0x0  }
0x3de: {  	v4 =	vmov v40;
	v37 =	vld [tilespmem:s19+$0x400];
	v43 =	vpop (erf);
	(erf) = vpow2.f32 v52  }
0x3df: {  	v40 =	vld [tilespmem:s19+$0x2400];
	v46 =	vmul.f32 v43, v47;
	v30 =	vbroadcast v30, $0x0;
	(xrf2) =	vadd.scan.msk.f32 $0xffff, v53  }
0x3e0: {  	v47 =	vld [tilespmem:s19+$0x410];
	v49, _, _ =	vpop (xrf2)  }
0x3e1: {  	v52 =	vld [tilespmem:s19+$0x2410];
	(v2sf) =	vpush v49, $0xF;
	[tilespmem:s12+$0x40] =	vst v46;
	(erf) = vpow2.f32 v30  }
0x3e2: {  	v29 =	vmul.f32 v29, v48;
	v30 =	vld [tilespmem:s18+$0x4450];
	v32 =	vmul.f32 v32, v50  }
0x3e3: {  	v46 =	vld [tilespmem:s10+$0x400]  }
0x3e4: {  	v48 =	vld [tilespmem:s10+$0x2400];
	s5 =	spop (v2sf);
	v49, _, _ =	vpop (xrf2);
	v32 =	vadd.f32 v32, v29  }
0x3e5: {  	v50 =	vld [tilespmem:s10+$0x410];
	s5 =	smul.f32 $1.767766920e-01, s5;
	(v2sf) =	vpush v49, $0xF;
	v49 =	vpop (erf)  }
0x3e6: {  	v37 =	vmul.f32 v40, v37;
	v47 =	vmul.f32 v52, v47;
	v52 =	vld [tilespmem:s10+$0x2410];
	v29 =	vsel vm7, v35, v49;
	(xrf2) =	vadd.scan.msk.f32 $0xffff, v32  }
0x3e7: {  	v7 =	vmul.f32 v49, v7;
	s7 =	spop (v2sf);
	v35 =	vmul.f32 v43, v30;
	s5 =	smax.f32 s5, $-5.000000000e+00;
	v30 =	vsel vm8, v36, v49;
	v36 =	vld [tilespmem:s3+$0x4820];
	v40 =	vpop (erf)  }
0x3e8: {  	v47 =	vadd.f32 v47, v37;
	v37 =	vld [tilespmem:s10+$0x4400];
	s7 =	smul.f32 $1.767766920e-01, s7;
	s5 =	smin.f32 s5, $5.000000000e+00;
	v32 =	vsel vm13, v25, v40;
	v53 =	vmul.f32 v40, v0;
	v25 =	vmovc v38  }
0x3e9: {  	v0 =	vsel vm14, v26, v40;
	v38 =	vmul.f32 v48, v46;
	[tilespmem:s12+$0x50] =	vst v35;
	v35 =	vmov s5;
	v48 =	vld [tilespmem:s26+$0x4810];
	v26, _, _ =	vpop (xrf2)  }
0x3ea: {  	(xrf2) =	vadd.scan.msk.f32 $0xffff, v47;
	s5 =	smax.f32 s7, $-5.000000000e+00;
	v47 =	vld [tilespmem:s18+$0x460];
	v35 =	vmul.f32 $1.442695020e+00, v35;
	[tilespmem:s30+$0xE0] =	vst v7;
	v46 =	vpop (erf);
	(v2sf) =	vpush v26, $0xF  }
0x3eb: {  	v26 =	vmov v39;
	v7 =	vmul.f32 v52, v50;
	s5 =	smin.f32 s5, $5.000000000e+00;
	v50 =	vld [tilespmem:s18+$0x2460];
	[tilespmem:s21+$0x10C0] =	vst v53  }
0x3ec: {  	v39 =	vmov s5;
	v52 =	vld [tilespmem:s18+$0x470];
	v35 =	vbroadcast v35, $0x0;
	v36 =	vmul.f32 v46, v36;
	s5 =	spop (v2sf)  }
0x3ed: {  	v7 =	vadd.f32 v7, v38;
	v38 =	vmul.f32 $1.442695020e+00, v39;
	v39 =	vld [tilespmem:s18+$0x2470];
	s7 =	sand.u32 $0x8, s5;
	s5 =	sshll.u32 s5, $0x2  }
0x3ee: {  	(erf) = vpow2.f32 v35;
	v35 =	vld [tilespmem:s31+$0x4470];
	[tilespmem:s23+$0x1020] =	vst v36;
	v48 =	vmul.f32 v41, v48;
	p0 =	seq.s32 s7, $0x0;
	s5 =	sshra.s32 s5, $0x2  }
0x3ef: {  	(xrf2) =	vadd.scan.msk.f32 $0xffff, v7;
	v7 =	vbroadcast v38, $0x0;
	v38 =	vld [tilespmem:s3+$0x4830];
	v41 =	vpsel p0, v5, v51;
	s5 =	sand.u32 $0xFFFFFFF0, s5  }
0x3f0: {  	s7 =	spop (v2sf);
	[tilespmem:s23+$0x1090] =	vst v48;
	v5 =	vld [tilespmem:s24+$0x840];
	v36, _, _ =	vpop (xrf2);
	s5 =	sadd.s32 s5, s28;
	s28 =	smov.u32 s20  }
0x3f1: {  	s20 =	smov.u32 s21;
	s21 =	smov.u32 s22;
	s7 =	smul.f32 $1.767766920e-01, s7;
	(erf) = vpow2.f32 v7;
	v7 =	vld [tilespmem:s26+$0x820];
	(v2sf) =	vpush v36, $0xF;
	[tilespmem:s5+$0x2080] =	vst v41  }
0x3f2: {  	s22 =	smov.u32 s23;
	s23 =	smov.u32 s30;
	s30 =	smov.u32 s12;
	v36 =	vmul.f32 v50, v47;
	v39 =	vmul.f32 v39, v52;
	v41 =	vld [tilespmem:s26+$0x2820]  }
0x3f3: {  	s12 =	smov.u32 s16;
	s5 =	smax.f32 s7, $-5.000000000e+00;
	v35 =	vmul.f32 v49, v35;
	v47 =	vld [tilespmem:s26+$0x830]  }
0x3f4: {  	v48, _, _ =	vpop (xrf2);
	s5 =	smin.f32 s5, $5.000000000e+00;
	v36 =	vadd.f32 v39, v36;
	s7 =	spop (v2sf);
	v51 =	vmul.f32 v46, v38;
	v49 =	vld [tilespmem:s26+$0x2830]  }
0x3f5: {  	(v2sf) =	vpush v48, $0xF;
	v48 =	vmov s5;
	s5 =	smul.f32 $1.767766920e-01, s7;
	[tilespmem:s23+$0xF0] =	vst v35;
	v39 =	vld [tilespmem:s26+$0x4820]  }
0x3f6: {  	s0 =	sadd.s32 $0x2, s0;
	v50 =	vld [tilespmem:s4+$0x4420];
	v35 =	vmul.f32 $1.442695020e+00, v48;
	(xrf2) =	vadd.scan.msk.f32 $0xffff, v36;
	[tilespmem:s22+$0x1030] =	vst v51  }
0x3f7: {  	p0 =	slt.u32 s0, $0x1E;
	v38 =	vpop (erf);
	s5 =	smax.f32 s5, $-5.000000000e+00;
	v48 =	vld [tilespmem:s3+$0x840];
	v7 =	vmul.f32 v41, v7  }
0x3f8: {  	v51 =	vbroadcast v35, $0x0;
	v35 =	vsel vm5, v31, v38;
	v1 =	vmul.f32 v38, v1;
	s5 =	smin.f32 s5, $5.000000000e+00;
	v31 =	vld [tilespmem:s3+$0x2840]  }
0x3f9: {  	v36 =	vsel vm6, v33, v38;
	v41, _, _ =	vpop (xrf2);
	v33 =	vmov s5;
	v52 =	vld [tilespmem:s3+$0x850];
	v47 =	vmul.f32 v49, v47;
	s5 =	spop (v2sf)  }
0x3fa: {  	(v2sf) =	vpush v41, $0xF  }
0x3fb: {  	v41 =	vpop (erf);
	(erf) = vpow2.f32 v51;
	[tilespmem:s30+$0xC0] =	vst v1;
	v1 =	vmul.f32 $1.442695020e+00, v33;
	v33 =	vld [tilespmem:s3+$0x2850];
	s5 =	smul.f32 $1.767766920e-01, s5  }
0x3fc: {  	v49 =	vld [tilespmem:s13+$0x4450];
	v7 =	vadd.f32 v47, v7  }
0x3fd: {  	v47 =	vmul.f32 v41, v50;
	v1 =	vbroadcast v1, $0x0;
	v50 =	vld [tilespmem:s31+$0x800];
	s5 =	smax.f32 s5, $-5.000000000e+00  }
0x3fe: {  	v51 =	vld [tilespmem:s31+$0x2800];
	s5 =	smin.f32 s5, $5.000000000e+00  }
0x3ff: {  	[tilespmem:s16+$0x20] =	vst v47;
	v53 =	vld [tilespmem:s31+$0x810];
	(erf) = vpow2.f32 v1;
	(xrf2) =	vadd.scan.msk.f32 $0xffff, v7;
	v1 =	vmov s5  }
0x400: {  	v31 =	vmul.f32 v31, v48;
	v7 =	vld [tilespmem:s4+$0x4430];
	v33 =	vmul.f32 v33, v52  }
0x401: {  	v1 =	vmul.f32 $1.442695020e+00, v1;
	v38 =	vmul.f32 v38, v49;
	v47, _, _ =	vpop (xrf2);
	v48 =	vld [tilespmem:s31+$0x2810];
	s5 =	spop (v2sf)  }
0x402: {  	(v2sf) =	vpush v47, $0xF;
	v47 =	vld [tilespmem:s31+$0x4800];
	v31 =	vadd.f32 v33, v31;
	s5 =	smul.f32 $1.767766920e-01, s5  }
0x403: {  	v1 =	vbroadcast v1, $0x0;
	[tilespmem:s30+$0xD0] =	vst v38;
	v38 =	vmul.f32 v51, v50;
	v49 =	vld [tilespmem:s24+$0x2840]  }
0x404: {  	v50 =	vpop (erf);
	v51 =	vld [tilespmem:s15+$0x4800];
	(xrf2) =	vadd.scan.msk.f32 $0xffff, v31;
	s5 =	smax.f32 s5, $-5.000000000e+00  }
0x405: {  	s7 =	spop (v2sf);
	v7 =	vmul.f32 v41, v7;
	v31 =	vsel vm3, v34, v50;
	v3 =	vmul.f32 v50, v3;
	v34 =	vld [tilespmem:s13+$0x460];
	s5 =	smin.f32 s5, $5.000000000e+00  }
0x406: {  	s7 =	smul.f32 $1.767766920e-01, s7;
	v52 =	vld [tilespmem:s13+$0x2460];
	v54 =	vmul.f32 v48, v53;
	v53 =	vmov s5;
	(erf) = vpow2.f32 v1  }
0x407: {  	v33 =	vsel vm4, v27, v50;
	[tilespmem:s16+$0x30] =	vst v7;
	v1 =	vld [tilespmem:s13+$0x470];
	v7 =	vmul.f32 $1.442695020e+00, v53  }
0x408: {  	s5 =	smax.f32 s7, $-5.000000000e+00;
	v27 =	vld [tilespmem:s4+$0x440];
	[tilespmem:s16+$0xA0] =	vst v3;
	v3 =	vadd.f32 v54, v38;
	v48 =	vpop (erf);
	v38 =	vmul.f32 v49, v5  }
0x409: {  	s5 =	smin.f32 s5, $5.000000000e+00;
	v5 =	vld [tilespmem:s4+$0x2440];
	v49 =	vmul.f32 v48, v51;
	v51, _, _ =	vpop (xrf2);
	v7 =	vbroadcast v7, $0x0  }
0x40a: {  	v53 =	vmov s5;
	s5 =	spop (v2sf);
	v54 =	vld [tilespmem:s4+$0x450];
	(v2sf) =	vpush v51, $0xF  }
0x40b: {  	v56 =	vmul.f32 $1.442695020e+00, v53;
	s5 =	smul.f32 $1.767766920e-01, s5;
	v53 =	vld [tilespmem:s4+$0x2450];
	[tilespmem:s23+$0x1000] =	vst v49;
	(xrf2) =	vadd.scan.msk.f32 $0xffff, v3;
	(erf) = vpow2.f32 v7  }
0x40c: {  	v34 =	vmul.f32 v52, v34;
	v49 =	vld [tilespmem:s15+$0x4810]  }
0x40d: {  	v57 =	vbroadcast v56, $0x0;
	s5 =	smax.f32 s5, $-5.000000000e+00;
	v52 =	vld [tilespmem:s11+$0x4430]  }
0x40e: {  	s5 =	smin.f32 s5, $5.000000000e+00;
	v55 =	vld [tilespmem:s13+$0x2470];
	v51, _, _ =	vpop (xrf2)  }
0x40f: {  	v56 =	vmov s5;
	(erf) = vpow2.f32 v57;
	v7 =	vld [tilespmem:s13+$0x4460];
	(v2sf) =	vpush v51, $0xF;
	v3 =	vpop (erf)  }
0x410: {  	v27 =	vmul.f32 v5, v27;
	v53 =	vmul.f32 v53, v54;
	v54 =	vld [tilespmem:s6+$0x4860];
	v5 =	vsel vm15, v28, v3;
	v28 =	vmovc v32  }
0x411: {  	v32 =	vmul.f32 $1.442695020e+00, v56;
	v51 =	vsel vm0, v24, v3;
	v24 =	vmovc v0;
	s5 =	spop (v2sf);
	v49 =	vmul.f32 v48, v49;
	v56 =	vld [tilespmem:s24+$0x850]  }
0x412: {  	v0 =	vadd.f32 v53, v27;
	v27 =	vmul.f32 v50, v52;
	s5 =	smul.f32 $1.767766920e-01, s5;
	v50 =	vld [tilespmem:s24+$0x2850];
	v52 =	vmul.f32 v3, v6  }
0x413: {  	v32 =	vbroadcast v32, $0x0;
	v53 =	vld [tilespmem:s19+$0x4400];
	v1 =	vmul.f32 v55, v1;
	[tilespmem:s23+$0x1010] =	vst v49  }
0x414: {  	[tilespmem:s16+$0xB0] =	vst v27;
	(xrf2) =	vadd.scan.msk.f32 $0xffff, v0;
	s5 =	smax.f32 s5, $-5.000000000e+00;
	v0 =	vld [tilespmem:s15+$0x820];
	v6 =	vpop (erf)  }
0x415: {  	s5 =	smin.f32 s5, $5.000000000e+00;
	v1 =	vadd.f32 v1, v34;
	v27 =	vld [tilespmem:s15+$0x2820];
	v34, _, _ =	vpop (xrf2);
	v49 =	vmul.f32 v6, v54;
	[tilespmem:s28+$0x10E0] =	vst v52  }
0x416: {  	(erf) = vpow2.f32 v32;
	v54 =	vmov s5;
	v52 =	vld [tilespmem:s15+$0x830];
	(v2sf) =	vpush v34, $0xF  }
0x417: {  	v34 =	vmul.f32 $1.442695020e+00, v54;
	(xrf2) =	vadd.scan.msk.f32 $0xffff, v1;
	v1 =	vld [tilespmem:s15+$0x2830];
	[tilespmem:s21+$0x1060] =	vst v49;
	v49 =	vmul.f32 v50, v56  }
0x418: {  	v32 =	vpop (erf);
	v50 =	vld [tilespmem:s6+$0x4870];
	s6 =	smov.u32 s3;
	s3 =	smov.u32 s15;
	s15 =	smov.u32 s18  }
0x419: {  	s18 =	smov.u32 s4;
	s4 =	smov.u32 s19;
	v53 =	vmul.f32 v32, v53;
	v54 =	vld [tilespmem:s11+$0x440];
	v34 =	vbroadcast v34, $0x0;
	s5 =	spop (v2sf);
	v38 =	vadd.f32 v49, v38  }
0x41a: {  	s16 =	sadd.s32 $0x100, s16;
	v49 =	vld [tilespmem:s11+$0x2440];
	s5 =	smul.f32 $1.767766920e-01, s5  }
0x41b: {  	[tilespmem:s16+$0x0] =	vst v53;
	v53 =	vld [tilespmem:s11+$0x450];
	(erf) = vpow2.f32 v34;
	(xrf2) =	vadd.scan.msk.f32 $0xffff, v38  }
0x41c: {  	v0 =	vmul.f32 v27, v0;
	v38 =	vld [tilespmem:s4+$0x4410];
	v27 =	vmul.f32 v1, v52;
	s5 =	smax.f32 s5, $-5.000000000e+00  }
0x41d: {  	v52 =	vld [tilespmem:s11+$0x2450];
	s5 =	smin.f32 s5, $5.000000000e+00;
	v34 =	vmul.f32 v6, v50  }
0x41e: {  	v1 =	vld [tilespmem:s11+$0x4440];
	v50, _, _ =	vpop (xrf2);
	v55 =	vadd.f32 v27, v0;
	v0 =	vmov s5;
	s5 =	spop (v2sf)  }
0x41f: {  	(v2sf) =	vpush v50, $0xF  }
0x420: {  	s1 =	sadd.s32 $0x2, s1;
	v56 =	vpop (erf);
	v49 =	vmul.f32 v49, v54;
	s5 =	smul.f32 $1.767766920e-01, s5;
	v50 =	vmul.f32 $1.442695020e+00, v0;
	[tilespmem:s21+$0x1070] =	vst v34;
	v0 =	vld [tilespmem:s24+$0x4840]  }
0x421: {  	v34 =	vnsel vm1, $0x0, v56;
	v27 =	vsel vm2, $0x0, v56;
	v37 =	vmul.f32 v56, v37;
	(xrf2) =	vadd.scan.msk.f32 $0xffff, v55;
	v54 =	vld [tilespmem:s1+$0xFFFFFFFF]  }
0x422: {  	v38 =	vmul.f32 v32, v38;
	v55 =	vld [tilespmem:s15+$0x4460];
	v57, _, _ =	vpop (xrf2);
	s5 =	smax.f32 s5, $-5.000000000e+00;
	v50 =	vbroadcast v50, $0x0  }
0x423: {  	[tilespmem:s16+$0x80] =	vst v37;
	v58 =	vmul.f32 v52, v53;
	(v2sf) =	vpush v57, $0xF;
	s5 =	smin.f32 s5, $5.000000000e+00;
	v52 =	vld [tilespmem:s25+$0x4850]  }
0x424: {  	[tilespmem:s16+$0x10] =	vst v38;
	v38 =	vld [tilespmem:s10+$0x4410];
	v53 =	vmov s5;
	(erf) = vpow2.f32 v50  }
0x425: {  	v50 =	vld [tilespmem:s4+$0x420];
	v49 =	vadd.f32 v58, v49;
	v37 =	vpop (erf);
	v53 =	vmul.f32 $1.442695020e+00, v53  }
0x426: {  	v57 =	vld [tilespmem:s4+$0x2420];
	s5 =	spop (v2sf);
	(v2sf) =	vpush v54, $0x0;
	v54, _, _ =	vpop (xrf2)  }
0x427: {  	v58 =	vld [tilespmem:s4+$0x430];
	(xrf2) =	vadd.scan.msk.f32 $0xffff, v49;
	v49 =	vmul.f32 v37, v55;
	s5 =	smul.f32 $1.767766920e-01, s5;
	v53 =	vbroadcast v53, $0x0;
	(v2sf) =	vpush v54, $0xF  }
0x428: {  	v54 =	vld [tilespmem:s4+$0x2430];
	v55 =	vmul.f32 v40, v52  }
0x429: {  	v38 =	vmul.f32 v56, v38;
	[tilespmem:s30+$0x60] =	vst v49;
	s5 =	smax.f32 s5, $-5.000000000e+00;
	(erf) = vpow2.f32 v53;
	v52 =	vld [tilespmem:s29+$0x4870];
	s29 =	smov.u32 s25;
	s25 =	smov.u32 s24  }
0x42a: {  	s24 =	smov.u32 s26;
	s26 =	smov.u32 s31;
	v53 =	vld [tilespmem:s15+$0x4470];
	s5 =	smin.f32 s5, $5.000000000e+00;
	[tilespmem:s20+$0x10D0] =	vst v55  }
0x42b: {  	s31 =	smov.u32 s13;
	s13 =	smov.u32 s11;
	s11 =	smov.u32 s10;
	[tilespmem:s16+$0x90] =	vst v38;
	v38 =	vmov s5;
	v40, _, _ =	vpop (xrf2);
	v49 =	vld [tilespmem:s29+$0x860]  }
0x42c: {  	v55 =	vld [tilespmem:s11+$0x420];
	v38 =	vmul.f32 $1.442695020e+00, v38;
	(v2sf) =	vpush v40, $0xF  }
0x42d: {  	v40 =	vmul.f32 v57, v50;
	v50 =	vmul.f32 v54, v58;
	v54 =	vld [tilespmem:s11+$0x2420];
	v56 =	vpop (erf)  }
0x42e: {  	v57 =	vbroadcast v38, $0x0;
	v58 =	vld [tilespmem:s6+$0x4840];
	v38 =	vsel vm11, v45, v56;
	v45 =	vmul.f32 v56, v39  }
0x42f: {  	v52 =	vmul.f32 v3, v52;
	v60 =	vadd.f32 v50, v40;
	v50 =	vld [tilespmem:s11+$0x430];
	s5 =	spop (v2sf);
	v53 =	vmul.f32 v37, v53  }
0x430: {  	v39 =	vsel vm12, v44, v56;
	v59 =	vld [tilespmem:s11+$0x2430];
	s5 =	smul.f32 $1.767766920e-01, s5;
	(erf) = vpow2.f32 v57;
	[tilespmem:s22+$0x10A0] =	vst v45  }
0x431: {  	v45 =	vnsel vm1, $0x0, v8;
	v8 =	vsel vm2, $0x0, v8;
	v3 =	vld [tilespmem:s11+$0x4420];
	(xrf2) =	vadd.scan.msk.f32 $0xffff, v60;
	v44, _, _ =	vpop (xrf2);
	[tilespmem:s30+$0x70] =	vst v53  }
0x432: {  	v45 =	vsel vm3, v45, v9;
	v8 =	vsel vm4, v8, v9;
	v53 =	vmul.f32 v54, v55;
	s5 =	smax.f32 s5, $-5.000000000e+00;
	v54 =	vld [tilespmem:s15+$0x800];
	s7 =	spop (v2sf);
	v40 =	vpop (erf);
	[tilespmem:s28+$0x10F0] =	vst v52  }
0x433: {  	v45 =	vsel vm5, v45, v11;
	v8 =	vsel vm6, v8, v11;
	v11 =	vmovc v15;
	s5 =	smin.f32 s5, $5.000000000e+00;
	v52 =	vld [tilespmem:s15+$0x2800];
	s7 =	smul.f32 $1.767766920e-01, s7;
	v58 =	vmul.f32 v40, v58  }
0x434: {  	v15 =	vmovc v20;
	v20 =	vmovc v43;
	v45 =	vsel vm7, v45, v42;
	v8 =	vsel vm8, v8, v42;
	v55 =	vmov s5;
	v57 =	vld [tilespmem:s15+$0x810]  }
0x435: {  	v9 =	vmovc v12;
	v45 =	vsel vm9, v45, v18;
	v8 =	vsel vm10, v8, v18;
	v42 =	vmul.f32 $1.442695020e+00, v55;
	v43 =	vld [tilespmem:s15+$0x2810];
	s5 =	smax.f32 s7, $-5.000000000e+00;
	[tilespmem:s22+$0x1040] =	vst v58;
	s7 =	spop (v2sf)  }
0x436: {  	v18 =	vmul.f32 v59, v50;
	v55 =	vsel vm11, v45, v22;
	v8 =	vsel vm12, v8, v22;
	v22 =	vmovc v46;
	s5 =	smin.f32 s5, $5.000000000e+00;
	v50 =	vld [tilespmem:s6+$0x4850];
	s10 =	sshll.u32 s7, $0x2;
	s17 =	spop (v2sf)  }
0x437: {  	v12 =	vmovc v16;
	v16 =	vmovc v21;
	v46 =	vsel vm13, v55, v4;
	v4 =	vsel vm14, v8, v4;
	s7 =	sand.u32 $0x8, s7;
	v42 =	vbroadcast v42, $0x0;
	v45 =	vld [tilespmem:s24+$0x4830];
	s10 =	sshra.s32 s10, $0x2;
	s17 =	smul.f32 $1.767766920e-01, s17  }
0x438: {  	v21 =	vmovc v41;
	v8 =	vadd.f32 v18, v53;
	v46 =	vsel vm15, v46, v6;
	v4 =	vsel vm0, v4, v6;
	p1 =	seq.s32 s7, $0x0;
	s7 =	sand.u32 $0xFFFFFFF0, s10;
	v53 =	vld [tilespmem:s29+$0x2860]  }
0x439: {  	v6 =	vpsel p1, v46, v4;
	(erf) = vpow2.f32 v42;
	(v2sf) =	vpush v44, $0xF;
	v41 =	vpop (erf);
	s7 =	sadd.s32 s7, s21;
	s10 =	smax.f32 s17, $-5.000000000e+00;
	v42 =	vld [tilespmem:s29+$0x870]  }
.Ltmp3:
0x43a: {  	v58 =	vmul.f32 v52, v54;
	v18 =	vmovc v23;
	(xrf2) =	vadd.scan.msk.f32 $0xffff, v8;
	v44 =	vmul.f32 v43, v57;
	[tilespmem:s7+$0x2000] =	vst v6;
	s7 =	smin.f32 s10, $5.000000000e+00;
	v43 =	vld [tilespmem:s29+$0x2870];
	(pc) =	sbr.rel @p0 .LBB2_4-.Ltmp3, $4  }
0x43b: {  	v55 =	vmov s5;
	v52 =	vmul.f32 v41, v47;
	v4, _, _ =	vpop (xrf2);
	s5 =	spop (v2sf);
	v50 =	vmul.f32 v40, v50;
	v6 =	vld [tilespmem:s29+$0x4860]  }
0x43c: {  	v54 =	vmul.f32 $1.442695020e+00, v55;
	v23 =	vmovc v48;
	v8 =	vmovc v10;
	(v2sf) =	vpush v4, $0xF;
	v44 =	vadd.f32 v44, v58;
	s5 =	smul.f32 $1.767766920e-01, s5;
	v46 =	vld [tilespmem:s8+$0x0];
	s8 =	smov.u32 s9;
	s9 =	smov.u32 s1  }
0x43d: {  	v10 =	vmovc v13;
	v13 =	vmovc v17;
	v4 =	vmul.f32 v56, v45;
	v45 =	vmov s7;
	v47 =	vld [tilespmem:s18+$0x4440];
	[tilespmem:s22+$0x1050] =	vst v50;
	v49 =	vmul.f32 v53, v49  }
0x43e: {  	s2 =	sadd.s32 $0x100, s2;
	v17 =	vmovc v2;
	v50 =	vbroadcast v54, $0x0;
	(xrf2) =	vadd.scan.msk.f32 $0xffff, v44;
	s10 =	smax.f32 s5, $-5.000000000e+00;
	[tilespmem:s23+$0x1080] =	vst v52;
	v48 =	vld [tilespmem:s6+$0x860];
	v52 =	vmul.f32 $1.442695020e+00, v45  }
0x43f: {  	_ =	sdelay $0x2  }
0x440: {  	v2 =	vld [tilespmem:s6+$0x2860]  }
0x441: {  	s0 =	smin.f32 s10, $5.000000000e+00;
	v45 =	vld [tilespmem:s6+$0x870]  }
0x442: {  	v53 =	vld [tilespmem:s6+$0x2870];
	v44 =	vmov s0  }
0x443: {  	v42 =	vmul.f32 v43, v42;
	v44 =	vmul.f32 $1.442695020e+00, v44;
	v61 =	vpop (erf)  }
0x444: {  	v60 =	vbroadcast v52, $0x0;
	v47 =	vmul.f32 v61, v47  }
0x445: {  	(erf) = vpow2.f32 v50;
	[tilespmem:$0x1FD40] =	vst v61;
	v44 =	vbroadcast v44, $0x0  }
0x446: {  	(erf) = vpow2.f32 v60;
	v2 =	vmul.f32 v2, v48;
	[tilespmem:s12+$0x40] =	vst v47  }
0x447: {  	(v2sf) =	vpush v46, $0x0;
	v63 =	vmul.f32 v53, v45;
	v48, _, _ =	vpop (xrf2);
	(erf) = vpow2.f32 v44;
	v62 =	vld [tilespmem:s18+$0x4450]  }
0x448: {  	v42 =	vadd.f32 v42, v49;
	s5 =	spop (v2sf);
	(v2sf) =	vpush v48, $0xF;
	v49, _, _ =	vpop (xrf2)  }
0x449: {  	v2 =	vadd.f32 v63, v2;
	s0 =	smul.f32 $1.767766920e-01, s5;
	(v2sf) =	vpush v49, $0xF;
	s2 =	spop (v2sf)  }
0x44a: {  	(xrf2) =	vadd.scan.msk.f32 $0xffff, v42;
	s2 =	smul.f32 $1.767766920e-01, s2  }
0x44b: {  	(xrf2) =	vadd.scan.msk.f32 $0xffff, v2;
	s0 =	smax.f32 s0, $-5.000000000e+00  }
0x44c: {  	v57 =	vld [tilespmem:s3+$0x4820];
	v50 =	vmul.f32 v61, v62;
	s0 =	smin.f32 s0, $5.000000000e+00;
	s2 =	smax.f32 s2, $-5.000000000e+00  }
0x44d: {  	v58 =	vmov s0;
	s7 =	smin.f32 s2, $5.000000000e+00  }
0x44e: {  	v59 =	vld [tilespmem:s26+$0x4810];
	v55 =	vpop (erf);
	[tilespmem:s12+$0x50] =	vst v50;
	v43 =	vmul.f32 $1.442695020e+00, v58;
	v60 =	vmov s7  }
0x44f: {  	v54 =	vpop (erf);
	v61 =	vld [tilespmem:s18+$0x460];
	v44 =	vmul.f32 $1.442695020e+00, v60  }
0x450: {  	v62 =	vpop (erf);
	v63 =	vld [tilespmem:s18+$0x2460];
	v43 =	vbroadcast v43, $0x0  }
0x451: {  	v47 =	vld [tilespmem:s18+$0x470];
	v42 =	vmul.f32 v62, v57;
	[tilespmem:$0x1FCD0] =	vst v62;
	v44 =	vbroadcast v44, $0x0  }
0x452: {  	v52 =	vld [tilespmem:s18+$0x2470];
	[tilespmem:$0x1FC10] =	vst v55;
	(erf) = vpow2.f32 v43  }
0x453: {  	[tilespmem:s23+$0x1020] =	vst v42;
	(erf) = vpow2.f32 v44  }
0x454: {  	v7 =	vmul.f32 v55, v7;
	v53, _, _ =	vpop (xrf2);
	v56 =	vld [tilespmem:s3+$0x4830]  }
0x455: {  	v2 =	vmul.f32 v41, v59;
	(v2sf) =	vpush v53, $0xF;
	v57, _, _ =	vpop (xrf2)  }
0x456: {  	s0 =	spop (v2sf);
	[tilespmem:s30+$0xE0] =	vst v7;
	v45 =	vld [tilespmem:s4+$0x4420];
	(v2sf) =	vpush v57, $0xF  }
0x457: {  	[tilespmem:s23+$0x1090] =	vst v2;
	v42 =	vld [tilespmem:s31+$0x4470];
	s10 =	spop (v2sf)  }
0x458: {  	v2 =	vld [tilespmem:s26+$0x820];
	s2 =	smul.f32 $1.767766920e-01, s10;
	s5 =	spop (v2sf)  }
0x459: {  	v46 =	vld [tilespmem:s26+$0x2820];
	v43 =	vmul.f32 v62, v56;
	s5 =	smul.f32 $1.767766920e-01, s5  }
0x45a: {  	v60 =	vld [tilespmem:s26+$0x2830];
	v58 =	vmul.f32 v63, v61;
	v59 =	vmul.f32 v52, v47;
	s2 =	smax.f32 s2, $-5.000000000e+00  }
0x45b: {  	v44 =	vld [tilespmem:s26+$0x830];
	[tilespmem:s23+$0x1030] =	vst v43;
	v56 =	vpop (erf);
	s2 =	smin.f32 s2, $5.000000000e+00;
	s5 =	smax.f32 s5, $-5.000000000e+00  }
0x45c: {  	v7 =	vadd.f32 v59, v58;
	v61 =	vld [tilespmem:s3+$0x840];
	v62 =	vmov s2;
	s14 =	smin.f32 s5, $5.000000000e+00;
	v53 =	vpop (erf)  }
0x45d: {  	v63 =	vld [tilespmem:s3+$0x2840];
	v43 =	vmul.f32 $1.442695020e+00, v62;
	v52 =	vmov s14;
	v45 =	vmul.f32 v53, v45;
	[tilespmem:$0x1FD70] =	vst v53  }
0x45e: {  	v49 =	vmul.f32 $1.442695020e+00, v52;
	v57 =	vld [tilespmem:s3+$0x850];
	[tilespmem:$0x1FC30] =	vst v56  }
0x45f: {  	(xrf2) =	vadd.scan.msk.f32 $0xffff, v7;
	v43 =	vbroadcast v43, $0x0;
	v58 =	vld [tilespmem:s3+$0x2850];
	[tilespmem:s16+$0x20] =	vst v45  }
0x460: {  	v1 =	vmul.f32 v56, v1;
	v59 =	vbroadcast v49, $0x0;
	v45 =	vld [tilespmem:s4+$0x4430]  }
0x461: {  	v42 =	vmul.f32 v55, v42;
	(erf) = vpow2.f32 v43  }
0x462: {  	v7 =	vmul.f32 v63, v61;
	[tilespmem:s12+$0xC0] =	vst v1;
	v63 =	vld [tilespmem:s15+$0x4800];
	(erf) = vpow2.f32 v59  }
0x463: {  	v2 =	vmul.f32 v46, v2;
	v60 =	vmul.f32 v60, v44;
	[tilespmem:s30+$0xF0] =	vst v42;
	v42 =	vld [tilespmem:s13+$0x4450]  }
0x464: {  	s17 =	spop (v2sf);
	v44 =	vld [tilespmem:s31+$0x800];
	v61 =	vmul.f32 v58, v57  }
0x465: {  	v2 =	vadd.f32 v60, v2;
	s2 =	smul.f32 $1.767766920e-01, s17;
	v1 =	vld [tilespmem:s31+$0x2800];
	s19 =	spop (v2sf);
	v45 =	vmul.f32 v53, v45  }
0x466: {  	v43 =	vld [tilespmem:s31+$0x810];
	s5 =	smul.f32 $1.767766920e-01, s19;
	v7 =	vadd.f32 v61, v7  }
0x467: {  	(xrf2) =	vadd.scan.msk.f32 $0xffff, v2;
	s2 =	smax.f32 s2, $-5.000000000e+00;
	v48 =	vld [tilespmem:s31+$0x2810];
	[tilespmem:s16+$0x30] =	vst v45  }
0x468: {  	s2 =	smin.f32 s2, $5.000000000e+00;
	s5 =	smax.f32 s5, $-5.000000000e+00;
	(xrf2) =	vadd.scan.msk.f32 $0xffff, v7;
	v7 =	vld [tilespmem:s4+$0x440]  }
0x469: {  	v55 =	vmov s2;
	v62, _, _ =	vpop (xrf2);
	s5 =	smin.f32 s5, $5.000000000e+00;
	v57 =	vld [tilespmem:s4+$0x2440]  }
0x46a: {  	(v2sf) =	vpush v62, $0xF;
	v58 =	vmov s5;
	v45 =	vmul.f32 $1.442695020e+00, v55;
	v59 =	vld [tilespmem:s4+$0x450];
	v53 =	vpop (erf)  }
0x46b: {  	[tilespmem:s22+$0x10B0] =	vst v4;
	v42 =	vmul.f32 v56, v42;
	v47 =	vmul.f32 $1.442695020e+00, v58;
	v60 =	vld [tilespmem:s4+$0x2450];
	v62 =	vpop (erf)  }
0x46c: {  	v1 =	vmul.f32 v1, v44;
	v44 =	vld [tilespmem:s24+$0x840];
	v61 =	vbroadcast v45, $0x0;
	[tilespmem:$0x1FD10] =	vst v62  }
0x46d: {  	v2 =	vmul.f32 v62, v63;
	v63 =	vbroadcast v47, $0x0;
	[tilespmem:s12+$0xD0] =	vst v42  }
0x46e: {  	v42 =	vld [tilespmem:s24+$0x2840];
	(erf) = vpow2.f32 v61;
	[tilespmem:$0x1FC40] =	vst v53  }
0x46f: {  	v43 =	vmul.f32 v48, v43;
	(erf) = vpow2.f32 v63;
	v4 =	vld [tilespmem:s13+$0x460];
	[tilespmem:s30+$0x1000] =	vst v2  }
0x470: {  	v7 =	vmul.f32 v57, v7;
	v50 =	vmul.f32 v60, v59;
	v2 =	vld [tilespmem:s15+$0x4810]  }
0x471: {  	v1 =	vadd.f32 v43, v1;
	v45 =	vld [tilespmem:s13+$0x2460]  }
0x472: {  	v56 =	vld [tilespmem:s13+$0x470];
	v58 =	vadd.f32 v50, v7  }
0x473: {  	v3 =	vmul.f32 v53, v3;
	(xrf2) =	vadd.scan.msk.f32 $0xffff, v1;
	v60 =	vld [tilespmem:s13+$0x2470]  }
0x474: {  	v55, _, _ =	vpop (xrf2);
	v61 =	vld [tilespmem:s6+$0x4860];
	(xrf2) =	vadd.scan.msk.f32 $0xffff, v58  }
0x475: {  	[tilespmem:s16+$0xA0] =	vst v3;
	v63 =	vld [tilespmem:s24+$0x2850];
	v2 =	vmul.f32 v62, v2  }
0x476: {  	v59 =	vld [tilespmem:s11+$0x4430];
	v57, _, _ =	vpop (xrf2)  }
0x477: {  	v62 =	vld [tilespmem:s24+$0x850];
	v50 =	vpop (erf);
	[tilespmem:s30+$0x1010] =	vst v2  }
0x478: {  	(v2sf) =	vpush v55, $0xF;
	v52 =	vpop (erf);
	v2 =	vld [tilespmem:s15+$0x820]  }
0x479: {  	s7 =	spop (v2sf);
	v4 =	vmul.f32 v45, v4;
	(v2sf) =	vpush v57, $0xF;
	v45 =	vld [tilespmem:s15+$0x2820];
	[tilespmem:$0x1FC60] =	vst v52  }
0x47a: {  	s2 =	smul.f32 $1.767766920e-01, s7;
	v1 =	vmul.f32 v60, v56;
	v56 =	vld [tilespmem:s15+$0x830]  }
0x47b: {  	v57 =	vld [tilespmem:s15+$0x2830]  }
0x47c: {  	v42 =	vmul.f32 v42, v44;
	s2 =	smax.f32 s2, $-5.000000000e+00  }
0x47d: {  	v7 =	vmul.f32 v53, v59;
	v58, _, _ =	vpop (xrf2);
	v4 =	vadd.f32 v1, v4;
	s2 =	smin.f32 s2, $5.000000000e+00;
	v3 =	vmul.f32 v52, v61  }
0x47e: {  	(v2sf) =	vpush v58, $0xF;
	v55 =	vmov s2;
	v59 =	vmul.f32 v63, v62;
	v62, _, _ =	vpop (xrf2)  }
0x47f: {  	(xrf2) =	vadd.scan.msk.f32 $0xffff, v4;
	v47 =	vmul.f32 $1.442695020e+00, v55;
	v1 =	vld [tilespmem:s26+$0x4820];
	[tilespmem:s22+$0x1060] =	vst v3;
	(v2sf) =	vpush v62, $0xF  }
0x480: {  	[tilespmem:s16+$0xB0] =	vst v7;
	v60 =	vld [tilespmem:s6+$0x4870];
	v2 =	vmul.f32 v45, v2;
	v49 =	vmul.f32 v57, v56  }
0x481: {  	v63 =	vld [tilespmem:s11+$0x440];
	v61 =	vbroadcast v47, $0x0;
	v3 =	vadd.f32 v59, v42  }
0x482: {  	v53 =	vld [tilespmem:s11+$0x2440];
	v2 =	vadd.f32 v49, v2  }
0x483: {  	v55 =	vld [tilespmem:s11+$0x450];
	[tilespmem:$0x1FC20] =	vst v54;
	(erf) = vpow2.f32 v61;
	(xrf2) =	vadd.scan.msk.f32 $0xffff, v3  }
0x484: {  	v57 =	vld [tilespmem:s11+$0x2450];
	(xrf2) =	vadd.scan.msk.f32 $0xffff, v2  }
0x485: {  	v56 =	vmul.f32 v52, v60  }
0x486: {  	v0 =	vmul.f32 v54, v0  }
0x487: {  	s10 =	spop (v2sf);
	s6 =	sadd.s32 $0x2, s1;
	[tilespmem:s22+$0x1070] =	vst v56  }
0x488: {  	s2 =	smul.f32 $1.767766920e-01, s10;
	[tilespmem:s21+$0x10C0] =	vst v0;
	v59 =	vld [tilespmem:s6+$0xFFFFFFFF];
	s14 =	spop (v2sf)  }
0x489: {  	s7 =	sand.u32 $0x8, s0;
	v58 =	vld [tilespmem:s18+$0x4460];
	[tilespmem:$0x1FC50] =	vst v50;
	v7 =	vmul.f32 v57, v55;
	v55, _, _ =	vpop (xrf2);
	s5 =	smul.f32 $1.767766920e-01, s14  }
0x48a: {  	s0 =	sshll.u32 s0, $0x2;
	p0 =	seq.s32 s7, $0x0;
	s2 =	smax.f32 s2, $-5.000000000e+00;
	v62 =	vld [tilespmem:s25+$0x4850];
	(v2sf) =	vpush v55, $0xF  }
0x48b: {  	s0 =	sshra.s32 s0, $0x2;
	s17 =	smin.f32 s2, $5.000000000e+00;
	v46 =	vld [tilespmem:s31+$0x4800];
	s19 =	smax.f32 s5, $-5.000000000e+00  }
0x48c: {  	v5 =	vpsel p0, v5, v51;
	s0 =	sand.u32 $0xFFFFFFF0, s0;
	v61 =	vmov s17;
	v4 =	vmul.f32 v53, v63;
	v3 =	vld [tilespmem:s13+$0x4460];
	v52 =	vpop (erf);
	s5 =	smin.f32 s19, $5.000000000e+00  }
0x48d: {  	s0 =	sadd.s32 s0, s28;
	v63 =	vmul.f32 $1.442695020e+00, v61;
	v2 =	vld [tilespmem:s11+$0x4440];
	s10 =	spop (v2sf);
	[tilespmem:$0x1FD50] =	vst v52;
	(v2sf) =	vpush v59, $0x0;
	v57, _, _ =	vpop (xrf2);
	v47 =	vmov s5  }
0x48e: {  	[tilespmem:s0+$0x2080] =	vst v5;
	s0 =	smul.f32 $1.767766920e-01, s10;
	(v2sf) =	vpush v57, $0xF;
	v53 =	vmul.f32 $1.442695020e+00, v47;
	v59, _, _ =	vpop (xrf2);
	s14 =	spop (v2sf)  }
0x48f: {  	v42 =	vbroadcast v63, $0x0;
	v43 =	vmul.f32 v52, v58;
	(v2sf) =	vpush v59, $0xF;
	s1 =	smul.f32 $1.767766920e-01, s14  }
0x490: {  	v60 =	vmul.f32 v50, v6;
	s0 =	smax.f32 s0, $-5.000000000e+00;
	v56 =	vbroadcast v53, $0x0  }
0x491: {  	(erf) = vpow2.f32 v42;
	[tilespmem:s12+$0x60] =	vst v43;
	s0 =	smin.f32 s0, $5.000000000e+00;
	s1 =	smax.f32 s1, $-5.000000000e+00  }
0x492: {  	[tilespmem:s20+$0x10E0] =	vst v60;
	v6 =	vmul.f32 v54, v62;
	v58 =	vld [tilespmem:s18+$0x4470];
	v60 =	vmov s0;
	(erf) = vpow2.f32 v56;
	s17 =	smin.f32 s1, $5.000000000e+00  }
0x493: {  	v5 =	vmul.f32 $1.442695020e+00, v60;
	v61 =	vmov s17  }
0x494: {  	[tilespmem:s21+$0x10D0] =	vst v6;
	v6 =	vmul.f32 $1.442695020e+00, v61  }
0x495: {  	v4 =	vadd.f32 v7, v4;
	v5 =	vbroadcast v5, $0x0  }
0x496: {  	v6 =	vbroadcast v6, $0x0  }
0x497: {  	(xrf2) =	vadd.scan.msk.f32 $0xffff, v4;
	v0 =	vld [tilespmem:s24+$0x4840];
	v4 =	vmul.f32 v52, v58;
	(erf) = vpow2.f32 v5  }
0x498: {  	v62 =	vld [tilespmem:s3+$0x4840];
	(erf) = vpow2.f32 v6  }
0x499: {  	v43 =	vld [tilespmem:s29+$0x4870];
	[tilespmem:s12+$0x70] =	vst v4;
	s19 =	spop (v2sf)  }
0x49a: {  	v52 =	vpop (erf);
	v4 =	vld [tilespmem:s18+$0x800];
	s1 =	smul.f32 $1.767766920e-01, s19  }
0x49b: {  	v63 =	vld [tilespmem:s18+$0x2800];
	v56 =	vpop (erf)  }
0x49c: {  	v57 =	vld [tilespmem:s18+$0x810];
	s1 =	smax.f32 s1, $-5.000000000e+00;
	s0 =	spop (v2sf);
	[tilespmem:$0x1FCE0] =	vst v56  }
0x49d: {  	s1 =	smin.f32 s1, $5.000000000e+00;
	v5 =	vmul.f32 v56, v62;
	s28 =	spop (v2sf);
	v58 =	vld [tilespmem:s4+$0x4440]  }
0x49e: {  	v60 =	vmov s1;
	s2 =	smul.f32 $1.767766920e-01, s28;
	s29 =	spop (v2sf)  }
0x49f: {  	v59 =	vld [tilespmem:s18+$0x2810];
	v6 =	vmul.f32 $1.442695020e+00, v60;
	[tilespmem:s23+$0x1040] =	vst v5;
	s5 =	smul.f32 $1.767766920e-01, s29  }
0x4a0: {  	v53 =	vpop (erf);
	v5 =	vld [tilespmem:s3+$0x4850];
	s2 =	smax.f32 s2, $-5.000000000e+00  }
0x4a1: {  	v43 =	vmul.f32 v50, v43;
	[tilespmem:$0x1FC80] =	vst v53;
	v6 =	vbroadcast v6, $0x0;
	s2 =	smin.f32 s2, $5.000000000e+00;
	s7 =	smax.f32 s5, $-5.000000000e+00;
	v61 =	vpop (erf)  }
0x4a2: {  	v4 =	vmul.f32 v63, v4;
	v45 =	vld [tilespmem:s25+$0x860];
	v62 =	vmov s2;
	s1 =	smin.f32 s7, $5.000000000e+00;
	v42 =	vmul.f32 v61, v58;
	[tilespmem:$0x1FD80] =	vst v61  }
0x4a3: {  	(erf) = vpow2.f32 v6;
	v63 =	vmul.f32 $1.442695020e+00, v62;
	v51 =	vmov s1;
	v48 =	vld [tilespmem:s25+$0x2860]  }
0x4a4: {  	v7 =	vmul.f32 v59, v57;
	v47 =	vmul.f32 $1.442695020e+00, v51;
	v6 =	vld [tilespmem:s25+$0x2870];
	[tilespmem:s16+$0x40] =	vst v42  }
0x4a5: {  	v5 =	vmul.f32 v56, v5;
	v44 =	vbroadcast v63, $0x0;
	v54 =	vld [tilespmem:s4+$0x4450]  }
0x4a6: {  	[tilespmem:s20+$0x10F0] =	vst v43;
	v42 =	vld [tilespmem:s25+$0x870];
	v55 =	vbroadcast v47, $0x0  }
0x4a7: {  	v4 =	vadd.f32 v7, v4;
	v56, _, _ =	vpop (xrf2);
	[tilespmem:s23+$0x1050] =	vst v5;
	(erf) = vpow2.f32 v44;
	v5 =	vld [tilespmem:s8+$0x0]  }
0x4a8: {  	(v2sf) =	vpush v56, $0xF;
	v7 =	vld [tilespmem:s3+$0x860];
	(erf) = vpow2.f32 v55  }
0x4a9: {  	v57 =	vld [tilespmem:s3+$0x2860];
	(xrf2) =	vadd.scan.msk.f32 $0xffff, v4  }
0x4aa: {  	v4 =	vld [tilespmem:s3+$0x870];
	v58 =	vmul.f32 v61, v54  }
0x4ab: {  	v59 =	vld [tilespmem:s3+$0x2870]  }
0x4ac: {  	v60 =	vld [tilespmem:s15+$0x4820];
	[tilespmem:s16+$0x50] =	vst v58  }
0x4ad: {  	v61 =	vld [tilespmem:s4+$0x460]  }
0x4ae: {  	v46 =	vmul.f32 v53, v46;
	v62 =	vld [tilespmem:s4+$0x2460]  }
0x4af: {  	v54 =	vpop (erf);
	v63 =	vld [tilespmem:s4+$0x470]  }
0x4b0: {  	v45 =	vmul.f32 v48, v45;
	[tilespmem:s30+$0x1080] =	vst v46;
	v55 =	vpop (erf);
	v48 =	vld [tilespmem:s4+$0x2470]  }
0x4b1: {  	v6 =	vmul.f32 v6, v42;
	v7 =	vmul.f32 v57, v7;
	v56 =	vld [tilespmem:s31+$0x4810];
	v57 =	vpop (erf)  }
0x4b2: {  	v43 =	vmul.f32 v57, v60  }
0x4b3: {  	v6 =	vadd.f32 v6, v45;
	v4 =	vmul.f32 v59, v4;
	[tilespmem:$0x1FD20] =	vst v57  }
0x4b4: {  	(v2sf) =	vpush v5, $0x0;
	[tilespmem:s30+$0x1020] =	vst v43  }
0x4b5: {  	(xrf2) =	vadd.scan.msk.f32 $0xffff, v6;
	v4 =	vadd.f32 v4, v7;
	v60 =	vmul.f32 v62, v61;
	v61 =	vmul.f32 v48, v63;
	v59 =	vld [tilespmem:s15+$0x4830]  }
0x4b6: {  	v58, _, _ =	vpop (xrf2);
	v62 =	vmul.f32 v53, v56  }
0x4b7: {  	(xrf2) =	vadd.scan.msk.f32 $0xffff, v4;
	(v2sf) =	vpush v58, $0xF;
	v6 =	vadd.f32 v61, v60  }
0x4b8: {  	[tilespmem:s30+$0x1090] =	vst v62  }
0x4b9: {  	v4 =	vld [tilespmem:s31+$0x820];
	(xrf2) =	vadd.scan.msk.f32 $0xffff, v6  }
0x4ba: {  	v63 =	vld [tilespmem:s31+$0x2820];
	v5 =	vmul.f32 v57, v59  }
0x4bb: {  	s8 =	spop (v2sf);
	v48 =	vld [tilespmem:s31+$0x830]  }
0x4bc: {  	s1 =	smul.f32 $1.767766920e-01, s8;
	v49 =	vld [tilespmem:s31+$0x2830];
	[tilespmem:s30+$0x1030] =	vst v5  }
0x4bd: {  	v5 =	vld [tilespmem:s15+$0x840]  }
0x4be: {  	s1 =	smax.f32 s1, $-5.000000000e+00;
	v53 =	vld [tilespmem:s15+$0x2840]  }
0x4bf: {  	s1 =	smin.f32 s1, $5.000000000e+00;
	v51, _, _ =	vpop (xrf2);
	v56 =	vld [tilespmem:s15+$0x850]  }
0x4c0: {  	v50 =	vmov s1;
	(v2sf) =	vpush v51, $0xF;
	v58 =	vld [tilespmem:s15+$0x2850]  }
0x4c1: {  	v43 =	vmul.f32 $1.442695020e+00, v50;
	v57, _, _ =	vpop (xrf2)  }
0x4c2: {  	(v2sf) =	vpush v57, $0xF  }
0x4c3: {  	v43 =	vbroadcast v43, $0x0;
	v59, _, _ =	vpop (xrf2)  }
0x4c4: {  	s1 =	spop (v2sf);
	v4 =	vmul.f32 v63, v4;
	v60 =	vmul.f32 v49, v48;
	(v2sf) =	vpush v59, $0xF  }
0x4c5: {  	v5 =	vmul.f32 v53, v5;
	v61 =	vmul.f32 v58, v56  }
0x4c6: {  	(erf) = vpow2.f32 v43;
	v4 =	vadd.f32 v60, v4;
	s10 =	spop (v2sf)  }
0x4c7: {  	s2 =	smul.f32 $1.767766920e-01, s10;
	v5 =	vadd.f32 v61, v5  }
0x4c8: {  	(xrf2) =	vadd.scan.msk.f32 $0xffff, v4  }
0x4c9: {  	s2 =	smax.f32 s2, $-5.000000000e+00;
	(xrf2) =	vadd.scan.msk.f32 $0xffff, v5  }
0x4ca: {  	s2 =	smin.f32 s2, $5.000000000e+00  }
0x4cb: {  	v1 =	vmul.f32 v52, v1;
	[tilespmem:$0x1FC70] =	vst v52;
	v62 =	vmov s2  }
0x4cc: {  	v3 =	vmul.f32 v54, v3;
	[tilespmem:$0x1FC90] =	vst v54;
	v4 =	vmul.f32 $1.442695020e+00, v62  }
0x4cd: {  	[tilespmem:s23+$0x10A0] =	vst v1  }
0x4ce: {  	[tilespmem:s12+$0xE0] =	vst v3;
	v1 =	vld [tilespmem:s26+$0x4830];
	v63 =	vbroadcast v4, $0x0  }
0x4cf: {  	v45 =	vld [tilespmem:s13+$0x4470];
	v46 =	vpop (erf);
	s14 =	spop (v2sf)  }
0x4d0: {  	v2 =	vmul.f32 v46, v2;
	s2 =	smul.f32 $1.767766920e-01, s14;
	(erf) = vpow2.f32 v63  }
0x4d1: {  	[tilespmem:$0x1FCB0] =	vst v46;
	s17 =	spop (v2sf)  }
0x4d2: {  	[tilespmem:s16+$0xC0] =	vst v2;
	v49, _, _ =	vpop (xrf2);
	s2 =	smax.f32 s2, $-5.000000000e+00;
	s5 =	smul.f32 $1.767766920e-01, s17  }
0x4d3: {  	v1 =	vmul.f32 v52, v1;
	v48 =	vld [tilespmem:s11+$0x4450];
	(v2sf) =	vpush v49, $0xF;
	s2 =	smin.f32 s2, $5.000000000e+00;
	v51, _, _ =	vpop (xrf2);
	s7 =	spop (v2sf)  }
0x4d4: {  	v47 =	vmul.f32 v54, v45;
	s5 =	smax.f32 s5, $-5.000000000e+00;
	(v2sf) =	vpush v51, $0xF;
	s28 =	smul.f32 $1.767766920e-01, s7  }
0x4d5: {  	[tilespmem:s23+$0x10B0] =	vst v1;
	v50 =	vld [tilespmem:s18+$0x4800];
	v52 =	vmov s2;
	s19 =	smin.f32 s5, $5.000000000e+00  }
0x4d6: {  	[tilespmem:s12+$0xF0] =	vst v47;
	v5 =	vld [tilespmem:s26+$0x840];
	v2 =	vmul.f32 $1.442695020e+00, v52;
	v53 =	vmov s19;
	s29 =	smax.f32 s28, $-5.000000000e+00  }
0x4d7: {  	v7 =	vld [tilespmem:s13+$0x2800];
	v6 =	vmul.f32 $1.442695020e+00, v53;
	s2 =	smin.f32 s29, $5.000000000e+00  }
0x4d8: {  	v42 =	vld [tilespmem:s13+$0x810];
	v3 =	vmul.f32 v46, v48;
	v2 =	vbroadcast v2, $0x0;
	v56 =	vmov s2  }
0x4d9: {  	v43 =	vld [tilespmem:s13+$0x2810];
	v6 =	vbroadcast v6, $0x0;
	v54 =	vpop (erf);
	v58 =	vmul.f32 $1.442695020e+00, v56  }
0x4da: {  	v4 =	vld [tilespmem:s13+$0x800];
	(erf) = vpow2.f32 v2;
	v1 =	vmul.f32 v54, v50;
	[tilespmem:$0x1FD60] =	vst v54  }
0x4db: {  	(erf) = vpow2.f32 v6;
	[tilespmem:s16+$0xD0] =	vst v3;
	v57 =	vld [tilespmem:s26+$0x2840];
	v3 =	vbroadcast v58, $0x0  }
0x4dc: {  	v61 =	vld [tilespmem:s3+$0x4860];
	[tilespmem:s12+$0x1000] =	vst v1  }
0x4dd: {  	v59 =	vld [tilespmem:s18+$0x4810];
	(erf) = vpow2.f32 v3  }
0x4de: {  	v47 =	vld [tilespmem:s26+$0x850]  }
0x4df: {  	v62 =	vld [tilespmem:s26+$0x2850]  }
0x4e0: {  	v63 =	vld [tilespmem:s4+$0x4460]  }
0x4e1: {  	v1 =	vld [tilespmem:s11+$0x460]  }
0x4e2: {  	v60 =	vld [tilespmem:s11+$0x2460];
	s5 =	spop (v2sf);
	v6 =	vmul.f32 v54, v59  }
0x4e3: {  	v45 =	vld [tilespmem:s11+$0x2470];
	s2 =	smul.f32 $1.767766920e-01, s5;
	v52 =	vpop (erf);
	s7 =	spop (v2sf)  }
0x4e4: {  	v3 =	vld [tilespmem:s11+$0x470];
	v51 =	vpop (erf);
	[tilespmem:s12+$0x1010] =	vst v6;
	s5 =	smul.f32 $1.767766920e-01, s7  }
0x4e5: {  	v4 =	vmul.f32 v7, v4;
	s2 =	smax.f32 s2, $-5.000000000e+00;
	v53 =	vmul.f32 v51, v61;
	v7 =	vld [tilespmem:s18+$0x820];
	[tilespmem:$0x1FD00] =	vst v51  }
0x4e6: {  	v42 =	vmul.f32 v43, v42;
	s2 =	smin.f32 s2, $5.000000000e+00;
	v54 =	vld [tilespmem:s18+$0x2820];
	s5 =	smax.f32 s5, $-5.000000000e+00;
	v58 =	vpop (erf)  }
0x4e7: {  	v1 =	vmul.f32 v60, v1;
	v60 =	vmov s2;
	v56 =	vld [tilespmem:s18+$0x830];
	[tilespmem:s23+$0x1060] =	vst v53;
	s5 =	smin.f32 s5, $5.000000000e+00;
	v6 =	vmul.f32 v58, v63  }
0x4e8: {  	v2 =	vmul.f32 v57, v5;
	v43 =	vmul.f32 $1.442695020e+00, v60;
	v57 =	vld [tilespmem:s18+$0x2830];
	[tilespmem:$0x1FD90] =	vst v58;
	v61 =	vmov s5  }
0x4e9: {  	v63 =	vmul.f32 $1.442695020e+00, v61;
	[tilespmem:s16+$0x60] =	vst v6  }
0x4ea: {  	v62 =	vmul.f32 v62, v47;
	v47 =	vbroadcast v43, $0x0;
	v48 =	vld [tilespmem:s4+$0x4470]  }
0x4eb: {  	v3 =	vmul.f32 v45, v3;
	v6 =	vbroadcast v63, $0x0  }
0x4ec: {  	v4 =	vadd.f32 v42, v4;
	(erf) = vpow2.f32 v47;
	v59 =	vld [tilespmem:s3+$0x4870]  }
0x4ed: {  	v0 =	vmul.f32 v55, v0;
	v1 =	vadd.f32 v3, v1;
	(erf) = vpow2.f32 v6  }
0x4ee: {  	(xrf2) =	vadd.scan.msk.f32 $0xffff, v4;
	[tilespmem:$0x1FCA0] =	vst v55  }
0x4ef: {  	(xrf2) =	vadd.scan.msk.f32 $0xffff, v1;
	v5 =	vmul.f32 v57, v56;
	v53 =	vld [tilespmem:s25+$0x4860];
	[tilespmem:s22+$0x10C0] =	vst v0;
	v56 =	vmul.f32 v58, v48  }
0x4f0: {  	v46 =	vmul.f32 v54, v7;
	v57 =	vld [tilespmem:s24+$0x4850]  }
0x4f1: {  	v49 =	vmul.f32 v51, v59;
	v51 =	vadd.f32 v62, v2;
	v58 =	vld [tilespmem:s15+$0x4840];
	[tilespmem:s16+$0x70] =	vst v56  }
0x4f2: {  	v54 =	vadd.f32 v5, v46;
	v4 =	vld [tilespmem:s4+$0x800]  }
0x4f3: {  	(xrf2) =	vadd.scan.msk.f32 $0xffff, v51;
	v59 =	vld [tilespmem:s4+$0x2800]  }
0x4f4: {  	(xrf2) =	vadd.scan.msk.f32 $0xffff, v54;
	v61 =	vld [tilespmem:s4+$0x810]  }
0x4f5: {  	s10 =	sadd.s32 $0x2, s6;
	v44 =	vpop (erf);
	[tilespmem:s23+$0x1070] =	vst v49;
	v62 =	vld [tilespmem:s4+$0x2810]  }
0x4f6: {  	v3 =	vld [tilespmem:s10+$0xFFFFFFFF];
	v2 =	vmul.f32 v52, v53;
	[tilespmem:$0x1FCC0] =	vst v52;
	v63 =	vpop (erf)  }
0x4f7: {  	v0 =	vmul.f32 v63, v58;
	[tilespmem:$0x1FD30] =	vst v63  }
0x4f8: {  	v60, _, _ =	vpop (xrf2);
	[tilespmem:s21+$0x10E0] =	vst v2  }
0x4f9: {  	(v2sf) =	vpush v60, $0xF;
	v6, _, _ =	vpop (xrf2);
	v1 =	vmul.f32 v55, v57;
	[tilespmem:s30+$0x1040] =	vst v0;
	v46 =	vld [tilespmem:s25+$0x4870]  }
0x4fa: {  	(v2sf) =	vpush v6, $0xF;
	v45 =	vmul.f32 v59, v4;
	v47 =	vmul.f32 v62, v61;
	v49 =	vld [tilespmem:s15+$0x4850];
	_ =	sdelay $0x1  }
0x4fb: {  	[tilespmem:s22+$0x10D0] =	vst v1;
	v0 =	vadd.f32 v47, v45  }
0x4fc: {  	(v2sf) =	vpush v3, $0x0;
	v1 =	vld [tilespmem:s24+$0x860];
	v48, _, _ =	vpop (xrf2)  }
0x4fd: {  	v51 =	vld [tilespmem:s24+$0x2860];
	(v2sf) =	vpush v48, $0xF;
	v50, _, _ =	vpop (xrf2);
	(xrf2) =	vadd.scan.msk.f32 $0xffff, v0;
	v2 =	vmul.f32 v52, v46  }
0x4fe: {  	v54 =	vld [tilespmem:s24+$0x2870];
	(v2sf) =	vpush v50, $0xF;
	v53 =	vmul.f32 v63, v49  }
0x4ff: {  	v52 =	vld [tilespmem:s24+$0x870];
	[tilespmem:s21+$0x10F0] =	vst v2  }
0x500: {  	[tilespmem:s30+$0x1050] =	vst v53;
	v55 =	vld [tilespmem:s9+$0x0]  }
0x501: {  	v56 =	vld [tilespmem:s15+$0x860]  }
0x502: {  	v57 =	vld [tilespmem:s15+$0x2860]  }
0x503: {  	v58 =	vld [tilespmem:s15+$0x870]  }
0x504: {  	v59 =	vld [tilespmem:s15+$0x2870];
	_ =	sdelay $0x2  }
0x505: {  	s8 =	spop (v2sf);
	(v2sf) =	vpush v55, $0x0;
	v60, _, _ =	vpop (xrf2)  }
0x506: {  	s2 =	smul.f32 $1.767766920e-01, s8;
	v1 =	vmul.f32 v51, v1;
	s9 =	spop (v2sf);
	v0 =	vmul.f32 v54, v52;
	(v2sf) =	vpush v60, $0xF  }
0x507: {  	v61 =	vmul.f32 v57, v56;
	v62 =	vmul.f32 v59, v58  }
0x508: {  	s2 =	smax.f32 s2, $-5.000000000e+00;
	s3 =	smul.f32 $1.767766920e-01, s9;
	v0 =	vadd.f32 v0, v1  }
0x509: {  	s14 =	smin.f32 s2, $5.000000000e+00;
	s2 =	spop (v2sf);
	v2 =	vadd.f32 v62, v61  }
0x50a: {  	v63 =	vmov s14;
	s3 =	smax.f32 s3, $-5.000000000e+00;
	(xrf2) =	vadd.scan.msk.f32 $0xffff, v0;
	s17 =	spop (v2sf)  }
0x50b: {  	v6 =	vmul.f32 $1.442695020e+00, v63;
	s19 =	smul.f32 $1.767766920e-01, s17;
	s25 =	spop (v2sf);
	(xrf2) =	vadd.scan.msk.f32 $0xffff, v2  }
0x50c: {  	s3 =	smin.f32 s3, $5.000000000e+00;
	s7 =	smul.f32 $1.767766920e-01, s25  }
0x50d: {  	v7 =	vbroadcast v6, $0x0;
	v42 =	vmov s3;
	s5 =	smax.f32 s19, $-5.000000000e+00  }
0x50e: {  	v1 =	vmul.f32 $1.442695020e+00, v42;
	s5 =	smin.f32 s5, $5.000000000e+00;
	s28 =	smax.f32 s7, $-5.000000000e+00  }
0x50f: {  	(erf) = vpow2.f32 v7;
	v43 =	vmov s5;
	s3 =	smin.f32 s28, $5.000000000e+00  }
0x510: {  	v1 =	vbroadcast v1, $0x0;
	v45 =	vmul.f32 $1.442695020e+00, v43;
	v46 =	vmov s3  }
0x511: {  	v48 =	vld [tilespmem:s31+$0x4820];
	v2 =	vmul.f32 $1.442695020e+00, v46  }
0x512: {  	(erf) = vpow2.f32 v1;
	v0 =	vbroadcast v45, $0x0  }
0x513: {  	v47 =	vbroadcast v2, $0x0  }
0x514: {  	v49 =	vld [tilespmem:s13+$0x4800];
	v50, _, _ =	vpop (xrf2);
	(erf) = vpow2.f32 v0;
	s3 =	spop (v2sf)  }
0x515: {  	(v2sf) =	vpush v50, $0xF;
	(erf) = vpow2.f32 v47;
	v51, _, _ =	vpop (xrf2);
	s29 =	spop (v2sf)  }
0x516: {  	[tilespmem:$0x1FCF0] =	vst v44;
	v2 =	vmul.f32 v44, v48;
	(v2sf) =	vpush v51, $0xF;
	s5 =	smul.f32 $1.767766920e-01, s29  }
0x517: {  	v53 =	vld [tilespmem:s11+$0x4460]  }
0x518: {  	v59 =	vpop (erf);
	[tilespmem:s30+$0x10A0] =	vst v2;
	s5 =	smax.f32 s5, $-5.000000000e+00  }
0x519: {  	v0 =	vmul.f32 v59, v49;
	v2 =	vld [tilespmem:s31+$0x4830];
	s5 =	smin.f32 s5, $5.000000000e+00  }
0x51a: {  	v52 =	vld [tilespmem:s18+$0x4820];
	v54 =	vmov s5  }
0x51b: {  	v63 =	vpop (erf);
	[tilespmem:s12+$0x1080] =	vst v0;
	v4 =	vmul.f32 $1.442695020e+00, v54  }
0x51c: {  	v3 =	vmul.f32 v63, v53;
	v0 =	vld [tilespmem:s13+$0x4810]  }
0x51d: {  	v60 =	vpop (erf);
	v4 =	vbroadcast v4, $0x0  }
0x51e: {  	[tilespmem:s16+$0xE0] =	vst v3;
	v55 =	vmul.f32 v44, v2;
	v61 =	vpop (erf)  }
0x51f: {  	v57 =	vld [tilespmem:s11+$0x4470];
	v1 =	vmul.f32 v61, v52;
	(erf) = vpow2.f32 v4  }
0x520: {  	v58 =	vld [tilespmem:s4+$0x4800];
	[tilespmem:s30+$0x10B0] =	vst v55  }
0x521: {  	v0 =	vmul.f32 v59, v0;
	v48 =	vld [tilespmem:s31+$0x840];
	[tilespmem:s12+$0x1020] =	vst v1  }
0x522: {  	v56 =	vld [tilespmem:s18+$0x4830]  }
0x523: {  	[tilespmem:s12+$0x1090] =	vst v0;
	v0 =	vld [tilespmem:s31+$0x2840]  }
0x524: {  	v49 =	vld [tilespmem:s13+$0x820];
	s7 =	spop (v2sf);
	v1 =	vmul.f32 v63, v57  }
0x525: {  	v6 =	vld [tilespmem:s13+$0x830];
	s5 =	smul.f32 $1.767766920e-01, s7;
	s8 =	spop (v2sf)  }
0x526: {  	v4 =	vld [tilespmem:s13+$0x2820];
	[tilespmem:s16+$0xF0] =	vst v1;
	s7 =	smul.f32 $1.767766920e-01, s8  }
0x527: {  	s5 =	smax.f32 s5, $-5.000000000e+00;
	v54 =	vld [tilespmem:s11+$0x800];
	v2 =	vmul.f32 v61, v56  }
0x528: {  	v57 =	vld [tilespmem:s11+$0x810];
	s5 =	smin.f32 s5, $5.000000000e+00;
	s7 =	smax.f32 s7, $-5.000000000e+00;
	v62 =	vpop (erf)  }
0x529: {  	v3 =	vmov s5;
	[tilespmem:s12+$0x1030] =	vst v2;
	v2 =	vld [tilespmem:s13+$0x2830];
	s7 =	smin.f32 s7, $5.000000000e+00;
	v5 =	vmul.f32 v62, v58  }
0x52a: {  	v50 =	vmul.f32 $1.442695020e+00, v3;
	v7 =	vld [tilespmem:s18+$0x840];
	v52 =	vmov s7  }
0x52b: {  	v42 =	vld [tilespmem:s18+$0x2840];
	v53 =	vmul.f32 $1.442695020e+00, v52;
	[tilespmem:s16+$0x1000] =	vst v5  }
0x52c: {  	v1 =	vbroadcast v50, $0x0;
	v55 =	vld [tilespmem:s4+$0x4810]  }
0x52d: {  	v43 =	vld [tilespmem:s18+$0x850];
	v5 =	vbroadcast v53, $0x0  }
0x52e: {  	v51 =	vld [tilespmem:s18+$0x2850];
	(erf) = vpow2.f32 v1  }
0x52f: {  	v56 =	vld [tilespmem:s11+$0x2800];
	(erf) = vpow2.f32 v5  }
0x530: {  	v3 =	vld [tilespmem:s15+$0x4860]  }
0x531: {  	v50 =	vld [tilespmem:s31+$0x2850];
	v46 =	vmul.f32 v62, v55  }
0x532: {  	v4 =	vmul.f32 v4, v49;
	v58 =	vld [tilespmem:s11+$0x2810];
	v2 =	vmul.f32 v2, v6  }
0x533: {  	v6 =	vld [tilespmem:s31+$0x850];
	v7 =	vmul.f32 v42, v7;
	v49 =	vmul.f32 v51, v43;
	[tilespmem:s16+$0x1010] =	vst v46  }
0x534: {  	v2 =	vadd.f32 v2, v4;
	v51 =	vld [tilespmem:s4+$0x820]  }
0x535: {  	v7 =	vadd.f32 v49, v7;
	v52 =	vld [tilespmem:s4+$0x2820]  }
0x536: {  	(xrf2) =	vadd.scan.msk.f32 $0xffff, v2;
	v53 =	vld [tilespmem:s4+$0x830]  }
0x537: {  	v54 =	vmul.f32 v56, v54;
	v1 =	vmul.f32 v58, v57;
	(xrf2) =	vadd.scan.msk.f32 $0xffff, v7;
	v58 =	vpop (erf);
	v55 =	vld [tilespmem:s4+$0x2830]  }
0x538: {  	v57 =	vpop (erf)  }
0x539: {  	v1 =	vadd.f32 v1, v54;
	v3 =	vmul.f32 v57, v3;
	_ =	sdelay $0x1  }
0x53a: {  	v0 =	vmul.f32 v0, v48;
	v56 =	vmul.f32 v50, v6;
	(xrf2) =	vadd.scan.msk.f32 $0xffff, v1;
	[tilespmem:s30+$0x1060] =	vst v3  }
0x53b: {  	v42 =	vmul.f32 v52, v51;
	v2 =	vmul.f32 v55, v53;
	v43 =	vld [tilespmem:s15+$0x4870]  }
0x53c: {  	v0 =	vadd.f32 v56, v0  }
0x53d: {  	v44 =	vadd.f32 v2, v42  }
0x53e: {  	(xrf2) =	vadd.scan.msk.f32 $0xffff, v0  }
0x53f: {  	v45, _, _ =	vpop (xrf2);
	(xrf2) =	vadd.scan.msk.f32 $0xffff, v44  }
0x540: {  	(v2sf) =	vpush v45, $0xF;
	v47, _, _ =	vpop (xrf2);
	v46 =	vmul.f32 v57, v43  }
0x541: {  	(v2sf) =	vpush v47, $0xF  }
0x542: {  	s14 =	sadd.s32 $0x2, s10;
	[tilespmem:s30+$0x1070] =	vst v46  }
0x543: {  	v0 =	vld [tilespmem:s14+$0xFFFFFFFF]  }
0x544: {  	v48, _, _ =	vpop (xrf2)  }
0x545: {  	(v2sf) =	vpush v48, $0xF;
	_ =	sdelay $0x2  }
0x546: {  	v49, _, _ =	vpop (xrf2);
	(v2sf) =	vpush v0, $0x0  }
0x547: {  	v50, _, _ =	vpop (xrf2);
	(v2sf) =	vpush v49, $0xF  }
0x548: {  	(v2sf) =	vpush v50, $0xF;
	_ =	sdelay $0x4  }
0x549: {  	s9 =	spop (v2sf)  }
0x54a: {  	s5 =	smul.f32 $1.767766920e-01, s9;
	s15 =	spop (v2sf)  }
0x54b: {  	s7 =	smul.f32 $1.767766920e-01, s15  }
0x54c: {  	s5 =	smax.f32 s5, $-5.000000000e+00  }
0x54d: {  	s5 =	smin.f32 s5, $5.000000000e+00;
	s7 =	smax.f32 s7, $-5.000000000e+00  }
0x54e: {  	s17 =	spop (v2sf);
	s7 =	smin.f32 s7, $5.000000000e+00;
	v51 =	vmov s5  }
0x54f: {  	s19 =	smul.f32 $1.767766920e-01, s17;
	v0 =	vmul.f32 $1.442695020e+00, v51;
	v52 =	vmov s7  }
0x550: {  	v1 =	vmul.f32 $1.442695020e+00, v52  }
0x551: {  	s5 =	smax.f32 s19, $-5.000000000e+00;
	v0 =	vbroadcast v0, $0x0;
	s8 =	spop (v2sf)  }
0x552: {  	s5 =	smin.f32 s5, $5.000000000e+00;
	v1 =	vbroadcast v1, $0x0;
	s25 =	spop (v2sf)  }
0x553: {  	v54 =	vld [tilespmem:s26+$0x4840];
	(erf) = vpow2.f32 v0;
	s7 =	smul.f32 $1.767766920e-01, s25;
	s28 =	spop (v2sf)  }
0x554: {  	v53 =	vmov s5;
	(erf) = vpow2.f32 v1;
	s29 =	smul.f32 $1.767766920e-01, s28  }
0x555: {  	v0 =	vmul.f32 $1.442695020e+00, v53;
	s7 =	smax.f32 s7, $-5.000000000e+00  }
0x556: {  	s7 =	smin.f32 s7, $5.000000000e+00;
	s5 =	smax.f32 s29, $-5.000000000e+00  }
0x557: {  	v0 =	vbroadcast v0, $0x0;
	s5 =	smin.f32 s5, $5.000000000e+00;
	v55 =	vmov s7  }
0x558: {  	v1 =	vmul.f32 v60, v54;
	v56 =	vmul.f32 $1.442695020e+00, v55;
	v6 =	vmov s5  }
0x559: {  	v7 =	vld [tilespmem:s18+$0x4840];
	(erf) = vpow2.f32 v0;
	v2 =	vmul.f32 $1.442695020e+00, v6  }
0x55a: {  	v0 =	vbroadcast v56, $0x0  }
0x55b: {  	v43 =	vld [tilespmem:s24+$0x4860];
	[tilespmem:s23+$0x10C0] =	vst v1;
	v42 =	vbroadcast v2, $0x0  }
0x55c: {  	v44 =	vld [tilespmem:s26+$0x4850];
	v52 =	vpop (erf);
	(erf) = vpow2.f32 v0  }
0x55d: {  	v55 =	vpop (erf);
	(erf) = vpow2.f32 v42  }
0x55e: {  	v46 =	vld [tilespmem:s11+$0x4800];
	v45 =	vmul.f32 v55, v7;
	_ =	sdelay $0x1  }
0x55f: {  	v47 =	vmul.f32 v58, v43;
	[tilespmem:s12+$0x1040] =	vst v45  }
0x560: {  	v0 =	vmul.f32 v60, v44;
	v48 =	vld [tilespmem:s18+$0x4850]  }
0x561: {  	[tilespmem:s22+$0x10E0] =	vst v47;
	v49 =	vld [tilespmem:s4+$0x4820];
	v53 =	vpop (erf)  }
0x562: {  	v47 =	vld [tilespmem:s24+$0x4870];
	v50 =	vmul.f32 v53, v46;
	[tilespmem:s23+$0x10D0] =	vst v0  }
0x563: {  	v46 =	vld [tilespmem:s26+$0x860]  }
0x564: {  	[tilespmem:s16+$0x1080] =	vst v50;
	v45 =	vld [tilespmem:s26+$0x2860];
	v54 =	vpop (erf)  }
0x565: {  	v51 =	vld [tilespmem:s11+$0x4810];
	v2 =	vmul.f32 v55, v48;
	v56 =	vpop (erf)  }
0x566: {  	v44 =	vld [tilespmem:s26+$0x870];
	v1 =	vmul.f32 v56, v49  }
0x567: {  	v6 =	vld [tilespmem:s26+$0x2870];
	[tilespmem:s12+$0x1050] =	vst v2  }
0x568: {  	v43 =	vld [tilespmem:s18+$0x860];
	[tilespmem:s16+$0x1020] =	vst v1  }
0x569: {  	v2 =	vld [tilespmem:s4+$0x4830]  }
0x56a: {  	v5 =	vmul.f32 v53, v51;
	v42 =	vld [tilespmem:s18+$0x2860]  }
0x56b: {  	v48 =	vld [tilespmem:s18+$0x870]  }
0x56c: {  	[tilespmem:s16+$0x1090] =	vst v5;
	v5 =	vld [tilespmem:s18+$0x2870]  }
0x56d: {  	v4 =	vld [tilespmem:s11+$0x820]  }
0x56e: {  	v3 =	vld [tilespmem:s11+$0x830];
	v7 =	vmul.f32 v56, v2  }
0x56f: {  	v2 =	vld [tilespmem:s11+$0x2820]  }
0x570: {  	[tilespmem:s16+$0x1030] =	vst v7;
	v7 =	vld [tilespmem:s11+$0x2830]  }
0x571: {  	v1 =	vld [tilespmem:s4+$0x840]  }
0x572: {  	v49 =	vld [tilespmem:s4+$0x2840]  }
0x573: {  	v45 =	vmul.f32 v45, v46;
	v6 =	vmul.f32 v6, v44;
	v50 =	vld [tilespmem:s4+$0x850]  }
0x574: {  	v51 =	vld [tilespmem:s4+$0x2850]  }
0x575: {  	v6 =	vadd.f32 v6, v45  }
0x576: {  	v42 =	vmul.f32 v42, v43  }
0x577: {  	(xrf2) =	vadd.scan.msk.f32 $0xffff, v6;
	v5 =	vmul.f32 v5, v48;
	v2 =	vmul.f32 v2, v4  }
0x578: {  	v3 =	vmul.f32 v7, v3;
	v0 =	vmul.f32 v49, v1  }
0x579: {  	v49 =	vadd.f32 v5, v42;
	v50 =	vmul.f32 v51, v50;
	v51 =	vmul.f32 v58, v47  }
0x57a: {  	v2 =	vadd.f32 v3, v2  }
0x57b: {  	[tilespmem:s22+$0x10F0] =	vst v51;
	(xrf2) =	vadd.scan.msk.f32 $0xffff, v49;
	v0 =	vadd.f32 v50, v0  }
0x57c: {  	(xrf2) =	vadd.scan.msk.f32 $0xffff, v2;
	v42 =	vld [tilespmem:s6+$0x0]  }
0x57d: {  	(xrf2) =	vadd.scan.msk.f32 $0xffff, v0;
	_ =	sdelay $0x3  }
0x57e: {  	v43, _, _ =	vpop (xrf2);
	(v2sf) =	vpush v42, $0x0  }
0x57f: {  	(v2sf) =	vpush v43, $0xF;
	_ =	sdelay $0x2  }
0x580: {  	v44, _, _ =	vpop (xrf2)  }
0x581: {  	(v2sf) =	vpush v44, $0xF;
	v45, _, _ =	vpop (xrf2)  }
0x582: {  	(v2sf) =	vpush v45, $0xF;
	v46, _, _ =	vpop (xrf2)  }
0x583: {  	(v2sf) =	vpush v46, $0xF;
	_ =	sdelay $0x7  }
0x584: {  	s6 =	spop (v2sf)  }
0x585: {  	s7 =	spop (v2sf)  }
0x586: {  	s5 =	smul.f32 $1.767766920e-01, s7;
	_ =	sdelay $0x1  }
0x587: {  	s5 =	smax.f32 s5, $-5.000000000e+00  }
0x588: {  	s5 =	smin.f32 s5, $5.000000000e+00;
	s9 =	spop (v2sf)  }
0x589: {  	s7 =	smul.f32 $1.767766920e-01, s9;
	s15 =	spop (v2sf)  }
0x58a: {  	s9 =	smul.f32 $1.767766920e-01, s15;
	s17 =	spop (v2sf)  }
0x58b: {  	s7 =	smax.f32 s7, $-5.000000000e+00;
	s15 =	smul.f32 $1.767766920e-01, s17  }
0x58c: {  	v47 =	vmov s5;
	s7 =	smin.f32 s7, $5.000000000e+00;
	s9 =	smax.f32 s9, $-5.000000000e+00  }
0x58d: {  	v0 =	vmul.f32 $1.442695020e+00, v47;
	s19 =	smin.f32 s9, $5.000000000e+00;
	s24 =	smax.f32 s15, $-5.000000000e+00;
	v48 =	vmov s7  }
0x58e: {  	v1 =	vmul.f32 $1.442695020e+00, v48;
	s25 =	smin.f32 s24, $5.000000000e+00;
	v49 =	vmov s19  }
0x58f: {  	v0 =	vbroadcast v0, $0x0;
	v2 =	vmul.f32 $1.442695020e+00, v49;
	v51 =	vmov s25  }
0x590: {  	v50 =	vld [tilespmem:s13+$0x4820];
	v1 =	vbroadcast v1, $0x0;
	v4 =	vmul.f32 $1.442695020e+00, v51  }
0x591: {  	(erf) = vpow2.f32 v0;
	v42 =	vbroadcast v2, $0x0  }
0x592: {  	(erf) = vpow2.f32 v1;
	v43 =	vbroadcast v4, $0x0  }
0x593: {  	(erf) = vpow2.f32 v42  }
0x594: {  	(erf) = vpow2.f32 v43  }
0x595: {  	v44 =	vmul.f32 v52, v50;
	v45 =	vld [tilespmem:s31+$0x4840];
	_ =	sdelay $0x1  }
0x596: {  	[tilespmem:s12+$0x10A0] =	vst v44  }
0x597: {  	v0 =	vld [tilespmem:s13+$0x4830]  }
0x598: {  	v46 =	vld [tilespmem:s4+$0x4840]  }
0x599: {  	v1 =	vmul.f32 v54, v45;
	v42 =	vpop (erf)  }
0x59a: {  	v49 =	vpop (erf)  }
0x59b: {  	[tilespmem:s30+$0x10C0] =	vst v1;
	v50 =	vpop (erf)  }
0x59c: {  	v0 =	vmul.f32 v52, v0;
	v1 =	vld [tilespmem:s31+$0x4850];
	v51 =	vpop (erf)  }
0x59d: {  	v7 =	vld [tilespmem:s26+$0x4860];
	v47 =	vmul.f32 v51, v46  }
0x59e: {  	v43 =	vld [tilespmem:s18+$0x4860];
	[tilespmem:s12+$0x10B0] =	vst v0  }
0x59f: {  	v6 =	vld [tilespmem:s13+$0x840];
	[tilespmem:s16+$0x1040] =	vst v47  }
0x5a0: {  	v48 =	vld [tilespmem:s4+$0x4850]  }
0x5a1: {  	v5 =	vld [tilespmem:s13+$0x2840];
	v1 =	vmul.f32 v54, v1  }
0x5a2: {  	v44 =	vld [tilespmem:s13+$0x850]  }
0x5a3: {  	v3 =	vld [tilespmem:s13+$0x2850];
	[tilespmem:s30+$0x10D0] =	vst v1  }
0x5a4: {  	v45 =	vld [tilespmem:s31+$0x860]  }
0x5a5: {  	v46 =	vld [tilespmem:s31+$0x2860];
	v4 =	vmul.f32 v51, v48  }
0x5a6: {  	v47 =	vld [tilespmem:s31+$0x870]  }
0x5a7: {  	[tilespmem:s16+$0x1050] =	vst v4;
	v4 =	vld [tilespmem:s31+$0x2870]  }
0x5a8: {  	v48 =	vld [tilespmem:s4+$0x860]  }
0x5a9: {  	v2 =	vld [tilespmem:s4+$0x2860]  }
0x5aa: {  	v1 =	vld [tilespmem:s4+$0x870]  }
0x5ab: {  	v43 =	vmul.f32 v49, v43;
	v0 =	vld [tilespmem:s4+$0x2870]  }
0x5ac: {  	v5 =	vmul.f32 v5, v6  }
0x5ad: {  	v3 =	vmul.f32 v3, v44;
	[tilespmem:s12+$0x1060] =	vst v43;
	v43 =	vmul.f32 v42, v7  }
0x5ae: {  	v44 =	vld [tilespmem:s18+$0x4870]  }
0x5af: {  	v3 =	vadd.f32 v3, v5;
	[tilespmem:s23+$0x10E0] =	vst v43;
	v46 =	vmul.f32 v46, v45;
	v4 =	vmul.f32 v4, v47  }
0x5b0: {  	v2 =	vmul.f32 v2, v48;
	v0 =	vmul.f32 v0, v1;
	v48 =	vld [tilespmem:s26+$0x4870]  }
0x5b1: {  	(xrf2) =	vadd.scan.msk.f32 $0xffff, v3;
	v6 =	vadd.f32 v4, v46  }
0x5b2: {  	v0 =	vadd.f32 v0, v2  }
0x5b3: {  	v7 =	vmul.f32 v49, v44;
	(xrf2) =	vadd.scan.msk.f32 $0xffff, v6  }
0x5b4: {  	(xrf2) =	vadd.scan.msk.f32 $0xffff, v0  }
0x5b5: {  	s18 =	sadd.s32 $0x2, s14;
	[tilespmem:s12+$0x1070] =	vst v7;
	v43 =	vmul.f32 v42, v48  }
0x5b6: {  	v44 =	vld [tilespmem:s18+$0xFFFFFFFF]  }
0x5b7: {  	[tilespmem:s23+$0x10F0] =	vst v43  }
0x5b8: {  	v0 =	vld [tilespmem:s10+$0x0];
	_ =	sdelay $0x2  }
0x5b9: {  	v45, _, _ =	vpop (xrf2);
	(v2sf) =	vpush v44, $0x0  }
0x5ba: {  	(v2sf) =	vpush v45, $0xF  }
0x5bb: {  	(v2sf) =	vpush v0, $0x0;
	v46, _, _ =	vpop (xrf2)  }
0x5bc: {  	(v2sf) =	vpush v46, $0xF;
	v47, _, _ =	vpop (xrf2)  }
0x5bd: {  	(v2sf) =	vpush v47, $0xF;
	_ =	sdelay $0xa  }
0x5be: {  	s9 =	spop (v2sf)  }
0x5bf: {  	v48 =	vld [tilespmem:s11+$0x4820];
	s26 =	spop (v2sf)  }
0x5c0: {  	s10 =	spop (v2sf)  }
0x5c1: {  	s5 =	smul.f32 $1.767766920e-01, s26;
	s28 =	spop (v2sf)  }
0x5c2: {  	s7 =	smul.f32 $1.767766920e-01, s28;
	s29 =	spop (v2sf)  }
0x5c3: {  	s5 =	smax.f32 s5, $-5.000000000e+00;
	s15 =	smul.f32 $1.767766920e-01, s29  }
0x5c4: {  	v0 =	vmul.f32 v50, v48;
	s5 =	smin.f32 s5, $5.000000000e+00;
	s7 =	smax.f32 s7, $-5.000000000e+00  }
0x5c5: {  	v4 =	vmov s5;
	s7 =	smin.f32 s7, $5.000000000e+00;
	s15 =	smax.f32 s15, $-5.000000000e+00  }
0x5c6: {  	[tilespmem:s16+$0x10A0] =	vst v0;
	v1 =	vmul.f32 $1.442695020e+00, v4;
	s17 =	smin.f32 s15, $5.000000000e+00;
	v5 =	vmov s7  }
0x5c7: {  	v43 =	vld [tilespmem:s11+$0x4830];
	v6 =	vmul.f32 $1.442695020e+00, v5;
	v7 =	vmov s17  }
0x5c8: {  	v1 =	vbroadcast v1, $0x0;
	v2 =	vmul.f32 $1.442695020e+00, v7  }
0x5c9: {  	v0 =	vbroadcast v6, $0x0  }
0x5ca: {  	(erf) = vpow2.f32 v1;
	v44 =	vbroadcast v2, $0x0  }
0x5cb: {  	(erf) = vpow2.f32 v0  }
0x5cc: {  	v45 =	vmul.f32 v50, v43;
	(erf) = vpow2.f32 v44;
	_ =	sdelay $0x1  }
0x5cd: {  	v46 =	vld [tilespmem:s4+$0x4860];
	[tilespmem:s16+$0x10B0] =	vst v45  }
0x5ce: {  	v1 =	vld [tilespmem:s11+$0x840]  }
0x5cf: {  	v0 =	vld [tilespmem:s13+$0x4840]  }
0x5d0: {  	v47 =	vld [tilespmem:s11+$0x2840]  }
0x5d1: {  	v48 =	vld [tilespmem:s11+$0x850]  }
0x5d2: {  	v45 =	vld [tilespmem:s11+$0x2850];
	v2 =	vpop (erf)  }
0x5d3: {  	v4 =	vpop (erf)  }
0x5d4: {  	v0 =	vmul.f32 v2, v0;
	v3 =	vpop (erf)  }
0x5d5: {  	v5 =	vmul.f32 v3, v46  }
0x5d6: {  	[tilespmem:s12+$0x10C0] =	vst v0  }
0x5d7: {  	v46 =	vmul.f32 v47, v1;
	v47 =	vmul.f32 v45, v48;
	v48 =	vld [tilespmem:s13+$0x4850];
	[tilespmem:s16+$0x1060] =	vst v5  }
0x5d8: {  	v5 =	vld [tilespmem:s4+$0x4870]  }
0x5d9: {  	v0 =	vadd.f32 v47, v46;
	_ =	sdelay $0x1  }
0x5da: {  	(xrf2) =	vadd.scan.msk.f32 $0xffff, v0  }
0x5db: {  	v44 =	vmul.f32 v2, v48  }
0x5dc: {  	v43 =	vmul.f32 v3, v5  }
0x5dd: {  	v0 =	vld [tilespmem:s31+$0x4860];
	[tilespmem:s12+$0x10D0] =	vst v44  }
0x5de: {  	s19 =	sadd.s32 $0x2, s18;
	v5 =	vld [tilespmem:s13+$0x860];
	[tilespmem:s16+$0x1070] =	vst v43  }
0x5df: {  	v45 =	vld [tilespmem:s19+$0xFFFFFFFF]  }
0x5e0: {  	v46 =	vld [tilespmem:s13+$0x2860]  }
0x5e1: {  	v47 =	vld [tilespmem:s13+$0x870]  }
0x5e2: {  	v48 =	vld [tilespmem:s13+$0x2870];
	_ =	sdelay $0x1  }
0x5e3: {  	(v2sf) =	vpush v45, $0x0;
	v45, _, _ =	vpop (xrf2)  }
0x5e4: {  	v0 =	vmul.f32 v4, v0;
	(v2sf) =	vpush v45, $0xF;
	_ =	sdelay $0x1  }
0x5e5: {  	[tilespmem:s30+$0x10E0] =	vst v0;
	v46 =	vmul.f32 v46, v5;
	v47 =	vmul.f32 v48, v47  }
0x5e6: {  	v48 =	vld [tilespmem:s31+$0x4870]  }
0x5e7: {  	v0 =	vadd.f32 v47, v46;
	_ =	sdelay $0x1  }
0x5e8: {  	(xrf2) =	vadd.scan.msk.f32 $0xffff, v0;
	_ =	sdelay $0x1  }
0x5e9: {  	v6 =	vmul.f32 v4, v48;
	_ =	sdelay $0x1  }
0x5ea: {  	[tilespmem:s30+$0x10F0] =	vst v6  }
0x5eb: {  	v0 =	vld [tilespmem:s14+$0x0];
	_ =	sdelay $0x2  }
0x5ec: {  	s4 =	spop (v2sf)  }
0x5ed: {  	s24 =	spop (v2sf)  }
0x5ee: {  	v7, _, _ =	vpop (xrf2);
	(v2sf) =	vpush v0, $0x0;
	s5 =	smul.f32 $1.767766920e-01, s24  }
0x5ef: {  	(v2sf) =	vpush v7, $0xF  }
0x5f0: {  	s5 =	smax.f32 s5, $-5.000000000e+00  }
0x5f1: {  	s5 =	smin.f32 s5, $5.000000000e+00  }
0x5f2: {  	v43 =	vmov s5  }
0x5f3: {  	v0 =	vmul.f32 $1.442695020e+00, v43;
	_ =	sdelay $0x1  }
0x5f4: {  	v0 =	vbroadcast v0, $0x0;
	_ =	sdelay $0x1  }
0x5f5: {  	(erf) = vpow2.f32 v0;
	_ =	sdelay $0x4  }
0x5f6: {  	v44 =	vld [tilespmem:s11+$0x4840]  }
0x5f7: {  	s14 =	spop (v2sf)  }
0x5f8: {  	s25 =	spop (v2sf)  }
0x5f9: {  	s5 =	smul.f32 $1.767766920e-01, s25  }
0x5fa: {  	v1 =	vpop (erf)  }
0x5fb: {  	s5 =	smax.f32 s5, $-5.000000000e+00;
	v0 =	vmul.f32 v1, v44  }
0x5fc: {  	s5 =	smin.f32 s5, $5.000000000e+00  }
0x5fd: {  	v45 =	vmov s5;
	[tilespmem:s16+$0x10C0] =	vst v0  }
0x5fe: {  	v0 =	vmul.f32 $1.442695020e+00, v45;
	v46 =	vld [tilespmem:s11+$0x4850];
	_ =	sdelay $0x1  }
0x5ff: {  	v0 =	vbroadcast v0, $0x0;
	_ =	sdelay $0x1  }
0x600: {  	(erf) = vpow2.f32 v0  }
0x601: {  	v47 =	vmul.f32 v1, v46;
	_ =	sdelay $0x1  }
0x602: {  	v5 =	vld [tilespmem:s13+$0x4860];
	[tilespmem:s16+$0x10D0] =	vst v47  }
0x603: {  	v6 =	vld [tilespmem:s11+$0x860]  }
0x604: {  	v48 =	vld [tilespmem:s11+$0x2860]  }
0x605: {  	v43 =	vld [tilespmem:s11+$0x870]  }
0x606: {  	v44 =	vld [tilespmem:s11+$0x2870];
	_ =	sdelay $0x1  }
0x607: {  	v0 =	vpop (erf)  }
0x608: {  	v5 =	vmul.f32 v0, v5;
	_ =	sdelay $0x1  }
0x609: {  	v48 =	vmul.f32 v48, v6;
	v44 =	vmul.f32 v44, v43;
	[tilespmem:s12+$0x10E0] =	vst v5  }
0x60a: {  	v45 =	vld [tilespmem:s13+$0x4870]  }
0x60b: {  	v5 =	vadd.f32 v44, v48;
	_ =	sdelay $0x1  }
0x60c: {  	(xrf2) =	vadd.scan.msk.f32 $0xffff, v5;
	_ =	sdelay $0x1  }
0x60d: {  	v46 =	vmul.f32 v0, v45;
	_ =	sdelay $0x1  }
0x60e: {  	[tilespmem:s12+$0x10F0] =	vst v46  }
0x60f: {  	v5 =	vld [tilespmem:s18+$0x0];
	_ =	sdelay $0x4  }
0x610: {  	v47, _, _ =	vpop (xrf2);
	(v2sf) =	vpush v5, $0x0  }
0x611: {  	(v2sf) =	vpush v47, $0xF;
	_ =	sdelay $0xd  }
0x612: {  	s13 =	spop (v2sf)  }
0x613: {  	v48 =	vld [tilespmem:$0x1FC10];
	s26 =	spop (v2sf)  }
0x614: {  	s5 =	smul.f32 $1.767766920e-01, s26;
	_ =	sdelay $0x1  }
0x615: {  	s5 =	smax.f32 s5, $-5.000000000e+00  }
0x616: {  	v6 =	vsel vm10, v30, v41;
	v5 =	vsel vm9, v29, v41;
	v41 =	vld [tilespmem:$0x1FC20];
	s5 =	smin.f32 s5, $5.000000000e+00  }
0x617: {  	v7 =	vsel vm7, v35, v48;
	v35 =	vmov s5  }
0x618: {  	v44 =	vsel vm2, $0x0, v8;
	v30 =	vmul.f32 $1.442695020e+00, v35  }
0x619: {  	v43 =	vnsel vm1, $0x0, v8;
	v8 =	vsel vm4, v44, v9;
	v45 =	vld [tilespmem:$0x1FC30]  }
0x61a: {  	v44 =	vld [tilespmem:s11+$0x4860];
	v8 =	vsel vm6, v8, v11;
	v46 =	vbroadcast v30, $0x0  }
0x61b: {  	v29 =	vsel vm8, v36, v48;
	v36 =	vld [tilespmem:$0x1FC50];
	v25 =	vsel vm13, v25, v41;
	v35 =	vsel vm3, v43, v9  }
0x61c: {  	v26 =	vsel vm14, v26, v41;
	v41 =	vld [tilespmem:$0x1FC60];
	v47 =	vsel vm5, v35, v11;
	(erf) = vpow2.f32 v46  }
0x61d: {  	v8 =	vsel vm8, v8, v14;
	v43 =	vld [tilespmem:$0x1FC70];
	v48 =	vsel vm7, v47, v14  }
0x61e: {  	v8 =	vsel vm10, v8, v18;
	v35 =	vld [tilespmem:$0x1FC40];
	v30 =	vsel vm6, v33, v45;
	v33 =	vsel vm9, v48, v18  }
0x61f: {  	v8 =	vsel vm12, v8, v22;
	v31 =	vsel vm5, v31, v45;
	v45 =	vld [tilespmem:$0x1FC80];
	v9 =	vsel vm11, v33, v22  }
0x620: {  	s28 =	sand.u32 $0x8, s0;
	v8 =	vsel vm14, v8, v40;
	v48 =	vld [tilespmem:$0x1FCA0];
	v9 =	vsel vm13, v9, v40  }
0x621: {  	p2 =	seq.s32 s28, $0x0;
	s29 =	sand.u32 $0x8, s1;
	s1 =	sshll.u32 s1, $0x2;
	v8 =	vsel vm0, v8, v41;
	v46 =	vld [tilespmem:$0x1FC90];
	v33 =	vnsel vm1, $0x0, v10;
	v9 =	vsel vm15, v9, v41  }
0x622: {  	s0 =	sshll.u32 s0, $0x2;
	s1 =	sshra.s32 s1, $0x2;
	v22 =	vsel vm0, v24, v36;
	v9 =	vpsel p2, v9, v8;
	v8 =	vsel vm3, v33, v12  }
0x623: {  	p3 =	seq.s32 s29, $0x0;
	s1 =	sand.u32 $0xFFFFFFF0, s1;
	s7 =	sand.u32 $0x8, s3;
	v40 =	vsel vm15, v28, v36;
	v5 =	vsel vm11, v5, v43;
	v6 =	vsel vm12, v6, v43  }
0x624: {  	s3 =	sshll.u32 s3, $0x2;
	s15 =	sadd.s32 s1, s20;
	s20 =	sshll.u32 s6, $0x2;
	v28 =	vsel vm2, $0x0, v13;
	v11 =	vsel vm3, v34, v35;
	v14 =	vsel vm4, v27, v35  }
0x625: {  	s3 =	sshra.s32 s3, $0x2;
	s1 =	sshra.s32 s20, $0x2;
	s18 =	sshra.s32 s0, $0x2;
	v34 =	vsel vm2, $0x0, v10;
	v27 =	vsel vm10, v29, v45;
	v35 =	vsel vm5, v8, v15;
	v8 =	vpop (erf)  }
0x626: {  	s17 =	sand.u32 $0xFFFFFFF0, s3;
	s1 =	sand.u32 $0xFFFFFFF0, s1;
	s3 =	sand.u32 $0xFFFFFFF0, s18;
	v36 =	vld [tilespmem:$0x1FCB0];
	v29 =	vsel vm8, v30, v46;
	v30 =	vsel vm13, v38, v48;
	v38 =	vmul.f32 v8, v44  }
0x627: {  	s1 =	sadd.s32 s1, s22;
	s3 =	sadd.s32 s3, s22;
	s22 =	sand.u32 $0x8, s10;
	v18 =	vpsel p3, v40, v22;
	v5 =	vsel vm13, v5, v60;
	v6 =	vsel vm14, v6, v60  }
0x628: {  	v10 =	vsel vm4, v34, v12;
	p2 =	seq.s32 s22, $0x0;
	v5 =	vsel vm15, v5, v42;
	v6 =	vsel vm0, v6, v42;
	[tilespmem:s16+$0x10E0] =	vst v38  }
0x629: {  	v7 =	vsel vm9, v7, v45;
	v10 =	vsel vm6, v10, v15;
	v5 =	vpsel p2, v5, v6;
	v43 =	vld [tilespmem:s11+$0x4870]  }
0x62a: {  	v47 =	vsel vm7, v31, v46;
	v31 =	vsel vm14, v39, v48;
	v12 =	vsel vm7, v35, v19  }
0x62b: {  	v10 =	vsel vm8, v10, v19;
	v11 =	vsel vm5, v11, v36;
	v14 =	vsel vm6, v14, v36;
	v39 =	vld [tilespmem:$0x1FCC0]  }
0x62c: {  	v12 =	vsel vm9, v12, v23;
	v10 =	vsel vm10, v10, v23;
	v47 =	vsel vm9, v47, v59  }
0x62d: {  	v48 =	vsel vm10, v29, v59;
	v59 =	vnsel vm1, $0x0, v13;
	v13 =	vsel vm4, v28, v16;
	v41 =	vld [tilespmem:$0x1FCD0]  }
0x62e: {  	v11 =	vsel vm7, v11, v63;
	v13 =	vsel vm6, v13, v20;
	v45 =	vld [tilespmem:$0x1FCF0];
	v29 =	vmul.f32 v8, v43  }
0x62f: {  	v14 =	vsel vm8, v14, v63;
	v24 =	vsel vm12, v48, v52;
	v13 =	vsel vm8, v13, v37;
	v44 =	vld [tilespmem:$0x1FCE0]  }
0x630: {  	v11 =	vsel vm9, v11, v53;
	v46 =	vld [tilespmem:$0x1FD00];
	v40 =	vsel vm15, v25, v39;
	v25 =	vsel vm3, v59, v16;
	[tilespmem:s16+$0x10F0] =	vst v29  }
0x631: {  	v14 =	vsel vm10, v14, v53;
	v53 =	vsel vm2, $0x0, v32;
	v33 =	vsel vm5, v25, v20;
	v35 =	vld [tilespmem:$0x1FD10]  }
0x632: {  	v11 =	vsel vm11, v11, v50;
	v19 =	vsel vm0, v26, v39;
	v34 =	vsel vm7, v33, v37;
	v37 =	vld [tilespmem:s19+$0x0]  }
0x633: {  	p5 =	seq.s32 s7, $0x0;
	v12 =	vsel vm11, v12, v41;
	v10 =	vsel vm12, v10, v41;
	v7 =	vsel vm11, v7, v45;
	v38 =	vld [tilespmem:$0x1FD20]  }
0x634: {  	v23 =	vsel vm12, v27, v45;
	v39 =	vsel vm15, v30, v58;
	v15 =	vpsel p5, v40, v19;
	v40 =	vld [tilespmem:$0x1FD30]  }
0x635: {  	v41 =	vsel vm0, v31, v58;
	v12 =	vsel vm13, v12, v44;
	v10 =	vsel vm14, v10, v44  }
0x636: {  	s31 =	sand.u32 $0x8, s2;
	v43 =	vnsel vm1, $0x0, v17;
	v12 =	vsel vm15, v12, v46;
	v10 =	vsel vm0, v10, v46  }
0x637: {  	p4 =	seq.s32 s31, $0x0;
	v45 =	vld [tilespmem:$0x1FD40];
	v36 =	vsel vm9, v34, v35;
	v13 =	vsel vm10, v13, v35;
	(v2sf) =	vpush v37, $0x0  }
0x638: {  	v10 =	vpsel p4, v12, v10;
	v46 =	vld [tilespmem:$0x1FD50];
	v16 =	vsel vm11, v36, v38;
	v13 =	vsel vm12, v13, v38  }
0x639: {  	s11 =	sand.u32 $0x8, s8;
	v12 =	vsel vm11, v47, v52;
	v47 =	vld [tilespmem:$0x1FD60];
	v16 =	vsel vm13, v16, v40;
	v13 =	vsel vm14, v13, v40  }
0x63a: {  	p6 =	seq.s32 s11, $0x0;
	v44 =	vsel vm2, $0x0, v17;
	v16 =	vsel vm15, v16, v57;
	v13 =	vsel vm0, v13, v57  }
0x63b: {  	s2 =	sshll.u32 s2, $0x2;
	v17 =	vsel vm4, v44, v21;
	v13 =	vpsel p6, v16, v13;
	v16 =	vsel vm3, v43, v21  }
0x63c: {  	s6 =	sand.u32 $0x8, s6;
	s2 =	sshra.s32 s2, $0x2;
	v59 =	vsel vm13, v11, v1;
	v17 =	vsel vm6, v17, v45;
	v16 =	vsel vm5, v16, v45  }
0x63d: {  	p1 =	seq.s32 s6, $0x0;
	s2 =	sand.u32 $0xFFFFFFF0, s2;
	s24 =	sshll.u32 s8, $0x2;
	v7 =	vsel vm13, v7, v54;
	[tilespmem:s3+$0x2000] =	vst v9;
	v17 =	vsel vm8, v17, v46;
	v16 =	vsel vm7, v16, v46  }
0x63e: {  	s2 =	sadd.s32 s2, s23;
	s28 =	sand.u32 $0x8, s4;
	s6 =	sshra.s32 s24, $0x2;
	v19 =	vpsel p1, v39, v41;
	v9 =	vld [tilespmem:$0x1FD70];
	v17 =	vsel vm10, v17, v47;
	v16 =	vsel vm9, v16, v47  }
0x63f: {  	s4 =	sshll.u32 s4, $0x2;
	s6 =	sand.u32 $0xFFFFFFF0, s6;
	s25 =	sshll.u32 s10, $0x2;
	v48 =	vsel vm14, v23, v54;
	[tilespmem:s15+$0x2080] =	vst v18;
	v17 =	vsel vm12, v17, v61;
	v16 =	vsel vm11, v16, v61  }
0x640: {  	s31 =	sadd.s32 s6, s30;
	s29 =	sand.u32 $0x8, s14;
	s7 =	sshra.s32 s25, $0x2;
	v7 =	vsel vm15, v7, v4;
	v17 =	vsel vm14, v17, v55;
	v16 =	vsel vm13, v16, v55;
	v55 =	vld [tilespmem:$0x1FD80];
	[tilespmem:s2+$0x2000] =	vst v10  }
0x641: {  	s6 =	sshll.u32 s9, $0x2;
	s7 =	sand.u32 $0xFFFFFFF0, s7;
	v4 =	vsel vm0, v48, v4;
	v52 =	vnsel vm1, $0x0, v32;
	p4 =	seq.s32 s29, $0x0;
	v12 =	vsel vm13, v12, v2;
	v58 =	vld [tilespmem:$0x1FD90]  }
0x642: {  	s26 =	sadd.s32 s7, s23;
	s7 =	sshll.u32 s14, $0x2;
	s8 =	sshra.s32 s6, $0x2;
	v2 =	vsel vm14, v24, v2;
	v60 =	vpsel p4, v7, v4;
	v57 =	vsel vm12, v14, v50  }
0x643: {  	s10 =	sshra.s32 s7, $0x2;
	s0 =	sand.u32 $0xFFFFFFF0, s8;
	s19 =	sadd.s32 s17, s21;
	v54 =	vsel vm3, v52, v9;
	v9 =	vsel vm4, v53, v9;
	v1 =	vsel vm14, v57, v1  }
0x644: {  	s0 =	sadd.s32 s0, s12;
	s21 =	sand.u32 $0x8, s9;
	s9 =	sshra.s32 s4, $0x2;
	v17 =	vsel vm0, v17, v49;
	v1 =	vsel vm0, v1, v8;
	v61 =	vsel vm15, v12, v0;
	[tilespmem:s19+$0x2080] =	vst v15  }
0x645: {  	s4 =	sand.u32 $0xFFFFFFF0, s10;
	s17 =	sshll.u32 s13, $0x2;
	p1 =	seq.s32 s21, $0x0;
	v0 =	vsel vm0, v2, v0;
	[tilespmem:s31+$0x2000] =	vst v13;
	v6 =	vsel vm5, v54, v55;
	v9 =	vsel vm6, v9, v55  }
0x646: {  	s14 =	sadd.s32 s4, s30;
	s15 =	sand.u32 $0x8, s13;
	v16 =	vsel vm15, v16, v49;
	[tilespmem:s1+$0x2080] =	vst v19;
	v6 =	vsel vm7, v6, v58;
	v9 =	vsel vm8, v9, v58;
	s18 =	spop (v2sf)  }
0x647: {  	p5 =	seq.s32 s15, $0x0;
	[tilespmem:s26+$0x2080] =	vst v5;
	s19 =	sshra.s32 s17, $0x2;
	v16 =	vpsel p1, v16, v17;
	v6 =	vsel vm9, v6, v62;
	v9 =	vsel vm10, v9, v62;
	s20 =	sshll.u32 s18, $0x2  }
0x648: {  	v0 =	vpsel p5, v61, v0;
	[tilespmem:s0+$0x2000] =	vst v16;
	s0 =	sand.u32 $0xFFFFFFF0, s19;
	s21 =	sand.u32 $0x8, s18;
	v6 =	vsel vm11, v6, v56;
	v9 =	vsel vm12, v9, v56;
	s3 =	sshra.s32 s20, $0x2  }
0x649: {  	[tilespmem:s14+$0x2080] =	vst v60;
	s0 =	sadd.s32 s0, s12;
	v62 =	vsel vm15, v59, v8;
	p6 =	seq.s32 s21, $0x0;
	v6 =	vsel vm13, v6, v51;
	v9 =	vsel vm14, v9, v51;
	s22 =	sand.u32 $0xFFFFFFF0, s3  }
0x64a: {  	p3 =	seq.s32 s28, $0x0;
	s2 =	sand.u32 $0xFFFFFFF0, s9;
	[tilespmem:s0+$0x2080] =	vst v0;
	v63 =	vpsel p6, v62, v1;
	v6 =	vsel vm15, v6, v3;
	v3 =	vsel vm0, v9, v3;
	s23 =	sadd.s32 s22, s16  }
0x64b: {  	s24 =	rddreg [dreg:$0x8];
	s25 =	simm.s32 $0x20;
	s11 =	sadd.s32 s2, s16;
	v3 =	vpsel p3, v6, v3;
	[tilespmem:s23+$0x2080] =	vst v63  }
0x64c: {  	s5 =	simm.s32 $0x180;
	s26 =	simm.s32 $0x6400;
	s3 =	simm.s32 $0x2;
	[tilespmem:s11+$0x2000] =	vst v3  }
0x64d: {  	[spmem:s24] =	stream.indirect.scatter.add.f32 [tilespmem:s26], [sflag:$0x2], $0x80, s5, s25, $0xb8;
	[tilespmem:$0x1D800] =	vst v63  }
0x64e: {  	_ =	swait.ge [sflag:s3], $0x1000  }
0x64f: {  	[sflag:s3] =	ssyncset.done $0x0  }
0x650: {  	s28 =	simm.s32 $0x200;
	s29 =	simm.s32 $0x7400;
	[sflag:s3] =	ssyncadd.s32 $0xFFFFF000  }
0x651: {  	[spmem:s24] =	stream.indirect.scatter.add.f32 [tilespmem:s29], [sflag:$0x2], $0x80, s28, s25, $0xb8;
	[tilespmem:$0x1D800] =	vst v63  }
0x652: {  	_ =	swait.ge [sflag:s3], $0x1000  }
0x653: {  	[sflag:s3] =	ssyncset.done $0x0  }
0x654: {  	s6 =	simm.s32 $0x280;
	s4 =	simm.s32 $0x8400;
	[sflag:s3] =	ssyncadd.s32 $0xFFFFF000  }
0x655: {  	[spmem:s24] =	stream.indirect.scatter.add.f32 [tilespmem:s4], [sflag:$0x2], $0x80, s6, s25, $0xb8;
	[tilespmem:$0x1D800] =	vst v63  }
0x656: {  	_ =	swait.ge [sflag:s3], $0x1000  }
0x657: {  	s30 =	rddreg [dreg:$0x13]  }
0x658: {  	s31 =	rddreg [dreg:$0x11];
	s1 =	sadd.s32 $0x1, s30  }
0x659: {  	p0 =	sne.s32 s1, s31  }
.Ltmp4:
0x65a: {  	_ = 	snop;
	(pc) =	sbr.rel @p0 .LBB2_3-.Ltmp4, $4  }
.Ltmp5:
0x65b: {  	_ = 	snop;
	(pc) =	sbr.rel @!p0 .LBB2_6-.Ltmp5, $4  }
0x65c: {  	_ = 	snop  }
0x65d: {  	[sflag:s3] =	ssyncset.done $0x0  }
0x65e: {  	[sflag:s3] =	ssyncadd.s32 $0xFFFFF000  }
0x65f: {  	_ = 	snop  }
.LBB2_7:
0x660: {  	_ =	sfence.sel $0x180000  }
0x661: {  	[bflag:$0x0] =	sbarrier.arrive $0xFFFF  }
0x662: {  	_ =	strace $0x90000047  }
0x663: {  	s0 =	stileid.u32;
	[bflag:$0x2] =	sbarrier.arrive $0xFFFF  }
0x664: {  	p0 =	sne.s32 s0, $0x0;
	s0 =	rddreg [dreg:$0x9]  }
0x665: {  	s0 =	sadd.s32 @!p0 $0x100000, s0  }
0x666: {  	[sflag:s0] =	ssyncadd.tile.s32 @!p0 $0x1;
	_ =	shalt  }
.Lfunc_end2:
_tile_overlayer_lowered:
.L_overlay_start_2:
0x667: {  	(tag) =	ssettag $0x2  }
0x668: {  	s0 =	rddreg [dreg:$0x0];
	s2 =	stileid.u32  }
0x669: {  	s1 =	rddreg [dreg:$0x1];
	p0 =	sne.s32 s2, $0x0  }
0x66a: {  	s3 =	rddreg [dreg:$0x2];
	[bflag:$0x3] =	sbarrier.arrive $0xFFFF;
	s2 =	simm.s32 @!p0 $0x1C02  }
0x66b: {  	[timem:s3], [sflag:s2] =	dma.local @!p0 [hbm:s0], s1  }
0x66c: {  	s0 =	simm.s32 @!p0 $0x2  }
0x66d: {  	_ =	swait.ge @!p0 [sflag:s0], s1  }
0x66e: {  	s1 =	ssub.s32 @!p0 $0x0, s1;
	[sflag:s0] =	ssyncset.done @!p0 $0x0  }
0x66f: {  	[sflag:s0] =	ssyncadd.s32 @!p0 s1  }
0x670: {  	[bflag:$0x3] =	sbarrier.arrive $0xFFFF  }
0x671: {  	_ =	shalt  }

</sc_bundles>
